<compile_context>
chip_gen: v7x
topology: tpu7x:2x2x1
jax: 0.10.2.dev20260603
libtpu: 0.0.44.dev20260713+nightly
codegen_flags: <defaults>
</compile_context>

<pallas_src>
import functools

import jax
import jax.numpy as jnp
from jax import lax
from jax.experimental import pallas as pl
from jax.experimental.pallas import tpu as pltpu
from jax.experimental.pallas import tpu_sc as plsc

_B = 4
_N = 2048
_K = 10

_TCR = 768
_R = 768
_JT = _TCR // _R

_NC = 2
_NS = 16
_NW = _NC * _NS
_CPB = _NW // _B
_SCR = _N - _TCR
_RPW = _SCR // _CPB
_IL = 4
_NCHUNK = _N // 16


def _sqrt16(x):
    i = lax.bitcast_convert_type(x, jnp.int32)
    y = lax.bitcast_convert_type(jnp.int32(0x5F3759DF) - (i >> 1), jnp.float32)
    for _ in range(3):
        y = y * (jnp.float32(1.5) - jnp.float32(0.5) * x * y * y)
    return x * y


_mesh = plsc.VectorSubcoreMesh(
    core_axis_name="c", subcore_axis_name="s", num_cores=_NC, num_subcores=_NS
)


@functools.partial(
    pl.kernel,
    out_type=jax.ShapeDtypeStruct((_NW, 16), jnp.float32),
    mesh=_mesh,
    compiler_params=pltpu.CompilerParams(needs_layout_passes=False),
    scratch_types=[
        pltpu.VMEM((_N,), jnp.float32),
        pltpu.VMEM((_N,), jnp.float32),
        pltpu.VMEM((_N,), jnp.float32),
        pltpu.VMEM((_N,), jnp.float32),
        pltpu.VMEM((_N,), jnp.float32),
        pltpu.VMEM((16,), jnp.float32),
    ],
)
def _sc_topk(coords_hbm, out_hbm, cx, cy, cz, rr, c2, ostage):
    wid = lax.axis_index("s") * _NC + lax.axis_index("c")
    b = wid // _CPB
    base_row = _TCR + (wid % _CPB) * _RPW
    pltpu.sync_copy(coords_hbm.at[b, 0], cx)
    pltpu.sync_copy(coords_hbm.at[b, 1], cy)
    pltpu.sync_copy(coords_hbm.at[b, 2], cz)
    pltpu.sync_copy(coords_hbm.at[b, 3], rr)

    lane = lax.iota(jnp.int32, 16)
    inf = jnp.float32(jnp.inf)
    z16 = jnp.zeros((16,), jnp.float32)

    def c2_step(c, carry):
        off = c * 16
        xv = cx[pl.ds(off, 16)]
        yv = cy[pl.ds(off, 16)]
        zv = cz[pl.ds(off, 16)]
        c2[pl.ds(off, 16)] = xv * xv + yv * yv + zv * zv
        return carry

    lax.fori_loop(0, _NCHUNK, c2_step, jnp.int32(0))

    def row_group16(t, carry):
        s_acc, s2_acc = carry
        g16 = base_row + t * 16
        rx16 = cx[pl.ds(g16, 16)]
        ry16 = cy[pl.ds(g16, 16)]
        rz16 = cz[pl.ds(g16, 16)]
        rr16 = rr[pl.ds(g16, 16)]
        topv = z16
        for sub in range(16 // _IL):
            idxs = [sub * _IL + j for j in range(_IL)]
            sx = [jnp.full((16,), rx16[i]) for i in idxs]
            sy = [jnp.full((16,), ry16[i]) for i in idxs]
            sz = [jnp.full((16,), rz16[i]) for i in idxs]
            nx = [jnp.float32(-2.0) * v for v in sx]
            ny = [jnp.float32(-2.0) * v for v in sy]
            nz = [jnp.float32(-2.0) * v for v in sz]
            rn2 = [(a * a + b_ * b_) + c_ * c_ for a, b_, c_ in zip(sx, sy, sz)]

            def chunk_step(c, ks):
                off = c * 16
                xv = cx[pl.ds(off, 16)]
                yv = cy[pl.ds(off, 16)]
                zv = cz[pl.ds(off, 16)]
                rv = rr[pl.ds(off, 16)]
                c2v = c2[pl.ds(off, 16)]
                out = []
                for j in range(_IL):
                    kk, kv = ks[2 * j], ks[2 * j + 1]
                    key = ((c2v + xv * nx[j]) + yv * ny[j]) + zv * nz[j]
                    sk, sv = plsc.sort_key_val(key, rv)
                    sel = kk <= sk
                    lok = jnp.where(sel, kk, sk)
                    lov = jnp.where(sel, kv, sv)
                    kk, kv = plsc.sort_key_val(lok, lov, descending=True)
                    out += [kk, kv]
                return tuple(out)

            k0 = (jnp.full((16,), inf), z16) * _IL
            ks = lax.fori_loop(0, _NCHUNK, chunk_step, k0, unroll=4)
            for j in range(_IL):
                d2c = jnp.maximum(ks[2 * j] + rn2[j], jnp.float32(0.0))
                g = _sqrt16(d2c) - ks[2 * j + 1]
                g = jnp.where((lane >= 16 - 1 - _K) & (lane < 15), g, inf)
                top = jnp.min(g) - rr16[idxs[j]]
                topv = jnp.where(lane == idxs[j], jnp.full((16,), top), topv)
        return s_acc + topv, s2_acc + topv * topv

    sv, s2v = lax.fori_loop(0, _RPW // 16, row_group16, (z16, z16))
    s = jnp.sum(sv)
    s2 = jnp.sum(s2v)
    ostage[...] = jnp.where(lane == 0, s, jnp.where(lane == 1, s2, jnp.float32(0.0)))
    pltpu.sync_copy(ostage, out_hbm.at[wid])


def _tc_body(coords_ref, out_ref, d2_ref, acc_ref):
    b = pl.program_id(0)
    j = pl.program_id(1)

    cx = coords_ref[0, 0, :]
    cy = coords_ref[0, 1, :]
    cz = coords_ref[0, 2, :]
    rr = coords_ref[0, 3, :]

    rx = coords_ref[0, 0, pl.ds(j * _R, _R)]
    ry = coords_ref[0, 1, pl.ds(j * _R, _R)]
    rz = coords_ref[0, 2, pl.ds(j * _R, _R)]
    r_row = coords_ref[0, 3, pl.ds(j * _R, _R)]

    dx = rx[:, None] - cx[None, :]
    dy = ry[:, None] - cy[None, :]
    dz = rz[:, None] - cz[None, :]
    d2 = dx * dx + dy * dy + dz * dz

    col = jax.lax.broadcasted_iota(jnp.int32, (_R, _N), 1)
    row = j * _R + jax.lax.broadcasted_iota(jnp.int32, (_R, _N), 0)
    d2 = jnp.where(col == row, jnp.inf, d2)
    d2_ref[...] = d2

    r_col = rr[None, :]
    inf = jnp.float32(jnp.inf)

    def round_fn(_, carry):
        thr, ans = carry
        dv = d2_ref[...]
        m = jnp.min(jnp.where(dv > thr[:, None], dv, inf), axis=1)
        rbest = jnp.max(jnp.where(dv == m[:, None], r_col, -inf), axis=1)
        ans = jnp.minimum(ans, jnp.sqrt(m) - rbest)
        return m, ans

    thr0 = jnp.full((_R,), -inf)
    ans0 = jnp.full((_R,), inf)
    _, ans = jax.lax.fori_loop(0, _K, round_fn, (thr0, ans0))

    top = ans - r_row
    s = jnp.sum(top)
    s2 = jnp.sum(top * top)

    @pl.when(j == 0)
    def _():
        acc_ref[0] = s
        acc_ref[1] = s2

    @pl.when(j > 0)
    def _():
        acc_ref[0] = acc_ref[0] + s
        acc_ref[1] = acc_ref[1] + s2

    @pl.when(j == _JT - 1)
    def _():
        out_ref[pl.ds(2 * b, 1), :] = jnp.full((1, 128), acc_ref[0])
        out_ref[pl.ds(2 * b + 1, 1), :] = jnp.full((1, 128), acc_ref[1])


def _tc_part(coords):
    return pl.pallas_call(
        _tc_body,
        grid=(_B, _JT),
        in_specs=[pl.BlockSpec((1, 4, _N), lambda b, j: (b, 0, 0))],
        out_specs=pl.BlockSpec((8, 128), lambda b, j: (0, 0)),
        out_shape=jax.ShapeDtypeStruct((8, 128), jnp.float32),
        scratch_shapes=[
            pltpu.VMEM((_R, _N), jnp.float32),
            pltpu.SMEM((2,), jnp.float32),
        ],
    )(coords)


def _fin_body(p_ref, q_ref, out_ref):
    p = p_ref[...]
    q = q_ref[...]
    ri = lax.broadcasted_iota(jnp.int32, (_NW, 16), 0)
    ci = lax.broadcasted_iota(jnp.int32, (_NW, 16), 1)
    qi = lax.broadcasted_iota(jnp.int32, (8, 128), 0)
    qc = lax.broadcasted_iota(jnp.int32, (8, 128), 1)
    n = jnp.float32(_N)
    tot = jnp.float32(0.0)
    for b in range(_B):
        in_b = ri // _CPB == b
        s = jnp.sum(jnp.where(in_b & (ci == 0), p, 0.0))
        s2 = jnp.sum(jnp.where(in_b & (ci == 1), p, 0.0))
        s = s + jnp.sum(jnp.where((qi == 2 * b) & (qc == 0), q, 0.0))
        s2 = s2 + jnp.sum(jnp.where((qi == 2 * b + 1) & (qc == 0), q, 0.0))
        var = (s2 - s * s / n) / (n - 1.0)
        tot = tot + var
    out_ref[...] = jnp.full((8, 128), tot / jnp.float32(_B))


def _finalize(partials_sc, partials_tc):
    out = pl.pallas_call(
        _fin_body,
        out_shape=jax.ShapeDtypeStruct((8, 128), jnp.float32),
    )(partials_sc, partials_tc)
    return out[0, 0]


@jax.jit
def kernel(spheres):
    coords = jnp.transpose(spheres, (0, 2, 1))
    partials_sc = _sc_topk(coords)
    partials_tc = _tc_part(coords)
    return _finalize(partials_sc, partials_tc)

# --- scband reference (transcript-rebuilt; emitter-appended) ---
"""Pipeline reference for scband-sphere-inter-loss-32177894981699 (READ-ONLY COPY).

The authoritative reference and input builder live on the scoring server;
editing this copy changes nothing except your own understanding.
"""

import jax, jax.numpy as jnp
import numpy as np


def setup_inputs(seed: int = 0) -> dict:
    key = jax.random.key(seed)
    spheres = jax.random.normal(key, (4, 2048, 4), dtype=jnp.float32)
    return {"spheres": spheres}


def reference(spheres):
    k = 10
    centers = spheres[:, :, 0:3]
    radii = spheres[:, :, 3:4]  # [B, N, 1]
    # knn_points: pairwise squared distances, take K+1 nearest (first is self)
    diff = centers[:, :, None, :] - centers[:, None, :, :]  # [B, N, N, 3]
    d2 = jnp.sum(diff * diff, axis=-1)  # [B, N, N]
    _, idx = jax.lax.top_k(-d2, k + 1)  # ascending distance order
    idx = idx[:, :, 1:]  # drop self -> [B, N, k]
    # knn_gather
    neighbor_centers_k = jax.vmap(lambda c, i: c[i])(centers, idx)  # [B, N, k, 3]
    neighbor_radii_k = jax.vmap(lambda r, i: r[i])(radii, idx)  # [B, N, k, 1]
    centers_rep = jnp.broadcast_to(centers[:, :, None, :], neighbor_centers_k.shape)
    dis = jnp.linalg.norm(centers_rep - neighbor_centers_k, axis=3)  # [B, N, k]
    radii_rep = jnp.broadcast_to(radii[:, :, None, :], neighbor_radii_k.shape)
    sphere_dis = dis - jnp.squeeze(radii_rep + neighbor_radii_k, axis=-1)  # [B, N, k]
    # torch.topk(..., 1, largest=False) -> smallest value along k
    top_dist = -jax.lax.top_k(-sphere_dis, 1)[0]  # [B, N, 1]
    # torch.var is unbiased (ddof=1) along dim=1
    var = jnp.var(top_dist, axis=1, ddof=1)  # [B, 1]
    return jnp.mean(var)

if __name__ == "__main__":
    import jax
    _d = setup_inputs()
    print(jax.jit(kernel)(*tuple(_d.values())))

</pallas_src>

<mosaic_0001>
#map = affine_map<(d0, d1) -> (0, 0, 0)>
#map1 = affine_map<(d0, d1) -> (0, 0)>
module attributes {stable_mosaic.version = 14 : i64} {
  func.func @_sc_topk(%arg0: i32, %arg1: i32, %arg2: memref<4x4x2048xf32, #tpu.memory_space<hbm>>, %arg3: memref<32x16xf32, #tpu.memory_space<hbm>>, %arg4: memref<2048xf32, #tpu.memory_space<vmem>>, %arg5: memref<2048xf32, #tpu.memory_space<vmem>>, %arg6: memref<2048xf32, #tpu.memory_space<vmem>>, %arg7: memref<2048xf32, #tpu.memory_space<vmem>>, %arg8: memref<2048xf32, #tpu.memory_space<vmem>>, %arg9: memref<16xf32, #tpu.memory_space<vmem>>) attributes {dimension_semantics = [#tpu.dimension_semantics<core_parallel>, #tpu.dimension_semantics<subcore_parallel>], iteration_bounds = array<i64: 2, 16>, scalar_prefetch = 0 : i64, scratch_operands = 6 : i64, tpu.core_type = #tpu.core_type<sc_vector_subcore>, window_params = [{transform_indices = #map}, {transform_indices = #map1}]} {
    %mul3A = arith.constant 2 : i32
    %mul3A_0 = arith.muli %arg1, %mul3A : i32
    %add3A = arith.addi %mul3A_0, %arg0 : i32
    %jit3A = arith.constant 8 : i32
    %div3A = arith.divsi %add3A, %jit3A : i32
    %sign3A = arith.constant 0 : i32
    %sign3A_1 = arith.cmpi sgt, %add3A, %sign3A : i32
    %sign3A_2 = arith.extui %sign3A_1 : i1 to i32
    %sign3A_3 = arith.constant 0 : i32
    %sign3A_4 = arith.cmpi slt, %add3A, %sign3A_3 : i32
    %sign3A_5 = arith.extui %sign3A_4 : i1 to i32
    %sign3A_6 = arith.subi %sign3A_2, %sign3A_5 : i32
    %sign3A_7 = arith.constant 0 : i32
    %sign3A_8 = arith.cmpi sgt, %jit3A, %sign3A_7 : i32
    %sign3A_9 = arith.extui %sign3A_8 : i1 to i32
    %sign3A_10 = arith.constant 0 : i32
    %sign3A_11 = arith.cmpi slt, %jit3A, %sign3A_10 : i32
    %sign3A_12 = arith.extui %sign3A_11 : i1 to i32
    %sign3A_13 = arith.subi %sign3A_9, %sign3A_12 : i32
    %ne3A = arith.cmpi ne, %sign3A_6, %sign3A_13 : i32
    %rem3A = arith.remsi %add3A, %jit3A : i32
    %ne3A_14 = arith.constant 0 : i32
    %ne3A_15 = arith.cmpi ne, %rem3A, %ne3A_14 : i32
    %and3A = arith.andi %ne3A, %ne3A_15 : i1
    %sub3A = arith.constant 1 : i32
    %sub3A_16 = arith.subi %div3A, %sub3A : i32
    %select_n3A = arith.select %and3A, %sub3A_16, %div3A : i32
    %jit3A_17 = arith.constant 8 : i32
    %eq3A = arith.constant 0 : i32
    %eq3A_18 = arith.cmpi eq, %jit3A_17, %eq3A : i32
    %jit3A_19 = arith.constant 1 : i32
    %select_n3A_20 = arith.select %eq3A_18, %jit3A_19, %jit3A_17 : i32
    %rem3A_21 = arith.remsi %add3A, %select_n3A_20 : i32
    %ne3A_22 = arith.constant 0 : i32
    %ne3A_23 = arith.cmpi ne, %rem3A_21, %ne3A_22 : i32
    %lt3A = arith.constant 0 : i32
    %lt3A_24 = arith.cmpi slt, %rem3A_21, %lt3A : i32
    %lt3A_25 = arith.constant 0 : i32
    %lt3A_26 = arith.cmpi slt, %select_n3A_20, %lt3A_25 : i32
    %ne3A_27 = arith.xori %lt3A_24, %lt3A_26 : i1
    %and3A_28 = arith.andi %ne3A_27, %ne3A_23 : i1
    %add3A_29 = arith.addi %rem3A_21, %select_n3A_20 : i32
    %select_n3A_30 = arith.select %and3A_28, %add3A_29, %rem3A_21 : i32
    %mul3A_31 = arith.constant 160 : i32
    %mul3A_32 = arith.muli %select_n3A_30, %mul3A_31 : i32
    %add3A_33 = arith.constant 768 : i32
    %add3A_34 = arith.addi %add3A_33, %mul3A_32 : i32
    %run_scoped3A = arith.constant 0 : i32
    "tpu.region"() ({
      %run_scoped3A_71 = tpu.sem_alloc : memref<!tpu.dma_semaphore, #tpu.memory_space<semaphore_mem>>
      %dma_start3A = arith.constant 0 : i32
      %dma_start3A_72 = tpu.memref_slice %arg2[%select_n3A, %run_scoped3A, %dma_start3A] : memref<4x4x2048xf32, #tpu.memory_space<hbm>> -> memref<1x1x2048xf32, #tpu.memory_space<hbm>>
      %dma_start3A_73 = tpu.memref_squeeze %dma_start3A_72 : memref<1x1x2048xf32, #tpu.memory_space<hbm>> -> memref<2048xf32, #tpu.memory_space<hbm>>
      %dma_start3A_74 = arith.constant 0 : i32
      %dma_start3A_75 = tpu.memref_slice %arg2[%select_n3A, %run_scoped3A, %dma_start3A_74] : memref<4x4x2048xf32, #tpu.memory_space<hbm>> -> memref<1x1x2048xf32, #tpu.memory_space<hbm>>
      %dma_start3A_76 = tpu.memref_squeeze %dma_start3A_75 : memref<1x1x2048xf32, #tpu.memory_space<hbm>> -> memref<2048xf32, #tpu.memory_space<hbm>>
      tpu.enqueue_dma source(%dma_start3A_76 : memref<2048xf32, #tpu.memory_space<hbm>>) target(%arg4 : memref<2048xf32, #tpu.memory_space<vmem>>) target_semaphore(%run_scoped3A_71 : memref<!tpu.dma_semaphore, #tpu.memory_space<semaphore_mem>>)
      %dma_wait3A = arith.constant 0 : i32
      %dma_wait3A_77 = tpu.memref_slice %arg2[%select_n3A, %run_scoped3A, %dma_wait3A] : memref<4x4x2048xf32, #tpu.memory_space<hbm>> -> memref<1x1x2048xf32, #tpu.memory_space<hbm>>
      %dma_wait3A_78 = tpu.memref_squeeze %dma_wait3A_77 : memref<1x1x2048xf32, #tpu.memory_space<hbm>> -> memref<2048xf32, #tpu.memory_space<hbm>>
      %dma_wait3A_79 = arith.constant 0 : i32
      %dma_wait3A_80 = tpu.memref_slice %arg2[%select_n3A, %run_scoped3A, %dma_wait3A_79] : memref<4x4x2048xf32, #tpu.memory_space<hbm>> -> memref<1x1x2048xf32, #tpu.memory_space<hbm>>
      %dma_wait3A_81 = tpu.memref_squeeze %dma_wait3A_80 : memref<1x1x2048xf32, #tpu.memory_space<hbm>> -> memref<2048xf32, #tpu.memory_space<hbm>>
      tpu.wait_dma2 semaphore(%run_scoped3A_71 : memref<!tpu.dma_semaphore, #tpu.memory_space<semaphore_mem>>) src(%dma_wait3A_81 : memref<2048xf32, #tpu.memory_space<hbm>>) dst(%arg4 : memref<2048xf32, #tpu.memory_space<vmem>>)
      tpu.yield
    }) : () -> ()
    %run_scoped3A_35 = arith.constant 1 : i32
    "tpu.region"() ({
      %run_scoped3A_71 = tpu.sem_alloc : memref<!tpu.dma_semaphore, #tpu.memory_space<semaphore_mem>>
      %dma_start3A = arith.constant 0 : i32
      %dma_start3A_72 = tpu.memref_slice %arg2[%select_n3A, %run_scoped3A_35, %dma_start3A] : memref<4x4x2048xf32, #tpu.memory_space<hbm>> -> memref<1x1x2048xf32, #tpu.memory_space<hbm>>
      %dma_start3A_73 = tpu.memref_squeeze %dma_start3A_72 : memref<1x1x2048xf32, #tpu.memory_space<hbm>> -> memref<2048xf32, #tpu.memory_space<hbm>>
      %dma_start3A_74 = arith.constant 0 : i32
      %dma_start3A_75 = tpu.memref_slice %arg2[%select_n3A, %run_scoped3A_35, %dma_start3A_74] : memref<4x4x2048xf32, #tpu.memory_space<hbm>> -> memref<1x1x2048xf32, #tpu.memory_space<hbm>>
      %dma_start3A_76 = tpu.memref_squeeze %dma_start3A_75 : memref<1x1x2048xf32, #tpu.memory_space<hbm>> -> memref<2048xf32, #tpu.memory_space<hbm>>
      tpu.enqueue_dma source(%dma_start3A_76 : memref<2048xf32, #tpu.memory_space<hbm>>) target(%arg5 : memref<2048xf32, #tpu.memory_space<vmem>>) target_semaphore(%run_scoped3A_71 : memref<!tpu.dma_semaphore, #tpu.memory_space<semaphore_mem>>)
      %dma_wait3A = arith.constant 0 : i32
      %dma_wait3A_77 = tpu.memref_slice %arg2[%select_n3A, %run_scoped3A_35, %dma_wait3A] : memref<4x4x2048xf32, #tpu.memory_space<hbm>> -> memref<1x1x2048xf32, #tpu.memory_space<hbm>>
      %dma_wait3A_78 = tpu.memref_squeeze %dma_wait3A_77 : memref<1x1x2048xf32, #tpu.memory_space<hbm>> -> memref<2048xf32, #tpu.memory_space<hbm>>
      %dma_wait3A_79 = arith.constant 0 : i32
      %dma_wait3A_80 = tpu.memref_slice %arg2[%select_n3A, %run_scoped3A_35, %dma_wait3A_79] : memref<4x4x2048xf32, #tpu.memory_space<hbm>> -> memref<1x1x2048xf32, #tpu.memory_space<hbm>>
      %dma_wait3A_81 = tpu.memref_squeeze %dma_wait3A_80 : memref<1x1x2048xf32, #tpu.memory_space<hbm>> -> memref<2048xf32, #tpu.memory_space<hbm>>
      tpu.wait_dma2 semaphore(%run_scoped3A_71 : memref<!tpu.dma_semaphore, #tpu.memory_space<semaphore_mem>>) src(%dma_wait3A_81 : memref<2048xf32, #tpu.memory_space<hbm>>) dst(%arg5 : memref<2048xf32, #tpu.memory_space<vmem>>)
      tpu.yield
    }) : () -> ()
    %run_scoped3A_36 = arith.constant 2 : i32
    "tpu.region"() ({
      %run_scoped3A_71 = tpu.sem_alloc : memref<!tpu.dma_semaphore, #tpu.memory_space<semaphore_mem>>
      %dma_start3A = arith.constant 0 : i32
      %dma_start3A_72 = tpu.memref_slice %arg2[%select_n3A, %run_scoped3A_36, %dma_start3A] : memref<4x4x2048xf32, #tpu.memory_space<hbm>> -> memref<1x1x2048xf32, #tpu.memory_space<hbm>>
      %dma_start3A_73 = tpu.memref_squeeze %dma_start3A_72 : memref<1x1x2048xf32, #tpu.memory_space<hbm>> -> memref<2048xf32, #tpu.memory_space<hbm>>
      %dma_start3A_74 = arith.constant 0 : i32
      %dma_start3A_75 = tpu.memref_slice %arg2[%select_n3A, %run_scoped3A_36, %dma_start3A_74] : memref<4x4x2048xf32, #tpu.memory_space<hbm>> -> memref<1x1x2048xf32, #tpu.memory_space<hbm>>
      %dma_start3A_76 = tpu.memref_squeeze %dma_start3A_75 : memref<1x1x2048xf32, #tpu.memory_space<hbm>> -> memref<2048xf32, #tpu.memory_space<hbm>>
      tpu.enqueue_dma source(%dma_start3A_76 : memref<2048xf32, #tpu.memory_space<hbm>>) target(%arg6 : memref<2048xf32, #tpu.memory_space<vmem>>) target_semaphore(%run_scoped3A_71 : memref<!tpu.dma_semaphore, #tpu.memory_space<semaphore_mem>>)
      %dma_wait3A = arith.constant 0 : i32
      %dma_wait3A_77 = tpu.memref_slice %arg2[%select_n3A, %run_scoped3A_36, %dma_wait3A] : memref<4x4x2048xf32, #tpu.memory_space<hbm>> -> memref<1x1x2048xf32, #tpu.memory_space<hbm>>
      %dma_wait3A_78 = tpu.memref_squeeze %dma_wait3A_77 : memref<1x1x2048xf32, #tpu.memory_space<hbm>> -> memref<2048xf32, #tpu.memory_space<hbm>>
      %dma_wait3A_79 = arith.constant 0 : i32
      %dma_wait3A_80 = tpu.memref_slice %arg2[%select_n3A, %run_scoped3A_36, %dma_wait3A_79] : memref<4x4x2048xf32, #tpu.memory_space<hbm>> -> memref<1x1x2048xf32, #tpu.memory_space<hbm>>
      %dma_wait3A_81 = tpu.memref_squeeze %dma_wait3A_80 : memref<1x1x2048xf32, #tpu.memory_space<hbm>> -> memref<2048xf32, #tpu.memory_space<hbm>>
      tpu.wait_dma2 semaphore(%run_scoped3A_71 : memref<!tpu.dma_semaphore, #tpu.memory_space<semaphore_mem>>) src(%dma_wait3A_81 : memref<2048xf32, #tpu.memory_space<hbm>>) dst(%arg6 : memref<2048xf32, #tpu.memory_space<vmem>>)
      tpu.yield
    }) : () -> ()
    %run_scoped3A_37 = arith.constant 3 : i32
    "tpu.region"() ({
      %run_scoped3A_71 = tpu.sem_alloc : memref<!tpu.dma_semaphore, #tpu.memory_space<semaphore_mem>>
      %dma_start3A = arith.constant 0 : i32
      %dma_start3A_72 = tpu.memref_slice %arg2[%select_n3A, %run_scoped3A_37, %dma_start3A] : memref<4x4x2048xf32, #tpu.memory_space<hbm>> -> memref<1x1x2048xf32, #tpu.memory_space<hbm>>
      %dma_start3A_73 = tpu.memref_squeeze %dma_start3A_72 : memref<1x1x2048xf32, #tpu.memory_space<hbm>> -> memref<2048xf32, #tpu.memory_space<hbm>>
      %dma_start3A_74 = arith.constant 0 : i32
      %dma_start3A_75 = tpu.memref_slice %arg2[%select_n3A, %run_scoped3A_37, %dma_start3A_74] : memref<4x4x2048xf32, #tpu.memory_space<hbm>> -> memref<1x1x2048xf32, #tpu.memory_space<hbm>>
      %dma_start3A_76 = tpu.memref_squeeze %dma_start3A_75 : memref<1x1x2048xf32, #tpu.memory_space<hbm>> -> memref<2048xf32, #tpu.memory_space<hbm>>
      tpu.enqueue_dma source(%dma_start3A_76 : memref<2048xf32, #tpu.memory_space<hbm>>) target(%arg7 : memref<2048xf32, #tpu.memory_space<vmem>>) target_semaphore(%run_scoped3A_71 : memref<!tpu.dma_semaphore, #tpu.memory_space<semaphore_mem>>)
      %dma_wait3A = arith.constant 0 : i32
      %dma_wait3A_77 = tpu.memref_slice %arg2[%select_n3A, %run_scoped3A_37, %dma_wait3A] : memref<4x4x2048xf32, #tpu.memory_space<hbm>> -> memref<1x1x2048xf32, #tpu.memory_space<hbm>>
      %dma_wait3A_78 = tpu.memref_squeeze %dma_wait3A_77 : memref<1x1x2048xf32, #tpu.memory_space<hbm>> -> memref<2048xf32, #tpu.memory_space<hbm>>
      %dma_wait3A_79 = arith.constant 0 : i32
      %dma_wait3A_80 = tpu.memref_slice %arg2[%select_n3A, %run_scoped3A_37, %dma_wait3A_79] : memref<4x4x2048xf32, #tpu.memory_space<hbm>> -> memref<1x1x2048xf32, #tpu.memory_space<hbm>>
      %dma_wait3A_81 = tpu.memref_squeeze %dma_wait3A_80 : memref<1x1x2048xf32, #tpu.memory_space<hbm>> -> memref<2048xf32, #tpu.memory_space<hbm>>
      tpu.wait_dma2 semaphore(%run_scoped3A_71 : memref<!tpu.dma_semaphore, #tpu.memory_space<semaphore_mem>>) src(%dma_wait3A_81 : memref<2048xf32, #tpu.memory_space<hbm>>) dst(%arg7 : memref<2048xf32, #tpu.memory_space<vmem>>)
      tpu.yield
    }) : () -> ()
    %iota3A = tpu.iota {dimensions = array<i32: 0>} : vector<16xi32>
    %broadcast_in_dim3A = arith.constant 0.000000e+00 : f32
    %broadcast_in_dim3A_38 = vector.broadcast %broadcast_in_dim3A : f32 to vector<16xf32>
    %scan3A = arith.constant 0 : i32
    %scan3A_39 = arith.constant 0 : i32
    %scan3A_40 = arith.constant 128 : i32
    %scan3A_41 = arith.addi %scan3A_39, %scan3A_40 : i32
    %scan3A_42 = arith.constant 1 : i32
    scf.for %scan3A_71 = %scan3A_39 to %scan3A_41 step %scan3A_42  : i32 {
      %mul3A_72 = arith.constant 16 : i32
      %mul3A_73 = arith.muli %scan3A_71, %mul3A_72 : i32
      %get3A = arith.index_cast %mul3A_73 : i32 to index
      %get3A_74 = tpu.vector_load %arg4[%get3A] {strides = array<i32>} : memref<2048xf32, #tpu.memory_space<vmem>>, vector<16xf32>,
      %get3A_75 = arith.index_cast %mul3A_73 : i32 to index
      %get3A_76 = tpu.vector_load %arg5[%get3A_75] {strides = array<i32>} : memref<2048xf32, #tpu.memory_space<vmem>>, vector<16xf32>,
      %get3A_77 = arith.index_cast %mul3A_73 : i32 to index
      %get3A_78 = tpu.vector_load %arg6[%get3A_77] {strides = array<i32>} : memref<2048xf32, #tpu.memory_space<vmem>>, vector<16xf32>,
      %mul3A_79 = arith.mulf %get3A_74, %get3A_74 : vector<16xf32>
      %mul3A_80 = arith.mulf %get3A_76, %get3A_76 : vector<16xf32>
      %add3A_81 = arith.addf %mul3A_79, %mul3A_80 : vector<16xf32>
      %mul3A_82 = arith.mulf %get3A_78, %get3A_78 : vector<16xf32>
      %add3A_83 = arith.addf %add3A_81, %mul3A_82 : vector<16xf32>
      %swap3A_84 = arith.index_cast %mul3A_73 : i32 to index
      %swap3A_85 = tpu.vector_load %arg8[%swap3A_84] {strides = array<i32>} : memref<2048xf32, #tpu.memory_space<vmem>>, vector<16xf32>,
      tpu.vector_store %arg8[%swap3A_84], %add3A_83 {strides = array<i32>} : memref<2048xf32, #tpu.memory_space<vmem>>, vector<16xf32>,
    }
    %scan3A_43 = arith.constant 128 : i32
    %scan3A_44 = arith.constant 0x7F800000 : f32
    %scan3A_45 = arith.constant 0 : i32
    %scan3A_46 = arith.constant 10 : i32
    %scan3A_47 = arith.addi %scan3A_45, %scan3A_46 : i32
    %scan3A_48 = arith.constant 1 : i32
    %scan3A_49:2 = scf.for %scan3A_71 = %scan3A_45 to %scan3A_47 step %scan3A_48 iter_args(%scan3A_72 = %broadcast_in_dim3A_38, %scan3A_73 = %broadcast_in_dim3A_38) -> (vector<16xf32>, vector<16xf32>)  : i32 {
      %mul3A_74 = arith.constant 16 : i32
      %mul3A_75 = arith.muli %scan3A_71, %mul3A_74 : i32
      %add3A_76 = arith.addi %add3A_34, %mul3A_75 : i32
      %get3A = arith.index_cast %add3A_76 : i32 to index
      %get3A_77 = tpu.vector_load %arg4[%get3A] {strides = array<i32>} : memref<2048xf32, #tpu.memory_space<vmem>>, vector<16xf32>,
      %get3A_78 = arith.index_cast %add3A_76 : i32 to index
      %get3A_79 = tpu.vector_load %arg5[%get3A_78] {strides = array<i32>} : memref<2048xf32, #tpu.memory_space<vmem>>, vector<16xf32>,
      %get3A_80 = arith.index_cast %add3A_76 : i32 to index
      %get3A_81 = tpu.vector_load %arg6[%get3A_80] {strides = array<i32>} : memref<2048xf32, #tpu.memory_space<vmem>>, vector<16xf32>,
      %get3A_82 = arith.index_cast %add3A_76 : i32 to index
      %get3A_83 = tpu.vector_load %arg7[%get3A_82] {strides = array<i32>} : memref<2048xf32, #tpu.memory_space<vmem>>, vector<16xf32>,
      %slice3A = vector.extract_strided_slice %get3A_77 {offsets = [0], sizes = [1], strides = [1]} : vector<16xf32> to vector<1xf32>
      %squeeze3A = vector.extract %slice3A[0] : f32 from vector<1xf32>
      %broadcast_in_dim3A_84 = vector.broadcast %squeeze3A : f32 to vector<16xf32>
      %slice3A_85 = vector.extract_strided_slice %get3A_77 {offsets = [1], sizes = [1], strides = [1]} : vector<16xf32> to vector<1xf32>
      %squeeze3A_86 = vector.extract %slice3A_85[0] : f32 from vector<1xf32>
      %broadcast_in_dim3A_87 = vector.broadcast %squeeze3A_86 : f32 to vector<16xf32>
      %slice3A_88 = vector.extract_strided_slice %get3A_77 {offsets = [2], sizes = [1], strides = [1]} : vector<16xf32> to vector<1xf32>
      %squeeze3A_89 = vector.extract %slice3A_88[0] : f32 from vector<1xf32>
      %broadcast_in_dim3A_90 = vector.broadcast %squeeze3A_89 : f32 to vector<16xf32>
      %slice3A_91 = vector.extract_strided_slice %get3A_77 {offsets = [3], sizes = [1], strides = [1]} : vector<16xf32> to vector<1xf32>
      %squeeze3A_92 = vector.extract %slice3A_91[0] : f32 from vector<1xf32>
      %broadcast_in_dim3A_93 = vector.broadcast %squeeze3A_92 : f32 to vector<16xf32>
      %slice3A_94 = vector.extract_strided_slice %get3A_79 {offsets = [0], sizes = [1], strides = [1]} : vector<16xf32> to vector<1xf32>
      %squeeze3A_95 = vector.extract %slice3A_94[0] : f32 from vector<1xf32>
      %broadcast_in_dim3A_96 = vector.broadcast %squeeze3A_95 : f32 to vector<16xf32>
      %slice3A_97 = vector.extract_strided_slice %get3A_79 {offsets = [1], sizes = [1], strides = [1]} : vector<16xf32> to vector<1xf32>
      %squeeze3A_98 = vector.extract %slice3A_97[0] : f32 from vector<1xf32>
      %broadcast_in_dim3A_99 = vector.broadcast %squeeze3A_98 : f32 to vector<16xf32>
      %slice3A_100 = vector.extract_strided_slice %get3A_79 {offsets = [2], sizes = [1], strides = [1]} : vector<16xf32> to vector<1xf32>
      %squeeze3A_101 = vector.extract %slice3A_100[0] : f32 from vector<1xf32>
      %broadcast_in_dim3A_102 = vector.broadcast %squeeze3A_101 : f32 to vector<16xf32>
      %slice3A_103 = vector.extract_strided_slice %get3A_79 {offsets = [3], sizes = [1], strides = [1]} : vector<16xf32> to vector<1xf32>
      %squeeze3A_104 = vector.extract %slice3A_103[0] : f32 from vector<1xf32>
      %broadcast_in_dim3A_105 = vector.broadcast %squeeze3A_104 : f32 to vector<16xf32>
      %slice3A_106 = vector.extract_strided_slice %get3A_81 {offsets = [0], sizes = [1], strides = [1]} : vector<16xf32> to vector<1xf32>
      %squeeze3A_107 = vector.extract %slice3A_106[0] : f32 from vector<1xf32>
      %broadcast_in_dim3A_108 = vector.broadcast %squeeze3A_107 : f32 to vector<16xf32>
      %slice3A_109 = vector.extract_strided_slice %get3A_81 {offsets = [1], sizes = [1], strides = [1]} : vector<16xf32> to vector<1xf32>
      %squeeze3A_110 = vector.extract %slice3A_109[0] : f32 from vector<1xf32>
      %broadcast_in_dim3A_111 = vector.broadcast %squeeze3A_110 : f32 to vector<16xf32>
      %slice3A_112 = vector.extract_strided_slice %get3A_81 {offsets = [2], sizes = [1], strides = [1]} : vector<16xf32> to vector<1xf32>
      %squeeze3A_113 = vector.extract %slice3A_112[0] : f32 from vector<1xf32>
      %broadcast_in_dim3A_114 = vector.broadcast %squeeze3A_113 : f32 to vector<16xf32>
      %slice3A_115 = vector.extract_strided_slice %get3A_81 {offsets = [3], sizes = [1], strides = [1]} : vector<16xf32> to vector<1xf32>
      %squeeze3A_116 = vector.extract %slice3A_115[0] : f32 from vector<1xf32>
      %broadcast_in_dim3A_117 = vector.broadcast %squeeze3A_116 : f32 to vector<16xf32>
      %mul3A_118 = arith.constant -2.000000e+00 : f32
      %mul3A_119 = vector.broadcast %mul3A_118 : f32 to vector<16xf32>
      %mul3A_120 = arith.mulf %mul3A_119, %broadcast_in_dim3A_84 : vector<16xf32>
      %mul3A_121 = arith.constant -2.000000e+00 : f32
      %mul3A_122 = vector.broadcast %mul3A_121 : f32 to vector<16xf32>
      %mul3A_123 = arith.mulf %mul3A_122, %broadcast_in_dim3A_87 : vector<16xf32>
      %mul3A_124 = arith.constant -2.000000e+00 : f32
      %mul3A_125 = vector.broadcast %mul3A_124 : f32 to vector<16xf32>
      %mul3A_126 = arith.mulf %mul3A_125, %broadcast_in_dim3A_90 : vector<16xf32>
      %mul3A_127 = arith.constant -2.000000e+00 : f32
      %mul3A_128 = vector.broadcast %mul3A_127 : f32 to vector<16xf32>
      %mul3A_129 = arith.mulf %mul3A_128, %broadcast_in_dim3A_93 : vector<16xf32>
      %mul3A_130 = arith.constant -2.000000e+00 : f32
      %mul3A_131 = vector.broadcast %mul3A_130 : f32 to vector<16xf32>
      %mul3A_132 = arith.mulf %mul3A_131, %broadcast_in_dim3A_96 : vector<16xf32>
      %mul3A_133 = arith.constant -2.000000e+00 : f32
      %mul3A_134 = vector.broadcast %mul3A_133 : f32 to vector<16xf32>
      %mul3A_135 = arith.mulf %mul3A_134, %broadcast_in_dim3A_99 : vector<16xf32>
      %mul3A_136 = arith.constant -2.000000e+00 : f32
      %mul3A_137 = vector.broadcast %mul3A_136 : f32 to vector<16xf32>
      %mul3A_138 = arith.mulf %mul3A_137, %broadcast_in_dim3A_102 : vector<16xf32>
      %mul3A_139 = arith.constant -2.000000e+00 : f32
      %mul3A_140 = vector.broadcast %mul3A_139 : f32 to vector<16xf32>
      %mul3A_141 = arith.mulf %mul3A_140, %broadcast_in_dim3A_105 : vector<16xf32>
      %mul3A_142 = arith.constant -2.000000e+00 : f32
      %mul3A_143 = vector.broadcast %mul3A_142 : f32 to vector<16xf32>
      %mul3A_144 = arith.mulf %mul3A_143, %broadcast_in_dim3A_108 : vector<16xf32>
      %mul3A_145 = arith.constant -2.000000e+00 : f32
      %mul3A_146 = vector.broadcast %mul3A_145 : f32 to vector<16xf32>
      %mul3A_147 = arith.mulf %mul3A_146, %broadcast_in_dim3A_111 : vector<16xf32>
      %mul3A_148 = arith.constant -2.000000e+00 : f32
      %mul3A_149 = vector.broadcast %mul3A_148 : f32 to vector<16xf32>
      %mul3A_150 = arith.mulf %mul3A_149, %broadcast_in_dim3A_114 : vector<16xf32>
      %mul3A_151 = arith.constant -2.000000e+00 : f32
      %mul3A_152 = vector.broadcast %mul3A_151 : f32 to vector<16xf32>
      %mul3A_153 = arith.mulf %mul3A_152, %broadcast_in_dim3A_117 : vector<16xf32>
      %mul3A_154 = arith.mulf %broadcast_in_dim3A_84, %broadcast_in_dim3A_84 : vector<16xf32>
      %mul3A_155 = arith.mulf %broadcast_in_dim3A_96, %broadcast_in_dim3A_96 : vector<16xf32>
      %add3A_156 = arith.addf %mul3A_154, %mul3A_155 : vector<16xf32>
      %mul3A_157 = arith.mulf %broadcast_in_dim3A_108, %broadcast_in_dim3A_108 : vector<16xf32>
      %add3A_158 = arith.addf %add3A_156, %mul3A_157 : vector<16xf32>
      %mul3A_159 = arith.mulf %broadcast_in_dim3A_87, %broadcast_in_dim3A_87 : vector<16xf32>
      %mul3A_160 = arith.mulf %broadcast_in_dim3A_99, %broadcast_in_dim3A_99 : vector<16xf32>
      %add3A_161 = arith.addf %mul3A_159, %mul3A_160 : vector<16xf32>
      %mul3A_162 = arith.mulf %broadcast_in_dim3A_111, %broadcast_in_dim3A_111 : vector<16xf32>
      %add3A_163 = arith.addf %add3A_161, %mul3A_162 : vector<16xf32>
      %mul3A_164 = arith.mulf %broadcast_in_dim3A_90, %broadcast_in_dim3A_90 : vector<16xf32>
      %mul3A_165 = arith.mulf %broadcast_in_dim3A_102, %broadcast_in_dim3A_102 : vector<16xf32>
      %add3A_166 = arith.addf %mul3A_164, %mul3A_165 : vector<16xf32>
      %mul3A_167 = arith.mulf %broadcast_in_dim3A_114, %broadcast_in_dim3A_114 : vector<16xf32>
      %add3A_168 = arith.addf %add3A_166, %mul3A_167 : vector<16xf32>
      %mul3A_169 = arith.mulf %broadcast_in_dim3A_93, %broadcast_in_dim3A_93 : vector<16xf32>
      %mul3A_170 = arith.mulf %broadcast_in_dim3A_105, %broadcast_in_dim3A_105 : vector<16xf32>
      %add3A_171 = arith.addf %mul3A_169, %mul3A_170 : vector<16xf32>
      %mul3A_172 = arith.mulf %broadcast_in_dim3A_117, %broadcast_in_dim3A_117 : vector<16xf32>
      %add3A_173 = arith.addf %add3A_171, %mul3A_172 : vector<16xf32>
      %broadcast_in_dim3A_174 = vector.broadcast %scan3A_44 : f32 to vector<16xf32>
      %scan3A_175 = arith.constant 0 : i32
      %scan3A_176 = arith.constant 128 : i32
      %scan3A_177 = arith.addi %scan3A_175, %scan3A_176 : i32
      %scan3A_178 = arith.constant 4 : i32
      %scan3A_179:8 = scf.for %scan3A_1468 = %scan3A_175 to %scan3A_177 step %scan3A_178 iter_args(%scan3A_1469 = %broadcast_in_dim3A_174, %scan3A_1470 = %broadcast_in_dim3A_38, %scan3A_1471 = %broadcast_in_dim3A_174, %scan3A_1472 = %broadcast_in_dim3A_38, %scan3A_1473 = %broadcast_in_dim3A_174, %scan3A_1474 = %broadcast_in_dim3A_38, %scan3A_1475 = %broadcast_in_dim3A_174, %scan3A_1476 = %broadcast_in_dim3A_38) -> (vector<16xf32>, vector<16xf32>, vector<16xf32>, vector<16xf32>, vector<16xf32>, vector<16xf32>, vector<16xf32>, vector<16xf32>)  : i32 {
        %mul3A_1477 = arith.constant 16 : i32
        %mul3A_1478 = arith.muli %scan3A_1468, %mul3A_1477 : i32
        %get3A_1479 = arith.index_cast %mul3A_1478 : i32 to index
        %get3A_1480 = tpu.vector_load %arg4[%get3A_1479] {strides = array<i32>} : memref<2048xf32, #tpu.memory_space<vmem>>, vector<16xf32>,
        %get3A_1481 = arith.index_cast %mul3A_1478 : i32 to index
        %get3A_1482 = tpu.vector_load %arg5[%get3A_1481] {strides = array<i32>} : memref<2048xf32, #tpu.memory_space<vmem>>, vector<16xf32>,
        %get3A_1483 = arith.index_cast %mul3A_1478 : i32 to index
        %get3A_1484 = tpu.vector_load %arg6[%get3A_1483] {strides = array<i32>} : memref<2048xf32, #tpu.memory_space<vmem>>, vector<16xf32>,
        %get3A_1485 = arith.index_cast %mul3A_1478 : i32 to index
        %get3A_1486 = tpu.vector_load %arg7[%get3A_1485] {strides = array<i32>} : memref<2048xf32, #tpu.memory_space<vmem>>, vector<16xf32>,
        %get3A_1487 = arith.index_cast %mul3A_1478 : i32 to index
        %get3A_1488 = tpu.vector_load %arg8[%get3A_1487] {strides = array<i32>} : memref<2048xf32, #tpu.memory_space<vmem>>, vector<16xf32>,
        %mul3A_1489 = arith.mulf %get3A_1480, %mul3A_120 : vector<16xf32>
        %add3A_1490 = arith.addf %get3A_1488, %mul3A_1489 : vector<16xf32>
        %mul3A_1491 = arith.mulf %get3A_1482, %mul3A_132 : vector<16xf32>
        %add3A_1492 = arith.addf %add3A_1490, %mul3A_1491 : vector<16xf32>
        %mul3A_1493 = arith.mulf %get3A_1484, %mul3A_144 : vector<16xf32>
        %add3A_1494 = arith.addf %add3A_1492, %mul3A_1493 : vector<16xf32>
        %masked_sort3A = arith.constant dense<true> : vector<16xi1>
        %masked_sort3A_1495, %masked_sort3A_1496, %masked_sort3A_1497 = tpu.sort %add3A_1494, %get3A_1486 masked %masked_sort3A : (vector<16xf32>, vector<16xf32>, vector<16xi1>) -> (vector<16xi1>, vector<16xf32>, vector<16xf32>)
        %le3A = arith.cmpf ole, %scan3A_1469, %masked_sort3A_1496 : vector<16xf32>
        %select_n3A_1498 = arith.select %le3A, %scan3A_1469, %masked_sort3A_1496 : vector<16xi1>, vector<16xf32>
        %select_n3A_1499 = arith.select %le3A, %scan3A_1470, %masked_sort3A_1497 : vector<16xi1>, vector<16xf32>
        %masked_sort3A_1500 = arith.constant dense<true> : vector<16xi1>
        %masked_sort3A_1501, %masked_sort3A_1502, %masked_sort3A_1503 = tpu.sort %select_n3A_1498, %select_n3A_1499 masked %masked_sort3A_1500 {descending = true} : (vector<16xf32>, vector<16xf32>, vector<16xi1>) -> (vector<16xi1>, vector<16xf32>, vector<16xf32>)
        %mul3A_1504 = arith.mulf %get3A_1480, %mul3A_123 : vector<16xf32>
        %add3A_1505 = arith.addf %get3A_1488, %mul3A_1504 : vector<16xf32>
        %mul3A_1506 = arith.mulf %get3A_1482, %mul3A_135 : vector<16xf32>
        %add3A_1507 = arith.addf %add3A_1505, %mul3A_1506 : vector<16xf32>
        %mul3A_1508 = arith.mulf %get3A_1484, %mul3A_147 : vector<16xf32>
        %add3A_1509 = arith.addf %add3A_1507, %mul3A_1508 : vector<16xf32>
        %masked_sort3A_1510 = arith.constant dense<true> : vector<16xi1>
        %masked_sort3A_1511, %masked_sort3A_1512, %masked_sort3A_1513 = tpu.sort %add3A_1509, %get3A_1486 masked %masked_sort3A_1510 : (vector<16xf32>, vector<16xf32>, vector<16xi1>) -> (vector<16xi1>, vector<16xf32>, vector<16xf32>)
        %le3A_1514 = arith.cmpf ole, %scan3A_1471, %masked_sort3A_1512 : vector<16xf32>
        %select_n3A_1515 = arith.select %le3A_1514, %scan3A_1471, %masked_sort3A_1512 : vector<16xi1>, vector<16xf32>
        %select_n3A_1516 = arith.select %le3A_1514, %scan3A_1472, %masked_sort3A_1513 : vector<16xi1>, vector<16xf32>
        %masked_sort3A_1517 = arith.constant dense<true> : vector<16xi1>
        %masked_sort3A_1518, %masked_sort3A_1519, %masked_sort3A_1520 = tpu.sort %select_n3A_1515, %select_n3A_1516 masked %masked_sort3A_1517 {descending = true} : (vector<16xf32>, vector<16xf32>, vector<16xi1>) -> (vector<16xi1>, vector<16xf32>, vector<16xf32>)
        %mul3A_1521 = arith.mulf %get3A_1480, %mul3A_126 : vector<16xf32>
        %add3A_1522 = arith.addf %get3A_1488, %mul3A_1521 : vector<16xf32>
        %mul3A_1523 = arith.mulf %get3A_1482, %mul3A_138 : vector<16xf32>
        %add3A_1524 = arith.addf %add3A_1522, %mul3A_1523 : vector<16xf32>
        %mul3A_1525 = arith.mulf %get3A_1484, %mul3A_150 : vector<16xf32>
        %add3A_1526 = arith.addf %add3A_1524, %mul3A_1525 : vector<16xf32>
        %masked_sort3A_1527 = arith.constant dense<true> : vector<16xi1>
        %masked_sort3A_1528, %masked_sort3A_1529, %masked_sort3A_1530 = tpu.sort %add3A_1526, %get3A_1486 masked %masked_sort3A_1527 : (vector<16xf32>, vector<16xf32>, vector<16xi1>) -> (vector<16xi1>, vector<16xf32>, vector<16xf32>)
        %le3A_1531 = arith.cmpf ole, %scan3A_1473, %masked_sort3A_1529 : vector<16xf32>
        %select_n3A_1532 = arith.select %le3A_1531, %scan3A_1473, %masked_sort3A_1529 : vector<16xi1>, vector<16xf32>
        %select_n3A_1533 = arith.select %le3A_1531, %scan3A_1474, %masked_sort3A_1530 : vector<16xi1>, vector<16xf32>
        %masked_sort3A_1534 = arith.constant dense<true> : vector<16xi1>
        %masked_sort3A_1535, %masked_sort3A_1536, %masked_sort3A_1537 = tpu.sort %select_n3A_1532, %select_n3A_1533 masked %masked_sort3A_1534 {descending = true} : (vector<16xf32>, vector<16xf32>, vector<16xi1>) -> (vector<16xi1>, vector<16xf32>, vector<16xf32>)
        %mul3A_1538 = arith.mulf %get3A_1480, %mul3A_129 : vector<16xf32>
        %add3A_1539 = arith.addf %get3A_1488, %mul3A_1538 : vector<16xf32>
        %mul3A_1540 = arith.mulf %get3A_1482, %mul3A_141 : vector<16xf32>
        %add3A_1541 = arith.addf %add3A_1539, %mul3A_1540 : vector<16xf32>
        %mul3A_1542 = arith.mulf %get3A_1484, %mul3A_153 : vector<16xf32>
        %add3A_1543 = arith.addf %add3A_1541, %mul3A_1542 : vector<16xf32>
        %masked_sort3A_1544 = arith.constant dense<true> : vector<16xi1>
        %masked_sort3A_1545, %masked_sort3A_1546, %masked_sort3A_1547 = tpu.sort %add3A_1543, %get3A_1486 masked %masked_sort3A_1544 : (vector<16xf32>, vector<16xf32>, vector<16xi1>) -> (vector<16xi1>, vector<16xf32>, vector<16xf32>)
        %le3A_1548 = arith.cmpf ole, %scan3A_1475, %masked_sort3A_1546 : vector<16xf32>
        %select_n3A_1549 = arith.select %le3A_1548, %scan3A_1475, %masked_sort3A_1546 : vector<16xi1>, vector<16xf32>
        %select_n3A_1550 = arith.select %le3A_1548, %scan3A_1476, %masked_sort3A_1547 : vector<16xi1>, vector<16xf32>
        %masked_sort3A_1551 = arith.constant dense<true> : vector<16xi1>
        %masked_sort3A_1552, %masked_sort3A_1553, %masked_sort3A_1554 = tpu.sort %select_n3A_1549, %select_n3A_1550 masked %masked_sort3A_1551 {descending = true} : (vector<16xf32>, vector<16xf32>, vector<16xi1>) -> (vector<16xi1>, vector<16xf32>, vector<16xf32>)
        %scan3A_1555 = arith.constant 1 : i32
        %scan3A_1556 = arith.addi %scan3A_1468, %scan3A_1555 : i32
        %mul3A_1557 = arith.constant 16 : i32
        %mul3A_1558 = arith.muli %scan3A_1556, %mul3A_1557 : i32
        %get3A_1559 = arith.index_cast %mul3A_1558 : i32 to index
        %get3A_1560 = tpu.vector_load %arg4[%get3A_1559] {strides = array<i32>} : memref<2048xf32, #tpu.memory_space<vmem>>, vector<16xf32>,
        %get3A_1561 = arith.index_cast %mul3A_1558 : i32 to index
        %get3A_1562 = tpu.vector_load %arg5[%get3A_1561] {strides = array<i32>} : memref<2048xf32, #tpu.memory_space<vmem>>, vector<16xf32>,
        %get3A_1563 = arith.index_cast %mul3A_1558 : i32 to index
        %get3A_1564 = tpu.vector_load %arg6[%get3A_1563] {strides = array<i32>} : memref<2048xf32, #tpu.memory_space<vmem>>, vector<16xf32>,
        %get3A_1565 = arith.index_cast %mul3A_1558 : i32 to index
        %get3A_1566 = tpu.vector_load %arg7[%get3A_1565] {strides = array<i32>} : memref<2048xf32, #tpu.memory_space<vmem>>, vector<16xf32>,
        %get3A_1567 = arith.index_cast %mul3A_1558 : i32 to index
        %get3A_1568 = tpu.vector_load %arg8[%get3A_1567] {strides = array<i32>} : memref<2048xf32, #tpu.memory_space<vmem>>, vector<16xf32>,
        %mul3A_1569 = arith.mulf %get3A_1560, %mul3A_120 : vector<16xf32>
        %add3A_1570 = arith.addf %get3A_1568, %mul3A_1569 : vector<16xf32>
        %mul3A_1571 = arith.mulf %get3A_1562, %mul3A_132 : vector<16xf32>
        %add3A_1572 = arith.addf %add3A_1570, %mul3A_1571 : vector<16xf32>
        %mul3A_1573 = arith.mulf %get3A_1564, %mul3A_144 : vector<16xf32>
        %add3A_1574 = arith.addf %add3A_1572, %mul3A_1573 : vector<16xf32>
        %masked_sort3A_1575 = arith.constant dense<true> : vector<16xi1>
        %masked_sort3A_1576, %masked_sort3A_1577, %masked_sort3A_1578 = tpu.sort %add3A_1574, %get3A_1566 masked %masked_sort3A_1575 : (vector<16xf32>, vector<16xf32>, vector<16xi1>) -> (vector<16xi1>, vector<16xf32>, vector<16xf32>)
        %le3A_1579 = arith.cmpf ole, %masked_sort3A_1502, %masked_sort3A_1577 : vector<16xf32>
        %select_n3A_1580 = arith.select %le3A_1579, %masked_sort3A_1502, %masked_sort3A_1577 : vector<16xi1>, vector<16xf32>
        %select_n3A_1581 = arith.select %le3A_1579, %masked_sort3A_1503, %masked_sort3A_1578 : vector<16xi1>, vector<16xf32>
        %masked_sort3A_1582 = arith.constant dense<true> : vector<16xi1>
        %masked_sort3A_1583, %masked_sort3A_1584, %masked_sort3A_1585 = tpu.sort %select_n3A_1580, %select_n3A_1581 masked %masked_sort3A_1582 {descending = true} : (vector<16xf32>, vector<16xf32>, vector<16xi1>) -> (vector<16xi1>, vector<16xf32>, vector<16xf32>)
        %mul3A_1586 = arith.mulf %get3A_1560, %mul3A_123 : vector<16xf32>
        %add3A_1587 = arith.addf %get3A_1568, %mul3A_1586 : vector<16xf32>
        %mul3A_1588 = arith.mulf %get3A_1562, %mul3A_135 : vector<16xf32>
        %add3A_1589 = arith.addf %add3A_1587, %mul3A_1588 : vector<16xf32>
        %mul3A_1590 = arith.mulf %get3A_1564, %mul3A_147 : vector<16xf32>
        %add3A_1591 = arith.addf %add3A_1589, %mul3A_1590 : vector<16xf32>
        %masked_sort3A_1592 = arith.constant dense<true> : vector<16xi1>
        %masked_sort3A_1593, %masked_sort3A_1594, %masked_sort3A_1595 = tpu.sort %add3A_1591, %get3A_1566 masked %masked_sort3A_1592 : (vector<16xf32>, vector<16xf32>, vector<16xi1>) -> (vector<16xi1>, vector<16xf32>, vector<16xf32>)
        %le3A_1596 = arith.cmpf ole, %masked_sort3A_1519, %masked_sort3A_1594 : vector<16xf32>
        %select_n3A_1597 = arith.select %le3A_1596, %masked_sort3A_1519, %masked_sort3A_1594 : vector<16xi1>, vector<16xf32>
        %select_n3A_1598 = arith.select %le3A_1596, %masked_sort3A_1520, %masked_sort3A_1595 : vector<16xi1>, vector<16xf32>
        %masked_sort3A_1599 = arith.constant dense<true> : vector<16xi1>
        %masked_sort3A_1600, %masked_sort3A_1601, %masked_sort3A_1602 = tpu.sort %select_n3A_1597, %select_n3A_1598 masked %masked_sort3A_1599 {descending = true} : (vector<16xf32>, vector<16xf32>, vector<16xi1>) -> (vector<16xi1>, vector<16xf32>, vector<16xf32>)
        %mul3A_1603 = arith.mulf %get3A_1560, %mul3A_126 : vector<16xf32>
        %add3A_1604 = arith.addf %get3A_1568, %mul3A_1603 : vector<16xf32>
        %mul3A_1605 = arith.mulf %get3A_1562, %mul3A_138 : vector<16xf32>
        %add3A_1606 = arith.addf %add3A_1604, %mul3A_1605 : vector<16xf32>
        %mul3A_1607 = arith.mulf %get3A_1564, %mul3A_150 : vector<16xf32>
        %add3A_1608 = arith.addf %add3A_1606, %mul3A_1607 : vector<16xf32>
        %masked_sort3A_1609 = arith.constant dense<true> : vector<16xi1>
        %masked_sort3A_1610, %masked_sort3A_1611, %masked_sort3A_1612 = tpu.sort %add3A_1608, %get3A_1566 masked %masked_sort3A_1609 : (vector<16xf32>, vector<16xf32>, vector<16xi1>) -> (vector<16xi1>, vector<16xf32>, vector<16xf32>)
        %le3A_1613 = arith.cmpf ole, %masked_sort3A_1536, %masked_sort3A_1611 : vector<16xf32>
        %select_n3A_1614 = arith.select %le3A_1613, %masked_sort3A_1536, %masked_sort3A_1611 : vector<16xi1>, vector<16xf32>
        %select_n3A_1615 = arith.select %le3A_1613, %masked_sort3A_1537, %masked_sort3A_1612 : vector<16xi1>, vector<16xf32>
        %masked_sort3A_1616 = arith.constant dense<true> : vector<16xi1>
        %masked_sort3A_1617, %masked_sort3A_1618, %masked_sort3A_1619 = tpu.sort %select_n3A_1614, %select_n3A_1615 masked %masked_sort3A_1616 {descending = true} : (vector<16xf32>, vector<16xf32>, vector<16xi1>) -> (vector<16xi1>, vector<16xf32>, vector<16xf32>)
        %mul3A_1620 = arith.mulf %get3A_1560, %mul3A_129 : vector<16xf32>
        %add3A_1621 = arith.addf %get3A_1568, %mul3A_1620 : vector<16xf32>
        %mul3A_1622 = arith.mulf %get3A_1562, %mul3A_141 : vector<16xf32>
        %add3A_1623 = arith.addf %add3A_1621, %mul3A_1622 : vector<16xf32>
        %mul3A_1624 = arith.mulf %get3A_1564, %mul3A_153 : vector<16xf32>
        %add3A_1625 = arith.addf %add3A_1623, %mul3A_1624 : vector<16xf32>
        %masked_sort3A_1626 = arith.constant dense<true> : vector<16xi1>
        %masked_sort3A_1627, %masked_sort3A_1628, %masked_sort3A_1629 = tpu.sort %add3A_1625, %get3A_1566 masked %masked_sort3A_1626 : (vector<16xf32>, vector<16xf32>, vector<16xi1>) -> (vector<16xi1>, vector<16xf32>, vector<16xf32>)
        %le3A_1630 = arith.cmpf ole, %masked_sort3A_1553, %masked_sort3A_1628 : vector<16xf32>
        %select_n3A_1631 = arith.select %le3A_1630, %masked_sort3A_1553, %masked_sort3A_1628 : vector<16xi1>, vector<16xf32>
        %select_n3A_1632 = arith.select %le3A_1630, %masked_sort3A_1554, %masked_sort3A_1629 : vector<16xi1>, vector<16xf32>
        %masked_sort3A_1633 = arith.constant dense<true> : vector<16xi1>
        %masked_sort3A_1634, %masked_sort3A_1635, %masked_sort3A_1636 = tpu.sort %select_n3A_1631, %select_n3A_1632 masked %masked_sort3A_1633 {descending = true} : (vector<16xf32>, vector<16xf32>, vector<16xi1>) -> (vector<16xi1>, vector<16xf32>, vector<16xf32>)
        %scan3A_1637 = arith.constant 2 : i32
        %scan3A_1638 = arith.addi %scan3A_1468, %scan3A_1637 : i32
        %mul3A_1639 = arith.constant 16 : i32
        %mul3A_1640 = arith.muli %scan3A_1638, %mul3A_1639 : i32
        %get3A_1641 = arith.index_cast %mul3A_1640 : i32 to index
        %get3A_1642 = tpu.vector_load %arg4[%get3A_1641] {strides = array<i32>} : memref<2048xf32, #tpu.memory_space<vmem>>, vector<16xf32>,
        %get3A_1643 = arith.index_cast %mul3A_1640 : i32 to index
        %get3A_1644 = tpu.vector_load %arg5[%get3A_1643] {strides = array<i32>} : memref<2048xf32, #tpu.memory_space<vmem>>, vector<16xf32>,
        %get3A_1645 = arith.index_cast %mul3A_1640 : i32 to index
        %get3A_1646 = tpu.vector_load %arg6[%get3A_1645] {strides = array<i32>} : memref<2048xf32, #tpu.memory_space<vmem>>, vector<16xf32>,
        %get3A_1647 = arith.index_cast %mul3A_1640 : i32 to index
        %get3A_1648 = tpu.vector_load %arg7[%get3A_1647] {strides = array<i32>} : memref<2048xf32, #tpu.memory_space<vmem>>, vector<16xf32>,
        %get3A_1649 = arith.index_cast %mul3A_1640 : i32 to index
        %get3A_1650 = tpu.vector_load %arg8[%get3A_1649] {strides = array<i32>} : memref<2048xf32, #tpu.memory_space<vmem>>, vector<16xf32>,
        %mul3A_1651 = arith.mulf %get3A_1642, %mul3A_120 : vector<16xf32>
        %add3A_1652 = arith.addf %get3A_1650, %mul3A_1651 : vector<16xf32>
        %mul3A_1653 = arith.mulf %get3A_1644, %mul3A_132 : vector<16xf32>
        %add3A_1654 = arith.addf %add3A_1652, %mul3A_1653 : vector<16xf32>
        %mul3A_1655 = arith.mulf %get3A_1646, %mul3A_144 : vector<16xf32>
        %add3A_1656 = arith.addf %add3A_1654, %mul3A_1655 : vector<16xf32>
        %masked_sort3A_1657 = arith.constant dense<true> : vector<16xi1>
        %masked_sort3A_1658, %masked_sort3A_1659, %masked_sort3A_1660 = tpu.sort %add3A_1656, %get3A_1648 masked %masked_sort3A_1657 : (vector<16xf32>, vector<16xf32>, vector<16xi1>) -> (vector<16xi1>, vector<16xf32>, vector<16xf32>)
        %le3A_1661 = arith.cmpf ole, %masked_sort3A_1584, %masked_sort3A_1659 : vector<16xf32>
        %select_n3A_1662 = arith.select %le3A_1661, %masked_sort3A_1584, %masked_sort3A_1659 : vector<16xi1>, vector<16xf32>
        %select_n3A_1663 = arith.select %le3A_1661, %masked_sort3A_1585, %masked_sort3A_1660 : vector<16xi1>, vector<16xf32>
        %masked_sort3A_1664 = arith.constant dense<true> : vector<16xi1>
        %masked_sort3A_1665, %masked_sort3A_1666, %masked_sort3A_1667 = tpu.sort %select_n3A_1662, %select_n3A_1663 masked %masked_sort3A_1664 {descending = true} : (vector<16xf32>, vector<16xf32>, vector<16xi1>) -> (vector<16xi1>, vector<16xf32>, vector<16xf32>)
        %mul3A_1668 = arith.mulf %get3A_1642, %mul3A_123 : vector<16xf32>
        %add3A_1669 = arith.addf %get3A_1650, %mul3A_1668 : vector<16xf32>
        %mul3A_1670 = arith.mulf %get3A_1644, %mul3A_135 : vector<16xf32>
        %add3A_1671 = arith.addf %add3A_1669, %mul3A_1670 : vector<16xf32>
        %mul3A_1672 = arith.mulf %get3A_1646, %mul3A_147 : vector<16xf32>
        %add3A_1673 = arith.addf %add3A_1671, %mul3A_1672 : vector<16xf32>
        %masked_sort3A_1674 = arith.constant dense<true> : vector<16xi1>
        %masked_sort3A_1675, %masked_sort3A_1676, %masked_sort3A_1677 = tpu.sort %add3A_1673, %get3A_1648 masked %masked_sort3A_1674 : (vector<16xf32>, vector<16xf32>, vector<16xi1>) -> (vector<16xi1>, vector<16xf32>, vector<16xf32>)
        %le3A_1678 = arith.cmpf ole, %masked_sort3A_1601, %masked_sort3A_1676 : vector<16xf32>
        %select_n3A_1679 = arith.select %le3A_1678, %masked_sort3A_1601, %masked_sort3A_1676 : vector<16xi1>, vector<16xf32>
        %select_n3A_1680 = arith.select %le3A_1678, %masked_sort3A_1602, %masked_sort3A_1677 : vector<16xi1>, vector<16xf32>
        %masked_sort3A_1681 = arith.constant dense<true> : vector<16xi1>
        %masked_sort3A_1682, %masked_sort3A_1683, %masked_sort3A_1684 = tpu.sort %select_n3A_1679, %select_n3A_1680 masked %masked_sort3A_1681 {descending = true} : (vector<16xf32>, vector<16xf32>, vector<16xi1>) -> (vector<16xi1>, vector<16xf32>, vector<16xf32>)
        %mul3A_1685 = arith.mulf %get3A_1642, %mul3A_126 : vector<16xf32>
        %add3A_1686 = arith.addf %get3A_1650, %mul3A_1685 : vector<16xf32>
        %mul3A_1687 = arith.mulf %get3A_1644, %mul3A_138 : vector<16xf32>
        %add3A_1688 = arith.addf %add3A_1686, %mul3A_1687 : vector<16xf32>
        %mul3A_1689 = arith.mulf %get3A_1646, %mul3A_150 : vector<16xf32>
        %add3A_1690 = arith.addf %add3A_1688, %mul3A_1689 : vector<16xf32>
        %masked_sort3A_1691 = arith.constant dense<true> : vector<16xi1>
        %masked_sort3A_1692, %masked_sort3A_1693, %masked_sort3A_1694 = tpu.sort %add3A_1690, %get3A_1648 masked %masked_sort3A_1691 : (vector<16xf32>, vector<16xf32>, vector<16xi1>) -> (vector<16xi1>, vector<16xf32>, vector<16xf32>)
        %le3A_1695 = arith.cmpf ole, %masked_sort3A_1618, %masked_sort3A_1693 : vector<16xf32>
        %select_n3A_1696 = arith.select %le3A_1695, %masked_sort3A_1618, %masked_sort3A_1693 : vector<16xi1>, vector<16xf32>
        %select_n3A_1697 = arith.select %le3A_1695, %masked_sort3A_1619, %masked_sort3A_1694 : vector<16xi1>, vector<16xf32>
        %masked_sort3A_1698 = arith.constant dense<true> : vector<16xi1>
        %masked_sort3A_1699, %masked_sort3A_1700, %masked_sort3A_1701 = tpu.sort %select_n3A_1696, %select_n3A_1697 masked %masked_sort3A_1698 {descending = true} : (vector<16xf32>, vector<16xf32>, vector<16xi1>) -> (vector<16xi1>, vector<16xf32>, vector<16xf32>)
        %mul3A_1702 = arith.mulf %get3A_1642, %mul3A_129 : vector<16xf32>
        %add3A_1703 = arith.addf %get3A_1650, %mul3A_1702 : vector<16xf32>
        %mul3A_1704 = arith.mulf %get3A_1644, %mul3A_141 : vector<16xf32>
        %add3A_1705 = arith.addf %add3A_1703, %mul3A_1704 : vector<16xf32>
        %mul3A_1706 = arith.mulf %get3A_1646, %mul3A_153 : vector<16xf32>
        %add3A_1707 = arith.addf %add3A_1705, %mul3A_1706 : vector<16xf32>
        %masked_sort3A_1708 = arith.constant dense<true> : vector<16xi1>
        %masked_sort3A_1709, %masked_sort3A_1710, %masked_sort3A_1711 = tpu.sort %add3A_1707, %get3A_1648 masked %masked_sort3A_1708 : (vector<16xf32>, vector<16xf32>, vector<16xi1>) -> (vector<16xi1>, vector<16xf32>, vector<16xf32>)
        %le3A_1712 = arith.cmpf ole, %masked_sort3A_1635, %masked_sort3A_1710 : vector<16xf32>
        %select_n3A_1713 = arith.select %le3A_1712, %masked_sort3A_1635, %masked_sort3A_1710 : vector<16xi1>, vector<16xf32>
        %select_n3A_1714 = arith.select %le3A_1712, %masked_sort3A_1636, %masked_sort3A_1711 : vector<16xi1>, vector<16xf32>
        %masked_sort3A_1715 = arith.constant dense<true> : vector<16xi1>
        %masked_sort3A_1716, %masked_sort3A_1717, %masked_sort3A_1718 = tpu.sort %select_n3A_1713, %select_n3A_1714 masked %masked_sort3A_1715 {descending = true} : (vector<16xf32>, vector<16xf32>, vector<16xi1>) -> (vector<16xi1>, vector<16xf32>, vector<16xf32>)
        %scan3A_1719 = arith.constant 3 : i32
        %scan3A_1720 = arith.addi %scan3A_1468, %scan3A_1719 : i32
        %mul3A_1721 = arith.constant 16 : i32
        %mul3A_1722 = arith.muli %scan3A_1720, %mul3A_1721 : i32
        %get3A_1723 = arith.index_cast %mul3A_1722 : i32 to index
        %get3A_1724 = tpu.vector_load %arg4[%get3A_1723] {strides = array<i32>} : memref<2048xf32, #tpu.memory_space<vmem>>, vector<16xf32>,
        %get3A_1725 = arith.index_cast %mul3A_1722 : i32 to index
        %get3A_1726 = tpu.vector_load %arg5[%get3A_1725] {strides = array<i32>} : memref<2048xf32, #tpu.memory_space<vmem>>, vector<16xf32>,
        %get3A_1727 = arith.index_cast %mul3A_1722 : i32 to index
        %get3A_1728 = tpu.vector_load %arg6[%get3A_1727] {strides = array<i32>} : memref<2048xf32, #tpu.memory_space<vmem>>, vector<16xf32>,
        %get3A_1729 = arith.index_cast %mul3A_1722 : i32 to index
        %get3A_1730 = tpu.vector_load %arg7[%get3A_1729] {strides = array<i32>} : memref<2048xf32, #tpu.memory_space<vmem>>, vector<16xf32>,
        %get3A_1731 = arith.index_cast %mul3A_1722 : i32 to index
        %get3A_1732 = tpu.vector_load %arg8[%get3A_1731] {strides = array<i32>} : memref<2048xf32, #tpu.memory_space<vmem>>, vector<16xf32>,
        %mul3A_1733 = arith.mulf %get3A_1724, %mul3A_120 : vector<16xf32>
        %add3A_1734 = arith.addf %get3A_1732, %mul3A_1733 : vector<16xf32>
        %mul3A_1735 = arith.mulf %get3A_1726, %mul3A_132 : vector<16xf32>
        %add3A_1736 = arith.addf %add3A_1734, %mul3A_1735 : vector<16xf32>
        %mul3A_1737 = arith.mulf %get3A_1728, %mul3A_144 : vector<16xf32>
        %add3A_1738 = arith.addf %add3A_1736, %mul3A_1737 : vector<16xf32>
        %masked_sort3A_1739 = arith.constant dense<true> : vector<16xi1>
        %masked_sort3A_1740, %masked_sort3A_1741, %masked_sort3A_1742 = tpu.sort %add3A_1738, %get3A_1730 masked %masked_sort3A_1739 : (vector<16xf32>, vector<16xf32>, vector<16xi1>) -> (vector<16xi1>, vector<16xf32>, vector<16xf32>)
        %le3A_1743 = arith.cmpf ole, %masked_sort3A_1666, %masked_sort3A_1741 : vector<16xf32>
        %select_n3A_1744 = arith.select %le3A_1743, %masked_sort3A_1666, %masked_sort3A_1741 : vector<16xi1>, vector<16xf32>
        %select_n3A_1745 = arith.select %le3A_1743, %masked_sort3A_1667, %masked_sort3A_1742 : vector<16xi1>, vector<16xf32>
        %masked_sort3A_1746 = arith.constant dense<true> : vector<16xi1>
        %masked_sort3A_1747, %masked_sort3A_1748, %masked_sort3A_1749 = tpu.sort %select_n3A_1744, %select_n3A_1745 masked %masked_sort3A_1746 {descending = true} : (vector<16xf32>, vector<16xf32>, vector<16xi1>) -> (vector<16xi1>, vector<16xf32>, vector<16xf32>)
        %mul3A_1750 = arith.mulf %get3A_1724, %mul3A_123 : vector<16xf32>
        %add3A_1751 = arith.addf %get3A_1732, %mul3A_1750 : vector<16xf32>
        %mul3A_1752 = arith.mulf %get3A_1726, %mul3A_135 : vector<16xf32>
        %add3A_1753 = arith.addf %add3A_1751, %mul3A_1752 : vector<16xf32>
        %mul3A_1754 = arith.mulf %get3A_1728, %mul3A_147 : vector<16xf32>
        %add3A_1755 = arith.addf %add3A_1753, %mul3A_1754 : vector<16xf32>
        %masked_sort3A_1756 = arith.constant dense<true> : vector<16xi1>
        %masked_sort3A_1757, %masked_sort3A_1758, %masked_sort3A_1759 = tpu.sort %add3A_1755, %get3A_1730 masked %masked_sort3A_1756 : (vector<16xf32>, vector<16xf32>, vector<16xi1>) -> (vector<16xi1>, vector<16xf32>, vector<16xf32>)
        %le3A_1760 = arith.cmpf ole, %masked_sort3A_1683, %masked_sort3A_1758 : vector<16xf32>
        %select_n3A_1761 = arith.select %le3A_1760, %masked_sort3A_1683, %masked_sort3A_1758 : vector<16xi1>, vector<16xf32>
        %select_n3A_1762 = arith.select %le3A_1760, %masked_sort3A_1684, %masked_sort3A_1759 : vector<16xi1>, vector<16xf32>
        %masked_sort3A_1763 = arith.constant dense<true> : vector<16xi1>
        %masked_sort3A_1764, %masked_sort3A_1765, %masked_sort3A_1766 = tpu.sort %select_n3A_1761, %select_n3A_1762 masked %masked_sort3A_1763 {descending = true} : (vector<16xf32>, vector<16xf32>, vector<16xi1>) -> (vector<16xi1>, vector<16xf32>, vector<16xf32>)
        %mul3A_1767 = arith.mulf %get3A_1724, %mul3A_126 : vector<16xf32>
        %add3A_1768 = arith.addf %get3A_1732, %mul3A_1767 : vector<16xf32>
        %mul3A_1769 = arith.mulf %get3A_1726, %mul3A_138 : vector<16xf32>
        %add3A_1770 = arith.addf %add3A_1768, %mul3A_1769 : vector<16xf32>
        %mul3A_1771 = arith.mulf %get3A_1728, %mul3A_150 : vector<16xf32>
        %add3A_1772 = arith.addf %add3A_1770, %mul3A_1771 : vector<16xf32>
        %masked_sort3A_1773 = arith.constant dense<true> : vector<16xi1>
        %masked_sort3A_1774, %masked_sort3A_1775, %masked_sort3A_1776 = tpu.sort %add3A_1772, %get3A_1730 masked %masked_sort3A_1773 : (vector<16xf32>, vector<16xf32>, vector<16xi1>) -> (vector<16xi1>, vector<16xf32>, vector<16xf32>)
        %le3A_1777 = arith.cmpf ole, %masked_sort3A_1700, %masked_sort3A_1775 : vector<16xf32>
        %select_n3A_1778 = arith.select %le3A_1777, %masked_sort3A_1700, %masked_sort3A_1775 : vector<16xi1>, vector<16xf32>
        %select_n3A_1779 = arith.select %le3A_1777, %masked_sort3A_1701, %masked_sort3A_1776 : vector<16xi1>, vector<16xf32>
        %masked_sort3A_1780 = arith.constant dense<true> : vector<16xi1>
        %masked_sort3A_1781, %masked_sort3A_1782, %masked_sort3A_1783 = tpu.sort %select_n3A_1778, %select_n3A_1779 masked %masked_sort3A_1780 {descending = true} : (vector<16xf32>, vector<16xf32>, vector<16xi1>) -> (vector<16xi1>, vector<16xf32>, vector<16xf32>)
        %mul3A_1784 = arith.mulf %get3A_1724, %mul3A_129 : vector<16xf32>
        %add3A_1785 = arith.addf %get3A_1732, %mul3A_1784 : vector<16xf32>
        %mul3A_1786 = arith.mulf %get3A_1726, %mul3A_141 : vector<16xf32>
        %add3A_1787 = arith.addf %add3A_1785, %mul3A_1786 : vector<16xf32>
        %mul3A_1788 = arith.mulf %get3A_1728, %mul3A_153 : vector<16xf32>
        %add3A_1789 = arith.addf %add3A_1787, %mul3A_1788 : vector<16xf32>
        %masked_sort3A_1790 = arith.constant dense<true> : vector<16xi1>
        %masked_sort3A_1791, %masked_sort3A_1792, %masked_sort3A_1793 = tpu.sort %add3A_1789, %get3A_1730 masked %masked_sort3A_1790 : (vector<16xf32>, vector<16xf32>, vector<16xi1>) -> (vector<16xi1>, vector<16xf32>, vector<16xf32>)
        %le3A_1794 = arith.cmpf ole, %masked_sort3A_1717, %masked_sort3A_1792 : vector<16xf32>
        %select_n3A_1795 = arith.select %le3A_1794, %masked_sort3A_1717, %masked_sort3A_1792 : vector<16xi1>, vector<16xf32>
        %select_n3A_1796 = arith.select %le3A_1794, %masked_sort3A_1718, %masked_sort3A_1793 : vector<16xi1>, vector<16xf32>
        %masked_sort3A_1797 = arith.constant dense<true> : vector<16xi1>
        %masked_sort3A_1798, %masked_sort3A_1799, %masked_sort3A_1800 = tpu.sort %select_n3A_1795, %select_n3A_1796 masked %masked_sort3A_1797 {descending = true} : (vector<16xf32>, vector<16xf32>, vector<16xi1>) -> (vector<16xi1>, vector<16xf32>, vector<16xf32>)
        scf.yield %masked_sort3A_1748, %masked_sort3A_1749, %masked_sort3A_1765, %masked_sort3A_1766, %masked_sort3A_1782, %masked_sort3A_1783, %masked_sort3A_1799, %masked_sort3A_1800 : vector<16xf32>, vector<16xf32>, vector<16xf32>, vector<16xf32>, vector<16xf32>, vector<16xf32>, vector<16xf32>, vector<16xf32>
      }
      %scan3A_180 = arith.constant 128 : i32
      %add3A_181 = arith.addf %scan3A_179#0, %add3A_158 : vector<16xf32>
      %max3A = arith.constant 0.000000e+00 : f32
      %max3A_182 = vector.broadcast %max3A : f32 to vector<16xf32>
      %max3A_183 = arith.maximumf %add3A_181, %max3A_182 : vector<16xf32>
      %bitcast_convert_type3A = tpu.bitcast %max3A_183 : vector<16xf32> -> vector<16xi32>
      %shift_right_arithmetic3A = arith.constant 1 : i32
      %shift_right_arithmetic3A_184 = vector.broadcast %shift_right_arithmetic3A : i32 to vector<16xi32>
      %shift_right_arithmetic3A_185 = arith.shrsi %bitcast_convert_type3A, %shift_right_arithmetic3A_184 : vector<16xi32>
      %sub3A_186 = arith.constant 1597463007 : i32
      %sub3A_187 = vector.broadcast %sub3A_186 : i32 to vector<16xi32>
      %sub3A_188 = arith.subi %sub3A_187, %shift_right_arithmetic3A_185 : vector<16xi32>
      %bitcast_convert_type3A_189 = tpu.bitcast %sub3A_188 : vector<16xi32> -> vector<16xf32>
      %mul3A_190 = arith.constant 5.000000e-01 : f32
      %mul3A_191 = vector.broadcast %mul3A_190 : f32 to vector<16xf32>
      %mul3A_192 = arith.mulf %mul3A_191, %max3A_183 : vector<16xf32>
      %mul3A_193 = arith.mulf %mul3A_192, %bitcast_convert_type3A_189 : vector<16xf32>
      %mul3A_194 = arith.mulf %mul3A_193, %bitcast_convert_type3A_189 : vector<16xf32>
      %sub3A_195 = arith.constant 1.500000e+00 : f32
      %sub3A_196 = vector.broadcast %sub3A_195 : f32 to vector<16xf32>
      %sub3A_197 = arith.subf %sub3A_196, %mul3A_194 : vector<16xf32>
      %mul3A_198 = arith.mulf %bitcast_convert_type3A_189, %sub3A_197 : vector<16xf32>
      %mul3A_199 = arith.constant 5.000000e-01 : f32
      %mul3A_200 = vector.broadcast %mul3A_199 : f32 to vector<16xf32>
      %mul3A_201 = arith.mulf %mul3A_200, %max3A_183 : vector<16xf32>
      %mul3A_202 = arith.mulf %mul3A_201, %mul3A_198 : vector<16xf32>
      %mul3A_203 = arith.mulf %mul3A_202, %mul3A_198 : vector<16xf32>
      %sub3A_204 = arith.constant 1.500000e+00 : f32
      %sub3A_205 = vector.broadcast %sub3A_204 : f32 to vector<16xf32>
      %sub3A_206 = arith.subf %sub3A_205, %mul3A_203 : vector<16xf32>
      %mul3A_207 = arith.mulf %mul3A_198, %sub3A_206 : vector<16xf32>
      %mul3A_208 = arith.constant 5.000000e-01 : f32
      %mul3A_209 = vector.broadcast %mul3A_208 : f32 to vector<16xf32>
      %mul3A_210 = arith.mulf %mul3A_209, %max3A_183 : vector<16xf32>
      %mul3A_211 = arith.mulf %mul3A_210, %mul3A_207 : vector<16xf32>
      %mul3A_212 = arith.mulf %mul3A_211, %mul3A_207 : vector<16xf32>
      %sub3A_213 = arith.constant 1.500000e+00 : f32
      %sub3A_214 = vector.broadcast %sub3A_213 : f32 to vector<16xf32>
      %sub3A_215 = arith.subf %sub3A_214, %mul3A_212 : vector<16xf32>
      %mul3A_216 = arith.mulf %mul3A_207, %sub3A_215 : vector<16xf32>
      %mul3A_217 = arith.mulf %max3A_183, %mul3A_216 : vector<16xf32>
      %sub3A_218 = arith.subf %mul3A_217, %scan3A_179#1 : vector<16xf32>
      %ge3A = arith.constant 5 : i32
      %ge3A_219 = vector.broadcast %ge3A : i32 to vector<16xi32>
      %ge3A_220 = arith.cmpi sge, %iota3A, %ge3A_219 : vector<16xi32>
      %lt3A_221 = arith.constant 15 : i32
      %lt3A_222 = vector.broadcast %lt3A_221 : i32 to vector<16xi32>
      %lt3A_223 = arith.cmpi slt, %iota3A, %lt3A_222 : vector<16xi32>
      %and3A_224 = arith.andi %ge3A_220, %lt3A_223 : vector<16xi1>
      %broadcast_in_dim3A_225 = vector.broadcast %scan3A_44 : f32 to vector<16xf32>
      %select_n3A_226 = arith.select %and3A_224, %sub3A_218, %broadcast_in_dim3A_225 : vector<16xi1>, vector<16xf32>
      %reduce_min3A = arith.constant true
      %reduce_min3A_227 = vector.broadcast %reduce_min3A : i1 to vector<16xi1>
      %reduce_min3A_228 = tpu.scan <min>, %select_n3A_226 masked %reduce_min3A_227 : vector<16xf32>, vector<16xi1> -> vector<16xf32>
      %reduce_min3A_229 = vector.extract %reduce_min3A_228[15] : f32 from vector<16xf32>
      %slice3A_230 = vector.extract_strided_slice %get3A_83 {offsets = [0], sizes = [1], strides = [1]} : vector<16xf32> to vector<1xf32>
      %squeeze3A_231 = vector.extract %slice3A_230[0] : f32 from vector<1xf32>
      %sub3A_232 = arith.subf %reduce_min3A_229, %squeeze3A_231 : f32
      %eq3A_233 = arith.constant 0 : i32
      %eq3A_234 = vector.broadcast %eq3A_233 : i32 to vector<16xi32>
      %eq3A_235 = arith.cmpi eq, %iota3A, %eq3A_234 : vector<16xi32>
      %broadcast_in_dim3A_236 = vector.broadcast %sub3A_232 : f32 to vector<16xf32>
      %select_n3A_237 = arith.select %eq3A_235, %broadcast_in_dim3A_236, %broadcast_in_dim3A_38 : vector<16xi1>, vector<16xf32>
      %add3A_238 = arith.addf %scan3A_179#2, %add3A_163 : vector<16xf32>
      %max3A_239 = arith.constant 0.000000e+00 : f32
      %max3A_240 = vector.broadcast %max3A_239 : f32 to vector<16xf32>
      %max3A_241 = arith.maximumf %add3A_238, %max3A_240 : vector<16xf32>
      %bitcast_convert_type3A_242 = tpu.bitcast %max3A_241 : vector<16xf32> -> vector<16xi32>
      %shift_right_arithmetic3A_243 = arith.constant 1 : i32
      %shift_right_arithmetic3A_244 = vector.broadcast %shift_right_arithmetic3A_243 : i32 to vector<16xi32>
      %shift_right_arithmetic3A_245 = arith.shrsi %bitcast_convert_type3A_242, %shift_right_arithmetic3A_244 : vector<16xi32>
      %sub3A_246 = arith.constant 1597463007 : i32
      %sub3A_247 = vector.broadcast %sub3A_246 : i32 to vector<16xi32>
      %sub3A_248 = arith.subi %sub3A_247, %shift_right_arithmetic3A_245 : vector<16xi32>
      %bitcast_convert_type3A_249 = tpu.bitcast %sub3A_248 : vector<16xi32> -> vector<16xf32>
      %mul3A_250 = arith.constant 5.000000e-01 : f32
      %mul3A_251 = vector.broadcast %mul3A_250 : f32 to vector<16xf32>
      %mul3A_252 = arith.mulf %mul3A_251, %max3A_241 : vector<16xf32>
      %mul3A_253 = arith.mulf %mul3A_252, %bitcast_convert_type3A_249 : vector<16xf32>
      %mul3A_254 = arith.mulf %mul3A_253, %bitcast_convert_type3A_249 : vector<16xf32>
      %sub3A_255 = arith.constant 1.500000e+00 : f32
      %sub3A_256 = vector.broadcast %sub3A_255 : f32 to vector<16xf32>
      %sub3A_257 = arith.subf %sub3A_256, %mul3A_254 : vector<16xf32>
      %mul3A_258 = arith.mulf %bitcast_convert_type3A_249, %sub3A_257 : vector<16xf32>
      %mul3A_259 = arith.constant 5.000000e-01 : f32
      %mul3A_260 = vector.broadcast %mul3A_259 : f32 to vector<16xf32>
      %mul3A_261 = arith.mulf %mul3A_260, %max3A_241 : vector<16xf32>
      %mul3A_262 = arith.mulf %mul3A_261, %mul3A_258 : vector<16xf32>
      %mul3A_263 = arith.mulf %mul3A_262, %mul3A_258 : vector<16xf32>
      %sub3A_264 = arith.constant 1.500000e+00 : f32
      %sub3A_265 = vector.broadcast %sub3A_264 : f32 to vector<16xf32>
      %sub3A_266 = arith.subf %sub3A_265, %mul3A_263 : vector<16xf32>
      %mul3A_267 = arith.mulf %mul3A_258, %sub3A_266 : vector<16xf32>
      %mul3A_268 = arith.constant 5.000000e-01 : f32
      %mul3A_269 = vector.broadcast %mul3A_268 : f32 to vector<16xf32>
      %mul3A_270 = arith.mulf %mul3A_269, %max3A_241 : vector<16xf32>
      %mul3A_271 = arith.mulf %mul3A_270, %mul3A_267 : vector<16xf32>
      %mul3A_272 = arith.mulf %mul3A_271, %mul3A_267 : vector<16xf32>
      %sub3A_273 = arith.constant 1.500000e+00 : f32
      %sub3A_274 = vector.broadcast %sub3A_273 : f32 to vector<16xf32>
      %sub3A_275 = arith.subf %sub3A_274, %mul3A_272 : vector<16xf32>
      %mul3A_276 = arith.mulf %mul3A_267, %sub3A_275 : vector<16xf32>
      %mul3A_277 = arith.mulf %max3A_241, %mul3A_276 : vector<16xf32>
      %sub3A_278 = arith.subf %mul3A_277, %scan3A_179#3 : vector<16xf32>
      %ge3A_279 = arith.constant 5 : i32
      %ge3A_280 = vector.broadcast %ge3A_279 : i32 to vector<16xi32>
      %ge3A_281 = arith.cmpi sge, %iota3A, %ge3A_280 : vector<16xi32>
      %lt3A_282 = arith.constant 15 : i32
      %lt3A_283 = vector.broadcast %lt3A_282 : i32 to vector<16xi32>
      %lt3A_284 = arith.cmpi slt, %iota3A, %lt3A_283 : vector<16xi32>
      %and3A_285 = arith.andi %ge3A_281, %lt3A_284 : vector<16xi1>
      %broadcast_in_dim3A_286 = vector.broadcast %scan3A_44 : f32 to vector<16xf32>
      %select_n3A_287 = arith.select %and3A_285, %sub3A_278, %broadcast_in_dim3A_286 : vector<16xi1>, vector<16xf32>
      %reduce_min3A_288 = arith.constant true
      %reduce_min3A_289 = vector.broadcast %reduce_min3A_288 : i1 to vector<16xi1>
      %reduce_min3A_290 = tpu.scan <min>, %select_n3A_287 masked %reduce_min3A_289 : vector<16xf32>, vector<16xi1> -> vector<16xf32>
      %reduce_min3A_291 = vector.extract %reduce_min3A_290[15] : f32 from vector<16xf32>
      %slice3A_292 = vector.extract_strided_slice %get3A_83 {offsets = [1], sizes = [1], strides = [1]} : vector<16xf32> to vector<1xf32>
      %squeeze3A_293 = vector.extract %slice3A_292[0] : f32 from vector<1xf32>
      %sub3A_294 = arith.subf %reduce_min3A_291, %squeeze3A_293 : f32
      %eq3A_295 = arith.constant 1 : i32
      %eq3A_296 = vector.broadcast %eq3A_295 : i32 to vector<16xi32>
      %eq3A_297 = arith.cmpi eq, %iota3A, %eq3A_296 : vector<16xi32>
      %broadcast_in_dim3A_298 = vector.broadcast %sub3A_294 : f32 to vector<16xf32>
      %select_n3A_299 = arith.select %eq3A_297, %broadcast_in_dim3A_298, %select_n3A_237 : vector<16xi1>, vector<16xf32>
      %add3A_300 = arith.addf %scan3A_179#4, %add3A_168 : vector<16xf32>
      %max3A_301 = arith.constant 0.000000e+00 : f32
      %max3A_302 = vector.broadcast %max3A_301 : f32 to vector<16xf32>
      %max3A_303 = arith.maximumf %add3A_300, %max3A_302 : vector<16xf32>
      %bitcast_convert_type3A_304 = tpu.bitcast %max3A_303 : vector<16xf32> -> vector<16xi32>
      %shift_right_arithmetic3A_305 = arith.constant 1 : i32
      %shift_right_arithmetic3A_306 = vector.broadcast %shift_right_arithmetic3A_305 : i32 to vector<16xi32>
      %shift_right_arithmetic3A_307 = arith.shrsi %bitcast_convert_type3A_304, %shift_right_arithmetic3A_306 : vector<16xi32>
      %sub3A_308 = arith.constant 1597463007 : i32
      %sub3A_309 = vector.broadcast %sub3A_308 : i32 to vector<16xi32>
      %sub3A_310 = arith.subi %sub3A_309, %shift_right_arithmetic3A_307 : vector<16xi32>
      %bitcast_convert_type3A_311 = tpu.bitcast %sub3A_310 : vector<16xi32> -> vector<16xf32>
      %mul3A_312 = arith.constant 5.000000e-01 : f32
      %mul3A_313 = vector.broadcast %mul3A_312 : f32 to vector<16xf32>
      %mul3A_314 = arith.mulf %mul3A_313, %max3A_303 : vector<16xf32>
      %mul3A_315 = arith.mulf %mul3A_314, %bitcast_convert_type3A_311 : vector<16xf32>
      %mul3A_316 = arith.mulf %mul3A_315, %bitcast_convert_type3A_311 : vector<16xf32>
      %sub3A_317 = arith.constant 1.500000e+00 : f32
      %sub3A_318 = vector.broadcast %sub3A_317 : f32 to vector<16xf32>
      %sub3A_319 = arith.subf %sub3A_318, %mul3A_316 : vector<16xf32>
      %mul3A_320 = arith.mulf %bitcast_convert_type3A_311, %sub3A_319 : vector<16xf32>
      %mul3A_321 = arith.constant 5.000000e-01 : f32
      %mul3A_322 = vector.broadcast %mul3A_321 : f32 to vector<16xf32>
      %mul3A_323 = arith.mulf %mul3A_322, %max3A_303 : vector<16xf32>
      %mul3A_324 = arith.mulf %mul3A_323, %mul3A_320 : vector<16xf32>
      %mul3A_325 = arith.mulf %mul3A_324, %mul3A_320 : vector<16xf32>
      %sub3A_326 = arith.constant 1.500000e+00 : f32
      %sub3A_327 = vector.broadcast %sub3A_326 : f32 to vector<16xf32>
      %sub3A_328 = arith.subf %sub3A_327, %mul3A_325 : vector<16xf32>
      %mul3A_329 = arith.mulf %mul3A_320, %sub3A_328 : vector<16xf32>
      %mul3A_330 = arith.constant 5.000000e-01 : f32
      %mul3A_331 = vector.broadcast %mul3A_330 : f32 to vector<16xf32>
      %mul3A_332 = arith.mulf %mul3A_331, %max3A_303 : vector<16xf32>
      %mul3A_333 = arith.mulf %mul3A_332, %mul3A_329 : vector<16xf32>
      %mul3A_334 = arith.mulf %mul3A_333, %mul3A_329 : vector<16xf32>
      %sub3A_335 = arith.constant 1.500000e+00 : f32
      %sub3A_336 = vector.broadcast %sub3A_335 : f32 to vector<16xf32>
      %sub3A_337 = arith.subf %sub3A_336, %mul3A_334 : vector<16xf32>
      %mul3A_338 = arith.mulf %mul3A_329, %sub3A_337 : vector<16xf32>
      %mul3A_339 = arith.mulf %max3A_303, %mul3A_338 : vector<16xf32>
      %sub3A_340 = arith.subf %mul3A_339, %scan3A_179#5 : vector<16xf32>
      %ge3A_341 = arith.constant 5 : i32
      %ge3A_342 = vector.broadcast %ge3A_341 : i32 to vector<16xi32>
      %ge3A_343 = arith.cmpi sge, %iota3A, %ge3A_342 : vector<16xi32>
      %lt3A_344 = arith.constant 15 : i32
      %lt3A_345 = vector.broadcast %lt3A_344 : i32 to vector<16xi32>
      %lt3A_346 = arith.cmpi slt, %iota3A, %lt3A_345 : vector<16xi32>
      %and3A_347 = arith.andi %ge3A_343, %lt3A_346 : vector<16xi1>
      %broadcast_in_dim3A_348 = vector.broadcast %scan3A_44 : f32 to vector<16xf32>
      %select_n3A_349 = arith.select %and3A_347, %sub3A_340, %broadcast_in_dim3A_348 : vector<16xi1>, vector<16xf32>
      %reduce_min3A_350 = arith.constant true
      %reduce_min3A_351 = vector.broadcast %reduce_min3A_350 : i1 to vector<16xi1>
      %reduce_min3A_352 = tpu.scan <min>, %select_n3A_349 masked %reduce_min3A_351 : vector<16xf32>, vector<16xi1> -> vector<16xf32>
      %reduce_min3A_353 = vector.extract %reduce_min3A_352[15] : f32 from vector<16xf32>
      %slice3A_354 = vector.extract_strided_slice %get3A_83 {offsets = [2], sizes = [1], strides = [1]} : vector<16xf32> to vector<1xf32>
      %squeeze3A_355 = vector.extract %slice3A_354[0] : f32 from vector<1xf32>
      %sub3A_356 = arith.subf %reduce_min3A_353, %squeeze3A_355 : f32
      %eq3A_357 = arith.constant 2 : i32
      %eq3A_358 = vector.broadcast %eq3A_357 : i32 to vector<16xi32>
      %eq3A_359 = arith.cmpi eq, %iota3A, %eq3A_358 : vector<16xi32>
      %broadcast_in_dim3A_360 = vector.broadcast %sub3A_356 : f32 to vector<16xf32>
      %select_n3A_361 = arith.select %eq3A_359, %broadcast_in_dim3A_360, %select_n3A_299 : vector<16xi1>, vector<16xf32>
      %add3A_362 = arith.addf %scan3A_179#6, %add3A_173 : vector<16xf32>
      %max3A_363 = arith.constant 0.000000e+00 : f32
      %max3A_364 = vector.broadcast %max3A_363 : f32 to vector<16xf32>
      %max3A_365 = arith.maximumf %add3A_362, %max3A_364 : vector<16xf32>
      %bitcast_convert_type3A_366 = tpu.bitcast %max3A_365 : vector<16xf32> -> vector<16xi32>
      %shift_right_arithmetic3A_367 = arith.constant 1 : i32
      %shift_right_arithmetic3A_368 = vector.broadcast %shift_right_arithmetic3A_367 : i32 to vector<16xi32>
      %shift_right_arithmetic3A_369 = arith.shrsi %bitcast_convert_type3A_366, %shift_right_arithmetic3A_368 : vector<16xi32>
      %sub3A_370 = arith.constant 1597463007 : i32
      %sub3A_371 = vector.broadcast %sub3A_370 : i32 to vector<16xi32>
      %sub3A_372 = arith.subi %sub3A_371, %shift_right_arithmetic3A_369 : vector<16xi32>
      %bitcast_convert_type3A_373 = tpu.bitcast %sub3A_372 : vector<16xi32> -> vector<16xf32>
      %mul3A_374 = arith.constant 5.000000e-01 : f32
      %mul3A_375 = vector.broadcast %mul3A_374 : f32 to vector<16xf32>
      %mul3A_376 = arith.mulf %mul3A_375, %max3A_365 : vector<16xf32>
      %mul3A_377 = arith.mulf %mul3A_376, %bitcast_convert_type3A_373 : vector<16xf32>
      %mul3A_378 = arith.mulf %mul3A_377, %bitcast_convert_type3A_373 : vector<16xf32>
      %sub3A_379 = arith.constant 1.500000e+00 : f32
      %sub3A_380 = vector.broadcast %sub3A_379 : f32 to vector<16xf32>
      %sub3A_381 = arith.subf %sub3A_380, %mul3A_378 : vector<16xf32>
      %mul3A_382 = arith.mulf %bitcast_convert_type3A_373, %sub3A_381 : vector<16xf32>
      %mul3A_383 = arith.constant 5.000000e-01 : f32
      %mul3A_384 = vector.broadcast %mul3A_383 : f32 to vector<16xf32>
      %mul3A_385 = arith.mulf %mul3A_384, %max3A_365 : vector<16xf32>
      %mul3A_386 = arith.mulf %mul3A_385, %mul3A_382 : vector<16xf32>
      %mul3A_387 = arith.mulf %mul3A_386, %mul3A_382 : vector<16xf32>
      %sub3A_388 = arith.constant 1.500000e+00 : f32
      %sub3A_389 = vector.broadcast %sub3A_388 : f32 to vector<16xf32>
      %sub3A_390 = arith.subf %sub3A_389, %mul3A_387 : vector<16xf32>
      %mul3A_391 = arith.mulf %mul3A_382, %sub3A_390 : vector<16xf32>
      %mul3A_392 = arith.constant 5.000000e-01 : f32
      %mul3A_393 = vector.broadcast %mul3A_392 : f32 to vector<16xf32>
      %mul3A_394 = arith.mulf %mul3A_393, %max3A_365 : vector<16xf32>
      %mul3A_395 = arith.mulf %mul3A_394, %mul3A_391 : vector<16xf32>
      %mul3A_396 = arith.mulf %mul3A_395, %mul3A_391 : vector<16xf32>
      %sub3A_397 = arith.constant 1.500000e+00 : f32
      %sub3A_398 = vector.broadcast %sub3A_397 : f32 to vector<16xf32>
      %sub3A_399 = arith.subf %sub3A_398, %mul3A_396 : vector<16xf32>
      %mul3A_400 = arith.mulf %mul3A_391, %sub3A_399 : vector<16xf32>
      %mul3A_401 = arith.mulf %max3A_365, %mul3A_400 : vector<16xf32>
      %sub3A_402 = arith.subf %mul3A_401, %scan3A_179#7 : vector<16xf32>
      %ge3A_403 = arith.constant 5 : i32
      %ge3A_404 = vector.broadcast %ge3A_403 : i32 to vector<16xi32>
      %ge3A_405 = arith.cmpi sge, %iota3A, %ge3A_404 : vector<16xi32>
      %lt3A_406 = arith.constant 15 : i32
      %lt3A_407 = vector.broadcast %lt3A_406 : i32 to vector<16xi32>
      %lt3A_408 = arith.cmpi slt, %iota3A, %lt3A_407 : vector<16xi32>
      %and3A_409 = arith.andi %ge3A_405, %lt3A_408 : vector<16xi1>
      %broadcast_in_dim3A_410 = vector.broadcast %scan3A_44 : f32 to vector<16xf32>
      %select_n3A_411 = arith.select %and3A_409, %sub3A_402, %broadcast_in_dim3A_410 : vector<16xi1>, vector<16xf32>
      %reduce_min3A_412 = arith.constant true
      %reduce_min3A_413 = vector.broadcast %reduce_min3A_412 : i1 to vector<16xi1>
      %reduce_min3A_414 = tpu.scan <min>, %select_n3A_411 masked %reduce_min3A_413 : vector<16xf32>, vector<16xi1> -> vector<16xf32>
      %reduce_min3A_415 = vector.extract %reduce_min3A_414[15] : f32 from vector<16xf32>
      %slice3A_416 = vector.extract_strided_slice %get3A_83 {offsets = [3], sizes = [1], strides = [1]} : vector<16xf32> to vector<1xf32>
      %squeeze3A_417 = vector.extract %slice3A_416[0] : f32 from vector<1xf32>
      %sub3A_418 = arith.subf %reduce_min3A_415, %squeeze3A_417 : f32
      %eq3A_419 = arith.constant 3 : i32
      %eq3A_420 = vector.broadcast %eq3A_419 : i32 to vector<16xi32>
      %eq3A_421 = arith.cmpi eq, %iota3A, %eq3A_420 : vector<16xi32>
      %broadcast_in_dim3A_422 = vector.broadcast %sub3A_418 : f32 to vector<16xf32>
      %select_n3A_423 = arith.select %eq3A_421, %broadcast_in_dim3A_422, %select_n3A_361 : vector<16xi1>, vector<16xf32>
      %slice3A_424 = vector.extract_strided_slice %get3A_77 {offsets = [4], sizes = [1], strides = [1]} : vector<16xf32> to vector<1xf32>
      %squeeze3A_425 = vector.extract %slice3A_424[0] : f32 from vector<1xf32>
      %broadcast_in_dim3A_426 = vector.broadcast %squeeze3A_425 : f32 to vector<16xf32>
      %slice3A_427 = vector.extract_strided_slice %get3A_77 {offsets = [5], sizes = [1], strides = [1]} : vector<16xf32> to vector<1xf32>
      %squeeze3A_428 = vector.extract %slice3A_427[0] : f32 from vector<1xf32>
      %broadcast_in_dim3A_429 = vector.broadcast %squeeze3A_428 : f32 to vector<16xf32>
      %slice3A_430 = vector.extract_strided_slice %get3A_77 {offsets = [6], sizes = [1], strides = [1]} : vector<16xf32> to vector<1xf32>
      %squeeze3A_431 = vector.extract %slice3A_430[0] : f32 from vector<1xf32>
      %broadcast_in_dim3A_432 = vector.broadcast %squeeze3A_431 : f32 to vector<16xf32>
      %slice3A_433 = vector.extract_strided_slice %get3A_77 {offsets = [7], sizes = [1], strides = [1]} : vector<16xf32> to vector<1xf32>
      %squeeze3A_434 = vector.extract %slice3A_433[0] : f32 from vector<1xf32>
      %broadcast_in_dim3A_435 = vector.broadcast %squeeze3A_434 : f32 to vector<16xf32>
      %slice3A_436 = vector.extract_strided_slice %get3A_79 {offsets = [4], sizes = [1], strides = [1]} : vector<16xf32> to vector<1xf32>
      %squeeze3A_437 = vector.extract %slice3A_436[0] : f32 from vector<1xf32>
      %broadcast_in_dim3A_438 = vector.broadcast %squeeze3A_437 : f32 to vector<16xf32>
      %slice3A_439 = vector.extract_strided_slice %get3A_79 {offsets = [5], sizes = [1], strides = [1]} : vector<16xf32> to vector<1xf32>
      %squeeze3A_440 = vector.extract %slice3A_439[0] : f32 from vector<1xf32>
      %broadcast_in_dim3A_441 = vector.broadcast %squeeze3A_440 : f32 to vector<16xf32>
      %slice3A_442 = vector.extract_strided_slice %get3A_79 {offsets = [6], sizes = [1], strides = [1]} : vector<16xf32> to vector<1xf32>
      %squeeze3A_443 = vector.extract %slice3A_442[0] : f32 from vector<1xf32>
      %broadcast_in_dim3A_444 = vector.broadcast %squeeze3A_443 : f32 to vector<16xf32>
      %slice3A_445 = vector.extract_strided_slice %get3A_79 {offsets = [7], sizes = [1], strides = [1]} : vector<16xf32> to vector<1xf32>
      %squeeze3A_446 = vector.extract %slice3A_445[0] : f32 from vector<1xf32>
      %broadcast_in_dim3A_447 = vector.broadcast %squeeze3A_446 : f32 to vector<16xf32>
      %slice3A_448 = vector.extract_strided_slice %get3A_81 {offsets = [4], sizes = [1], strides = [1]} : vector<16xf32> to vector<1xf32>
      %squeeze3A_449 = vector.extract %slice3A_448[0] : f32 from vector<1xf32>
      %broadcast_in_dim3A_450 = vector.broadcast %squeeze3A_449 : f32 to vector<16xf32>
      %slice3A_451 = vector.extract_strided_slice %get3A_81 {offsets = [5], sizes = [1], strides = [1]} : vector<16xf32> to vector<1xf32>
      %squeeze3A_452 = vector.extract %slice3A_451[0] : f32 from vector<1xf32>
      %broadcast_in_dim3A_453 = vector.broadcast %squeeze3A_452 : f32 to vector<16xf32>
      %slice3A_454 = vector.extract_strided_slice %get3A_81 {offsets = [6], sizes = [1], strides = [1]} : vector<16xf32> to vector<1xf32>
      %squeeze3A_455 = vector.extract %slice3A_454[0] : f32 from vector<1xf32>
      %broadcast_in_dim3A_456 = vector.broadcast %squeeze3A_455 : f32 to vector<16xf32>
      %slice3A_457 = vector.extract_strided_slice %get3A_81 {offsets = [7], sizes = [1], strides = [1]} : vector<16xf32> to vector<1xf32>
      %squeeze3A_458 = vector.extract %slice3A_457[0] : f32 from vector<1xf32>
      %broadcast_in_dim3A_459 = vector.broadcast %squeeze3A_458 : f32 to vector<16xf32>
      %mul3A_460 = arith.constant -2.000000e+00 : f32
      %mul3A_461 = vector.broadcast %mul3A_460 : f32 to vector<16xf32>
      %mul3A_462 = arith.mulf %mul3A_461, %broadcast_in_dim3A_426 : vector<16xf32>
      %mul3A_463 = arith.constant -2.000000e+00 : f32
      %mul3A_464 = vector.broadcast %mul3A_463 : f32 to vector<16xf32>
      %mul3A_465 = arith.mulf %mul3A_464, %broadcast_in_dim3A_429 : vector<16xf32>
      %mul3A_466 = arith.constant -2.000000e+00 : f32
      %mul3A_467 = vector.broadcast %mul3A_466 : f32 to vector<16xf32>
      %mul3A_468 = arith.mulf %mul3A_467, %broadcast_in_dim3A_432 : vector<16xf32>
      %mul3A_469 = arith.constant -2.000000e+00 : f32
      %mul3A_470 = vector.broadcast %mul3A_469 : f32 to vector<16xf32>
      %mul3A_471 = arith.mulf %mul3A_470, %broadcast_in_dim3A_435 : vector<16xf32>
      %mul3A_472 = arith.constant -2.000000e+00 : f32
      %mul3A_473 = vector.broadcast %mul3A_472 : f32 to vector<16xf32>
      %mul3A_474 = arith.mulf %mul3A_473, %broadcast_in_dim3A_438 : vector<16xf32>
      %mul3A_475 = arith.constant -2.000000e+00 : f32
      %mul3A_476 = vector.broadcast %mul3A_475 : f32 to vector<16xf32>
      %mul3A_477 = arith.mulf %mul3A_476, %broadcast_in_dim3A_441 : vector<16xf32>
      %mul3A_478 = arith.constant -2.000000e+00 : f32
      %mul3A_479 = vector.broadcast %mul3A_478 : f32 to vector<16xf32>
      %mul3A_480 = arith.mulf %mul3A_479, %broadcast_in_dim3A_444 : vector<16xf32>
      %mul3A_481 = arith.constant -2.000000e+00 : f32
      %mul3A_482 = vector.broadcast %mul3A_481 : f32 to vector<16xf32>
      %mul3A_483 = arith.mulf %mul3A_482, %broadcast_in_dim3A_447 : vector<16xf32>
      %mul3A_484 = arith.constant -2.000000e+00 : f32
      %mul3A_485 = vector.broadcast %mul3A_484 : f32 to vector<16xf32>
      %mul3A_486 = arith.mulf %mul3A_485, %broadcast_in_dim3A_450 : vector<16xf32>
      %mul3A_487 = arith.constant -2.000000e+00 : f32
      %mul3A_488 = vector.broadcast %mul3A_487 : f32 to vector<16xf32>
      %mul3A_489 = arith.mulf %mul3A_488, %broadcast_in_dim3A_453 : vector<16xf32>
      %mul3A_490 = arith.constant -2.000000e+00 : f32
      %mul3A_491 = vector.broadcast %mul3A_490 : f32 to vector<16xf32>
      %mul3A_492 = arith.mulf %mul3A_491, %broadcast_in_dim3A_456 : vector<16xf32>
      %mul3A_493 = arith.constant -2.000000e+00 : f32
      %mul3A_494 = vector.broadcast %mul3A_493 : f32 to vector<16xf32>
      %mul3A_495 = arith.mulf %mul3A_494, %broadcast_in_dim3A_459 : vector<16xf32>
      %mul3A_496 = arith.mulf %broadcast_in_dim3A_426, %broadcast_in_dim3A_426 : vector<16xf32>
      %mul3A_497 = arith.mulf %broadcast_in_dim3A_438, %broadcast_in_dim3A_438 : vector<16xf32>
      %add3A_498 = arith.addf %mul3A_496, %mul3A_497 : vector<16xf32>
      %mul3A_499 = arith.mulf %broadcast_in_dim3A_450, %broadcast_in_dim3A_450 : vector<16xf32>
      %add3A_500 = arith.addf %add3A_498, %mul3A_499 : vector<16xf32>
      %mul3A_501 = arith.mulf %broadcast_in_dim3A_429, %broadcast_in_dim3A_429 : vector<16xf32>
      %mul3A_502 = arith.mulf %broadcast_in_dim3A_441, %broadcast_in_dim3A_441 : vector<16xf32>
      %add3A_503 = arith.addf %mul3A_501, %mul3A_502 : vector<16xf32>
      %mul3A_504 = arith.mulf %broadcast_in_dim3A_453, %broadcast_in_dim3A_453 : vector<16xf32>
      %add3A_505 = arith.addf %add3A_503, %mul3A_504 : vector<16xf32>
      %mul3A_506 = arith.mulf %broadcast_in_dim3A_432, %broadcast_in_dim3A_432 : vector<16xf32>
      %mul3A_507 = arith.mulf %broadcast_in_dim3A_444, %broadcast_in_dim3A_444 : vector<16xf32>
      %add3A_508 = arith.addf %mul3A_506, %mul3A_507 : vector<16xf32>
      %mul3A_509 = arith.mulf %broadcast_in_dim3A_456, %broadcast_in_dim3A_456 : vector<16xf32>
      %add3A_510 = arith.addf %add3A_508, %mul3A_509 : vector<16xf32>
      %mul3A_511 = arith.mulf %broadcast_in_dim3A_435, %broadcast_in_dim3A_435 : vector<16xf32>
      %mul3A_512 = arith.mulf %broadcast_in_dim3A_447, %broadcast_in_dim3A_447 : vector<16xf32>
      %add3A_513 = arith.addf %mul3A_511, %mul3A_512 : vector<16xf32>
      %mul3A_514 = arith.mulf %broadcast_in_dim3A_459, %broadcast_in_dim3A_459 : vector<16xf32>
      %add3A_515 = arith.addf %add3A_513, %mul3A_514 : vector<16xf32>
      %broadcast_in_dim3A_516 = vector.broadcast %scan3A_44 : f32 to vector<16xf32>
      %scan3A_517 = arith.constant 0 : i32
      %scan3A_518 = arith.constant 128 : i32
      %scan3A_519 = arith.addi %scan3A_517, %scan3A_518 : i32
      %scan3A_520 = arith.constant 4 : i32
      %scan3A_521:8 = scf.for %scan3A_1468 = %scan3A_517 to %scan3A_519 step %scan3A_520 iter_args(%scan3A_1469 = %broadcast_in_dim3A_516, %scan3A_1470 = %broadcast_in_dim3A_38, %scan3A_1471 = %broadcast_in_dim3A_516, %scan3A_1472 = %broadcast_in_dim3A_38, %scan3A_1473 = %broadcast_in_dim3A_516, %scan3A_1474 = %broadcast_in_dim3A_38, %scan3A_1475 = %broadcast_in_dim3A_516, %scan3A_1476 = %broadcast_in_dim3A_38) -> (vector<16xf32>, vector<16xf32>, vector<16xf32>, vector<16xf32>, vector<16xf32>, vector<16xf32>, vector<16xf32>, vector<16xf32>)  : i32 {
        %mul3A_1477 = arith.constant 16 : i32
        %mul3A_1478 = arith.muli %scan3A_1468, %mul3A_1477 : i32
        %get3A_1479 = arith.index_cast %mul3A_1478 : i32 to index
        %get3A_1480 = tpu.vector_load %arg4[%get3A_1479] {strides = array<i32>} : memref<2048xf32, #tpu.memory_space<vmem>>, vector<16xf32>,
        %get3A_1481 = arith.index_cast %mul3A_1478 : i32 to index
        %get3A_1482 = tpu.vector_load %arg5[%get3A_1481] {strides = array<i32>} : memref<2048xf32, #tpu.memory_space<vmem>>, vector<16xf32>,
        %get3A_1483 = arith.index_cast %mul3A_1478 : i32 to index
        %get3A_1484 = tpu.vector_load %arg6[%get3A_1483] {strides = array<i32>} : memref<2048xf32, #tpu.memory_space<vmem>>, vector<16xf32>,
        %get3A_1485 = arith.index_cast %mul3A_1478 : i32 to index
        %get3A_1486 = tpu.vector_load %arg7[%get3A_1485] {strides = array<i32>} : memref<2048xf32, #tpu.memory_space<vmem>>, vector<16xf32>,
        %get3A_1487 = arith.index_cast %mul3A_1478 : i32 to index
        %get3A_1488 = tpu.vector_load %arg8[%get3A_1487] {strides = array<i32>} : memref<2048xf32, #tpu.memory_space<vmem>>, vector<16xf32>,
        %mul3A_1489 = arith.mulf %get3A_1480, %mul3A_462 : vector<16xf32>
        %add3A_1490 = arith.addf %get3A_1488, %mul3A_1489 : vector<16xf32>
        %mul3A_1491 = arith.mulf %get3A_1482, %mul3A_474 : vector<16xf32>
        %add3A_1492 = arith.addf %add3A_1490, %mul3A_1491 : vector<16xf32>
        %mul3A_1493 = arith.mulf %get3A_1484, %mul3A_486 : vector<16xf32>
        %add3A_1494 = arith.addf %add3A_1492, %mul3A_1493 : vector<16xf32>
        %masked_sort3A = arith.constant dense<true> : vector<16xi1>
        %masked_sort3A_1495, %masked_sort3A_1496, %masked_sort3A_1497 = tpu.sort %add3A_1494, %get3A_1486 masked %masked_sort3A : (vector<16xf32>, vector<16xf32>, vector<16xi1>) -> (vector<16xi1>, vector<16xf32>, vector<16xf32>)
        %le3A = arith.cmpf ole, %scan3A_1469, %masked_sort3A_1496 : vector<16xf32>
        %select_n3A_1498 = arith.select %le3A, %scan3A_1469, %masked_sort3A_1496 : vector<16xi1>, vector<16xf32>
        %select_n3A_1499 = arith.select %le3A, %scan3A_1470, %masked_sort3A_1497 : vector<16xi1>, vector<16xf32>
        %masked_sort3A_1500 = arith.constant dense<true> : vector<16xi1>
        %masked_sort3A_1501, %masked_sort3A_1502, %masked_sort3A_1503 = tpu.sort %select_n3A_1498, %select_n3A_1499 masked %masked_sort3A_1500 {descending = true} : (vector<16xf32>, vector<16xf32>, vector<16xi1>) -> (vector<16xi1>, vector<16xf32>, vector<16xf32>)
        %mul3A_1504 = arith.mulf %get3A_1480, %mul3A_465 : vector<16xf32>
        %add3A_1505 = arith.addf %get3A_1488, %mul3A_1504 : vector<16xf32>
        %mul3A_1506 = arith.mulf %get3A_1482, %mul3A_477 : vector<16xf32>
        %add3A_1507 = arith.addf %add3A_1505, %mul3A_1506 : vector<16xf32>
        %mul3A_1508 = arith.mulf %get3A_1484, %mul3A_489 : vector<16xf32>
        %add3A_1509 = arith.addf %add3A_1507, %mul3A_1508 : vector<16xf32>
        %masked_sort3A_1510 = arith.constant dense<true> : vector<16xi1>
        %masked_sort3A_1511, %masked_sort3A_1512, %masked_sort3A_1513 = tpu.sort %add3A_1509, %get3A_1486 masked %masked_sort3A_1510 : (vector<16xf32>, vector<16xf32>, vector<16xi1>) -> (vector<16xi1>, vector<16xf32>, vector<16xf32>)
        %le3A_1514 = arith.cmpf ole, %scan3A_1471, %masked_sort3A_1512 : vector<16xf32>
        %select_n3A_1515 = arith.select %le3A_1514, %scan3A_1471, %masked_sort3A_1512 : vector<16xi1>, vector<16xf32>
        %select_n3A_1516 = arith.select %le3A_1514, %scan3A_1472, %masked_sort3A_1513 : vector<16xi1>, vector<16xf32>
        %masked_sort3A_1517 = arith.constant dense<true> : vector<16xi1>
        %masked_sort3A_1518, %masked_sort3A_1519, %masked_sort3A_1520 = tpu.sort %select_n3A_1515, %select_n3A_1516 masked %masked_sort3A_1517 {descending = true} : (vector<16xf32>, vector<16xf32>, vector<16xi1>) -> (vector<16xi1>, vector<16xf32>, vector<16xf32>)
        %mul3A_1521 = arith.mulf %get3A_1480, %mul3A_468 : vector<16xf32>
        %add3A_1522 = arith.addf %get3A_1488, %mul3A_1521 : vector<16xf32>
        %mul3A_1523 = arith.mulf %get3A_1482, %mul3A_480 : vector<16xf32>
        %add3A_1524 = arith.addf %add3A_1522, %mul3A_1523 : vector<16xf32>
        %mul3A_1525 = arith.mulf %get3A_1484, %mul3A_492 : vector<16xf32>
        %add3A_1526 = arith.addf %add3A_1524, %mul3A_1525 : vector<16xf32>
        %masked_sort3A_1527 = arith.constant dense<true> : vector<16xi1>
        %masked_sort3A_1528, %masked_sort3A_1529, %masked_sort3A_1530 = tpu.sort %add3A_1526, %get3A_1486 masked %masked_sort3A_1527 : (vector<16xf32>, vector<16xf32>, vector<16xi1>) -> (vector<16xi1>, vector<16xf32>, vector<16xf32>)
        %le3A_1531 = arith.cmpf ole, %scan3A_1473, %masked_sort3A_1529 : vector<16xf32>
        %select_n3A_1532 = arith.select %le3A_1531, %scan3A_1473, %masked_sort3A_1529 : vector<16xi1>, vector<16xf32>
        %select_n3A_1533 = arith.select %le3A_1531, %scan3A_1474, %masked_sort3A_1530 : vector<16xi1>, vector<16xf32>
        %masked_sort3A_1534 = arith.constant dense<true> : vector<16xi1>
        %masked_sort3A_1535, %masked_sort3A_1536, %masked_sort3A_1537 = tpu.sort %select_n3A_1532, %select_n3A_1533 masked %masked_sort3A_1534 {descending = true} : (vector<16xf32>, vector<16xf32>, vector<16xi1>) -> (vector<16xi1>, vector<16xf32>, vector<16xf32>)
        %mul3A_1538 = arith.mulf %get3A_1480, %mul3A_471 : vector<16xf32>
        %add3A_1539 = arith.addf %get3A_1488, %mul3A_1538 : vector<16xf32>
        %mul3A_1540 = arith.mulf %get3A_1482, %mul3A_483 : vector<16xf32>
        %add3A_1541 = arith.addf %add3A_1539, %mul3A_1540 : vector<16xf32>
        %mul3A_1542 = arith.mulf %get3A_1484, %mul3A_495 : vector<16xf32>
        %add3A_1543 = arith.addf %add3A_1541, %mul3A_1542 : vector<16xf32>
        %masked_sort3A_1544 = arith.constant dense<true> : vector<16xi1>
        %masked_sort3A_1545, %masked_sort3A_1546, %masked_sort3A_1547 = tpu.sort %add3A_1543, %get3A_1486 masked %masked_sort3A_1544 : (vector<16xf32>, vector<16xf32>, vector<16xi1>) -> (vector<16xi1>, vector<16xf32>, vector<16xf32>)
        %le3A_1548 = arith.cmpf ole, %scan3A_1475, %masked_sort3A_1546 : vector<16xf32>
        %select_n3A_1549 = arith.select %le3A_1548, %scan3A_1475, %masked_sort3A_1546 : vector<16xi1>, vector<16xf32>
        %select_n3A_1550 = arith.select %le3A_1548, %scan3A_1476, %masked_sort3A_1547 : vector<16xi1>, vector<16xf32>
        %masked_sort3A_1551 = arith.constant dense<true> : vector<16xi1>
        %masked_sort3A_1552, %masked_sort3A_1553, %masked_sort3A_1554 = tpu.sort %select_n3A_1549, %select_n3A_1550 masked %masked_sort3A_1551 {descending = true} : (vector<16xf32>, vector<16xf32>, vector<16xi1>) -> (vector<16xi1>, vector<16xf32>, vector<16xf32>)
        %scan3A_1555 = arith.constant 1 : i32
        %scan3A_1556 = arith.addi %scan3A_1468, %scan3A_1555 : i32
        %mul3A_1557 = arith.constant 16 : i32
        %mul3A_1558 = arith.muli %scan3A_1556, %mul3A_1557 : i32
        %get3A_1559 = arith.index_cast %mul3A_1558 : i32 to index
        %get3A_1560 = tpu.vector_load %arg4[%get3A_1559] {strides = array<i32>} : memref<2048xf32, #tpu.memory_space<vmem>>, vector<16xf32>,
        %get3A_1561 = arith.index_cast %mul3A_1558 : i32 to index
        %get3A_1562 = tpu.vector_load %arg5[%get3A_1561] {strides = array<i32>} : memref<2048xf32, #tpu.memory_space<vmem>>, vector<16xf32>,
        %get3A_1563 = arith.index_cast %mul3A_1558 : i32 to index
        %get3A_1564 = tpu.vector_load %arg6[%get3A_1563] {strides = array<i32>} : memref<2048xf32, #tpu.memory_space<vmem>>, vector<16xf32>,
        %get3A_1565 = arith.index_cast %mul3A_1558 : i32 to index
        %get3A_1566 = tpu.vector_load %arg7[%get3A_1565] {strides = array<i32>} : memref<2048xf32, #tpu.memory_space<vmem>>, vector<16xf32>,
        %get3A_1567 = arith.index_cast %mul3A_1558 : i32 to index
        %get3A_1568 = tpu.vector_load %arg8[%get3A_1567] {strides = array<i32>} : memref<2048xf32, #tpu.memory_space<vmem>>, vector<16xf32>,
        %mul3A_1569 = arith.mulf %get3A_1560, %mul3A_462 : vector<16xf32>
        %add3A_1570 = arith.addf %get3A_1568, %mul3A_1569 : vector<16xf32>
        %mul3A_1571 = arith.mulf %get3A_1562, %mul3A_474 : vector<16xf32>
        %add3A_1572 = arith.addf %add3A_1570, %mul3A_1571 : vector<16xf32>
        %mul3A_1573 = arith.mulf %get3A_1564, %mul3A_486 : vector<16xf32>
        %add3A_1574 = arith.addf %add3A_1572, %mul3A_1573 : vector<16xf32>
        %masked_sort3A_1575 = arith.constant dense<true> : vector<16xi1>
        %masked_sort3A_1576, %masked_sort3A_1577, %masked_sort3A_1578 = tpu.sort %add3A_1574, %get3A_1566 masked %masked_sort3A_1575 : (vector<16xf32>, vector<16xf32>, vector<16xi1>) -> (vector<16xi1>, vector<16xf32>, vector<16xf32>)
        %le3A_1579 = arith.cmpf ole, %masked_sort3A_1502, %masked_sort3A_1577 : vector<16xf32>
        %select_n3A_1580 = arith.select %le3A_1579, %masked_sort3A_1502, %masked_sort3A_1577 : vector<16xi1>, vector<16xf32>
        %select_n3A_1581 = arith.select %le3A_1579, %masked_sort3A_1503, %masked_sort3A_1578 : vector<16xi1>, vector<16xf32>
        %masked_sort3A_1582 = arith.constant dense<true> : vector<16xi1>
        %masked_sort3A_1583, %masked_sort3A_1584, %masked_sort3A_1585 = tpu.sort %select_n3A_1580, %select_n3A_1581 masked %masked_sort3A_1582 {descending = true} : (vector<16xf32>, vector<16xf32>, vector<16xi1>) -> (vector<16xi1>, vector<16xf32>, vector<16xf32>)
        %mul3A_1586 = arith.mulf %get3A_1560, %mul3A_465 : vector<16xf32>
        %add3A_1587 = arith.addf %get3A_1568, %mul3A_1586 : vector<16xf32>
        %mul3A_1588 = arith.mulf %get3A_1562, %mul3A_477 : vector<16xf32>
        %add3A_1589 = arith.addf %add3A_1587, %mul3A_1588 : vector<16xf32>
        %mul3A_1590 = arith.mulf %get3A_1564, %mul3A_489 : vector<16xf32>
        %add3A_1591 = arith.addf %add3A_1589, %mul3A_1590 : vector<16xf32>
        %masked_sort3A_1592 = arith.constant dense<true> : vector<16xi1>
        %masked_sort3A_1593, %masked_sort3A_1594, %masked_sort3A_1595 = tpu.sort %add3A_1591, %get3A_1566 masked %masked_sort3A_1592 : (vector<16xf32>, vector<16xf32>, vector<16xi1>) -> (vector<16xi1>, vector<16xf32>, vector<16xf32>)
        %le3A_1596 = arith.cmpf ole, %masked_sort3A_1519, %masked_sort3A_1594 : vector<16xf32>
        %select_n3A_1597 = arith.select %le3A_1596, %masked_sort3A_1519, %masked_sort3A_1594 : vector<16xi1>, vector<16xf32>
        %select_n3A_1598 = arith.select %le3A_1596, %masked_sort3A_1520, %masked_sort3A_1595 : vector<16xi1>, vector<16xf32>
        %masked_sort3A_1599 = arith.constant dense<true> : vector<16xi1>
        %masked_sort3A_1600, %masked_sort3A_1601, %masked_sort3A_1602 = tpu.sort %select_n3A_1597, %select_n3A_1598 masked %masked_sort3A_1599 {descending = true} : (vector<16xf32>, vector<16xf32>, vector<16xi1>) -> (vector<16xi1>, vector<16xf32>, vector<16xf32>)
        %mul3A_1603 = arith.mulf %get3A_1560, %mul3A_468 : vector<16xf32>
        %add3A_1604 = arith.addf %get3A_1568, %mul3A_1603 : vector<16xf32>
        %mul3A_1605 = arith.mulf %get3A_1562, %mul3A_480 : vector<16xf32>
        %add3A_1606 = arith.addf %add3A_1604, %mul3A_1605 : vector<16xf32>
        %mul3A_1607 = arith.mulf %get3A_1564, %mul3A_492 : vector<16xf32>
        %add3A_1608 = arith.addf %add3A_1606, %mul3A_1607 : vector<16xf32>
        %masked_sort3A_1609 = arith.constant dense<true> : vector<16xi1>
        %masked_sort3A_1610, %masked_sort3A_1611, %masked_sort3A_1612 = tpu.sort %add3A_1608, %get3A_1566 masked %masked_sort3A_1609 : (vector<16xf32>, vector<16xf32>, vector<16xi1>) -> (vector<16xi1>, vector<16xf32>, vector<16xf32>)
        %le3A_1613 = arith.cmpf ole, %masked_sort3A_1536, %masked_sort3A_1611 : vector<16xf32>
        %select_n3A_1614 = arith.select %le3A_1613, %masked_sort3A_1536, %masked_sort3A_1611 : vector<16xi1>, vector<16xf32>
        %select_n3A_1615 = arith.select %le3A_1613, %masked_sort3A_1537, %masked_sort3A_1612 : vector<16xi1>, vector<16xf32>
        %masked_sort3A_1616 = arith.constant dense<true> : vector<16xi1>
        %masked_sort3A_1617, %masked_sort3A_1618, %masked_sort3A_1619 = tpu.sort %select_n3A_1614, %select_n3A_1615 masked %masked_sort3A_1616 {descending = true} : (vector<16xf32>, vector<16xf32>, vector<16xi1>) -> (vector<16xi1>, vector<16xf32>, vector<16xf32>)
        %mul3A_1620 = arith.mulf %get3A_1560, %mul3A_471 : vector<16xf32>
        %add3A_1621 = arith.addf %get3A_1568, %mul3A_1620 : vector<16xf32>
        %mul3A_1622 = arith.mulf %get3A_1562, %mul3A_483 : vector<16xf32>
        %add3A_1623 = arith.addf %add3A_1621, %mul3A_1622 : vector<16xf32>
        %mul3A_1624 = arith.mulf %get3A_1564, %mul3A_495 : vector<16xf32>
        %add3A_1625 = arith.addf %add3A_1623, %mul3A_1624 : vector<16xf32>
        %masked_sort3A_1626 = arith.constant dense<true> : vector<16xi1>
        %masked_sort3A_1627, %masked_sort3A_1628, %masked_sort3A_1629 = tpu.sort %add3A_1625, %get3A_1566 masked %masked_sort3A_1626 : (vector<16xf32>, vector<16xf32>, vector<16xi1>) -> (vector<16xi1>, vector<16xf32>, vector<16xf32>)
        %le3A_1630 = arith.cmpf ole, %masked_sort3A_1553, %masked_sort3A_1628 : vector<16xf32>
        %select_n3A_1631 = arith.select %le3A_1630, %masked_sort3A_1553, %masked_sort3A_1628 : vector<16xi1>, vector<16xf32>
        %select_n3A_1632 = arith.select %le3A_1630, %masked_sort3A_1554, %masked_sort3A_1629 : vector<16xi1>, vector<16xf32>
        %masked_sort3A_1633 = arith.constant dense<true> : vector<16xi1>
        %masked_sort3A_1634, %masked_sort3A_1635, %masked_sort3A_1636 = tpu.sort %select_n3A_1631, %select_n3A_1632 masked %masked_sort3A_1633 {descending = true} : (vector<16xf32>, vector<16xf32>, vector<16xi1>) -> (vector<16xi1>, vector<16xf32>, vector<16xf32>)
        %scan3A_1637 = arith.constant 2 : i32
        %scan3A_1638 = arith.addi %scan3A_1468, %scan3A_1637 : i32
        %mul3A_1639 = arith.constant 16 : i32
        %mul3A_1640 = arith.muli %scan3A_1638, %mul3A_1639 : i32
        %get3A_1641 = arith.index_cast %mul3A_1640 : i32 to index
        %get3A_1642 = tpu.vector_load %arg4[%get3A_1641] {strides = array<i32>} : memref<2048xf32, #tpu.memory_space<vmem>>, vector<16xf32>,
        %get3A_1643 = arith.index_cast %mul3A_1640 : i32 to index
        %get3A_1644 = tpu.vector_load %arg5[%get3A_1643] {strides = array<i32>} : memref<2048xf32, #tpu.memory_space<vmem>>, vector<16xf32>,
        %get3A_1645 = arith.index_cast %mul3A_1640 : i32 to index
        %get3A_1646 = tpu.vector_load %arg6[%get3A_1645] {strides = array<i32>} : memref<2048xf32, #tpu.memory_space<vmem>>, vector<16xf32>,
        %get3A_1647 = arith.index_cast %mul3A_1640 : i32 to index
        %get3A_1648 = tpu.vector_load %arg7[%get3A_1647] {strides = array<i32>} : memref<2048xf32, #tpu.memory_space<vmem>>, vector<16xf32>,
        %get3A_1649 = arith.index_cast %mul3A_1640 : i32 to index
        %get3A_1650 = tpu.vector_load %arg8[%get3A_1649] {strides = array<i32>} : memref<2048xf32, #tpu.memory_space<vmem>>, vector<16xf32>,
        %mul3A_1651 = arith.mulf %get3A_1642, %mul3A_462 : vector<16xf32>
        %add3A_1652 = arith.addf %get3A_1650, %mul3A_1651 : vector<16xf32>
        %mul3A_1653 = arith.mulf %get3A_1644, %mul3A_474 : vector<16xf32>
        %add3A_1654 = arith.addf %add3A_1652, %mul3A_1653 : vector<16xf32>
        %mul3A_1655 = arith.mulf %get3A_1646, %mul3A_486 : vector<16xf32>
        %add3A_1656 = arith.addf %add3A_1654, %mul3A_1655 : vector<16xf32>
        %masked_sort3A_1657 = arith.constant dense<true> : vector<16xi1>
        %masked_sort3A_1658, %masked_sort3A_1659, %masked_sort3A_1660 = tpu.sort %add3A_1656, %get3A_1648 masked %masked_sort3A_1657 : (vector<16xf32>, vector<16xf32>, vector<16xi1>) -> (vector<16xi1>, vector<16xf32>, vector<16xf32>)
        %le3A_1661 = arith.cmpf ole, %masked_sort3A_1584, %masked_sort3A_1659 : vector<16xf32>
        %select_n3A_1662 = arith.select %le3A_1661, %masked_sort3A_1584, %masked_sort3A_1659 : vector<16xi1>, vector<16xf32>
        %select_n3A_1663 = arith.select %le3A_1661, %masked_sort3A_1585, %masked_sort3A_1660 : vector<16xi1>, vector<16xf32>
        %masked_sort3A_1664 = arith.constant dense<true> : vector<16xi1>
        %masked_sort3A_1665, %masked_sort3A_1666, %masked_sort3A_1667 = tpu.sort %select_n3A_1662, %select_n3A_1663 masked %masked_sort3A_1664 {descending = true} : (vector<16xf32>, vector<16xf32>, vector<16xi1>) -> (vector<16xi1>, vector<16xf32>, vector<16xf32>)
        %mul3A_1668 = arith.mulf %get3A_1642, %mul3A_465 : vector<16xf32>
        %add3A_1669 = arith.addf %get3A_1650, %mul3A_1668 : vector<16xf32>
        %mul3A_1670 = arith.mulf %get3A_1644, %mul3A_477 : vector<16xf32>
        %add3A_1671 = arith.addf %add3A_1669, %mul3A_1670 : vector<16xf32>
        %mul3A_1672 = arith.mulf %get3A_1646, %mul3A_489 : vector<16xf32>
        %add3A_1673 = arith.addf %add3A_1671, %mul3A_1672 : vector<16xf32>
        %masked_sort3A_1674 = arith.constant dense<true> : vector<16xi1>
        %masked_sort3A_1675, %masked_sort3A_1676, %masked_sort3A_1677 = tpu.sort %add3A_1673, %get3A_1648 masked %masked_sort3A_1674 : (vector<16xf32>, vector<16xf32>, vector<16xi1>) -> (vector<16xi1>, vector<16xf32>, vector<16xf32>)
        %le3A_1678 = arith.cmpf ole, %masked_sort3A_1601, %masked_sort3A_1676 : vector<16xf32>
        %select_n3A_1679 = arith.select %le3A_1678, %masked_sort3A_1601, %masked_sort3A_1676 : vector<16xi1>, vector<16xf32>
        %select_n3A_1680 = arith.select %le3A_1678, %masked_sort3A_1602, %masked_sort3A_1677 : vector<16xi1>, vector<16xf32>
        %masked_sort3A_1681 = arith.constant dense<true> : vector<16xi1>
        %masked_sort3A_1682, %masked_sort3A_1683, %masked_sort3A_1684 = tpu.sort %select_n3A_1679, %select_n3A_1680 masked %masked_sort3A_1681 {descending = true} : (vector<16xf32>, vector<16xf32>, vector<16xi1>) -> (vector<16xi1>, vector<16xf32>, vector<16xf32>)
        %mul3A_1685 = arith.mulf %get3A_1642, %mul3A_468 : vector<16xf32>
        %add3A_1686 = arith.addf %get3A_1650, %mul3A_1685 : vector<16xf32>
        %mul3A_1687 = arith.mulf %get3A_1644, %mul3A_480 : vector<16xf32>
        %add3A_1688 = arith.addf %add3A_1686, %mul3A_1687 : vector<16xf32>
        %mul3A_1689 = arith.mulf %get3A_1646, %mul3A_492 : vector<16xf32>
        %add3A_1690 = arith.addf %add3A_1688, %mul3A_1689 : vector<16xf32>
        %masked_sort3A_1691 = arith.constant dense<true> : vector<16xi1>
        %masked_sort3A_1692, %masked_sort3A_1693, %masked_sort3A_1694 = tpu.sort %add3A_1690, %get3A_1648 masked %masked_sort3A_1691 : (vector<16xf32>, vector<16xf32>, vector<16xi1>) -> (vector<16xi1>, vector<16xf32>, vector<16xf32>)
        %le3A_1695 = arith.cmpf ole, %masked_sort3A_1618, %masked_sort3A_1693 : vector<16xf32>
        %select_n3A_1696 = arith.select %le3A_1695, %masked_sort3A_1618, %masked_sort3A_1693 : vector<16xi1>, vector<16xf32>
        %select_n3A_1697 = arith.select %le3A_1695, %masked_sort3A_1619, %masked_sort3A_1694 : vector<16xi1>, vector<16xf32>
        %masked_sort3A_1698 = arith.constant dense<true> : vector<16xi1>
        %masked_sort3A_1699, %masked_sort3A_1700, %masked_sort3A_1701 = tpu.sort %select_n3A_1696, %select_n3A_1697 masked %masked_sort3A_1698 {descending = true} : (vector<16xf32>, vector<16xf32>, vector<16xi1>) -> (vector<16xi1>, vector<16xf32>, vector<16xf32>)
        %mul3A_1702 = arith.mulf %get3A_1642, %mul3A_471 : vector<16xf32>
        %add3A_1703 = arith.addf %get3A_1650, %mul3A_1702 : vector<16xf32>
        %mul3A_1704 = arith.mulf %get3A_1644, %mul3A_483 : vector<16xf32>
        %add3A_1705 = arith.addf %add3A_1703, %mul3A_1704 : vector<16xf32>
        %mul3A_1706 = arith.mulf %get3A_1646, %mul3A_495 : vector<16xf32>
        %add3A_1707 = arith.addf %add3A_1705, %mul3A_1706 : vector<16xf32>
        %masked_sort3A_1708 = arith.constant dense<true> : vector<16xi1>
        %masked_sort3A_1709, %masked_sort3A_1710, %masked_sort3A_1711 = tpu.sort %add3A_1707, %get3A_1648 masked %masked_sort3A_1708 : (vector<16xf32>, vector<16xf32>, vector<16xi1>) -> (vector<16xi1>, vector<16xf32>, vector<16xf32>)
        %le3A_1712 = arith.cmpf ole, %masked_sort3A_1635, %masked_sort3A_1710 : vector<16xf32>
        %select_n3A_1713 = arith.select %le3A_1712, %masked_sort3A_1635, %masked_sort3A_1710 : vector<16xi1>, vector<16xf32>
        %select_n3A_1714 = arith.select %le3A_1712, %masked_sort3A_1636, %masked_sort3A_1711 : vector<16xi1>, vector<16xf32>
        %masked_sort3A_1715 = arith.constant dense<true> : vector<16xi1>
        %masked_sort3A_1716, %masked_sort3A_1717, %masked_sort3A_1718 = tpu.sort %select_n3A_1713, %select_n3A_1714 masked %masked_sort3A_1715 {descending = true} : (vector<16xf32>, vector<16xf32>, vector<16xi1>) -> (vector<16xi1>, vector<16xf32>, vector<16xf32>)
        %scan3A_1719 = arith.constant 3 : i32
        %scan3A_1720 = arith.addi %scan3A_1468, %scan3A_1719 : i32
        %mul3A_1721 = arith.constant 16 : i32
        %mul3A_1722 = arith.muli %scan3A_1720, %mul3A_1721 : i32
        %get3A_1723 = arith.index_cast %mul3A_1722 : i32 to index
        %get3A_1724 = tpu.vector_load %arg4[%get3A_1723] {strides = array<i32>} : memref<2048xf32, #tpu.memory_space<vmem>>, vector<16xf32>,
        %get3A_1725 = arith.index_cast %mul3A_1722 : i32 to index
        %get3A_1726 = tpu.vector_load %arg5[%get3A_1725] {strides = array<i32>} : memref<2048xf32, #tpu.memory_space<vmem>>, vector<16xf32>,
        %get3A_1727 = arith.index_cast %mul3A_1722 : i32 to index
        %get3A_1728 = tpu.vector_load %arg6[%get3A_1727] {strides = array<i32>} : memref<2048xf32, #tpu.memory_space<vmem>>, vector<16xf32>,
        %get3A_1729 = arith.index_cast %mul3A_1722 : i32 to index
        %get3A_1730 = tpu.vector_load %arg7[%get3A_1729] {strides = array<i32>} : memref<2048xf32, #tpu.memory_space<vmem>>, vector<16xf32>,
        %get3A_1731 = arith.index_cast %mul3A_1722 : i32 to index
        %get3A_1732 = tpu.vector_load %arg8[%get3A_1731] {strides = array<i32>} : memref<2048xf32, #tpu.memory_space<vmem>>, vector<16xf32>,
        %mul3A_1733 = arith.mulf %get3A_1724, %mul3A_462 : vector<16xf32>
        %add3A_1734 = arith.addf %get3A_1732, %mul3A_1733 : vector<16xf32>
        %mul3A_1735 = arith.mulf %get3A_1726, %mul3A_474 : vector<16xf32>
        %add3A_1736 = arith.addf %add3A_1734, %mul3A_1735 : vector<16xf32>
        %mul3A_1737 = arith.mulf %get3A_1728, %mul3A_486 : vector<16xf32>
        %add3A_1738 = arith.addf %add3A_1736, %mul3A_1737 : vector<16xf32>
        %masked_sort3A_1739 = arith.constant dense<true> : vector<16xi1>
        %masked_sort3A_1740, %masked_sort3A_1741, %masked_sort3A_1742 = tpu.sort %add3A_1738, %get3A_1730 masked %masked_sort3A_1739 : (vector<16xf32>, vector<16xf32>, vector<16xi1>) -> (vector<16xi1>, vector<16xf32>, vector<16xf32>)
        %le3A_1743 = arith.cmpf ole, %masked_sort3A_1666, %masked_sort3A_1741 : vector<16xf32>
        %select_n3A_1744 = arith.select %le3A_1743, %masked_sort3A_1666, %masked_sort3A_1741 : vector<16xi1>, vector<16xf32>
        %select_n3A_1745 = arith.select %le3A_1743, %masked_sort3A_1667, %masked_sort3A_1742 : vector<16xi1>, vector<16xf32>
        %masked_sort3A_1746 = arith.constant dense<true> : vector<16xi1>
        %masked_sort3A_1747, %masked_sort3A_1748, %masked_sort3A_1749 = tpu.sort %select_n3A_1744, %select_n3A_1745 masked %masked_sort3A_1746 {descending = true} : (vector<16xf32>, vector<16xf32>, vector<16xi1>) -> (vector<16xi1>, vector<16xf32>, vector<16xf32>)
        %mul3A_1750 = arith.mulf %get3A_1724, %mul3A_465 : vector<16xf32>
        %add3A_1751 = arith.addf %get3A_1732, %mul3A_1750 : vector<16xf32>
        %mul3A_1752 = arith.mulf %get3A_1726, %mul3A_477 : vector<16xf32>
        %add3A_1753 = arith.addf %add3A_1751, %mul3A_1752 : vector<16xf32>
        %mul3A_1754 = arith.mulf %get3A_1728, %mul3A_489 : vector<16xf32>
        %add3A_1755 = arith.addf %add3A_1753, %mul3A_1754 : vector<16xf32>
        %masked_sort3A_1756 = arith.constant dense<true> : vector<16xi1>
        %masked_sort3A_1757, %masked_sort3A_1758, %masked_sort3A_1759 = tpu.sort %add3A_1755, %get3A_1730 masked %masked_sort3A_1756 : (vector<16xf32>, vector<16xf32>, vector<16xi1>) -> (vector<16xi1>, vector<16xf32>, vector<16xf32>)
        %le3A_1760 = arith.cmpf ole, %masked_sort3A_1683, %masked_sort3A_1758 : vector<16xf32>
        %select_n3A_1761 = arith.select %le3A_1760, %masked_sort3A_1683, %masked_sort3A_1758 : vector<16xi1>, vector<16xf32>
        %select_n3A_1762 = arith.select %le3A_1760, %masked_sort3A_1684, %masked_sort3A_1759 : vector<16xi1>, vector<16xf32>
        %masked_sort3A_1763 = arith.constant dense<true> : vector<16xi1>
        %masked_sort3A_1764, %masked_sort3A_1765, %masked_sort3A_1766 = tpu.sort %select_n3A_1761, %select_n3A_1762 masked %masked_sort3A_1763 {descending = true} : (vector<16xf32>, vector<16xf32>, vector<16xi1>) -> (vector<16xi1>, vector<16xf32>, vector<16xf32>)
        %mul3A_1767 = arith.mulf %get3A_1724, %mul3A_468 : vector<16xf32>
        %add3A_1768 = arith.addf %get3A_1732, %mul3A_1767 : vector<16xf32>
        %mul3A_1769 = arith.mulf %get3A_1726, %mul3A_480 : vector<16xf32>
        %add3A_1770 = arith.addf %add3A_1768, %mul3A_1769 : vector<16xf32>
        %mul3A_1771 = arith.mulf %get3A_1728, %mul3A_492 : vector<16xf32>
        %add3A_1772 = arith.addf %add3A_1770, %mul3A_1771 : vector<16xf32>
        %masked_sort3A_1773 = arith.constant dense<true> : vector<16xi1>
        %masked_sort3A_1774, %masked_sort3A_1775, %masked_sort3A_1776 = tpu.sort %add3A_1772, %get3A_1730 masked %masked_sort3A_1773 : (vector<16xf32>, vector<16xf32>, vector<16xi1>) -> (vector<16xi1>, vector<16xf32>, vector<16xf32>)
        %le3A_1777 = arith.cmpf ole, %masked_sort3A_1700, %masked_sort3A_1775 : vector<16xf32>
        %select_n3A_1778 = arith.select %le3A_1777, %masked_sort3A_1700, %masked_sort3A_1775 : vector<16xi1>, vector<16xf32>
        %select_n3A_1779 = arith.select %le3A_1777, %masked_sort3A_1701, %masked_sort3A_1776 : vector<16xi1>, vector<16xf32>
        %masked_sort3A_1780 = arith.constant dense<true> : vector<16xi1>
        %masked_sort3A_1781, %masked_sort3A_1782, %masked_sort3A_1783 = tpu.sort %select_n3A_1778, %select_n3A_1779 masked %masked_sort3A_1780 {descending = true} : (vector<16xf32>, vector<16xf32>, vector<16xi1>) -> (vector<16xi1>, vector<16xf32>, vector<16xf32>)
        %mul3A_1784 = arith.mulf %get3A_1724, %mul3A_471 : vector<16xf32>
        %add3A_1785 = arith.addf %get3A_1732, %mul3A_1784 : vector<16xf32>
        %mul3A_1786 = arith.mulf %get3A_1726, %mul3A_483 : vector<16xf32>
        %add3A_1787 = arith.addf %add3A_1785, %mul3A_1786 : vector<16xf32>
        %mul3A_1788 = arith.mulf %get3A_1728, %mul3A_495 : vector<16xf32>
        %add3A_1789 = arith.addf %add3A_1787, %mul3A_1788 : vector<16xf32>
        %masked_sort3A_1790 = arith.constant dense<true> : vector<16xi1>
        %masked_sort3A_1791, %masked_sort3A_1792, %masked_sort3A_1793 = tpu.sort %add3A_1789, %get3A_1730 masked %masked_sort3A_1790 : (vector<16xf32>, vector<16xf32>, vector<16xi1>) -> (vector<16xi1>, vector<16xf32>, vector<16xf32>)
        %le3A_1794 = arith.cmpf ole, %masked_sort3A_1717, %masked_sort3A_1792 : vector<16xf32>
        %select_n3A_1795 = arith.select %le3A_1794, %masked_sort3A_1717, %masked_sort3A_1792 : vector<16xi1>, vector<16xf32>
        %select_n3A_1796 = arith.select %le3A_1794, %masked_sort3A_1718, %masked_sort3A_1793 : vector<16xi1>, vector<16xf32>
        %masked_sort3A_1797 = arith.constant dense<true> : vector<16xi1>
        %masked_sort3A_1798, %masked_sort3A_1799, %masked_sort3A_1800 = tpu.sort %select_n3A_1795, %select_n3A_1796 masked %masked_sort3A_1797 {descending = true} : (vector<16xf32>, vector<16xf32>, vector<16xi1>) -> (vector<16xi1>, vector<16xf32>, vector<16xf32>)
        scf.yield %masked_sort3A_1748, %masked_sort3A_1749, %masked_sort3A_1765, %masked_sort3A_1766, %masked_sort3A_1782, %masked_sort3A_1783, %masked_sort3A_1799, %masked_sort3A_1800 : vector<16xf32>, vector<16xf32>, vector<16xf32>, vector<16xf32>, vector<16xf32>, vector<16xf32>, vector<16xf32>, vector<16xf32>
      }
      %scan3A_522 = arith.constant 128 : i32
      %add3A_523 = arith.addf %scan3A_521#0, %add3A_500 : vector<16xf32>
      %max3A_524 = arith.constant 0.000000e+00 : f32
      %max3A_525 = vector.broadcast %max3A_524 : f32 to vector<16xf32>
      %max3A_526 = arith.maximumf %add3A_523, %max3A_525 : vector<16xf32>
      %bitcast_convert_type3A_527 = tpu.bitcast %max3A_526 : vector<16xf32> -> vector<16xi32>
      %shift_right_arithmetic3A_528 = arith.constant 1 : i32
      %shift_right_arithmetic3A_529 = vector.broadcast %shift_right_arithmetic3A_528 : i32 to vector<16xi32>
      %shift_right_arithmetic3A_530 = arith.shrsi %bitcast_convert_type3A_527, %shift_right_arithmetic3A_529 : vector<16xi32>
      %sub3A_531 = arith.constant 1597463007 : i32
      %sub3A_532 = vector.broadcast %sub3A_531 : i32 to vector<16xi32>
      %sub3A_533 = arith.subi %sub3A_532, %shift_right_arithmetic3A_530 : vector<16xi32>
      %bitcast_convert_type3A_534 = tpu.bitcast %sub3A_533 : vector<16xi32> -> vector<16xf32>
      %mul3A_535 = arith.constant 5.000000e-01 : f32
      %mul3A_536 = vector.broadcast %mul3A_535 : f32 to vector<16xf32>
      %mul3A_537 = arith.mulf %mul3A_536, %max3A_526 : vector<16xf32>
      %mul3A_538 = arith.mulf %mul3A_537, %bitcast_convert_type3A_534 : vector<16xf32>
      %mul3A_539 = arith.mulf %mul3A_538, %bitcast_convert_type3A_534 : vector<16xf32>
      %sub3A_540 = arith.constant 1.500000e+00 : f32
      %sub3A_541 = vector.broadcast %sub3A_540 : f32 to vector<16xf32>
      %sub3A_542 = arith.subf %sub3A_541, %mul3A_539 : vector<16xf32>
      %mul3A_543 = arith.mulf %bitcast_convert_type3A_534, %sub3A_542 : vector<16xf32>
      %mul3A_544 = arith.constant 5.000000e-01 : f32
      %mul3A_545 = vector.broadcast %mul3A_544 : f32 to vector<16xf32>
      %mul3A_546 = arith.mulf %mul3A_545, %max3A_526 : vector<16xf32>
      %mul3A_547 = arith.mulf %mul3A_546, %mul3A_543 : vector<16xf32>
      %mul3A_548 = arith.mulf %mul3A_547, %mul3A_543 : vector<16xf32>
      %sub3A_549 = arith.constant 1.500000e+00 : f32
      %sub3A_550 = vector.broadcast %sub3A_549 : f32 to vector<16xf32>
      %sub3A_551 = arith.subf %sub3A_550, %mul3A_548 : vector<16xf32>
      %mul3A_552 = arith.mulf %mul3A_543, %sub3A_551 : vector<16xf32>
      %mul3A_553 = arith.constant 5.000000e-01 : f32
      %mul3A_554 = vector.broadcast %mul3A_553 : f32 to vector<16xf32>
      %mul3A_555 = arith.mulf %mul3A_554, %max3A_526 : vector<16xf32>
      %mul3A_556 = arith.mulf %mul3A_555, %mul3A_552 : vector<16xf32>
      %mul3A_557 = arith.mulf %mul3A_556, %mul3A_552 : vector<16xf32>
      %sub3A_558 = arith.constant 1.500000e+00 : f32
      %sub3A_559 = vector.broadcast %sub3A_558 : f32 to vector<16xf32>
      %sub3A_560 = arith.subf %sub3A_559, %mul3A_557 : vector<16xf32>
      %mul3A_561 = arith.mulf %mul3A_552, %sub3A_560 : vector<16xf32>
      %mul3A_562 = arith.mulf %max3A_526, %mul3A_561 : vector<16xf32>
      %sub3A_563 = arith.subf %mul3A_562, %scan3A_521#1 : vector<16xf32>
      %ge3A_564 = arith.constant 5 : i32
      %ge3A_565 = vector.broadcast %ge3A_564 : i32 to vector<16xi32>
      %ge3A_566 = arith.cmpi sge, %iota3A, %ge3A_565 : vector<16xi32>
      %lt3A_567 = arith.constant 15 : i32
      %lt3A_568 = vector.broadcast %lt3A_567 : i32 to vector<16xi32>
      %lt3A_569 = arith.cmpi slt, %iota3A, %lt3A_568 : vector<16xi32>
      %and3A_570 = arith.andi %ge3A_566, %lt3A_569 : vector<16xi1>
      %broadcast_in_dim3A_571 = vector.broadcast %scan3A_44 : f32 to vector<16xf32>
      %select_n3A_572 = arith.select %and3A_570, %sub3A_563, %broadcast_in_dim3A_571 : vector<16xi1>, vector<16xf32>
      %reduce_min3A_573 = arith.constant true
      %reduce_min3A_574 = vector.broadcast %reduce_min3A_573 : i1 to vector<16xi1>
      %reduce_min3A_575 = tpu.scan <min>, %select_n3A_572 masked %reduce_min3A_574 : vector<16xf32>, vector<16xi1> -> vector<16xf32>
      %reduce_min3A_576 = vector.extract %reduce_min3A_575[15] : f32 from vector<16xf32>
      %slice3A_577 = vector.extract_strided_slice %get3A_83 {offsets = [4], sizes = [1], strides = [1]} : vector<16xf32> to vector<1xf32>
      %squeeze3A_578 = vector.extract %slice3A_577[0] : f32 from vector<1xf32>
      %sub3A_579 = arith.subf %reduce_min3A_576, %squeeze3A_578 : f32
      %eq3A_580 = arith.constant 4 : i32
      %eq3A_581 = vector.broadcast %eq3A_580 : i32 to vector<16xi32>
      %eq3A_582 = arith.cmpi eq, %iota3A, %eq3A_581 : vector<16xi32>
      %broadcast_in_dim3A_583 = vector.broadcast %sub3A_579 : f32 to vector<16xf32>
      %select_n3A_584 = arith.select %eq3A_582, %broadcast_in_dim3A_583, %select_n3A_423 : vector<16xi1>, vector<16xf32>
      %add3A_585 = arith.addf %scan3A_521#2, %add3A_505 : vector<16xf32>
      %max3A_586 = arith.constant 0.000000e+00 : f32
      %max3A_587 = vector.broadcast %max3A_586 : f32 to vector<16xf32>
      %max3A_588 = arith.maximumf %add3A_585, %max3A_587 : vector<16xf32>
      %bitcast_convert_type3A_589 = tpu.bitcast %max3A_588 : vector<16xf32> -> vector<16xi32>
      %shift_right_arithmetic3A_590 = arith.constant 1 : i32
      %shift_right_arithmetic3A_591 = vector.broadcast %shift_right_arithmetic3A_590 : i32 to vector<16xi32>
      %shift_right_arithmetic3A_592 = arith.shrsi %bitcast_convert_type3A_589, %shift_right_arithmetic3A_591 : vector<16xi32>
      %sub3A_593 = arith.constant 1597463007 : i32
      %sub3A_594 = vector.broadcast %sub3A_593 : i32 to vector<16xi32>
      %sub3A_595 = arith.subi %sub3A_594, %shift_right_arithmetic3A_592 : vector<16xi32>
      %bitcast_convert_type3A_596 = tpu.bitcast %sub3A_595 : vector<16xi32> -> vector<16xf32>
      %mul3A_597 = arith.constant 5.000000e-01 : f32
      %mul3A_598 = vector.broadcast %mul3A_597 : f32 to vector<16xf32>
      %mul3A_599 = arith.mulf %mul3A_598, %max3A_588 : vector<16xf32>
      %mul3A_600 = arith.mulf %mul3A_599, %bitcast_convert_type3A_596 : vector<16xf32>
      %mul3A_601 = arith.mulf %mul3A_600, %bitcast_convert_type3A_596 : vector<16xf32>
      %sub3A_602 = arith.constant 1.500000e+00 : f32
      %sub3A_603 = vector.broadcast %sub3A_602 : f32 to vector<16xf32>
      %sub3A_604 = arith.subf %sub3A_603, %mul3A_601 : vector<16xf32>
      %mul3A_605 = arith.mulf %bitcast_convert_type3A_596, %sub3A_604 : vector<16xf32>
      %mul3A_606 = arith.constant 5.000000e-01 : f32
      %mul3A_607 = vector.broadcast %mul3A_606 : f32 to vector<16xf32>
      %mul3A_608 = arith.mulf %mul3A_607, %max3A_588 : vector<16xf32>
      %mul3A_609 = arith.mulf %mul3A_608, %mul3A_605 : vector<16xf32>
      %mul3A_610 = arith.mulf %mul3A_609, %mul3A_605 : vector<16xf32>
      %sub3A_611 = arith.constant 1.500000e+00 : f32
      %sub3A_612 = vector.broadcast %sub3A_611 : f32 to vector<16xf32>
      %sub3A_613 = arith.subf %sub3A_612, %mul3A_610 : vector<16xf32>
      %mul3A_614 = arith.mulf %mul3A_605, %sub3A_613 : vector<16xf32>
      %mul3A_615 = arith.constant 5.000000e-01 : f32
      %mul3A_616 = vector.broadcast %mul3A_615 : f32 to vector<16xf32>
      %mul3A_617 = arith.mulf %mul3A_616, %max3A_588 : vector<16xf32>
      %mul3A_618 = arith.mulf %mul3A_617, %mul3A_614 : vector<16xf32>
      %mul3A_619 = arith.mulf %mul3A_618, %mul3A_614 : vector<16xf32>
      %sub3A_620 = arith.constant 1.500000e+00 : f32
      %sub3A_621 = vector.broadcast %sub3A_620 : f32 to vector<16xf32>
      %sub3A_622 = arith.subf %sub3A_621, %mul3A_619 : vector<16xf32>
      %mul3A_623 = arith.mulf %mul3A_614, %sub3A_622 : vector<16xf32>
      %mul3A_624 = arith.mulf %max3A_588, %mul3A_623 : vector<16xf32>
      %sub3A_625 = arith.subf %mul3A_624, %scan3A_521#3 : vector<16xf32>
      %ge3A_626 = arith.constant 5 : i32
      %ge3A_627 = vector.broadcast %ge3A_626 : i32 to vector<16xi32>
      %ge3A_628 = arith.cmpi sge, %iota3A, %ge3A_627 : vector<16xi32>
      %lt3A_629 = arith.constant 15 : i32
      %lt3A_630 = vector.broadcast %lt3A_629 : i32 to vector<16xi32>
      %lt3A_631 = arith.cmpi slt, %iota3A, %lt3A_630 : vector<16xi32>
      %and3A_632 = arith.andi %ge3A_628, %lt3A_631 : vector<16xi1>
      %broadcast_in_dim3A_633 = vector.broadcast %scan3A_44 : f32 to vector<16xf32>
      %select_n3A_634 = arith.select %and3A_632, %sub3A_625, %broadcast_in_dim3A_633 : vector<16xi1>, vector<16xf32>
      %reduce_min3A_635 = arith.constant true
      %reduce_min3A_636 = vector.broadcast %reduce_min3A_635 : i1 to vector<16xi1>
      %reduce_min3A_637 = tpu.scan <min>, %select_n3A_634 masked %reduce_min3A_636 : vector<16xf32>, vector<16xi1> -> vector<16xf32>
      %reduce_min3A_638 = vector.extract %reduce_min3A_637[15] : f32 from vector<16xf32>
      %slice3A_639 = vector.extract_strided_slice %get3A_83 {offsets = [5], sizes = [1], strides = [1]} : vector<16xf32> to vector<1xf32>
      %squeeze3A_640 = vector.extract %slice3A_639[0] : f32 from vector<1xf32>
      %sub3A_641 = arith.subf %reduce_min3A_638, %squeeze3A_640 : f32
      %eq3A_642 = arith.constant 5 : i32
      %eq3A_643 = vector.broadcast %eq3A_642 : i32 to vector<16xi32>
      %eq3A_644 = arith.cmpi eq, %iota3A, %eq3A_643 : vector<16xi32>
      %broadcast_in_dim3A_645 = vector.broadcast %sub3A_641 : f32 to vector<16xf32>
      %select_n3A_646 = arith.select %eq3A_644, %broadcast_in_dim3A_645, %select_n3A_584 : vector<16xi1>, vector<16xf32>
      %add3A_647 = arith.addf %scan3A_521#4, %add3A_510 : vector<16xf32>
      %max3A_648 = arith.constant 0.000000e+00 : f32
      %max3A_649 = vector.broadcast %max3A_648 : f32 to vector<16xf32>
      %max3A_650 = arith.maximumf %add3A_647, %max3A_649 : vector<16xf32>
      %bitcast_convert_type3A_651 = tpu.bitcast %max3A_650 : vector<16xf32> -> vector<16xi32>
      %shift_right_arithmetic3A_652 = arith.constant 1 : i32
      %shift_right_arithmetic3A_653 = vector.broadcast %shift_right_arithmetic3A_652 : i32 to vector<16xi32>
      %shift_right_arithmetic3A_654 = arith.shrsi %bitcast_convert_type3A_651, %shift_right_arithmetic3A_653 : vector<16xi32>
      %sub3A_655 = arith.constant 1597463007 : i32
      %sub3A_656 = vector.broadcast %sub3A_655 : i32 to vector<16xi32>
      %sub3A_657 = arith.subi %sub3A_656, %shift_right_arithmetic3A_654 : vector<16xi32>
      %bitcast_convert_type3A_658 = tpu.bitcast %sub3A_657 : vector<16xi32> -> vector<16xf32>
      %mul3A_659 = arith.constant 5.000000e-01 : f32
      %mul3A_660 = vector.broadcast %mul3A_659 : f32 to vector<16xf32>
      %mul3A_661 = arith.mulf %mul3A_660, %max3A_650 : vector<16xf32>
      %mul3A_662 = arith.mulf %mul3A_661, %bitcast_convert_type3A_658 : vector<16xf32>
      %mul3A_663 = arith.mulf %mul3A_662, %bitcast_convert_type3A_658 : vector<16xf32>
      %sub3A_664 = arith.constant 1.500000e+00 : f32
      %sub3A_665 = vector.broadcast %sub3A_664 : f32 to vector<16xf32>
      %sub3A_666 = arith.subf %sub3A_665, %mul3A_663 : vector<16xf32>
      %mul3A_667 = arith.mulf %bitcast_convert_type3A_658, %sub3A_666 : vector<16xf32>
      %mul3A_668 = arith.constant 5.000000e-01 : f32
      %mul3A_669 = vector.broadcast %mul3A_668 : f32 to vector<16xf32>
      %mul3A_670 = arith.mulf %mul3A_669, %max3A_650 : vector<16xf32>
      %mul3A_671 = arith.mulf %mul3A_670, %mul3A_667 : vector<16xf32>
      %mul3A_672 = arith.mulf %mul3A_671, %mul3A_667 : vector<16xf32>
      %sub3A_673 = arith.constant 1.500000e+00 : f32
      %sub3A_674 = vector.broadcast %sub3A_673 : f32 to vector<16xf32>
      %sub3A_675 = arith.subf %sub3A_674, %mul3A_672 : vector<16xf32>
      %mul3A_676 = arith.mulf %mul3A_667, %sub3A_675 : vector<16xf32>
      %mul3A_677 = arith.constant 5.000000e-01 : f32
      %mul3A_678 = vector.broadcast %mul3A_677 : f32 to vector<16xf32>
      %mul3A_679 = arith.mulf %mul3A_678, %max3A_650 : vector<16xf32>
      %mul3A_680 = arith.mulf %mul3A_679, %mul3A_676 : vector<16xf32>
      %mul3A_681 = arith.mulf %mul3A_680, %mul3A_676 : vector<16xf32>
      %sub3A_682 = arith.constant 1.500000e+00 : f32
      %sub3A_683 = vector.broadcast %sub3A_682 : f32 to vector<16xf32>
      %sub3A_684 = arith.subf %sub3A_683, %mul3A_681 : vector<16xf32>
      %mul3A_685 = arith.mulf %mul3A_676, %sub3A_684 : vector<16xf32>
      %mul3A_686 = arith.mulf %max3A_650, %mul3A_685 : vector<16xf32>
      %sub3A_687 = arith.subf %mul3A_686, %scan3A_521#5 : vector<16xf32>
      %ge3A_688 = arith.constant 5 : i32
      %ge3A_689 = vector.broadcast %ge3A_688 : i32 to vector<16xi32>
      %ge3A_690 = arith.cmpi sge, %iota3A, %ge3A_689 : vector<16xi32>
      %lt3A_691 = arith.constant 15 : i32
      %lt3A_692 = vector.broadcast %lt3A_691 : i32 to vector<16xi32>
      %lt3A_693 = arith.cmpi slt, %iota3A, %lt3A_692 : vector<16xi32>
      %and3A_694 = arith.andi %ge3A_690, %lt3A_693 : vector<16xi1>
      %broadcast_in_dim3A_695 = vector.broadcast %scan3A_44 : f32 to vector<16xf32>
      %select_n3A_696 = arith.select %and3A_694, %sub3A_687, %broadcast_in_dim3A_695 : vector<16xi1>, vector<16xf32>
      %reduce_min3A_697 = arith.constant true
      %reduce_min3A_698 = vector.broadcast %reduce_min3A_697 : i1 to vector<16xi1>
      %reduce_min3A_699 = tpu.scan <min>, %select_n3A_696 masked %reduce_min3A_698 : vector<16xf32>, vector<16xi1> -> vector<16xf32>
      %reduce_min3A_700 = vector.extract %reduce_min3A_699[15] : f32 from vector<16xf32>
      %slice3A_701 = vector.extract_strided_slice %get3A_83 {offsets = [6], sizes = [1], strides = [1]} : vector<16xf32> to vector<1xf32>
      %squeeze3A_702 = vector.extract %slice3A_701[0] : f32 from vector<1xf32>
      %sub3A_703 = arith.subf %reduce_min3A_700, %squeeze3A_702 : f32
      %eq3A_704 = arith.constant 6 : i32
      %eq3A_705 = vector.broadcast %eq3A_704 : i32 to vector<16xi32>
      %eq3A_706 = arith.cmpi eq, %iota3A, %eq3A_705 : vector<16xi32>
      %broadcast_in_dim3A_707 = vector.broadcast %sub3A_703 : f32 to vector<16xf32>
      %select_n3A_708 = arith.select %eq3A_706, %broadcast_in_dim3A_707, %select_n3A_646 : vector<16xi1>, vector<16xf32>
      %add3A_709 = arith.addf %scan3A_521#6, %add3A_515 : vector<16xf32>
      %max3A_710 = arith.constant 0.000000e+00 : f32
      %max3A_711 = vector.broadcast %max3A_710 : f32 to vector<16xf32>
      %max3A_712 = arith.maximumf %add3A_709, %max3A_711 : vector<16xf32>
      %bitcast_convert_type3A_713 = tpu.bitcast %max3A_712 : vector<16xf32> -> vector<16xi32>
      %shift_right_arithmetic3A_714 = arith.constant 1 : i32
      %shift_right_arithmetic3A_715 = vector.broadcast %shift_right_arithmetic3A_714 : i32 to vector<16xi32>
      %shift_right_arithmetic3A_716 = arith.shrsi %bitcast_convert_type3A_713, %shift_right_arithmetic3A_715 : vector<16xi32>
      %sub3A_717 = arith.constant 1597463007 : i32
      %sub3A_718 = vector.broadcast %sub3A_717 : i32 to vector<16xi32>
      %sub3A_719 = arith.subi %sub3A_718, %shift_right_arithmetic3A_716 : vector<16xi32>
      %bitcast_convert_type3A_720 = tpu.bitcast %sub3A_719 : vector<16xi32> -> vector<16xf32>
      %mul3A_721 = arith.constant 5.000000e-01 : f32
      %mul3A_722 = vector.broadcast %mul3A_721 : f32 to vector<16xf32>
      %mul3A_723 = arith.mulf %mul3A_722, %max3A_712 : vector<16xf32>
      %mul3A_724 = arith.mulf %mul3A_723, %bitcast_convert_type3A_720 : vector<16xf32>
      %mul3A_725 = arith.mulf %mul3A_724, %bitcast_convert_type3A_720 : vector<16xf32>
      %sub3A_726 = arith.constant 1.500000e+00 : f32
      %sub3A_727 = vector.broadcast %sub3A_726 : f32 to vector<16xf32>
      %sub3A_728 = arith.subf %sub3A_727, %mul3A_725 : vector<16xf32>
      %mul3A_729 = arith.mulf %bitcast_convert_type3A_720, %sub3A_728 : vector<16xf32>
      %mul3A_730 = arith.constant 5.000000e-01 : f32
      %mul3A_731 = vector.broadcast %mul3A_730 : f32 to vector<16xf32>
      %mul3A_732 = arith.mulf %mul3A_731, %max3A_712 : vector<16xf32>
      %mul3A_733 = arith.mulf %mul3A_732, %mul3A_729 : vector<16xf32>
      %mul3A_734 = arith.mulf %mul3A_733, %mul3A_729 : vector<16xf32>
      %sub3A_735 = arith.constant 1.500000e+00 : f32
      %sub3A_736 = vector.broadcast %sub3A_735 : f32 to vector<16xf32>
      %sub3A_737 = arith.subf %sub3A_736, %mul3A_734 : vector<16xf32>
      %mul3A_738 = arith.mulf %mul3A_729, %sub3A_737 : vector<16xf32>
      %mul3A_739 = arith.constant 5.000000e-01 : f32
      %mul3A_740 = vector.broadcast %mul3A_739 : f32 to vector<16xf32>
      %mul3A_741 = arith.mulf %mul3A_740, %max3A_712 : vector<16xf32>
      %mul3A_742 = arith.mulf %mul3A_741, %mul3A_738 : vector<16xf32>
      %mul3A_743 = arith.mulf %mul3A_742, %mul3A_738 : vector<16xf32>
      %sub3A_744 = arith.constant 1.500000e+00 : f32
      %sub3A_745 = vector.broadcast %sub3A_744 : f32 to vector<16xf32>
      %sub3A_746 = arith.subf %sub3A_745, %mul3A_743 : vector<16xf32>
      %mul3A_747 = arith.mulf %mul3A_738, %sub3A_746 : vector<16xf32>
      %mul3A_748 = arith.mulf %max3A_712, %mul3A_747 : vector<16xf32>
      %sub3A_749 = arith.subf %mul3A_748, %scan3A_521#7 : vector<16xf32>
      %ge3A_750 = arith.constant 5 : i32
      %ge3A_751 = vector.broadcast %ge3A_750 : i32 to vector<16xi32>
      %ge3A_752 = arith.cmpi sge, %iota3A, %ge3A_751 : vector<16xi32>
      %lt3A_753 = arith.constant 15 : i32
      %lt3A_754 = vector.broadcast %lt3A_753 : i32 to vector<16xi32>
      %lt3A_755 = arith.cmpi slt, %iota3A, %lt3A_754 : vector<16xi32>
      %and3A_756 = arith.andi %ge3A_752, %lt3A_755 : vector<16xi1>
      %broadcast_in_dim3A_757 = vector.broadcast %scan3A_44 : f32 to vector<16xf32>
      %select_n3A_758 = arith.select %and3A_756, %sub3A_749, %broadcast_in_dim3A_757 : vector<16xi1>, vector<16xf32>
      %reduce_min3A_759 = arith.constant true
      %reduce_min3A_760 = vector.broadcast %reduce_min3A_759 : i1 to vector<16xi1>
      %reduce_min3A_761 = tpu.scan <min>, %select_n3A_758 masked %reduce_min3A_760 : vector<16xf32>, vector<16xi1> -> vector<16xf32>
      %reduce_min3A_762 = vector.extract %reduce_min3A_761[15] : f32 from vector<16xf32>
      %slice3A_763 = vector.extract_strided_slice %get3A_83 {offsets = [7], sizes = [1], strides = [1]} : vector<16xf32> to vector<1xf32>
      %squeeze3A_764 = vector.extract %slice3A_763[0] : f32 from vector<1xf32>
      %sub3A_765 = arith.subf %reduce_min3A_762, %squeeze3A_764 : f32
      %eq3A_766 = arith.constant 7 : i32
      %eq3A_767 = vector.broadcast %eq3A_766 : i32 to vector<16xi32>
      %eq3A_768 = arith.cmpi eq, %iota3A, %eq3A_767 : vector<16xi32>
      %broadcast_in_dim3A_769 = vector.broadcast %sub3A_765 : f32 to vector<16xf32>
      %select_n3A_770 = arith.select %eq3A_768, %broadcast_in_dim3A_769, %select_n3A_708 : vector<16xi1>, vector<16xf32>
      %slice3A_771 = vector.extract_strided_slice %get3A_77 {offsets = [8], sizes = [1], strides = [1]} : vector<16xf32> to vector<1xf32>
      %squeeze3A_772 = vector.extract %slice3A_771[0] : f32 from vector<1xf32>
      %broadcast_in_dim3A_773 = vector.broadcast %squeeze3A_772 : f32 to vector<16xf32>
      %slice3A_774 = vector.extract_strided_slice %get3A_77 {offsets = [9], sizes = [1], strides = [1]} : vector<16xf32> to vector<1xf32>
      %squeeze3A_775 = vector.extract %slice3A_774[0] : f32 from vector<1xf32>
      %broadcast_in_dim3A_776 = vector.broadcast %squeeze3A_775 : f32 to vector<16xf32>
      %slice3A_777 = vector.extract_strided_slice %get3A_77 {offsets = [10], sizes = [1], strides = [1]} : vector<16xf32> to vector<1xf32>
      %squeeze3A_778 = vector.extract %slice3A_777[0] : f32 from vector<1xf32>
      %broadcast_in_dim3A_779 = vector.broadcast %squeeze3A_778 : f32 to vector<16xf32>
      %slice3A_780 = vector.extract_strided_slice %get3A_77 {offsets = [11], sizes = [1], strides = [1]} : vector<16xf32> to vector<1xf32>
      %squeeze3A_781 = vector.extract %slice3A_780[0] : f32 from vector<1xf32>
      %broadcast_in_dim3A_782 = vector.broadcast %squeeze3A_781 : f32 to vector<16xf32>
      %slice3A_783 = vector.extract_strided_slice %get3A_79 {offsets = [8], sizes = [1], strides = [1]} : vector<16xf32> to vector<1xf32>
      %squeeze3A_784 = vector.extract %slice3A_783[0] : f32 from vector<1xf32>
      %broadcast_in_dim3A_785 = vector.broadcast %squeeze3A_784 : f32 to vector<16xf32>
      %slice3A_786 = vector.extract_strided_slice %get3A_79 {offsets = [9], sizes = [1], strides = [1]} : vector<16xf32> to vector<1xf32>
      %squeeze3A_787 = vector.extract %slice3A_786[0] : f32 from vector<1xf32>
      %broadcast_in_dim3A_788 = vector.broadcast %squeeze3A_787 : f32 to vector<16xf32>
      %slice3A_789 = vector.extract_strided_slice %get3A_79 {offsets = [10], sizes = [1], strides = [1]} : vector<16xf32> to vector<1xf32>
      %squeeze3A_790 = vector.extract %slice3A_789[0] : f32 from vector<1xf32>
      %broadcast_in_dim3A_791 = vector.broadcast %squeeze3A_790 : f32 to vector<16xf32>
      %slice3A_792 = vector.extract_strided_slice %get3A_79 {offsets = [11], sizes = [1], strides = [1]} : vector<16xf32> to vector<1xf32>
      %squeeze3A_793 = vector.extract %slice3A_792[0] : f32 from vector<1xf32>
      %broadcast_in_dim3A_794 = vector.broadcast %squeeze3A_793 : f32 to vector<16xf32>
      %slice3A_795 = vector.extract_strided_slice %get3A_81 {offsets = [8], sizes = [1], strides = [1]} : vector<16xf32> to vector<1xf32>
      %squeeze3A_796 = vector.extract %slice3A_795[0] : f32 from vector<1xf32>
      %broadcast_in_dim3A_797 = vector.broadcast %squeeze3A_796 : f32 to vector<16xf32>
      %slice3A_798 = vector.extract_strided_slice %get3A_81 {offsets = [9], sizes = [1], strides = [1]} : vector<16xf32> to vector<1xf32>
      %squeeze3A_799 = vector.extract %slice3A_798[0] : f32 from vector<1xf32>
      %broadcast_in_dim3A_800 = vector.broadcast %squeeze3A_799 : f32 to vector<16xf32>
      %slice3A_801 = vector.extract_strided_slice %get3A_81 {offsets = [10], sizes = [1], strides = [1]} : vector<16xf32> to vector<1xf32>
      %squeeze3A_802 = vector.extract %slice3A_801[0] : f32 from vector<1xf32>
      %broadcast_in_dim3A_803 = vector.broadcast %squeeze3A_802 : f32 to vector<16xf32>
      %slice3A_804 = vector.extract_strided_slice %get3A_81 {offsets = [11], sizes = [1], strides = [1]} : vector<16xf32> to vector<1xf32>
      %squeeze3A_805 = vector.extract %slice3A_804[0] : f32 from vector<1xf32>
      %broadcast_in_dim3A_806 = vector.broadcast %squeeze3A_805 : f32 to vector<16xf32>
      %mul3A_807 = arith.constant -2.000000e+00 : f32
      %mul3A_808 = vector.broadcast %mul3A_807 : f32 to vector<16xf32>
      %mul3A_809 = arith.mulf %mul3A_808, %broadcast_in_dim3A_773 : vector<16xf32>
      %mul3A_810 = arith.constant -2.000000e+00 : f32
      %mul3A_811 = vector.broadcast %mul3A_810 : f32 to vector<16xf32>
      %mul3A_812 = arith.mulf %mul3A_811, %broadcast_in_dim3A_776 : vector<16xf32>
      %mul3A_813 = arith.constant -2.000000e+00 : f32
      %mul3A_814 = vector.broadcast %mul3A_813 : f32 to vector<16xf32>
      %mul3A_815 = arith.mulf %mul3A_814, %broadcast_in_dim3A_779 : vector<16xf32>
      %mul3A_816 = arith.constant -2.000000e+00 : f32
      %mul3A_817 = vector.broadcast %mul3A_816 : f32 to vector<16xf32>
      %mul3A_818 = arith.mulf %mul3A_817, %broadcast_in_dim3A_782 : vector<16xf32>
      %mul3A_819 = arith.constant -2.000000e+00 : f32
      %mul3A_820 = vector.broadcast %mul3A_819 : f32 to vector<16xf32>
      %mul3A_821 = arith.mulf %mul3A_820, %broadcast_in_dim3A_785 : vector<16xf32>
      %mul3A_822 = arith.constant -2.000000e+00 : f32
      %mul3A_823 = vector.broadcast %mul3A_822 : f32 to vector<16xf32>
      %mul3A_824 = arith.mulf %mul3A_823, %broadcast_in_dim3A_788 : vector<16xf32>
      %mul3A_825 = arith.constant -2.000000e+00 : f32
      %mul3A_826 = vector.broadcast %mul3A_825 : f32 to vector<16xf32>
      %mul3A_827 = arith.mulf %mul3A_826, %broadcast_in_dim3A_791 : vector<16xf32>
      %mul3A_828 = arith.constant -2.000000e+00 : f32
      %mul3A_829 = vector.broadcast %mul3A_828 : f32 to vector<16xf32>
      %mul3A_830 = arith.mulf %mul3A_829, %broadcast_in_dim3A_794 : vector<16xf32>
      %mul3A_831 = arith.constant -2.000000e+00 : f32
      %mul3A_832 = vector.broadcast %mul3A_831 : f32 to vector<16xf32>
      %mul3A_833 = arith.mulf %mul3A_832, %broadcast_in_dim3A_797 : vector<16xf32>
      %mul3A_834 = arith.constant -2.000000e+00 : f32
      %mul3A_835 = vector.broadcast %mul3A_834 : f32 to vector<16xf32>
      %mul3A_836 = arith.mulf %mul3A_835, %broadcast_in_dim3A_800 : vector<16xf32>
      %mul3A_837 = arith.constant -2.000000e+00 : f32
      %mul3A_838 = vector.broadcast %mul3A_837 : f32 to vector<16xf32>
      %mul3A_839 = arith.mulf %mul3A_838, %broadcast_in_dim3A_803 : vector<16xf32>
      %mul3A_840 = arith.constant -2.000000e+00 : f32
      %mul3A_841 = vector.broadcast %mul3A_840 : f32 to vector<16xf32>
      %mul3A_842 = arith.mulf %mul3A_841, %broadcast_in_dim3A_806 : vector<16xf32>
      %mul3A_843 = arith.mulf %broadcast_in_dim3A_773, %broadcast_in_dim3A_773 : vector<16xf32>
      %mul3A_844 = arith.mulf %broadcast_in_dim3A_785, %broadcast_in_dim3A_785 : vector<16xf32>
      %add3A_845 = arith.addf %mul3A_843, %mul3A_844 : vector<16xf32>
      %mul3A_846 = arith.mulf %broadcast_in_dim3A_797, %broadcast_in_dim3A_797 : vector<16xf32>
      %add3A_847 = arith.addf %add3A_845, %mul3A_846 : vector<16xf32>
      %mul3A_848 = arith.mulf %broadcast_in_dim3A_776, %broadcast_in_dim3A_776 : vector<16xf32>
      %mul3A_849 = arith.mulf %broadcast_in_dim3A_788, %broadcast_in_dim3A_788 : vector<16xf32>
      %add3A_850 = arith.addf %mul3A_848, %mul3A_849 : vector<16xf32>
      %mul3A_851 = arith.mulf %broadcast_in_dim3A_800, %broadcast_in_dim3A_800 : vector<16xf32>
      %add3A_852 = arith.addf %add3A_850, %mul3A_851 : vector<16xf32>
      %mul3A_853 = arith.mulf %broadcast_in_dim3A_779, %broadcast_in_dim3A_779 : vector<16xf32>
      %mul3A_854 = arith.mulf %broadcast_in_dim3A_791, %broadcast_in_dim3A_791 : vector<16xf32>
      %add3A_855 = arith.addf %mul3A_853, %mul3A_854 : vector<16xf32>
      %mul3A_856 = arith.mulf %broadcast_in_dim3A_803, %broadcast_in_dim3A_803 : vector<16xf32>
      %add3A_857 = arith.addf %add3A_855, %mul3A_856 : vector<16xf32>
      %mul3A_858 = arith.mulf %broadcast_in_dim3A_782, %broadcast_in_dim3A_782 : vector<16xf32>
      %mul3A_859 = arith.mulf %broadcast_in_dim3A_794, %broadcast_in_dim3A_794 : vector<16xf32>
      %add3A_860 = arith.addf %mul3A_858, %mul3A_859 : vector<16xf32>
      %mul3A_861 = arith.mulf %broadcast_in_dim3A_806, %broadcast_in_dim3A_806 : vector<16xf32>
      %add3A_862 = arith.addf %add3A_860, %mul3A_861 : vector<16xf32>
      %broadcast_in_dim3A_863 = vector.broadcast %scan3A_44 : f32 to vector<16xf32>
      %scan3A_864 = arith.constant 0 : i32
      %scan3A_865 = arith.constant 128 : i32
      %scan3A_866 = arith.addi %scan3A_864, %scan3A_865 : i32
      %scan3A_867 = arith.constant 4 : i32
      %scan3A_868:8 = scf.for %scan3A_1468 = %scan3A_864 to %scan3A_866 step %scan3A_867 iter_args(%scan3A_1469 = %broadcast_in_dim3A_863, %scan3A_1470 = %broadcast_in_dim3A_38, %scan3A_1471 = %broadcast_in_dim3A_863, %scan3A_1472 = %broadcast_in_dim3A_38, %scan3A_1473 = %broadcast_in_dim3A_863, %scan3A_1474 = %broadcast_in_dim3A_38, %scan3A_1475 = %broadcast_in_dim3A_863, %scan3A_1476 = %broadcast_in_dim3A_38) -> (vector<16xf32>, vector<16xf32>, vector<16xf32>, vector<16xf32>, vector<16xf32>, vector<16xf32>, vector<16xf32>, vector<16xf32>)  : i32 {
        %mul3A_1477 = arith.constant 16 : i32
        %mul3A_1478 = arith.muli %scan3A_1468, %mul3A_1477 : i32
        %get3A_1479 = arith.index_cast %mul3A_1478 : i32 to index
        %get3A_1480 = tpu.vector_load %arg4[%get3A_1479] {strides = array<i32>} : memref<2048xf32, #tpu.memory_space<vmem>>, vector<16xf32>,
        %get3A_1481 = arith.index_cast %mul3A_1478 : i32 to index
        %get3A_1482 = tpu.vector_load %arg5[%get3A_1481] {strides = array<i32>} : memref<2048xf32, #tpu.memory_space<vmem>>, vector<16xf32>,
        %get3A_1483 = arith.index_cast %mul3A_1478 : i32 to index
        %get3A_1484 = tpu.vector_load %arg6[%get3A_1483] {strides = array<i32>} : memref<2048xf32, #tpu.memory_space<vmem>>, vector<16xf32>,
        %get3A_1485 = arith.index_cast %mul3A_1478 : i32 to index
        %get3A_1486 = tpu.vector_load %arg7[%get3A_1485] {strides = array<i32>} : memref<2048xf32, #tpu.memory_space<vmem>>, vector<16xf32>,
        %get3A_1487 = arith.index_cast %mul3A_1478 : i32 to index
        %get3A_1488 = tpu.vector_load %arg8[%get3A_1487] {strides = array<i32>} : memref<2048xf32, #tpu.memory_space<vmem>>, vector<16xf32>,
        %mul3A_1489 = arith.mulf %get3A_1480, %mul3A_809 : vector<16xf32>
        %add3A_1490 = arith.addf %get3A_1488, %mul3A_1489 : vector<16xf32>
        %mul3A_1491 = arith.mulf %get3A_1482, %mul3A_821 : vector<16xf32>
        %add3A_1492 = arith.addf %add3A_1490, %mul3A_1491 : vector<16xf32>
        %mul3A_1493 = arith.mulf %get3A_1484, %mul3A_833 : vector<16xf32>
        %add3A_1494 = arith.addf %add3A_1492, %mul3A_1493 : vector<16xf32>
        %masked_sort3A = arith.constant dense<true> : vector<16xi1>
        %masked_sort3A_1495, %masked_sort3A_1496, %masked_sort3A_1497 = tpu.sort %add3A_1494, %get3A_1486 masked %masked_sort3A : (vector<16xf32>, vector<16xf32>, vector<16xi1>) -> (vector<16xi1>, vector<16xf32>, vector<16xf32>)
        %le3A = arith.cmpf ole, %scan3A_1469, %masked_sort3A_1496 : vector<16xf32>
        %select_n3A_1498 = arith.select %le3A, %scan3A_1469, %masked_sort3A_1496 : vector<16xi1>, vector<16xf32>
        %select_n3A_1499 = arith.select %le3A, %scan3A_1470, %masked_sort3A_1497 : vector<16xi1>, vector<16xf32>
        %masked_sort3A_1500 = arith.constant dense<true> : vector<16xi1>
        %masked_sort3A_1501, %masked_sort3A_1502, %masked_sort3A_1503 = tpu.sort %select_n3A_1498, %select_n3A_1499 masked %masked_sort3A_1500 {descending = true} : (vector<16xf32>, vector<16xf32>, vector<16xi1>) -> (vector<16xi1>, vector<16xf32>, vector<16xf32>)
        %mul3A_1504 = arith.mulf %get3A_1480, %mul3A_812 : vector<16xf32>
        %add3A_1505 = arith.addf %get3A_1488, %mul3A_1504 : vector<16xf32>
        %mul3A_1506 = arith.mulf %get3A_1482, %mul3A_824 : vector<16xf32>
        %add3A_1507 = arith.addf %add3A_1505, %mul3A_1506 : vector<16xf32>
        %mul3A_1508 = arith.mulf %get3A_1484, %mul3A_836 : vector<16xf32>
        %add3A_1509 = arith.addf %add3A_1507, %mul3A_1508 : vector<16xf32>
        %masked_sort3A_1510 = arith.constant dense<true> : vector<16xi1>
        %masked_sort3A_1511, %masked_sort3A_1512, %masked_sort3A_1513 = tpu.sort %add3A_1509, %get3A_1486 masked %masked_sort3A_1510 : (vector<16xf32>, vector<16xf32>, vector<16xi1>) -> (vector<16xi1>, vector<16xf32>, vector<16xf32>)
        %le3A_1514 = arith.cmpf ole, %scan3A_1471, %masked_sort3A_1512 : vector<16xf32>
        %select_n3A_1515 = arith.select %le3A_1514, %scan3A_1471, %masked_sort3A_1512 : vector<16xi1>, vector<16xf32>
        %select_n3A_1516 = arith.select %le3A_1514, %scan3A_1472, %masked_sort3A_1513 : vector<16xi1>, vector<16xf32>
        %masked_sort3A_1517 = arith.constant dense<true> : vector<16xi1>
        %masked_sort3A_1518, %masked_sort3A_1519, %masked_sort3A_1520 = tpu.sort %select_n3A_1515, %select_n3A_1516 masked %masked_sort3A_1517 {descending = true} : (vector<16xf32>, vector<16xf32>, vector<16xi1>) -> (vector<16xi1>, vector<16xf32>, vector<16xf32>)
        %mul3A_1521 = arith.mulf %get3A_1480, %mul3A_815 : vector<16xf32>
        %add3A_1522 = arith.addf %get3A_1488, %mul3A_1521 : vector<16xf32>
        %mul3A_1523 = arith.mulf %get3A_1482, %mul3A_827 : vector<16xf32>
        %add3A_1524 = arith.addf %add3A_1522, %mul3A_1523 : vector<16xf32>
        %mul3A_1525 = arith.mulf %get3A_1484, %mul3A_839 : vector<16xf32>
        %add3A_1526 = arith.addf %add3A_1524, %mul3A_1525 : vector<16xf32>
        %masked_sort3A_1527 = arith.constant dense<true> : vector<16xi1>
        %masked_sort3A_1528, %masked_sort3A_1529, %masked_sort3A_1530 = tpu.sort %add3A_1526, %get3A_1486 masked %masked_sort3A_1527 : (vector<16xf32>, vector<16xf32>, vector<16xi1>) -> (vector<16xi1>, vector<16xf32>, vector<16xf32>)
        %le3A_1531 = arith.cmpf ole, %scan3A_1473, %masked_sort3A_1529 : vector<16xf32>
        %select_n3A_1532 = arith.select %le3A_1531, %scan3A_1473, %masked_sort3A_1529 : vector<16xi1>, vector<16xf32>
        %select_n3A_1533 = arith.select %le3A_1531, %scan3A_1474, %masked_sort3A_1530 : vector<16xi1>, vector<16xf32>
        %masked_sort3A_1534 = arith.constant dense<true> : vector<16xi1>
        %masked_sort3A_1535, %masked_sort3A_1536, %masked_sort3A_1537 = tpu.sort %select_n3A_1532, %select_n3A_1533 masked %masked_sort3A_1534 {descending = true} : (vector<16xf32>, vector<16xf32>, vector<16xi1>) -> (vector<16xi1>, vector<16xf32>, vector<16xf32>)
        %mul3A_1538 = arith.mulf %get3A_1480, %mul3A_818 : vector<16xf32>
        %add3A_1539 = arith.addf %get3A_1488, %mul3A_1538 : vector<16xf32>
        %mul3A_1540 = arith.mulf %get3A_1482, %mul3A_830 : vector<16xf32>
        %add3A_1541 = arith.addf %add3A_1539, %mul3A_1540 : vector<16xf32>
        %mul3A_1542 = arith.mulf %get3A_1484, %mul3A_842 : vector<16xf32>
        %add3A_1543 = arith.addf %add3A_1541, %mul3A_1542 : vector<16xf32>
        %masked_sort3A_1544 = arith.constant dense<true> : vector<16xi1>
        %masked_sort3A_1545, %masked_sort3A_1546, %masked_sort3A_1547 = tpu.sort %add3A_1543, %get3A_1486 masked %masked_sort3A_1544 : (vector<16xf32>, vector<16xf32>, vector<16xi1>) -> (vector<16xi1>, vector<16xf32>, vector<16xf32>)
        %le3A_1548 = arith.cmpf ole, %scan3A_1475, %masked_sort3A_1546 : vector<16xf32>
        %select_n3A_1549 = arith.select %le3A_1548, %scan3A_1475, %masked_sort3A_1546 : vector<16xi1>, vector<16xf32>
        %select_n3A_1550 = arith.select %le3A_1548, %scan3A_1476, %masked_sort3A_1547 : vector<16xi1>, vector<16xf32>
        %masked_sort3A_1551 = arith.constant dense<true> : vector<16xi1>
        %masked_sort3A_1552, %masked_sort3A_1553, %masked_sort3A_1554 = tpu.sort %select_n3A_1549, %select_n3A_1550 masked %masked_sort3A_1551 {descending = true} : (vector<16xf32>, vector<16xf32>, vector<16xi1>) -> (vector<16xi1>, vector<16xf32>, vector<16xf32>)
        %scan3A_1555 = arith.constant 1 : i32
        %scan3A_1556 = arith.addi %scan3A_1468, %scan3A_1555 : i32
        %mul3A_1557 = arith.constant 16 : i32
        %mul3A_1558 = arith.muli %scan3A_1556, %mul3A_1557 : i32
        %get3A_1559 = arith.index_cast %mul3A_1558 : i32 to index
        %get3A_1560 = tpu.vector_load %arg4[%get3A_1559] {strides = array<i32>} : memref<2048xf32, #tpu.memory_space<vmem>>, vector<16xf32>,
        %get3A_1561 = arith.index_cast %mul3A_1558 : i32 to index
        %get3A_1562 = tpu.vector_load %arg5[%get3A_1561] {strides = array<i32>} : memref<2048xf32, #tpu.memory_space<vmem>>, vector<16xf32>,
        %get3A_1563 = arith.index_cast %mul3A_1558 : i32 to index
        %get3A_1564 = tpu.vector_load %arg6[%get3A_1563] {strides = array<i32>} : memref<2048xf32, #tpu.memory_space<vmem>>, vector<16xf32>,
        %get3A_1565 = arith.index_cast %mul3A_1558 : i32 to index
        %get3A_1566 = tpu.vector_load %arg7[%get3A_1565] {strides = array<i32>} : memref<2048xf32, #tpu.memory_space<vmem>>, vector<16xf32>,
        %get3A_1567 = arith.index_cast %mul3A_1558 : i32 to index
        %get3A_1568 = tpu.vector_load %arg8[%get3A_1567] {strides = array<i32>} : memref<2048xf32, #tpu.memory_space<vmem>>, vector<16xf32>,
        %mul3A_1569 = arith.mulf %get3A_1560, %mul3A_809 : vector<16xf32>
        %add3A_1570 = arith.addf %get3A_1568, %mul3A_1569 : vector<16xf32>
        %mul3A_1571 = arith.mulf %get3A_1562, %mul3A_821 : vector<16xf32>
        %add3A_1572 = arith.addf %add3A_1570, %mul3A_1571 : vector<16xf32>
        %mul3A_1573 = arith.mulf %get3A_1564, %mul3A_833 : vector<16xf32>
        %add3A_1574 = arith.addf %add3A_1572, %mul3A_1573 : vector<16xf32>
        %masked_sort3A_1575 = arith.constant dense<true> : vector<16xi1>
        %masked_sort3A_1576, %masked_sort3A_1577, %masked_sort3A_1578 = tpu.sort %add3A_1574, %get3A_1566 masked %masked_sort3A_1575 : (vector<16xf32>, vector<16xf32>, vector<16xi1>) -> (vector<16xi1>, vector<16xf32>, vector<16xf32>)
        %le3A_1579 = arith.cmpf ole, %masked_sort3A_1502, %masked_sort3A_1577 : vector<16xf32>
        %select_n3A_1580 = arith.select %le3A_1579, %masked_sort3A_1502, %masked_sort3A_1577 : vector<16xi1>, vector<16xf32>
        %select_n3A_1581 = arith.select %le3A_1579, %masked_sort3A_1503, %masked_sort3A_1578 : vector<16xi1>, vector<16xf32>
        %masked_sort3A_1582 = arith.constant dense<true> : vector<16xi1>
        %masked_sort3A_1583, %masked_sort3A_1584, %masked_sort3A_1585 = tpu.sort %select_n3A_1580, %select_n3A_1581 masked %masked_sort3A_1582 {descending = true} : (vector<16xf32>, vector<16xf32>, vector<16xi1>) -> (vector<16xi1>, vector<16xf32>, vector<16xf32>)
        %mul3A_1586 = arith.mulf %get3A_1560, %mul3A_812 : vector<16xf32>
        %add3A_1587 = arith.addf %get3A_1568, %mul3A_1586 : vector<16xf32>
        %mul3A_1588 = arith.mulf %get3A_1562, %mul3A_824 : vector<16xf32>
        %add3A_1589 = arith.addf %add3A_1587, %mul3A_1588 : vector<16xf32>
        %mul3A_1590 = arith.mulf %get3A_1564, %mul3A_836 : vector<16xf32>
        %add3A_1591 = arith.addf %add3A_1589, %mul3A_1590 : vector<16xf32>
        %masked_sort3A_1592 = arith.constant dense<true> : vector<16xi1>
        %masked_sort3A_1593, %masked_sort3A_1594, %masked_sort3A_1595 = tpu.sort %add3A_1591, %get3A_1566 masked %masked_sort3A_1592 : (vector<16xf32>, vector<16xf32>, vector<16xi1>) -> (vector<16xi1>, vector<16xf32>, vector<16xf32>)
        %le3A_1596 = arith.cmpf ole, %masked_sort3A_1519, %masked_sort3A_1594 : vector<16xf32>
        %select_n3A_1597 = arith.select %le3A_1596, %masked_sort3A_1519, %masked_sort3A_1594 : vector<16xi1>, vector<16xf32>
        %select_n3A_1598 = arith.select %le3A_1596, %masked_sort3A_1520, %masked_sort3A_1595 : vector<16xi1>, vector<16xf32>
        %masked_sort3A_1599 = arith.constant dense<true> : vector<16xi1>
        %masked_sort3A_1600, %masked_sort3A_1601, %masked_sort3A_1602 = tpu.sort %select_n3A_1597, %select_n3A_1598 masked %masked_sort3A_1599 {descending = true} : (vector<16xf32>, vector<16xf32>, vector<16xi1>) -> (vector<16xi1>, vector<16xf32>, vector<16xf32>)
        %mul3A_1603 = arith.mulf %get3A_1560, %mul3A_815 : vector<16xf32>
        %add3A_1604 = arith.addf %get3A_1568, %mul3A_1603 : vector<16xf32>
        %mul3A_1605 = arith.mulf %get3A_1562, %mul3A_827 : vector<16xf32>
        %add3A_1606 = arith.addf %add3A_1604, %mul3A_1605 : vector<16xf32>
        %mul3A_1607 = arith.mulf %get3A_1564, %mul3A_839 : vector<16xf32>
        %add3A_1608 = arith.addf %add3A_1606, %mul3A_1607 : vector<16xf32>
        %masked_sort3A_1609 = arith.constant dense<true> : vector<16xi1>
        %masked_sort3A_1610, %masked_sort3A_1611, %masked_sort3A_1612 = tpu.sort %add3A_1608, %get3A_1566 masked %masked_sort3A_1609 : (vector<16xf32>, vector<16xf32>, vector<16xi1>) -> (vector<16xi1>, vector<16xf32>, vector<16xf32>)
        %le3A_1613 = arith.cmpf ole, %masked_sort3A_1536, %masked_sort3A_1611 : vector<16xf32>
        %select_n3A_1614 = arith.select %le3A_1613, %masked_sort3A_1536, %masked_sort3A_1611 : vector<16xi1>, vector<16xf32>
        %select_n3A_1615 = arith.select %le3A_1613, %masked_sort3A_1537, %masked_sort3A_1612 : vector<16xi1>, vector<16xf32>
        %masked_sort3A_1616 = arith.constant dense<true> : vector<16xi1>
        %masked_sort3A_1617, %masked_sort3A_1618, %masked_sort3A_1619 = tpu.sort %select_n3A_1614, %select_n3A_1615 masked %masked_sort3A_1616 {descending = true} : (vector<16xf32>, vector<16xf32>, vector<16xi1>) -> (vector<16xi1>, vector<16xf32>, vector<16xf32>)
        %mul3A_1620 = arith.mulf %get3A_1560, %mul3A_818 : vector<16xf32>
        %add3A_1621 = arith.addf %get3A_1568, %mul3A_1620 : vector<16xf32>
        %mul3A_1622 = arith.mulf %get3A_1562, %mul3A_830 : vector<16xf32>
        %add3A_1623 = arith.addf %add3A_1621, %mul3A_1622 : vector<16xf32>
        %mul3A_1624 = arith.mulf %get3A_1564, %mul3A_842 : vector<16xf32>
        %add3A_1625 = arith.addf %add3A_1623, %mul3A_1624 : vector<16xf32>
        %masked_sort3A_1626 = arith.constant dense<true> : vector<16xi1>
        %masked_sort3A_1627, %masked_sort3A_1628, %masked_sort3A_1629 = tpu.sort %add3A_1625, %get3A_1566 masked %masked_sort3A_1626 : (vector<16xf32>, vector<16xf32>, vector<16xi1>) -> (vector<16xi1>, vector<16xf32>, vector<16xf32>)
        %le3A_1630 = arith.cmpf ole, %masked_sort3A_1553, %masked_sort3A_1628 : vector<16xf32>
        %select_n3A_1631 = arith.select %le3A_1630, %masked_sort3A_1553, %masked_sort3A_1628 : vector<16xi1>, vector<16xf32>
        %select_n3A_1632 = arith.select %le3A_1630, %masked_sort3A_1554, %masked_sort3A_1629 : vector<16xi1>, vector<16xf32>
        %masked_sort3A_1633 = arith.constant dense<true> : vector<16xi1>
        %masked_sort3A_1634, %masked_sort3A_1635, %masked_sort3A_1636 = tpu.sort %select_n3A_1631, %select_n3A_1632 masked %masked_sort3A_1633 {descending = true} : (vector<16xf32>, vector<16xf32>, vector<16xi1>) -> (vector<16xi1>, vector<16xf32>, vector<16xf32>)
        %scan3A_1637 = arith.constant 2 : i32
        %scan3A_1638 = arith.addi %scan3A_1468, %scan3A_1637 : i32
        %mul3A_1639 = arith.constant 16 : i32
        %mul3A_1640 = arith.muli %scan3A_1638, %mul3A_1639 : i32
        %get3A_1641 = arith.index_cast %mul3A_1640 : i32 to index
        %get3A_1642 = tpu.vector_load %arg4[%get3A_1641] {strides = array<i32>} : memref<2048xf32, #tpu.memory_space<vmem>>, vector<16xf32>,
        %get3A_1643 = arith.index_cast %mul3A_1640 : i32 to index
        %get3A_1644 = tpu.vector_load %arg5[%get3A_1643] {strides = array<i32>} : memref<2048xf32, #tpu.memory_space<vmem>>, vector<16xf32>,
        %get3A_1645 = arith.index_cast %mul3A_1640 : i32 to index
        %get3A_1646 = tpu.vector_load %arg6[%get3A_1645] {strides = array<i32>} : memref<2048xf32, #tpu.memory_space<vmem>>, vector<16xf32>,
        %get3A_1647 = arith.index_cast %mul3A_1640 : i32 to index
        %get3A_1648 = tpu.vector_load %arg7[%get3A_1647] {strides = array<i32>} : memref<2048xf32, #tpu.memory_space<vmem>>, vector<16xf32>,
        %get3A_1649 = arith.index_cast %mul3A_1640 : i32 to index
        %get3A_1650 = tpu.vector_load %arg8[%get3A_1649] {strides = array<i32>} : memref<2048xf32, #tpu.memory_space<vmem>>, vector<16xf32>,
        %mul3A_1651 = arith.mulf %get3A_1642, %mul3A_809 : vector<16xf32>
        %add3A_1652 = arith.addf %get3A_1650, %mul3A_1651 : vector<16xf32>
        %mul3A_1653 = arith.mulf %get3A_1644, %mul3A_821 : vector<16xf32>
        %add3A_1654 = arith.addf %add3A_1652, %mul3A_1653 : vector<16xf32>
        %mul3A_1655 = arith.mulf %get3A_1646, %mul3A_833 : vector<16xf32>
        %add3A_1656 = arith.addf %add3A_1654, %mul3A_1655 : vector<16xf32>
        %masked_sort3A_1657 = arith.constant dense<true> : vector<16xi1>
        %masked_sort3A_1658, %masked_sort3A_1659, %masked_sort3A_1660 = tpu.sort %add3A_1656, %get3A_1648 masked %masked_sort3A_1657 : (vector<16xf32>, vector<16xf32>, vector<16xi1>) -> (vector<16xi1>, vector<16xf32>, vector<16xf32>)
        %le3A_1661 = arith.cmpf ole, %masked_sort3A_1584, %masked_sort3A_1659 : vector<16xf32>
        %select_n3A_1662 = arith.select %le3A_1661, %masked_sort3A_1584, %masked_sort3A_1659 : vector<16xi1>, vector<16xf32>
        %select_n3A_1663 = arith.select %le3A_1661, %masked_sort3A_1585, %masked_sort3A_1660 : vector<16xi1>, vector<16xf32>
        %masked_sort3A_1664 = arith.constant dense<true> : vector<16xi1>
        %masked_sort3A_1665, %masked_sort3A_1666, %masked_sort3A_1667 = tpu.sort %select_n3A_1662, %select_n3A_1663 masked %masked_sort3A_1664 {descending = true} : (vector<16xf32>, vector<16xf32>, vector<16xi1>) -> (vector<16xi1>, vector<16xf32>, vector<16xf32>)
        %mul3A_1668 = arith.mulf %get3A_1642, %mul3A_812 : vector<16xf32>
        %add3A_1669 = arith.addf %get3A_1650, %mul3A_1668 : vector<16xf32>
        %mul3A_1670 = arith.mulf %get3A_1644, %mul3A_824 : vector<16xf32>
        %add3A_1671 = arith.addf %add3A_1669, %mul3A_1670 : vector<16xf32>
        %mul3A_1672 = arith.mulf %get3A_1646, %mul3A_836 : vector<16xf32>
        %add3A_1673 = arith.addf %add3A_1671, %mul3A_1672 : vector<16xf32>
        %masked_sort3A_1674 = arith.constant dense<true> : vector<16xi1>
        %masked_sort3A_1675, %masked_sort3A_1676, %masked_sort3A_1677 = tpu.sort %add3A_1673, %get3A_1648 masked %masked_sort3A_1674 : (vector<16xf32>, vector<16xf32>, vector<16xi1>) -> (vector<16xi1>, vector<16xf32>, vector<16xf32>)
        %le3A_1678 = arith.cmpf ole, %masked_sort3A_1601, %masked_sort3A_1676 : vector<16xf32>
        %select_n3A_1679 = arith.select %le3A_1678, %masked_sort3A_1601, %masked_sort3A_1676 : vector<16xi1>, vector<16xf32>
        %select_n3A_1680 = arith.select %le3A_1678, %masked_sort3A_1602, %masked_sort3A_1677 : vector<16xi1>, vector<16xf32>
        %masked_sort3A_1681 = arith.constant dense<true> : vector<16xi1>
        %masked_sort3A_1682, %masked_sort3A_1683, %masked_sort3A_1684 = tpu.sort %select_n3A_1679, %select_n3A_1680 masked %masked_sort3A_1681 {descending = true} : (vector<16xf32>, vector<16xf32>, vector<16xi1>) -> (vector<16xi1>, vector<16xf32>, vector<16xf32>)
        %mul3A_1685 = arith.mulf %get3A_1642, %mul3A_815 : vector<16xf32>
        %add3A_1686 = arith.addf %get3A_1650, %mul3A_1685 : vector<16xf32>
        %mul3A_1687 = arith.mulf %get3A_1644, %mul3A_827 : vector<16xf32>
        %add3A_1688 = arith.addf %add3A_1686, %mul3A_1687 : vector<16xf32>
        %mul3A_1689 = arith.mulf %get3A_1646, %mul3A_839 : vector<16xf32>
        %add3A_1690 = arith.addf %add3A_1688, %mul3A_1689 : vector<16xf32>
        %masked_sort3A_1691 = arith.constant dense<true> : vector<16xi1>
        %masked_sort3A_1692, %masked_sort3A_1693, %masked_sort3A_1694 = tpu.sort %add3A_1690, %get3A_1648 masked %masked_sort3A_1691 : (vector<16xf32>, vector<16xf32>, vector<16xi1>) -> (vector<16xi1>, vector<16xf32>, vector<16xf32>)
        %le3A_1695 = arith.cmpf ole, %masked_sort3A_1618, %masked_sort3A_1693 : vector<16xf32>
        %select_n3A_1696 = arith.select %le3A_1695, %masked_sort3A_1618, %masked_sort3A_1693 : vector<16xi1>, vector<16xf32>
        %select_n3A_1697 = arith.select %le3A_1695, %masked_sort3A_1619, %masked_sort3A_1694 : vector<16xi1>, vector<16xf32>
        %masked_sort3A_1698 = arith.constant dense<true> : vector<16xi1>
        %masked_sort3A_1699, %masked_sort3A_1700, %masked_sort3A_1701 = tpu.sort %select_n3A_1696, %select_n3A_1697 masked %masked_sort3A_1698 {descending = true} : (vector<16xf32>, vector<16xf32>, vector<16xi1>) -> (vector<16xi1>, vector<16xf32>, vector<16xf32>)
        %mul3A_1702 = arith.mulf %get3A_1642, %mul3A_818 : vector<16xf32>
        %add3A_1703 = arith.addf %get3A_1650, %mul3A_1702 : vector<16xf32>
        %mul3A_1704 = arith.mulf %get3A_1644, %mul3A_830 : vector<16xf32>
        %add3A_1705 = arith.addf %add3A_1703, %mul3A_1704 : vector<16xf32>
        %mul3A_1706 = arith.mulf %get3A_1646, %mul3A_842 : vector<16xf32>
        %add3A_1707 = arith.addf %add3A_1705, %mul3A_1706 : vector<16xf32>
        %masked_sort3A_1708 = arith.constant dense<true> : vector<16xi1>
        %masked_sort3A_1709, %masked_sort3A_1710, %masked_sort3A_1711 = tpu.sort %add3A_1707, %get3A_1648 masked %masked_sort3A_1708 : (vector<16xf32>, vector<16xf32>, vector<16xi1>) -> (vector<16xi1>, vector<16xf32>, vector<16xf32>)
        %le3A_1712 = arith.cmpf ole, %masked_sort3A_1635, %masked_sort3A_1710 : vector<16xf32>
        %select_n3A_1713 = arith.select %le3A_1712, %masked_sort3A_1635, %masked_sort3A_1710 : vector<16xi1>, vector<16xf32>
        %select_n3A_1714 = arith.select %le3A_1712, %masked_sort3A_1636, %masked_sort3A_1711 : vector<16xi1>, vector<16xf32>
        %masked_sort3A_1715 = arith.constant dense<true> : vector<16xi1>
        %masked_sort3A_1716, %masked_sort3A_1717, %masked_sort3A_1718 = tpu.sort %select_n3A_1713, %select_n3A_1714 masked %masked_sort3A_1715 {descending = true} : (vector<16xf32>, vector<16xf32>, vector<16xi1>) -> (vector<16xi1>, vector<16xf32>, vector<16xf32>)
        %scan3A_1719 = arith.constant 3 : i32
        %scan3A_1720 = arith.addi %scan3A_1468, %scan3A_1719 : i32
        %mul3A_1721 = arith.constant 16 : i32
        %mul3A_1722 = arith.muli %scan3A_1720, %mul3A_1721 : i32
        %get3A_1723 = arith.index_cast %mul3A_1722 : i32 to index
        %get3A_1724 = tpu.vector_load %arg4[%get3A_1723] {strides = array<i32>} : memref<2048xf32, #tpu.memory_space<vmem>>, vector<16xf32>,
        %get3A_1725 = arith.index_cast %mul3A_1722 : i32 to index
        %get3A_1726 = tpu.vector_load %arg5[%get3A_1725] {strides = array<i32>} : memref<2048xf32, #tpu.memory_space<vmem>>, vector<16xf32>,
        %get3A_1727 = arith.index_cast %mul3A_1722 : i32 to index
        %get3A_1728 = tpu.vector_load %arg6[%get3A_1727] {strides = array<i32>} : memref<2048xf32, #tpu.memory_space<vmem>>, vector<16xf32>,
        %get3A_1729 = arith.index_cast %mul3A_1722 : i32 to index
        %get3A_1730 = tpu.vector_load %arg7[%get3A_1729] {strides = array<i32>} : memref<2048xf32, #tpu.memory_space<vmem>>, vector<16xf32>,
        %get3A_1731 = arith.index_cast %mul3A_1722 : i32 to index
        %get3A_1732 = tpu.vector_load %arg8[%get3A_1731] {strides = array<i32>} : memref<2048xf32, #tpu.memory_space<vmem>>, vector<16xf32>,
        %mul3A_1733 = arith.mulf %get3A_1724, %mul3A_809 : vector<16xf32>
        %add3A_1734 = arith.addf %get3A_1732, %mul3A_1733 : vector<16xf32>
        %mul3A_1735 = arith.mulf %get3A_1726, %mul3A_821 : vector<16xf32>
        %add3A_1736 = arith.addf %add3A_1734, %mul3A_1735 : vector<16xf32>
        %mul3A_1737 = arith.mulf %get3A_1728, %mul3A_833 : vector<16xf32>
        %add3A_1738 = arith.addf %add3A_1736, %mul3A_1737 : vector<16xf32>
        %masked_sort3A_1739 = arith.constant dense<true> : vector<16xi1>
        %masked_sort3A_1740, %masked_sort3A_1741, %masked_sort3A_1742 = tpu.sort %add3A_1738, %get3A_1730 masked %masked_sort3A_1739 : (vector<16xf32>, vector<16xf32>, vector<16xi1>) -> (vector<16xi1>, vector<16xf32>, vector<16xf32>)
        %le3A_1743 = arith.cmpf ole, %masked_sort3A_1666, %masked_sort3A_1741 : vector<16xf32>
        %select_n3A_1744 = arith.select %le3A_1743, %masked_sort3A_1666, %masked_sort3A_1741 : vector<16xi1>, vector<16xf32>
        %select_n3A_1745 = arith.select %le3A_1743, %masked_sort3A_1667, %masked_sort3A_1742 : vector<16xi1>, vector<16xf32>
        %masked_sort3A_1746 = arith.constant dense<true> : vector<16xi1>
        %masked_sort3A_1747, %masked_sort3A_1748, %masked_sort3A_1749 = tpu.sort %select_n3A_1744, %select_n3A_1745 masked %masked_sort3A_1746 {descending = true} : (vector<16xf32>, vector<16xf32>, vector<16xi1>) -> (vector<16xi1>, vector<16xf32>, vector<16xf32>)
        %mul3A_1750 = arith.mulf %get3A_1724, %mul3A_812 : vector<16xf32>
        %add3A_1751 = arith.addf %get3A_1732, %mul3A_1750 : vector<16xf32>
        %mul3A_1752 = arith.mulf %get3A_1726, %mul3A_824 : vector<16xf32>
        %add3A_1753 = arith.addf %add3A_1751, %mul3A_1752 : vector<16xf32>
        %mul3A_1754 = arith.mulf %get3A_1728, %mul3A_836 : vector<16xf32>
        %add3A_1755 = arith.addf %add3A_1753, %mul3A_1754 : vector<16xf32>
        %masked_sort3A_1756 = arith.constant dense<true> : vector<16xi1>
        %masked_sort3A_1757, %masked_sort3A_1758, %masked_sort3A_1759 = tpu.sort %add3A_1755, %get3A_1730 masked %masked_sort3A_1756 : (vector<16xf32>, vector<16xf32>, vector<16xi1>) -> (vector<16xi1>, vector<16xf32>, vector<16xf32>)
        %le3A_1760 = arith.cmpf ole, %masked_sort3A_1683, %masked_sort3A_1758 : vector<16xf32>
        %select_n3A_1761 = arith.select %le3A_1760, %masked_sort3A_1683, %masked_sort3A_1758 : vector<16xi1>, vector<16xf32>
        %select_n3A_1762 = arith.select %le3A_1760, %masked_sort3A_1684, %masked_sort3A_1759 : vector<16xi1>, vector<16xf32>
        %masked_sort3A_1763 = arith.constant dense<true> : vector<16xi1>
        %masked_sort3A_1764, %masked_sort3A_1765, %masked_sort3A_1766 = tpu.sort %select_n3A_1761, %select_n3A_1762 masked %masked_sort3A_1763 {descending = true} : (vector<16xf32>, vector<16xf32>, vector<16xi1>) -> (vector<16xi1>, vector<16xf32>, vector<16xf32>)
        %mul3A_1767 = arith.mulf %get3A_1724, %mul3A_815 : vector<16xf32>
        %add3A_1768 = arith.addf %get3A_1732, %mul3A_1767 : vector<16xf32>
        %mul3A_1769 = arith.mulf %get3A_1726, %mul3A_827 : vector<16xf32>
        %add3A_1770 = arith.addf %add3A_1768, %mul3A_1769 : vector<16xf32>
        %mul3A_1771 = arith.mulf %get3A_1728, %mul3A_839 : vector<16xf32>
        %add3A_1772 = arith.addf %add3A_1770, %mul3A_1771 : vector<16xf32>
        %masked_sort3A_1773 = arith.constant dense<true> : vector<16xi1>
        %masked_sort3A_1774, %masked_sort3A_1775, %masked_sort3A_1776 = tpu.sort %add3A_1772, %get3A_1730 masked %masked_sort3A_1773 : (vector<16xf32>, vector<16xf32>, vector<16xi1>) -> (vector<16xi1>, vector<16xf32>, vector<16xf32>)
        %le3A_1777 = arith.cmpf ole, %masked_sort3A_1700, %masked_sort3A_1775 : vector<16xf32>
        %select_n3A_1778 = arith.select %le3A_1777, %masked_sort3A_1700, %masked_sort3A_1775 : vector<16xi1>, vector<16xf32>
        %select_n3A_1779 = arith.select %le3A_1777, %masked_sort3A_1701, %masked_sort3A_1776 : vector<16xi1>, vector<16xf32>
        %masked_sort3A_1780 = arith.constant dense<true> : vector<16xi1>
        %masked_sort3A_1781, %masked_sort3A_1782, %masked_sort3A_1783 = tpu.sort %select_n3A_1778, %select_n3A_1779 masked %masked_sort3A_1780 {descending = true} : (vector<16xf32>, vector<16xf32>, vector<16xi1>) -> (vector<16xi1>, vector<16xf32>, vector<16xf32>)
        %mul3A_1784 = arith.mulf %get3A_1724, %mul3A_818 : vector<16xf32>
        %add3A_1785 = arith.addf %get3A_1732, %mul3A_1784 : vector<16xf32>
        %mul3A_1786 = arith.mulf %get3A_1726, %mul3A_830 : vector<16xf32>
        %add3A_1787 = arith.addf %add3A_1785, %mul3A_1786 : vector<16xf32>
        %mul3A_1788 = arith.mulf %get3A_1728, %mul3A_842 : vector<16xf32>
        %add3A_1789 = arith.addf %add3A_1787, %mul3A_1788 : vector<16xf32>
        %masked_sort3A_1790 = arith.constant dense<true> : vector<16xi1>
        %masked_sort3A_1791, %masked_sort3A_1792, %masked_sort3A_1793 = tpu.sort %add3A_1789, %get3A_1730 masked %masked_sort3A_1790 : (vector<16xf32>, vector<16xf32>, vector<16xi1>) -> (vector<16xi1>, vector<16xf32>, vector<16xf32>)
        %le3A_1794 = arith.cmpf ole, %masked_sort3A_1717, %masked_sort3A_1792 : vector<16xf32>
        %select_n3A_1795 = arith.select %le3A_1794, %masked_sort3A_1717, %masked_sort3A_1792 : vector<16xi1>, vector<16xf32>
        %select_n3A_1796 = arith.select %le3A_1794, %masked_sort3A_1718, %masked_sort3A_1793 : vector<16xi1>, vector<16xf32>
        %masked_sort3A_1797 = arith.constant dense<true> : vector<16xi1>
        %masked_sort3A_1798, %masked_sort3A_1799, %masked_sort3A_1800 = tpu.sort %select_n3A_1795, %select_n3A_1796 masked %masked_sort3A_1797 {descending = true} : (vector<16xf32>, vector<16xf32>, vector<16xi1>) -> (vector<16xi1>, vector<16xf32>, vector<16xf32>)
        scf.yield %masked_sort3A_1748, %masked_sort3A_1749, %masked_sort3A_1765, %masked_sort3A_1766, %masked_sort3A_1782, %masked_sort3A_1783, %masked_sort3A_1799, %masked_sort3A_1800 : vector<16xf32>, vector<16xf32>, vector<16xf32>, vector<16xf32>, vector<16xf32>, vector<16xf32>, vector<16xf32>, vector<16xf32>
      }
      %scan3A_869 = arith.constant 128 : i32
      %add3A_870 = arith.addf %scan3A_868#0, %add3A_847 : vector<16xf32>
      %max3A_871 = arith.constant 0.000000e+00 : f32
      %max3A_872 = vector.broadcast %max3A_871 : f32 to vector<16xf32>
      %max3A_873 = arith.maximumf %add3A_870, %max3A_872 : vector<16xf32>
      %bitcast_convert_type3A_874 = tpu.bitcast %max3A_873 : vector<16xf32> -> vector<16xi32>
      %shift_right_arithmetic3A_875 = arith.constant 1 : i32
      %shift_right_arithmetic3A_876 = vector.broadcast %shift_right_arithmetic3A_875 : i32 to vector<16xi32>
      %shift_right_arithmetic3A_877 = arith.shrsi %bitcast_convert_type3A_874, %shift_right_arithmetic3A_876 : vector<16xi32>
      %sub3A_878 = arith.constant 1597463007 : i32
      %sub3A_879 = vector.broadcast %sub3A_878 : i32 to vector<16xi32>
      %sub3A_880 = arith.subi %sub3A_879, %shift_right_arithmetic3A_877 : vector<16xi32>
      %bitcast_convert_type3A_881 = tpu.bitcast %sub3A_880 : vector<16xi32> -> vector<16xf32>
      %mul3A_882 = arith.constant 5.000000e-01 : f32
      %mul3A_883 = vector.broadcast %mul3A_882 : f32 to vector<16xf32>
      %mul3A_884 = arith.mulf %mul3A_883, %max3A_873 : vector<16xf32>
      %mul3A_885 = arith.mulf %mul3A_884, %bitcast_convert_type3A_881 : vector<16xf32>
      %mul3A_886 = arith.mulf %mul3A_885, %bitcast_convert_type3A_881 : vector<16xf32>
      %sub3A_887 = arith.constant 1.500000e+00 : f32
      %sub3A_888 = vector.broadcast %sub3A_887 : f32 to vector<16xf32>
      %sub3A_889 = arith.subf %sub3A_888, %mul3A_886 : vector<16xf32>
      %mul3A_890 = arith.mulf %bitcast_convert_type3A_881, %sub3A_889 : vector<16xf32>
      %mul3A_891 = arith.constant 5.000000e-01 : f32
      %mul3A_892 = vector.broadcast %mul3A_891 : f32 to vector<16xf32>
      %mul3A_893 = arith.mulf %mul3A_892, %max3A_873 : vector<16xf32>
      %mul3A_894 = arith.mulf %mul3A_893, %mul3A_890 : vector<16xf32>
      %mul3A_895 = arith.mulf %mul3A_894, %mul3A_890 : vector<16xf32>
      %sub3A_896 = arith.constant 1.500000e+00 : f32
      %sub3A_897 = vector.broadcast %sub3A_896 : f32 to vector<16xf32>
      %sub3A_898 = arith.subf %sub3A_897, %mul3A_895 : vector<16xf32>
      %mul3A_899 = arith.mulf %mul3A_890, %sub3A_898 : vector<16xf32>
      %mul3A_900 = arith.constant 5.000000e-01 : f32
      %mul3A_901 = vector.broadcast %mul3A_900 : f32 to vector<16xf32>
      %mul3A_902 = arith.mulf %mul3A_901, %max3A_873 : vector<16xf32>
      %mul3A_903 = arith.mulf %mul3A_902, %mul3A_899 : vector<16xf32>
      %mul3A_904 = arith.mulf %mul3A_903, %mul3A_899 : vector<16xf32>
      %sub3A_905 = arith.constant 1.500000e+00 : f32
      %sub3A_906 = vector.broadcast %sub3A_905 : f32 to vector<16xf32>
      %sub3A_907 = arith.subf %sub3A_906, %mul3A_904 : vector<16xf32>
      %mul3A_908 = arith.mulf %mul3A_899, %sub3A_907 : vector<16xf32>
      %mul3A_909 = arith.mulf %max3A_873, %mul3A_908 : vector<16xf32>
      %sub3A_910 = arith.subf %mul3A_909, %scan3A_868#1 : vector<16xf32>
      %ge3A_911 = arith.constant 5 : i32
      %ge3A_912 = vector.broadcast %ge3A_911 : i32 to vector<16xi32>
      %ge3A_913 = arith.cmpi sge, %iota3A, %ge3A_912 : vector<16xi32>
      %lt3A_914 = arith.constant 15 : i32
      %lt3A_915 = vector.broadcast %lt3A_914 : i32 to vector<16xi32>
      %lt3A_916 = arith.cmpi slt, %iota3A, %lt3A_915 : vector<16xi32>
      %and3A_917 = arith.andi %ge3A_913, %lt3A_916 : vector<16xi1>
      %broadcast_in_dim3A_918 = vector.broadcast %scan3A_44 : f32 to vector<16xf32>
      %select_n3A_919 = arith.select %and3A_917, %sub3A_910, %broadcast_in_dim3A_918 : vector<16xi1>, vector<16xf32>
      %reduce_min3A_920 = arith.constant true
      %reduce_min3A_921 = vector.broadcast %reduce_min3A_920 : i1 to vector<16xi1>
      %reduce_min3A_922 = tpu.scan <min>, %select_n3A_919 masked %reduce_min3A_921 : vector<16xf32>, vector<16xi1> -> vector<16xf32>
      %reduce_min3A_923 = vector.extract %reduce_min3A_922[15] : f32 from vector<16xf32>
      %slice3A_924 = vector.extract_strided_slice %get3A_83 {offsets = [8], sizes = [1], strides = [1]} : vector<16xf32> to vector<1xf32>
      %squeeze3A_925 = vector.extract %slice3A_924[0] : f32 from vector<1xf32>
      %sub3A_926 = arith.subf %reduce_min3A_923, %squeeze3A_925 : f32
      %eq3A_927 = arith.constant 8 : i32
      %eq3A_928 = vector.broadcast %eq3A_927 : i32 to vector<16xi32>
      %eq3A_929 = arith.cmpi eq, %iota3A, %eq3A_928 : vector<16xi32>
      %broadcast_in_dim3A_930 = vector.broadcast %sub3A_926 : f32 to vector<16xf32>
      %select_n3A_931 = arith.select %eq3A_929, %broadcast_in_dim3A_930, %select_n3A_770 : vector<16xi1>, vector<16xf32>
      %add3A_932 = arith.addf %scan3A_868#2, %add3A_852 : vector<16xf32>
      %max3A_933 = arith.constant 0.000000e+00 : f32
      %max3A_934 = vector.broadcast %max3A_933 : f32 to vector<16xf32>
      %max3A_935 = arith.maximumf %add3A_932, %max3A_934 : vector<16xf32>
      %bitcast_convert_type3A_936 = tpu.bitcast %max3A_935 : vector<16xf32> -> vector<16xi32>
      %shift_right_arithmetic3A_937 = arith.constant 1 : i32
      %shift_right_arithmetic3A_938 = vector.broadcast %shift_right_arithmetic3A_937 : i32 to vector<16xi32>
      %shift_right_arithmetic3A_939 = arith.shrsi %bitcast_convert_type3A_936, %shift_right_arithmetic3A_938 : vector<16xi32>
      %sub3A_940 = arith.constant 1597463007 : i32
      %sub3A_941 = vector.broadcast %sub3A_940 : i32 to vector<16xi32>
      %sub3A_942 = arith.subi %sub3A_941, %shift_right_arithmetic3A_939 : vector<16xi32>
      %bitcast_convert_type3A_943 = tpu.bitcast %sub3A_942 : vector<16xi32> -> vector<16xf32>
      %mul3A_944 = arith.constant 5.000000e-01 : f32
      %mul3A_945 = vector.broadcast %mul3A_944 : f32 to vector<16xf32>
      %mul3A_946 = arith.mulf %mul3A_945, %max3A_935 : vector<16xf32>
      %mul3A_947 = arith.mulf %mul3A_946, %bitcast_convert_type3A_943 : vector<16xf32>
      %mul3A_948 = arith.mulf %mul3A_947, %bitcast_convert_type3A_943 : vector<16xf32>
      %sub3A_949 = arith.constant 1.500000e+00 : f32
      %sub3A_950 = vector.broadcast %sub3A_949 : f32 to vector<16xf32>
      %sub3A_951 = arith.subf %sub3A_950, %mul3A_948 : vector<16xf32>
      %mul3A_952 = arith.mulf %bitcast_convert_type3A_943, %sub3A_951 : vector<16xf32>
      %mul3A_953 = arith.constant 5.000000e-01 : f32
      %mul3A_954 = vector.broadcast %mul3A_953 : f32 to vector<16xf32>
      %mul3A_955 = arith.mulf %mul3A_954, %max3A_935 : vector<16xf32>
      %mul3A_956 = arith.mulf %mul3A_955, %mul3A_952 : vector<16xf32>
      %mul3A_957 = arith.mulf %mul3A_956, %mul3A_952 : vector<16xf32>
      %sub3A_958 = arith.constant 1.500000e+00 : f32
      %sub3A_959 = vector.broadcast %sub3A_958 : f32 to vector<16xf32>
      %sub3A_960 = arith.subf %sub3A_959, %mul3A_957 : vector<16xf32>
      %mul3A_961 = arith.mulf %mul3A_952, %sub3A_960 : vector<16xf32>
      %mul3A_962 = arith.constant 5.000000e-01 : f32
      %mul3A_963 = vector.broadcast %mul3A_962 : f32 to vector<16xf32>
      %mul3A_964 = arith.mulf %mul3A_963, %max3A_935 : vector<16xf32>
      %mul3A_965 = arith.mulf %mul3A_964, %mul3A_961 : vector<16xf32>
      %mul3A_966 = arith.mulf %mul3A_965, %mul3A_961 : vector<16xf32>
      %sub3A_967 = arith.constant 1.500000e+00 : f32
      %sub3A_968 = vector.broadcast %sub3A_967 : f32 to vector<16xf32>
      %sub3A_969 = arith.subf %sub3A_968, %mul3A_966 : vector<16xf32>
      %mul3A_970 = arith.mulf %mul3A_961, %sub3A_969 : vector<16xf32>
      %mul3A_971 = arith.mulf %max3A_935, %mul3A_970 : vector<16xf32>
      %sub3A_972 = arith.subf %mul3A_971, %scan3A_868#3 : vector<16xf32>
      %ge3A_973 = arith.constant 5 : i32
      %ge3A_974 = vector.broadcast %ge3A_973 : i32 to vector<16xi32>
      %ge3A_975 = arith.cmpi sge, %iota3A, %ge3A_974 : vector<16xi32>
      %lt3A_976 = arith.constant 15 : i32
      %lt3A_977 = vector.broadcast %lt3A_976 : i32 to vector<16xi32>
      %lt3A_978 = arith.cmpi slt, %iota3A, %lt3A_977 : vector<16xi32>
      %and3A_979 = arith.andi %ge3A_975, %lt3A_978 : vector<16xi1>
      %broadcast_in_dim3A_980 = vector.broadcast %scan3A_44 : f32 to vector<16xf32>
      %select_n3A_981 = arith.select %and3A_979, %sub3A_972, %broadcast_in_dim3A_980 : vector<16xi1>, vector<16xf32>
      %reduce_min3A_982 = arith.constant true
      %reduce_min3A_983 = vector.broadcast %reduce_min3A_982 : i1 to vector<16xi1>
      %reduce_min3A_984 = tpu.scan <min>, %select_n3A_981 masked %reduce_min3A_983 : vector<16xf32>, vector<16xi1> -> vector<16xf32>
      %reduce_min3A_985 = vector.extract %reduce_min3A_984[15] : f32 from vector<16xf32>
      %slice3A_986 = vector.extract_strided_slice %get3A_83 {offsets = [9], sizes = [1], strides = [1]} : vector<16xf32> to vector<1xf32>
      %squeeze3A_987 = vector.extract %slice3A_986[0] : f32 from vector<1xf32>
      %sub3A_988 = arith.subf %reduce_min3A_985, %squeeze3A_987 : f32
      %eq3A_989 = arith.constant 9 : i32
      %eq3A_990 = vector.broadcast %eq3A_989 : i32 to vector<16xi32>
      %eq3A_991 = arith.cmpi eq, %iota3A, %eq3A_990 : vector<16xi32>
      %broadcast_in_dim3A_992 = vector.broadcast %sub3A_988 : f32 to vector<16xf32>
      %select_n3A_993 = arith.select %eq3A_991, %broadcast_in_dim3A_992, %select_n3A_931 : vector<16xi1>, vector<16xf32>
      %add3A_994 = arith.addf %scan3A_868#4, %add3A_857 : vector<16xf32>
      %max3A_995 = arith.constant 0.000000e+00 : f32
      %max3A_996 = vector.broadcast %max3A_995 : f32 to vector<16xf32>
      %max3A_997 = arith.maximumf %add3A_994, %max3A_996 : vector<16xf32>
      %bitcast_convert_type3A_998 = tpu.bitcast %max3A_997 : vector<16xf32> -> vector<16xi32>
      %shift_right_arithmetic3A_999 = arith.constant 1 : i32
      %shift_right_arithmetic3A_1000 = vector.broadcast %shift_right_arithmetic3A_999 : i32 to vector<16xi32>
      %shift_right_arithmetic3A_1001 = arith.shrsi %bitcast_convert_type3A_998, %shift_right_arithmetic3A_1000 : vector<16xi32>
      %sub3A_1002 = arith.constant 1597463007 : i32
      %sub3A_1003 = vector.broadcast %sub3A_1002 : i32 to vector<16xi32>
      %sub3A_1004 = arith.subi %sub3A_1003, %shift_right_arithmetic3A_1001 : vector<16xi32>
      %bitcast_convert_type3A_1005 = tpu.bitcast %sub3A_1004 : vector<16xi32> -> vector<16xf32>
      %mul3A_1006 = arith.constant 5.000000e-01 : f32
      %mul3A_1007 = vector.broadcast %mul3A_1006 : f32 to vector<16xf32>
      %mul3A_1008 = arith.mulf %mul3A_1007, %max3A_997 : vector<16xf32>
      %mul3A_1009 = arith.mulf %mul3A_1008, %bitcast_convert_type3A_1005 : vector<16xf32>
      %mul3A_1010 = arith.mulf %mul3A_1009, %bitcast_convert_type3A_1005 : vector<16xf32>
      %sub3A_1011 = arith.constant 1.500000e+00 : f32
      %sub3A_1012 = vector.broadcast %sub3A_1011 : f32 to vector<16xf32>
      %sub3A_1013 = arith.subf %sub3A_1012, %mul3A_1010 : vector<16xf32>
      %mul3A_1014 = arith.mulf %bitcast_convert_type3A_1005, %sub3A_1013 : vector<16xf32>
      %mul3A_1015 = arith.constant 5.000000e-01 : f32
      %mul3A_1016 = vector.broadcast %mul3A_1015 : f32 to vector<16xf32>
      %mul3A_1017 = arith.mulf %mul3A_1016, %max3A_997 : vector<16xf32>
      %mul3A_1018 = arith.mulf %mul3A_1017, %mul3A_1014 : vector<16xf32>
      %mul3A_1019 = arith.mulf %mul3A_1018, %mul3A_1014 : vector<16xf32>
      %sub3A_1020 = arith.constant 1.500000e+00 : f32
      %sub3A_1021 = vector.broadcast %sub3A_1020 : f32 to vector<16xf32>
      %sub3A_1022 = arith.subf %sub3A_1021, %mul3A_1019 : vector<16xf32>
      %mul3A_1023 = arith.mulf %mul3A_1014, %sub3A_1022 : vector<16xf32>
      %mul3A_1024 = arith.constant 5.000000e-01 : f32
      %mul3A_1025 = vector.broadcast %mul3A_1024 : f32 to vector<16xf32>
      %mul3A_1026 = arith.mulf %mul3A_1025, %max3A_997 : vector<16xf32>
      %mul3A_1027 = arith.mulf %mul3A_1026, %mul3A_1023 : vector<16xf32>
      %mul3A_1028 = arith.mulf %mul3A_1027, %mul3A_1023 : vector<16xf32>
      %sub3A_1029 = arith.constant 1.500000e+00 : f32
      %sub3A_1030 = vector.broadcast %sub3A_1029 : f32 to vector<16xf32>
      %sub3A_1031 = arith.subf %sub3A_1030, %mul3A_1028 : vector<16xf32>
      %mul3A_1032 = arith.mulf %mul3A_1023, %sub3A_1031 : vector<16xf32>
      %mul3A_1033 = arith.mulf %max3A_997, %mul3A_1032 : vector<16xf32>
      %sub3A_1034 = arith.subf %mul3A_1033, %scan3A_868#5 : vector<16xf32>
      %ge3A_1035 = arith.constant 5 : i32
      %ge3A_1036 = vector.broadcast %ge3A_1035 : i32 to vector<16xi32>
      %ge3A_1037 = arith.cmpi sge, %iota3A, %ge3A_1036 : vector<16xi32>
      %lt3A_1038 = arith.constant 15 : i32
      %lt3A_1039 = vector.broadcast %lt3A_1038 : i32 to vector<16xi32>
      %lt3A_1040 = arith.cmpi slt, %iota3A, %lt3A_1039 : vector<16xi32>
      %and3A_1041 = arith.andi %ge3A_1037, %lt3A_1040 : vector<16xi1>
      %broadcast_in_dim3A_1042 = vector.broadcast %scan3A_44 : f32 to vector<16xf32>
      %select_n3A_1043 = arith.select %and3A_1041, %sub3A_1034, %broadcast_in_dim3A_1042 : vector<16xi1>, vector<16xf32>
      %reduce_min3A_1044 = arith.constant true
      %reduce_min3A_1045 = vector.broadcast %reduce_min3A_1044 : i1 to vector<16xi1>
      %reduce_min3A_1046 = tpu.scan <min>, %select_n3A_1043 masked %reduce_min3A_1045 : vector<16xf32>, vector<16xi1> -> vector<16xf32>
      %reduce_min3A_1047 = vector.extract %reduce_min3A_1046[15] : f32 from vector<16xf32>
      %slice3A_1048 = vector.extract_strided_slice %get3A_83 {offsets = [10], sizes = [1], strides = [1]} : vector<16xf32> to vector<1xf32>
      %squeeze3A_1049 = vector.extract %slice3A_1048[0] : f32 from vector<1xf32>
      %sub3A_1050 = arith.subf %reduce_min3A_1047, %squeeze3A_1049 : f32
      %eq3A_1051 = arith.constant 10 : i32
      %eq3A_1052 = vector.broadcast %eq3A_1051 : i32 to vector<16xi32>
      %eq3A_1053 = arith.cmpi eq, %iota3A, %eq3A_1052 : vector<16xi32>
      %broadcast_in_dim3A_1054 = vector.broadcast %sub3A_1050 : f32 to vector<16xf32>
      %select_n3A_1055 = arith.select %eq3A_1053, %broadcast_in_dim3A_1054, %select_n3A_993 : vector<16xi1>, vector<16xf32>
      %add3A_1056 = arith.addf %scan3A_868#6, %add3A_862 : vector<16xf32>
      %max3A_1057 = arith.constant 0.000000e+00 : f32
      %max3A_1058 = vector.broadcast %max3A_1057 : f32 to vector<16xf32>
      %max3A_1059 = arith.maximumf %add3A_1056, %max3A_1058 : vector<16xf32>
      %bitcast_convert_type3A_1060 = tpu.bitcast %max3A_1059 : vector<16xf32> -> vector<16xi32>
      %shift_right_arithmetic3A_1061 = arith.constant 1 : i32
      %shift_right_arithmetic3A_1062 = vector.broadcast %shift_right_arithmetic3A_1061 : i32 to vector<16xi32>
      %shift_right_arithmetic3A_1063 = arith.shrsi %bitcast_convert_type3A_1060, %shift_right_arithmetic3A_1062 : vector<16xi32>
      %sub3A_1064 = arith.constant 1597463007 : i32
      %sub3A_1065 = vector.broadcast %sub3A_1064 : i32 to vector<16xi32>
      %sub3A_1066 = arith.subi %sub3A_1065, %shift_right_arithmetic3A_1063 : vector<16xi32>
      %bitcast_convert_type3A_1067 = tpu.bitcast %sub3A_1066 : vector<16xi32> -> vector<16xf32>
      %mul3A_1068 = arith.constant 5.000000e-01 : f32
      %mul3A_1069 = vector.broadcast %mul3A_1068 : f32 to vector<16xf32>
      %mul3A_1070 = arith.mulf %mul3A_1069, %max3A_1059 : vector<16xf32>
      %mul3A_1071 = arith.mulf %mul3A_1070, %bitcast_convert_type3A_1067 : vector<16xf32>
      %mul3A_1072 = arith.mulf %mul3A_1071, %bitcast_convert_type3A_1067 : vector<16xf32>
      %sub3A_1073 = arith.constant 1.500000e+00 : f32
      %sub3A_1074 = vector.broadcast %sub3A_1073 : f32 to vector<16xf32>
      %sub3A_1075 = arith.subf %sub3A_1074, %mul3A_1072 : vector<16xf32>
      %mul3A_1076 = arith.mulf %bitcast_convert_type3A_1067, %sub3A_1075 : vector<16xf32>
      %mul3A_1077 = arith.constant 5.000000e-01 : f32
      %mul3A_1078 = vector.broadcast %mul3A_1077 : f32 to vector<16xf32>
      %mul3A_1079 = arith.mulf %mul3A_1078, %max3A_1059 : vector<16xf32>
      %mul3A_1080 = arith.mulf %mul3A_1079, %mul3A_1076 : vector<16xf32>
      %mul3A_1081 = arith.mulf %mul3A_1080, %mul3A_1076 : vector<16xf32>
      %sub3A_1082 = arith.constant 1.500000e+00 : f32
      %sub3A_1083 = vector.broadcast %sub3A_1082 : f32 to vector<16xf32>
      %sub3A_1084 = arith.subf %sub3A_1083, %mul3A_1081 : vector<16xf32>
      %mul3A_1085 = arith.mulf %mul3A_1076, %sub3A_1084 : vector<16xf32>
      %mul3A_1086 = arith.constant 5.000000e-01 : f32
      %mul3A_1087 = vector.broadcast %mul3A_1086 : f32 to vector<16xf32>
      %mul3A_1088 = arith.mulf %mul3A_1087, %max3A_1059 : vector<16xf32>
      %mul3A_1089 = arith.mulf %mul3A_1088, %mul3A_1085 : vector<16xf32>
      %mul3A_1090 = arith.mulf %mul3A_1089, %mul3A_1085 : vector<16xf32>
      %sub3A_1091 = arith.constant 1.500000e+00 : f32
      %sub3A_1092 = vector.broadcast %sub3A_1091 : f32 to vector<16xf32>
      %sub3A_1093 = arith.subf %sub3A_1092, %mul3A_1090 : vector<16xf32>
      %mul3A_1094 = arith.mulf %mul3A_1085, %sub3A_1093 : vector<16xf32>
      %mul3A_1095 = arith.mulf %max3A_1059, %mul3A_1094 : vector<16xf32>
      %sub3A_1096 = arith.subf %mul3A_1095, %scan3A_868#7 : vector<16xf32>
      %ge3A_1097 = arith.constant 5 : i32
      %ge3A_1098 = vector.broadcast %ge3A_1097 : i32 to vector<16xi32>
      %ge3A_1099 = arith.cmpi sge, %iota3A, %ge3A_1098 : vector<16xi32>
      %lt3A_1100 = arith.constant 15 : i32
      %lt3A_1101 = vector.broadcast %lt3A_1100 : i32 to vector<16xi32>
      %lt3A_1102 = arith.cmpi slt, %iota3A, %lt3A_1101 : vector<16xi32>
      %and3A_1103 = arith.andi %ge3A_1099, %lt3A_1102 : vector<16xi1>
      %broadcast_in_dim3A_1104 = vector.broadcast %scan3A_44 : f32 to vector<16xf32>
      %select_n3A_1105 = arith.select %and3A_1103, %sub3A_1096, %broadcast_in_dim3A_1104 : vector<16xi1>, vector<16xf32>
      %reduce_min3A_1106 = arith.constant true
      %reduce_min3A_1107 = vector.broadcast %reduce_min3A_1106 : i1 to vector<16xi1>
      %reduce_min3A_1108 = tpu.scan <min>, %select_n3A_1105 masked %reduce_min3A_1107 : vector<16xf32>, vector<16xi1> -> vector<16xf32>
      %reduce_min3A_1109 = vector.extract %reduce_min3A_1108[15] : f32 from vector<16xf32>
      %slice3A_1110 = vector.extract_strided_slice %get3A_83 {offsets = [11], sizes = [1], strides = [1]} : vector<16xf32> to vector<1xf32>
      %squeeze3A_1111 = vector.extract %slice3A_1110[0] : f32 from vector<1xf32>
      %sub3A_1112 = arith.subf %reduce_min3A_1109, %squeeze3A_1111 : f32
      %eq3A_1113 = arith.constant 11 : i32
      %eq3A_1114 = vector.broadcast %eq3A_1113 : i32 to vector<16xi32>
      %eq3A_1115 = arith.cmpi eq, %iota3A, %eq3A_1114 : vector<16xi32>
      %broadcast_in_dim3A_1116 = vector.broadcast %sub3A_1112 : f32 to vector<16xf32>
      %select_n3A_1117 = arith.select %eq3A_1115, %broadcast_in_dim3A_1116, %select_n3A_1055 : vector<16xi1>, vector<16xf32>
      %slice3A_1118 = vector.extract_strided_slice %get3A_77 {offsets = [12], sizes = [1], strides = [1]} : vector<16xf32> to vector<1xf32>
      %squeeze3A_1119 = vector.extract %slice3A_1118[0] : f32 from vector<1xf32>
      %broadcast_in_dim3A_1120 = vector.broadcast %squeeze3A_1119 : f32 to vector<16xf32>
      %slice3A_1121 = vector.extract_strided_slice %get3A_77 {offsets = [13], sizes = [1], strides = [1]} : vector<16xf32> to vector<1xf32>
      %squeeze3A_1122 = vector.extract %slice3A_1121[0] : f32 from vector<1xf32>
      %broadcast_in_dim3A_1123 = vector.broadcast %squeeze3A_1122 : f32 to vector<16xf32>
      %slice3A_1124 = vector.extract_strided_slice %get3A_77 {offsets = [14], sizes = [1], strides = [1]} : vector<16xf32> to vector<1xf32>
      %squeeze3A_1125 = vector.extract %slice3A_1124[0] : f32 from vector<1xf32>
      %broadcast_in_dim3A_1126 = vector.broadcast %squeeze3A_1125 : f32 to vector<16xf32>
      %slice3A_1127 = vector.extract_strided_slice %get3A_77 {offsets = [15], sizes = [1], strides = [1]} : vector<16xf32> to vector<1xf32>
      %squeeze3A_1128 = vector.extract %slice3A_1127[0] : f32 from vector<1xf32>
      %broadcast_in_dim3A_1129 = vector.broadcast %squeeze3A_1128 : f32 to vector<16xf32>
      %slice3A_1130 = vector.extract_strided_slice %get3A_79 {offsets = [12], sizes = [1], strides = [1]} : vector<16xf32> to vector<1xf32>
      %squeeze3A_1131 = vector.extract %slice3A_1130[0] : f32 from vector<1xf32>
      %broadcast_in_dim3A_1132 = vector.broadcast %squeeze3A_1131 : f32 to vector<16xf32>
      %slice3A_1133 = vector.extract_strided_slice %get3A_79 {offsets = [13], sizes = [1], strides = [1]} : vector<16xf32> to vector<1xf32>
      %squeeze3A_1134 = vector.extract %slice3A_1133[0] : f32 from vector<1xf32>
      %broadcast_in_dim3A_1135 = vector.broadcast %squeeze3A_1134 : f32 to vector<16xf32>
      %slice3A_1136 = vector.extract_strided_slice %get3A_79 {offsets = [14], sizes = [1], strides = [1]} : vector<16xf32> to vector<1xf32>
      %squeeze3A_1137 = vector.extract %slice3A_1136[0] : f32 from vector<1xf32>
      %broadcast_in_dim3A_1138 = vector.broadcast %squeeze3A_1137 : f32 to vector<16xf32>
      %slice3A_1139 = vector.extract_strided_slice %get3A_79 {offsets = [15], sizes = [1], strides = [1]} : vector<16xf32> to vector<1xf32>
      %squeeze3A_1140 = vector.extract %slice3A_1139[0] : f32 from vector<1xf32>
      %broadcast_in_dim3A_1141 = vector.broadcast %squeeze3A_1140 : f32 to vector<16xf32>
      %slice3A_1142 = vector.extract_strided_slice %get3A_81 {offsets = [12], sizes = [1], strides = [1]} : vector<16xf32> to vector<1xf32>
      %squeeze3A_1143 = vector.extract %slice3A_1142[0] : f32 from vector<1xf32>
      %broadcast_in_dim3A_1144 = vector.broadcast %squeeze3A_1143 : f32 to vector<16xf32>
      %slice3A_1145 = vector.extract_strided_slice %get3A_81 {offsets = [13], sizes = [1], strides = [1]} : vector<16xf32> to vector<1xf32>
      %squeeze3A_1146 = vector.extract %slice3A_1145[0] : f32 from vector<1xf32>
      %broadcast_in_dim3A_1147 = vector.broadcast %squeeze3A_1146 : f32 to vector<16xf32>
      %slice3A_1148 = vector.extract_strided_slice %get3A_81 {offsets = [14], sizes = [1], strides = [1]} : vector<16xf32> to vector<1xf32>
      %squeeze3A_1149 = vector.extract %slice3A_1148[0] : f32 from vector<1xf32>
      %broadcast_in_dim3A_1150 = vector.broadcast %squeeze3A_1149 : f32 to vector<16xf32>
      %slice3A_1151 = vector.extract_strided_slice %get3A_81 {offsets = [15], sizes = [1], strides = [1]} : vector<16xf32> to vector<1xf32>
      %squeeze3A_1152 = vector.extract %slice3A_1151[0] : f32 from vector<1xf32>
      %broadcast_in_dim3A_1153 = vector.broadcast %squeeze3A_1152 : f32 to vector<16xf32>
      %mul3A_1154 = arith.constant -2.000000e+00 : f32
      %mul3A_1155 = vector.broadcast %mul3A_1154 : f32 to vector<16xf32>
      %mul3A_1156 = arith.mulf %mul3A_1155, %broadcast_in_dim3A_1120 : vector<16xf32>
      %mul3A_1157 = arith.constant -2.000000e+00 : f32
      %mul3A_1158 = vector.broadcast %mul3A_1157 : f32 to vector<16xf32>
      %mul3A_1159 = arith.mulf %mul3A_1158, %broadcast_in_dim3A_1123 : vector<16xf32>
      %mul3A_1160 = arith.constant -2.000000e+00 : f32
      %mul3A_1161 = vector.broadcast %mul3A_1160 : f32 to vector<16xf32>
      %mul3A_1162 = arith.mulf %mul3A_1161, %broadcast_in_dim3A_1126 : vector<16xf32>
      %mul3A_1163 = arith.constant -2.000000e+00 : f32
      %mul3A_1164 = vector.broadcast %mul3A_1163 : f32 to vector<16xf32>
      %mul3A_1165 = arith.mulf %mul3A_1164, %broadcast_in_dim3A_1129 : vector<16xf32>
      %mul3A_1166 = arith.constant -2.000000e+00 : f32
      %mul3A_1167 = vector.broadcast %mul3A_1166 : f32 to vector<16xf32>
      %mul3A_1168 = arith.mulf %mul3A_1167, %broadcast_in_dim3A_1132 : vector<16xf32>
      %mul3A_1169 = arith.constant -2.000000e+00 : f32
      %mul3A_1170 = vector.broadcast %mul3A_1169 : f32 to vector<16xf32>
      %mul3A_1171 = arith.mulf %mul3A_1170, %broadcast_in_dim3A_1135 : vector<16xf32>
      %mul3A_1172 = arith.constant -2.000000e+00 : f32
      %mul3A_1173 = vector.broadcast %mul3A_1172 : f32 to vector<16xf32>
      %mul3A_1174 = arith.mulf %mul3A_1173, %broadcast_in_dim3A_1138 : vector<16xf32>
      %mul3A_1175 = arith.constant -2.000000e+00 : f32
      %mul3A_1176 = vector.broadcast %mul3A_1175 : f32 to vector<16xf32>
      %mul3A_1177 = arith.mulf %mul3A_1176, %broadcast_in_dim3A_1141 : vector<16xf32>
      %mul3A_1178 = arith.constant -2.000000e+00 : f32
      %mul3A_1179 = vector.broadcast %mul3A_1178 : f32 to vector<16xf32>
      %mul3A_1180 = arith.mulf %mul3A_1179, %broadcast_in_dim3A_1144 : vector<16xf32>
      %mul3A_1181 = arith.constant -2.000000e+00 : f32
      %mul3A_1182 = vector.broadcast %mul3A_1181 : f32 to vector<16xf32>
      %mul3A_1183 = arith.mulf %mul3A_1182, %broadcast_in_dim3A_1147 : vector<16xf32>
      %mul3A_1184 = arith.constant -2.000000e+00 : f32
      %mul3A_1185 = vector.broadcast %mul3A_1184 : f32 to vector<16xf32>
      %mul3A_1186 = arith.mulf %mul3A_1185, %broadcast_in_dim3A_1150 : vector<16xf32>
      %mul3A_1187 = arith.constant -2.000000e+00 : f32
      %mul3A_1188 = vector.broadcast %mul3A_1187 : f32 to vector<16xf32>
      %mul3A_1189 = arith.mulf %mul3A_1188, %broadcast_in_dim3A_1153 : vector<16xf32>
      %mul3A_1190 = arith.mulf %broadcast_in_dim3A_1120, %broadcast_in_dim3A_1120 : vector<16xf32>
      %mul3A_1191 = arith.mulf %broadcast_in_dim3A_1132, %broadcast_in_dim3A_1132 : vector<16xf32>
      %add3A_1192 = arith.addf %mul3A_1190, %mul3A_1191 : vector<16xf32>
      %mul3A_1193 = arith.mulf %broadcast_in_dim3A_1144, %broadcast_in_dim3A_1144 : vector<16xf32>
      %add3A_1194 = arith.addf %add3A_1192, %mul3A_1193 : vector<16xf32>
      %mul3A_1195 = arith.mulf %broadcast_in_dim3A_1123, %broadcast_in_dim3A_1123 : vector<16xf32>
      %mul3A_1196 = arith.mulf %broadcast_in_dim3A_1135, %broadcast_in_dim3A_1135 : vector<16xf32>
      %add3A_1197 = arith.addf %mul3A_1195, %mul3A_1196 : vector<16xf32>
      %mul3A_1198 = arith.mulf %broadcast_in_dim3A_1147, %broadcast_in_dim3A_1147 : vector<16xf32>
      %add3A_1199 = arith.addf %add3A_1197, %mul3A_1198 : vector<16xf32>
      %mul3A_1200 = arith.mulf %broadcast_in_dim3A_1126, %broadcast_in_dim3A_1126 : vector<16xf32>
      %mul3A_1201 = arith.mulf %broadcast_in_dim3A_1138, %broadcast_in_dim3A_1138 : vector<16xf32>
      %add3A_1202 = arith.addf %mul3A_1200, %mul3A_1201 : vector<16xf32>
      %mul3A_1203 = arith.mulf %broadcast_in_dim3A_1150, %broadcast_in_dim3A_1150 : vector<16xf32>
      %add3A_1204 = arith.addf %add3A_1202, %mul3A_1203 : vector<16xf32>
      %mul3A_1205 = arith.mulf %broadcast_in_dim3A_1129, %broadcast_in_dim3A_1129 : vector<16xf32>
      %mul3A_1206 = arith.mulf %broadcast_in_dim3A_1141, %broadcast_in_dim3A_1141 : vector<16xf32>
      %add3A_1207 = arith.addf %mul3A_1205, %mul3A_1206 : vector<16xf32>
      %mul3A_1208 = arith.mulf %broadcast_in_dim3A_1153, %broadcast_in_dim3A_1153 : vector<16xf32>
      %add3A_1209 = arith.addf %add3A_1207, %mul3A_1208 : vector<16xf32>
      %broadcast_in_dim3A_1210 = vector.broadcast %scan3A_44 : f32 to vector<16xf32>
      %scan3A_1211 = arith.constant 0 : i32
      %scan3A_1212 = arith.constant 128 : i32
      %scan3A_1213 = arith.addi %scan3A_1211, %scan3A_1212 : i32
      %scan3A_1214 = arith.constant 4 : i32
      %scan3A_1215:8 = scf.for %scan3A_1468 = %scan3A_1211 to %scan3A_1213 step %scan3A_1214 iter_args(%scan3A_1469 = %broadcast_in_dim3A_1210, %scan3A_1470 = %broadcast_in_dim3A_38, %scan3A_1471 = %broadcast_in_dim3A_1210, %scan3A_1472 = %broadcast_in_dim3A_38, %scan3A_1473 = %broadcast_in_dim3A_1210, %scan3A_1474 = %broadcast_in_dim3A_38, %scan3A_1475 = %broadcast_in_dim3A_1210, %scan3A_1476 = %broadcast_in_dim3A_38) -> (vector<16xf32>, vector<16xf32>, vector<16xf32>, vector<16xf32>, vector<16xf32>, vector<16xf32>, vector<16xf32>, vector<16xf32>)  : i32 {
        %mul3A_1477 = arith.constant 16 : i32
        %mul3A_1478 = arith.muli %scan3A_1468, %mul3A_1477 : i32
        %get3A_1479 = arith.index_cast %mul3A_1478 : i32 to index
        %get3A_1480 = tpu.vector_load %arg4[%get3A_1479] {strides = array<i32>} : memref<2048xf32, #tpu.memory_space<vmem>>, vector<16xf32>,
        %get3A_1481 = arith.index_cast %mul3A_1478 : i32 to index
        %get3A_1482 = tpu.vector_load %arg5[%get3A_1481] {strides = array<i32>} : memref<2048xf32, #tpu.memory_space<vmem>>, vector<16xf32>,
        %get3A_1483 = arith.index_cast %mul3A_1478 : i32 to index
        %get3A_1484 = tpu.vector_load %arg6[%get3A_1483] {strides = array<i32>} : memref<2048xf32, #tpu.memory_space<vmem>>, vector<16xf32>,
        %get3A_1485 = arith.index_cast %mul3A_1478 : i32 to index
        %get3A_1486 = tpu.vector_load %arg7[%get3A_1485] {strides = array<i32>} : memref<2048xf32, #tpu.memory_space<vmem>>, vector<16xf32>,
        %get3A_1487 = arith.index_cast %mul3A_1478 : i32 to index
        %get3A_1488 = tpu.vector_load %arg8[%get3A_1487] {strides = array<i32>} : memref<2048xf32, #tpu.memory_space<vmem>>, vector<16xf32>,
        %mul3A_1489 = arith.mulf %get3A_1480, %mul3A_1156 : vector<16xf32>
        %add3A_1490 = arith.addf %get3A_1488, %mul3A_1489 : vector<16xf32>
        %mul3A_1491 = arith.mulf %get3A_1482, %mul3A_1168 : vector<16xf32>
        %add3A_1492 = arith.addf %add3A_1490, %mul3A_1491 : vector<16xf32>
        %mul3A_1493 = arith.mulf %get3A_1484, %mul3A_1180 : vector<16xf32>
        %add3A_1494 = arith.addf %add3A_1492, %mul3A_1493 : vector<16xf32>
        %masked_sort3A = arith.constant dense<true> : vector<16xi1>
        %masked_sort3A_1495, %masked_sort3A_1496, %masked_sort3A_1497 = tpu.sort %add3A_1494, %get3A_1486 masked %masked_sort3A : (vector<16xf32>, vector<16xf32>, vector<16xi1>) -> (vector<16xi1>, vector<16xf32>, vector<16xf32>)
        %le3A = arith.cmpf ole, %scan3A_1469, %masked_sort3A_1496 : vector<16xf32>
        %select_n3A_1498 = arith.select %le3A, %scan3A_1469, %masked_sort3A_1496 : vector<16xi1>, vector<16xf32>
        %select_n3A_1499 = arith.select %le3A, %scan3A_1470, %masked_sort3A_1497 : vector<16xi1>, vector<16xf32>
        %masked_sort3A_1500 = arith.constant dense<true> : vector<16xi1>
        %masked_sort3A_1501, %masked_sort3A_1502, %masked_sort3A_1503 = tpu.sort %select_n3A_1498, %select_n3A_1499 masked %masked_sort3A_1500 {descending = true} : (vector<16xf32>, vector<16xf32>, vector<16xi1>) -> (vector<16xi1>, vector<16xf32>, vector<16xf32>)
        %mul3A_1504 = arith.mulf %get3A_1480, %mul3A_1159 : vector<16xf32>
        %add3A_1505 = arith.addf %get3A_1488, %mul3A_1504 : vector<16xf32>
        %mul3A_1506 = arith.mulf %get3A_1482, %mul3A_1171 : vector<16xf32>
        %add3A_1507 = arith.addf %add3A_1505, %mul3A_1506 : vector<16xf32>
        %mul3A_1508 = arith.mulf %get3A_1484, %mul3A_1183 : vector<16xf32>
        %add3A_1509 = arith.addf %add3A_1507, %mul3A_1508 : vector<16xf32>
        %masked_sort3A_1510 = arith.constant dense<true> : vector<16xi1>
        %masked_sort3A_1511, %masked_sort3A_1512, %masked_sort3A_1513 = tpu.sort %add3A_1509, %get3A_1486 masked %masked_sort3A_1510 : (vector<16xf32>, vector<16xf32>, vector<16xi1>) -> (vector<16xi1>, vector<16xf32>, vector<16xf32>)
        %le3A_1514 = arith.cmpf ole, %scan3A_1471, %masked_sort3A_1512 : vector<16xf32>
        %select_n3A_1515 = arith.select %le3A_1514, %scan3A_1471, %masked_sort3A_1512 : vector<16xi1>, vector<16xf32>
        %select_n3A_1516 = arith.select %le3A_1514, %scan3A_1472, %masked_sort3A_1513 : vector<16xi1>, vector<16xf32>
        %masked_sort3A_1517 = arith.constant dense<true> : vector<16xi1>
        %masked_sort3A_1518, %masked_sort3A_1519, %masked_sort3A_1520 = tpu.sort %select_n3A_1515, %select_n3A_1516 masked %masked_sort3A_1517 {descending = true} : (vector<16xf32>, vector<16xf32>, vector<16xi1>) -> (vector<16xi1>, vector<16xf32>, vector<16xf32>)
        %mul3A_1521 = arith.mulf %get3A_1480, %mul3A_1162 : vector<16xf32>
        %add3A_1522 = arith.addf %get3A_1488, %mul3A_1521 : vector<16xf32>
        %mul3A_1523 = arith.mulf %get3A_1482, %mul3A_1174 : vector<16xf32>
        %add3A_1524 = arith.addf %add3A_1522, %mul3A_1523 : vector<16xf32>
        %mul3A_1525 = arith.mulf %get3A_1484, %mul3A_1186 : vector<16xf32>
        %add3A_1526 = arith.addf %add3A_1524, %mul3A_1525 : vector<16xf32>
        %masked_sort3A_1527 = arith.constant dense<true> : vector<16xi1>
        %masked_sort3A_1528, %masked_sort3A_1529, %masked_sort3A_1530 = tpu.sort %add3A_1526, %get3A_1486 masked %masked_sort3A_1527 : (vector<16xf32>, vector<16xf32>, vector<16xi1>) -> (vector<16xi1>, vector<16xf32>, vector<16xf32>)
        %le3A_1531 = arith.cmpf ole, %scan3A_1473, %masked_sort3A_1529 : vector<16xf32>
        %select_n3A_1532 = arith.select %le3A_1531, %scan3A_1473, %masked_sort3A_1529 : vector<16xi1>, vector<16xf32>
        %select_n3A_1533 = arith.select %le3A_1531, %scan3A_1474, %masked_sort3A_1530 : vector<16xi1>, vector<16xf32>
        %masked_sort3A_1534 = arith.constant dense<true> : vector<16xi1>
        %masked_sort3A_1535, %masked_sort3A_1536, %masked_sort3A_1537 = tpu.sort %select_n3A_1532, %select_n3A_1533 masked %masked_sort3A_1534 {descending = true} : (vector<16xf32>, vector<16xf32>, vector<16xi1>) -> (vector<16xi1>, vector<16xf32>, vector<16xf32>)
        %mul3A_1538 = arith.mulf %get3A_1480, %mul3A_1165 : vector<16xf32>
        %add3A_1539 = arith.addf %get3A_1488, %mul3A_1538 : vector<16xf32>
        %mul3A_1540 = arith.mulf %get3A_1482, %mul3A_1177 : vector<16xf32>
        %add3A_1541 = arith.addf %add3A_1539, %mul3A_1540 : vector<16xf32>
        %mul3A_1542 = arith.mulf %get3A_1484, %mul3A_1189 : vector<16xf32>
        %add3A_1543 = arith.addf %add3A_1541, %mul3A_1542 : vector<16xf32>
        %masked_sort3A_1544 = arith.constant dense<true> : vector<16xi1>
        %masked_sort3A_1545, %masked_sort3A_1546, %masked_sort3A_1547 = tpu.sort %add3A_1543, %get3A_1486 masked %masked_sort3A_1544 : (vector<16xf32>, vector<16xf32>, vector<16xi1>) -> (vector<16xi1>, vector<16xf32>, vector<16xf32>)
        %le3A_1548 = arith.cmpf ole, %scan3A_1475, %masked_sort3A_1546 : vector<16xf32>
        %select_n3A_1549 = arith.select %le3A_1548, %scan3A_1475, %masked_sort3A_1546 : vector<16xi1>, vector<16xf32>
        %select_n3A_1550 = arith.select %le3A_1548, %scan3A_1476, %masked_sort3A_1547 : vector<16xi1>, vector<16xf32>
        %masked_sort3A_1551 = arith.constant dense<true> : vector<16xi1>
        %masked_sort3A_1552, %masked_sort3A_1553, %masked_sort3A_1554 = tpu.sort %select_n3A_1549, %select_n3A_1550 masked %masked_sort3A_1551 {descending = true} : (vector<16xf32>, vector<16xf32>, vector<16xi1>) -> (vector<16xi1>, vector<16xf32>, vector<16xf32>)
        %scan3A_1555 = arith.constant 1 : i32
        %scan3A_1556 = arith.addi %scan3A_1468, %scan3A_1555 : i32
        %mul3A_1557 = arith.constant 16 : i32
        %mul3A_1558 = arith.muli %scan3A_1556, %mul3A_1557 : i32
        %get3A_1559 = arith.index_cast %mul3A_1558 : i32 to index
        %get3A_1560 = tpu.vector_load %arg4[%get3A_1559] {strides = array<i32>} : memref<2048xf32, #tpu.memory_space<vmem>>, vector<16xf32>,
        %get3A_1561 = arith.index_cast %mul3A_1558 : i32 to index
        %get3A_1562 = tpu.vector_load %arg5[%get3A_1561] {strides = array<i32>} : memref<2048xf32, #tpu.memory_space<vmem>>, vector<16xf32>,
        %get3A_1563 = arith.index_cast %mul3A_1558 : i32 to index
        %get3A_1564 = tpu.vector_load %arg6[%get3A_1563] {strides = array<i32>} : memref<2048xf32, #tpu.memory_space<vmem>>, vector<16xf32>,
        %get3A_1565 = arith.index_cast %mul3A_1558 : i32 to index
        %get3A_1566 = tpu.vector_load %arg7[%get3A_1565] {strides = array<i32>} : memref<2048xf32, #tpu.memory_space<vmem>>, vector<16xf32>,
        %get3A_1567 = arith.index_cast %mul3A_1558 : i32 to index
        %get3A_1568 = tpu.vector_load %arg8[%get3A_1567] {strides = array<i32>} : memref<2048xf32, #tpu.memory_space<vmem>>, vector<16xf32>,
        %mul3A_1569 = arith.mulf %get3A_1560, %mul3A_1156 : vector<16xf32>
        %add3A_1570 = arith.addf %get3A_1568, %mul3A_1569 : vector<16xf32>
        %mul3A_1571 = arith.mulf %get3A_1562, %mul3A_1168 : vector<16xf32>
        %add3A_1572 = arith.addf %add3A_1570, %mul3A_1571 : vector<16xf32>
        %mul3A_1573 = arith.mulf %get3A_1564, %mul3A_1180 : vector<16xf32>
        %add3A_1574 = arith.addf %add3A_1572, %mul3A_1573 : vector<16xf32>
        %masked_sort3A_1575 = arith.constant dense<true> : vector<16xi1>
        %masked_sort3A_1576, %masked_sort3A_1577, %masked_sort3A_1578 = tpu.sort %add3A_1574, %get3A_1566 masked %masked_sort3A_1575 : (vector<16xf32>, vector<16xf32>, vector<16xi1>) -> (vector<16xi1>, vector<16xf32>, vector<16xf32>)
        %le3A_1579 = arith.cmpf ole, %masked_sort3A_1502, %masked_sort3A_1577 : vector<16xf32>
        %select_n3A_1580 = arith.select %le3A_1579, %masked_sort3A_1502, %masked_sort3A_1577 : vector<16xi1>, vector<16xf32>
        %select_n3A_1581 = arith.select %le3A_1579, %masked_sort3A_1503, %masked_sort3A_1578 : vector<16xi1>, vector<16xf32>
        %masked_sort3A_1582 = arith.constant dense<true> : vector<16xi1>
        %masked_sort3A_1583, %masked_sort3A_1584, %masked_sort3A_1585 = tpu.sort %select_n3A_1580, %select_n3A_1581 masked %masked_sort3A_1582 {descending = true} : (vector<16xf32>, vector<16xf32>, vector<16xi1>) -> (vector<16xi1>, vector<16xf32>, vector<16xf32>)
        %mul3A_1586 = arith.mulf %get3A_1560, %mul3A_1159 : vector<16xf32>
        %add3A_1587 = arith.addf %get3A_1568, %mul3A_1586 : vector<16xf32>
        %mul3A_1588 = arith.mulf %get3A_1562, %mul3A_1171 : vector<16xf32>
        %add3A_1589 = arith.addf %add3A_1587, %mul3A_1588 : vector<16xf32>
        %mul3A_1590 = arith.mulf %get3A_1564, %mul3A_1183 : vector<16xf32>
        %add3A_1591 = arith.addf %add3A_1589, %mul3A_1590 : vector<16xf32>
        %masked_sort3A_1592 = arith.constant dense<true> : vector<16xi1>
        %masked_sort3A_1593, %masked_sort3A_1594, %masked_sort3A_1595 = tpu.sort %add3A_1591, %get3A_1566 masked %masked_sort3A_1592 : (vector<16xf32>, vector<16xf32>, vector<16xi1>) -> (vector<16xi1>, vector<16xf32>, vector<16xf32>)
        %le3A_1596 = arith.cmpf ole, %masked_sort3A_1519, %masked_sort3A_1594 : vector<16xf32>
        %select_n3A_1597 = arith.select %le3A_1596, %masked_sort3A_1519, %masked_sort3A_1594 : vector<16xi1>, vector<16xf32>
        %select_n3A_1598 = arith.select %le3A_1596, %masked_sort3A_1520, %masked_sort3A_1595 : vector<16xi1>, vector<16xf32>
        %masked_sort3A_1599 = arith.constant dense<true> : vector<16xi1>
        %masked_sort3A_1600, %masked_sort3A_1601, %masked_sort3A_1602 = tpu.sort %select_n3A_1597, %select_n3A_1598 masked %masked_sort3A_1599 {descending = true} : (vector<16xf32>, vector<16xf32>, vector<16xi1>) -> (vector<16xi1>, vector<16xf32>, vector<16xf32>)
        %mul3A_1603 = arith.mulf %get3A_1560, %mul3A_1162 : vector<16xf32>
        %add3A_1604 = arith.addf %get3A_1568, %mul3A_1603 : vector<16xf32>
        %mul3A_1605 = arith.mulf %get3A_1562, %mul3A_1174 : vector<16xf32>
        %add3A_1606 = arith.addf %add3A_1604, %mul3A_1605 : vector<16xf32>
        %mul3A_1607 = arith.mulf %get3A_1564, %mul3A_1186 : vector<16xf32>
        %add3A_1608 = arith.addf %add3A_1606, %mul3A_1607 : vector<16xf32>
        %masked_sort3A_1609 = arith.constant dense<true> : vector<16xi1>
        %masked_sort3A_1610, %masked_sort3A_1611, %masked_sort3A_1612 = tpu.sort %add3A_1608, %get3A_1566 masked %masked_sort3A_1609 : (vector<16xf32>, vector<16xf32>, vector<16xi1>) -> (vector<16xi1>, vector<16xf32>, vector<16xf32>)
        %le3A_1613 = arith.cmpf ole, %masked_sort3A_1536, %masked_sort3A_1611 : vector<16xf32>
        %select_n3A_1614 = arith.select %le3A_1613, %masked_sort3A_1536, %masked_sort3A_1611 : vector<16xi1>, vector<16xf32>
        %select_n3A_1615 = arith.select %le3A_1613, %masked_sort3A_1537, %masked_sort3A_1612 : vector<16xi1>, vector<16xf32>
        %masked_sort3A_1616 = arith.constant dense<true> : vector<16xi1>
        %masked_sort3A_1617, %masked_sort3A_1618, %masked_sort3A_1619 = tpu.sort %select_n3A_1614, %select_n3A_1615 masked %masked_sort3A_1616 {descending = true} : (vector<16xf32>, vector<16xf32>, vector<16xi1>) -> (vector<16xi1>, vector<16xf32>, vector<16xf32>)
        %mul3A_1620 = arith.mulf %get3A_1560, %mul3A_1165 : vector<16xf32>
        %add3A_1621 = arith.addf %get3A_1568, %mul3A_1620 : vector<16xf32>
        %mul3A_1622 = arith.mulf %get3A_1562, %mul3A_1177 : vector<16xf32>
        %add3A_1623 = arith.addf %add3A_1621, %mul3A_1622 : vector<16xf32>
        %mul3A_1624 = arith.mulf %get3A_1564, %mul3A_1189 : vector<16xf32>
        %add3A_1625 = arith.addf %add3A_1623, %mul3A_1624 : vector<16xf32>
        %masked_sort3A_1626 = arith.constant dense<true> : vector<16xi1>
        %masked_sort3A_1627, %masked_sort3A_1628, %masked_sort3A_1629 = tpu.sort %add3A_1625, %get3A_1566 masked %masked_sort3A_1626 : (vector<16xf32>, vector<16xf32>, vector<16xi1>) -> (vector<16xi1>, vector<16xf32>, vector<16xf32>)
        %le3A_1630 = arith.cmpf ole, %masked_sort3A_1553, %masked_sort3A_1628 : vector<16xf32>
        %select_n3A_1631 = arith.select %le3A_1630, %masked_sort3A_1553, %masked_sort3A_1628 : vector<16xi1>, vector<16xf32>
        %select_n3A_1632 = arith.select %le3A_1630, %masked_sort3A_1554, %masked_sort3A_1629 : vector<16xi1>, vector<16xf32>
        %masked_sort3A_1633 = arith.constant dense<true> : vector<16xi1>
        %masked_sort3A_1634, %masked_sort3A_1635, %masked_sort3A_1636 = tpu.sort %select_n3A_1631, %select_n3A_1632 masked %masked_sort3A_1633 {descending = true} : (vector<16xf32>, vector<16xf32>, vector<16xi1>) -> (vector<16xi1>, vector<16xf32>, vector<16xf32>)
        %scan3A_1637 = arith.constant 2 : i32
        %scan3A_1638 = arith.addi %scan3A_1468, %scan3A_1637 : i32
        %mul3A_1639 = arith.constant 16 : i32
        %mul3A_1640 = arith.muli %scan3A_1638, %mul3A_1639 : i32
        %get3A_1641 = arith.index_cast %mul3A_1640 : i32 to index
        %get3A_1642 = tpu.vector_load %arg4[%get3A_1641] {strides = array<i32>} : memref<2048xf32, #tpu.memory_space<vmem>>, vector<16xf32>,
        %get3A_1643 = arith.index_cast %mul3A_1640 : i32 to index
        %get3A_1644 = tpu.vector_load %arg5[%get3A_1643] {strides = array<i32>} : memref<2048xf32, #tpu.memory_space<vmem>>, vector<16xf32>,
        %get3A_1645 = arith.index_cast %mul3A_1640 : i32 to index
        %get3A_1646 = tpu.vector_load %arg6[%get3A_1645] {strides = array<i32>} : memref<2048xf32, #tpu.memory_space<vmem>>, vector<16xf32>,
        %get3A_1647 = arith.index_cast %mul3A_1640 : i32 to index
        %get3A_1648 = tpu.vector_load %arg7[%get3A_1647] {strides = array<i32>} : memref<2048xf32, #tpu.memory_space<vmem>>, vector<16xf32>,
        %get3A_1649 = arith.index_cast %mul3A_1640 : i32 to index
        %get3A_1650 = tpu.vector_load %arg8[%get3A_1649] {strides = array<i32>} : memref<2048xf32, #tpu.memory_space<vmem>>, vector<16xf32>,
        %mul3A_1651 = arith.mulf %get3A_1642, %mul3A_1156 : vector<16xf32>
        %add3A_1652 = arith.addf %get3A_1650, %mul3A_1651 : vector<16xf32>
        %mul3A_1653 = arith.mulf %get3A_1644, %mul3A_1168 : vector<16xf32>
        %add3A_1654 = arith.addf %add3A_1652, %mul3A_1653 : vector<16xf32>
        %mul3A_1655 = arith.mulf %get3A_1646, %mul3A_1180 : vector<16xf32>
        %add3A_1656 = arith.addf %add3A_1654, %mul3A_1655 : vector<16xf32>
        %masked_sort3A_1657 = arith.constant dense<true> : vector<16xi1>
        %masked_sort3A_1658, %masked_sort3A_1659, %masked_sort3A_1660 = tpu.sort %add3A_1656, %get3A_1648 masked %masked_sort3A_1657 : (vector<16xf32>, vector<16xf32>, vector<16xi1>) -> (vector<16xi1>, vector<16xf32>, vector<16xf32>)
        %le3A_1661 = arith.cmpf ole, %masked_sort3A_1584, %masked_sort3A_1659 : vector<16xf32>
        %select_n3A_1662 = arith.select %le3A_1661, %masked_sort3A_1584, %masked_sort3A_1659 : vector<16xi1>, vector<16xf32>
        %select_n3A_1663 = arith.select %le3A_1661, %masked_sort3A_1585, %masked_sort3A_1660 : vector<16xi1>, vector<16xf32>
        %masked_sort3A_1664 = arith.constant dense<true> : vector<16xi1>
        %masked_sort3A_1665, %masked_sort3A_1666, %masked_sort3A_1667 = tpu.sort %select_n3A_1662, %select_n3A_1663 masked %masked_sort3A_1664 {descending = true} : (vector<16xf32>, vector<16xf32>, vector<16xi1>) -> (vector<16xi1>, vector<16xf32>, vector<16xf32>)
        %mul3A_1668 = arith.mulf %get3A_1642, %mul3A_1159 : vector<16xf32>
        %add3A_1669 = arith.addf %get3A_1650, %mul3A_1668 : vector<16xf32>
        %mul3A_1670 = arith.mulf %get3A_1644, %mul3A_1171 : vector<16xf32>
        %add3A_1671 = arith.addf %add3A_1669, %mul3A_1670 : vector<16xf32>
        %mul3A_1672 = arith.mulf %get3A_1646, %mul3A_1183 : vector<16xf32>
        %add3A_1673 = arith.addf %add3A_1671, %mul3A_1672 : vector<16xf32>
        %masked_sort3A_1674 = arith.constant dense<true> : vector<16xi1>
        %masked_sort3A_1675, %masked_sort3A_1676, %masked_sort3A_1677 = tpu.sort %add3A_1673, %get3A_1648 masked %masked_sort3A_1674 : (vector<16xf32>, vector<16xf32>, vector<16xi1>) -> (vector<16xi1>, vector<16xf32>, vector<16xf32>)
        %le3A_1678 = arith.cmpf ole, %masked_sort3A_1601, %masked_sort3A_1676 : vector<16xf32>
        %select_n3A_1679 = arith.select %le3A_1678, %masked_sort3A_1601, %masked_sort3A_1676 : vector<16xi1>, vector<16xf32>
        %select_n3A_1680 = arith.select %le3A_1678, %masked_sort3A_1602, %masked_sort3A_1677 : vector<16xi1>, vector<16xf32>
        %masked_sort3A_1681 = arith.constant dense<true> : vector<16xi1>
        %masked_sort3A_1682, %masked_sort3A_1683, %masked_sort3A_1684 = tpu.sort %select_n3A_1679, %select_n3A_1680 masked %masked_sort3A_1681 {descending = true} : (vector<16xf32>, vector<16xf32>, vector<16xi1>) -> (vector<16xi1>, vector<16xf32>, vector<16xf32>)
        %mul3A_1685 = arith.mulf %get3A_1642, %mul3A_1162 : vector<16xf32>
        %add3A_1686 = arith.addf %get3A_1650, %mul3A_1685 : vector<16xf32>
        %mul3A_1687 = arith.mulf %get3A_1644, %mul3A_1174 : vector<16xf32>
        %add3A_1688 = arith.addf %add3A_1686, %mul3A_1687 : vector<16xf32>
        %mul3A_1689 = arith.mulf %get3A_1646, %mul3A_1186 : vector<16xf32>
        %add3A_1690 = arith.addf %add3A_1688, %mul3A_1689 : vector<16xf32>
        %masked_sort3A_1691 = arith.constant dense<true> : vector<16xi1>
        %masked_sort3A_1692, %masked_sort3A_1693, %masked_sort3A_1694 = tpu.sort %add3A_1690, %get3A_1648 masked %masked_sort3A_1691 : (vector<16xf32>, vector<16xf32>, vector<16xi1>) -> (vector<16xi1>, vector<16xf32>, vector<16xf32>)
        %le3A_1695 = arith.cmpf ole, %masked_sort3A_1618, %masked_sort3A_1693 : vector<16xf32>
        %select_n3A_1696 = arith.select %le3A_1695, %masked_sort3A_1618, %masked_sort3A_1693 : vector<16xi1>, vector<16xf32>
        %select_n3A_1697 = arith.select %le3A_1695, %masked_sort3A_1619, %masked_sort3A_1694 : vector<16xi1>, vector<16xf32>
        %masked_sort3A_1698 = arith.constant dense<true> : vector<16xi1>
        %masked_sort3A_1699, %masked_sort3A_1700, %masked_sort3A_1701 = tpu.sort %select_n3A_1696, %select_n3A_1697 masked %masked_sort3A_1698 {descending = true} : (vector<16xf32>, vector<16xf32>, vector<16xi1>) -> (vector<16xi1>, vector<16xf32>, vector<16xf32>)
        %mul3A_1702 = arith.mulf %get3A_1642, %mul3A_1165 : vector<16xf32>
        %add3A_1703 = arith.addf %get3A_1650, %mul3A_1702 : vector<16xf32>
        %mul3A_1704 = arith.mulf %get3A_1644, %mul3A_1177 : vector<16xf32>
        %add3A_1705 = arith.addf %add3A_1703, %mul3A_1704 : vector<16xf32>
        %mul3A_1706 = arith.mulf %get3A_1646, %mul3A_1189 : vector<16xf32>
        %add3A_1707 = arith.addf %add3A_1705, %mul3A_1706 : vector<16xf32>
        %masked_sort3A_1708 = arith.constant dense<true> : vector<16xi1>
        %masked_sort3A_1709, %masked_sort3A_1710, %masked_sort3A_1711 = tpu.sort %add3A_1707, %get3A_1648 masked %masked_sort3A_1708 : (vector<16xf32>, vector<16xf32>, vector<16xi1>) -> (vector<16xi1>, vector<16xf32>, vector<16xf32>)
        %le3A_1712 = arith.cmpf ole, %masked_sort3A_1635, %masked_sort3A_1710 : vector<16xf32>
        %select_n3A_1713 = arith.select %le3A_1712, %masked_sort3A_1635, %masked_sort3A_1710 : vector<16xi1>, vector<16xf32>
        %select_n3A_1714 = arith.select %le3A_1712, %masked_sort3A_1636, %masked_sort3A_1711 : vector<16xi1>, vector<16xf32>
        %masked_sort3A_1715 = arith.constant dense<true> : vector<16xi1>
        %masked_sort3A_1716, %masked_sort3A_1717, %masked_sort3A_1718 = tpu.sort %select_n3A_1713, %select_n3A_1714 masked %masked_sort3A_1715 {descending = true} : (vector<16xf32>, vector<16xf32>, vector<16xi1>) -> (vector<16xi1>, vector<16xf32>, vector<16xf32>)
        %scan3A_1719 = arith.constant 3 : i32
        %scan3A_1720 = arith.addi %scan3A_1468, %scan3A_1719 : i32
        %mul3A_1721 = arith.constant 16 : i32
        %mul3A_1722 = arith.muli %scan3A_1720, %mul3A_1721 : i32
        %get3A_1723 = arith.index_cast %mul3A_1722 : i32 to index
        %get3A_1724 = tpu.vector_load %arg4[%get3A_1723] {strides = array<i32>} : memref<2048xf32, #tpu.memory_space<vmem>>, vector<16xf32>,
        %get3A_1725 = arith.index_cast %mul3A_1722 : i32 to index
        %get3A_1726 = tpu.vector_load %arg5[%get3A_1725] {strides = array<i32>} : memref<2048xf32, #tpu.memory_space<vmem>>, vector<16xf32>,
        %get3A_1727 = arith.index_cast %mul3A_1722 : i32 to index
        %get3A_1728 = tpu.vector_load %arg6[%get3A_1727] {strides = array<i32>} : memref<2048xf32, #tpu.memory_space<vmem>>, vector<16xf32>,
        %get3A_1729 = arith.index_cast %mul3A_1722 : i32 to index
        %get3A_1730 = tpu.vector_load %arg7[%get3A_1729] {strides = array<i32>} : memref<2048xf32, #tpu.memory_space<vmem>>, vector<16xf32>,
        %get3A_1731 = arith.index_cast %mul3A_1722 : i32 to index
        %get3A_1732 = tpu.vector_load %arg8[%get3A_1731] {strides = array<i32>} : memref<2048xf32, #tpu.memory_space<vmem>>, vector<16xf32>,
        %mul3A_1733 = arith.mulf %get3A_1724, %mul3A_1156 : vector<16xf32>
        %add3A_1734 = arith.addf %get3A_1732, %mul3A_1733 : vector<16xf32>
        %mul3A_1735 = arith.mulf %get3A_1726, %mul3A_1168 : vector<16xf32>
        %add3A_1736 = arith.addf %add3A_1734, %mul3A_1735 : vector<16xf32>
        %mul3A_1737 = arith.mulf %get3A_1728, %mul3A_1180 : vector<16xf32>
        %add3A_1738 = arith.addf %add3A_1736, %mul3A_1737 : vector<16xf32>
        %masked_sort3A_1739 = arith.constant dense<true> : vector<16xi1>
        %masked_sort3A_1740, %masked_sort3A_1741, %masked_sort3A_1742 = tpu.sort %add3A_1738, %get3A_1730 masked %masked_sort3A_1739 : (vector<16xf32>, vector<16xf32>, vector<16xi1>) -> (vector<16xi1>, vector<16xf32>, vector<16xf32>)
        %le3A_1743 = arith.cmpf ole, %masked_sort3A_1666, %masked_sort3A_1741 : vector<16xf32>
        %select_n3A_1744 = arith.select %le3A_1743, %masked_sort3A_1666, %masked_sort3A_1741 : vector<16xi1>, vector<16xf32>
        %select_n3A_1745 = arith.select %le3A_1743, %masked_sort3A_1667, %masked_sort3A_1742 : vector<16xi1>, vector<16xf32>
        %masked_sort3A_1746 = arith.constant dense<true> : vector<16xi1>
        %masked_sort3A_1747, %masked_sort3A_1748, %masked_sort3A_1749 = tpu.sort %select_n3A_1744, %select_n3A_1745 masked %masked_sort3A_1746 {descending = true} : (vector<16xf32>, vector<16xf32>, vector<16xi1>) -> (vector<16xi1>, vector<16xf32>, vector<16xf32>)
        %mul3A_1750 = arith.mulf %get3A_1724, %mul3A_1159 : vector<16xf32>
        %add3A_1751 = arith.addf %get3A_1732, %mul3A_1750 : vector<16xf32>
        %mul3A_1752 = arith.mulf %get3A_1726, %mul3A_1171 : vector<16xf32>
        %add3A_1753 = arith.addf %add3A_1751, %mul3A_1752 : vector<16xf32>
        %mul3A_1754 = arith.mulf %get3A_1728, %mul3A_1183 : vector<16xf32>
        %add3A_1755 = arith.addf %add3A_1753, %mul3A_1754 : vector<16xf32>
        %masked_sort3A_1756 = arith.constant dense<true> : vector<16xi1>
        %masked_sort3A_1757, %masked_sort3A_1758, %masked_sort3A_1759 = tpu.sort %add3A_1755, %get3A_1730 masked %masked_sort3A_1756 : (vector<16xf32>, vector<16xf32>, vector<16xi1>) -> (vector<16xi1>, vector<16xf32>, vector<16xf32>)
        %le3A_1760 = arith.cmpf ole, %masked_sort3A_1683, %masked_sort3A_1758 : vector<16xf32>
        %select_n3A_1761 = arith.select %le3A_1760, %masked_sort3A_1683, %masked_sort3A_1758 : vector<16xi1>, vector<16xf32>
        %select_n3A_1762 = arith.select %le3A_1760, %masked_sort3A_1684, %masked_sort3A_1759 : vector<16xi1>, vector<16xf32>
        %masked_sort3A_1763 = arith.constant dense<true> : vector<16xi1>
        %masked_sort3A_1764, %masked_sort3A_1765, %masked_sort3A_1766 = tpu.sort %select_n3A_1761, %select_n3A_1762 masked %masked_sort3A_1763 {descending = true} : (vector<16xf32>, vector<16xf32>, vector<16xi1>) -> (vector<16xi1>, vector<16xf32>, vector<16xf32>)
        %mul3A_1767 = arith.mulf %get3A_1724, %mul3A_1162 : vector<16xf32>
        %add3A_1768 = arith.addf %get3A_1732, %mul3A_1767 : vector<16xf32>
        %mul3A_1769 = arith.mulf %get3A_1726, %mul3A_1174 : vector<16xf32>
        %add3A_1770 = arith.addf %add3A_1768, %mul3A_1769 : vector<16xf32>
        %mul3A_1771 = arith.mulf %get3A_1728, %mul3A_1186 : vector<16xf32>
        %add3A_1772 = arith.addf %add3A_1770, %mul3A_1771 : vector<16xf32>
        %masked_sort3A_1773 = arith.constant dense<true> : vector<16xi1>
        %masked_sort3A_1774, %masked_sort3A_1775, %masked_sort3A_1776 = tpu.sort %add3A_1772, %get3A_1730 masked %masked_sort3A_1773 : (vector<16xf32>, vector<16xf32>, vector<16xi1>) -> (vector<16xi1>, vector<16xf32>, vector<16xf32>)
        %le3A_1777 = arith.cmpf ole, %masked_sort3A_1700, %masked_sort3A_1775 : vector<16xf32>
        %select_n3A_1778 = arith.select %le3A_1777, %masked_sort3A_1700, %masked_sort3A_1775 : vector<16xi1>, vector<16xf32>
        %select_n3A_1779 = arith.select %le3A_1777, %masked_sort3A_1701, %masked_sort3A_1776 : vector<16xi1>, vector<16xf32>
        %masked_sort3A_1780 = arith.constant dense<true> : vector<16xi1>
        %masked_sort3A_1781, %masked_sort3A_1782, %masked_sort3A_1783 = tpu.sort %select_n3A_1778, %select_n3A_1779 masked %masked_sort3A_1780 {descending = true} : (vector<16xf32>, vector<16xf32>, vector<16xi1>) -> (vector<16xi1>, vector<16xf32>, vector<16xf32>)
        %mul3A_1784 = arith.mulf %get3A_1724, %mul3A_1165 : vector<16xf32>
        %add3A_1785 = arith.addf %get3A_1732, %mul3A_1784 : vector<16xf32>
        %mul3A_1786 = arith.mulf %get3A_1726, %mul3A_1177 : vector<16xf32>
        %add3A_1787 = arith.addf %add3A_1785, %mul3A_1786 : vector<16xf32>
        %mul3A_1788 = arith.mulf %get3A_1728, %mul3A_1189 : vector<16xf32>
        %add3A_1789 = arith.addf %add3A_1787, %mul3A_1788 : vector<16xf32>
        %masked_sort3A_1790 = arith.constant dense<true> : vector<16xi1>
        %masked_sort3A_1791, %masked_sort3A_1792, %masked_sort3A_1793 = tpu.sort %add3A_1789, %get3A_1730 masked %masked_sort3A_1790 : (vector<16xf32>, vector<16xf32>, vector<16xi1>) -> (vector<16xi1>, vector<16xf32>, vector<16xf32>)
        %le3A_1794 = arith.cmpf ole, %masked_sort3A_1717, %masked_sort3A_1792 : vector<16xf32>
        %select_n3A_1795 = arith.select %le3A_1794, %masked_sort3A_1717, %masked_sort3A_1792 : vector<16xi1>, vector<16xf32>
        %select_n3A_1796 = arith.select %le3A_1794, %masked_sort3A_1718, %masked_sort3A_1793 : vector<16xi1>, vector<16xf32>
        %masked_sort3A_1797 = arith.constant dense<true> : vector<16xi1>
        %masked_sort3A_1798, %masked_sort3A_1799, %masked_sort3A_1800 = tpu.sort %select_n3A_1795, %select_n3A_1796 masked %masked_sort3A_1797 {descending = true} : (vector<16xf32>, vector<16xf32>, vector<16xi1>) -> (vector<16xi1>, vector<16xf32>, vector<16xf32>)
        scf.yield %masked_sort3A_1748, %masked_sort3A_1749, %masked_sort3A_1765, %masked_sort3A_1766, %masked_sort3A_1782, %masked_sort3A_1783, %masked_sort3A_1799, %masked_sort3A_1800 : vector<16xf32>, vector<16xf32>, vector<16xf32>, vector<16xf32>, vector<16xf32>, vector<16xf32>, vector<16xf32>, vector<16xf32>
      }
      %scan3A_1216 = arith.constant 128 : i32
      %add3A_1217 = arith.addf %scan3A_1215#0, %add3A_1194 : vector<16xf32>
      %max3A_1218 = arith.constant 0.000000e+00 : f32
      %max3A_1219 = vector.broadcast %max3A_1218 : f32 to vector<16xf32>
      %max3A_1220 = arith.maximumf %add3A_1217, %max3A_1219 : vector<16xf32>
      %bitcast_convert_type3A_1221 = tpu.bitcast %max3A_1220 : vector<16xf32> -> vector<16xi32>
      %shift_right_arithmetic3A_1222 = arith.constant 1 : i32
      %shift_right_arithmetic3A_1223 = vector.broadcast %shift_right_arithmetic3A_1222 : i32 to vector<16xi32>
      %shift_right_arithmetic3A_1224 = arith.shrsi %bitcast_convert_type3A_1221, %shift_right_arithmetic3A_1223 : vector<16xi32>
      %sub3A_1225 = arith.constant 1597463007 : i32
      %sub3A_1226 = vector.broadcast %sub3A_1225 : i32 to vector<16xi32>
      %sub3A_1227 = arith.subi %sub3A_1226, %shift_right_arithmetic3A_1224 : vector<16xi32>
      %bitcast_convert_type3A_1228 = tpu.bitcast %sub3A_1227 : vector<16xi32> -> vector<16xf32>
      %mul3A_1229 = arith.constant 5.000000e-01 : f32
      %mul3A_1230 = vector.broadcast %mul3A_1229 : f32 to vector<16xf32>
      %mul3A_1231 = arith.mulf %mul3A_1230, %max3A_1220 : vector<16xf32>
      %mul3A_1232 = arith.mulf %mul3A_1231, %bitcast_convert_type3A_1228 : vector<16xf32>
      %mul3A_1233 = arith.mulf %mul3A_1232, %bitcast_convert_type3A_1228 : vector<16xf32>
      %sub3A_1234 = arith.constant 1.500000e+00 : f32
      %sub3A_1235 = vector.broadcast %sub3A_1234 : f32 to vector<16xf32>
      %sub3A_1236 = arith.subf %sub3A_1235, %mul3A_1233 : vector<16xf32>
      %mul3A_1237 = arith.mulf %bitcast_convert_type3A_1228, %sub3A_1236 : vector<16xf32>
      %mul3A_1238 = arith.constant 5.000000e-01 : f32
      %mul3A_1239 = vector.broadcast %mul3A_1238 : f32 to vector<16xf32>
      %mul3A_1240 = arith.mulf %mul3A_1239, %max3A_1220 : vector<16xf32>
      %mul3A_1241 = arith.mulf %mul3A_1240, %mul3A_1237 : vector<16xf32>
      %mul3A_1242 = arith.mulf %mul3A_1241, %mul3A_1237 : vector<16xf32>
      %sub3A_1243 = arith.constant 1.500000e+00 : f32
      %sub3A_1244 = vector.broadcast %sub3A_1243 : f32 to vector<16xf32>
      %sub3A_1245 = arith.subf %sub3A_1244, %mul3A_1242 : vector<16xf32>
      %mul3A_1246 = arith.mulf %mul3A_1237, %sub3A_1245 : vector<16xf32>
      %mul3A_1247 = arith.constant 5.000000e-01 : f32
      %mul3A_1248 = vector.broadcast %mul3A_1247 : f32 to vector<16xf32>
      %mul3A_1249 = arith.mulf %mul3A_1248, %max3A_1220 : vector<16xf32>
      %mul3A_1250 = arith.mulf %mul3A_1249, %mul3A_1246 : vector<16xf32>
      %mul3A_1251 = arith.mulf %mul3A_1250, %mul3A_1246 : vector<16xf32>
      %sub3A_1252 = arith.constant 1.500000e+00 : f32
      %sub3A_1253 = vector.broadcast %sub3A_1252 : f32 to vector<16xf32>
      %sub3A_1254 = arith.subf %sub3A_1253, %mul3A_1251 : vector<16xf32>
      %mul3A_1255 = arith.mulf %mul3A_1246, %sub3A_1254 : vector<16xf32>
      %mul3A_1256 = arith.mulf %max3A_1220, %mul3A_1255 : vector<16xf32>
      %sub3A_1257 = arith.subf %mul3A_1256, %scan3A_1215#1 : vector<16xf32>
      %ge3A_1258 = arith.constant 5 : i32
      %ge3A_1259 = vector.broadcast %ge3A_1258 : i32 to vector<16xi32>
      %ge3A_1260 = arith.cmpi sge, %iota3A, %ge3A_1259 : vector<16xi32>
      %lt3A_1261 = arith.constant 15 : i32
      %lt3A_1262 = vector.broadcast %lt3A_1261 : i32 to vector<16xi32>
      %lt3A_1263 = arith.cmpi slt, %iota3A, %lt3A_1262 : vector<16xi32>
      %and3A_1264 = arith.andi %ge3A_1260, %lt3A_1263 : vector<16xi1>
      %broadcast_in_dim3A_1265 = vector.broadcast %scan3A_44 : f32 to vector<16xf32>
      %select_n3A_1266 = arith.select %and3A_1264, %sub3A_1257, %broadcast_in_dim3A_1265 : vector<16xi1>, vector<16xf32>
      %reduce_min3A_1267 = arith.constant true
      %reduce_min3A_1268 = vector.broadcast %reduce_min3A_1267 : i1 to vector<16xi1>
      %reduce_min3A_1269 = tpu.scan <min>, %select_n3A_1266 masked %reduce_min3A_1268 : vector<16xf32>, vector<16xi1> -> vector<16xf32>
      %reduce_min3A_1270 = vector.extract %reduce_min3A_1269[15] : f32 from vector<16xf32>
      %slice3A_1271 = vector.extract_strided_slice %get3A_83 {offsets = [12], sizes = [1], strides = [1]} : vector<16xf32> to vector<1xf32>
      %squeeze3A_1272 = vector.extract %slice3A_1271[0] : f32 from vector<1xf32>
      %sub3A_1273 = arith.subf %reduce_min3A_1270, %squeeze3A_1272 : f32
      %eq3A_1274 = arith.constant 12 : i32
      %eq3A_1275 = vector.broadcast %eq3A_1274 : i32 to vector<16xi32>
      %eq3A_1276 = arith.cmpi eq, %iota3A, %eq3A_1275 : vector<16xi32>
      %broadcast_in_dim3A_1277 = vector.broadcast %sub3A_1273 : f32 to vector<16xf32>
      %select_n3A_1278 = arith.select %eq3A_1276, %broadcast_in_dim3A_1277, %select_n3A_1117 : vector<16xi1>, vector<16xf32>
      %add3A_1279 = arith.addf %scan3A_1215#2, %add3A_1199 : vector<16xf32>
      %max3A_1280 = arith.constant 0.000000e+00 : f32
      %max3A_1281 = vector.broadcast %max3A_1280 : f32 to vector<16xf32>
      %max3A_1282 = arith.maximumf %add3A_1279, %max3A_1281 : vector<16xf32>
      %bitcast_convert_type3A_1283 = tpu.bitcast %max3A_1282 : vector<16xf32> -> vector<16xi32>
      %shift_right_arithmetic3A_1284 = arith.constant 1 : i32
      %shift_right_arithmetic3A_1285 = vector.broadcast %shift_right_arithmetic3A_1284 : i32 to vector<16xi32>
      %shift_right_arithmetic3A_1286 = arith.shrsi %bitcast_convert_type3A_1283, %shift_right_arithmetic3A_1285 : vector<16xi32>
      %sub3A_1287 = arith.constant 1597463007 : i32
      %sub3A_1288 = vector.broadcast %sub3A_1287 : i32 to vector<16xi32>
      %sub3A_1289 = arith.subi %sub3A_1288, %shift_right_arithmetic3A_1286 : vector<16xi32>
      %bitcast_convert_type3A_1290 = tpu.bitcast %sub3A_1289 : vector<16xi32> -> vector<16xf32>
      %mul3A_1291 = arith.constant 5.000000e-01 : f32
      %mul3A_1292 = vector.broadcast %mul3A_1291 : f32 to vector<16xf32>
      %mul3A_1293 = arith.mulf %mul3A_1292, %max3A_1282 : vector<16xf32>
      %mul3A_1294 = arith.mulf %mul3A_1293, %bitcast_convert_type3A_1290 : vector<16xf32>
      %mul3A_1295 = arith.mulf %mul3A_1294, %bitcast_convert_type3A_1290 : vector<16xf32>
      %sub3A_1296 = arith.constant 1.500000e+00 : f32
      %sub3A_1297 = vector.broadcast %sub3A_1296 : f32 to vector<16xf32>
      %sub3A_1298 = arith.subf %sub3A_1297, %mul3A_1295 : vector<16xf32>
      %mul3A_1299 = arith.mulf %bitcast_convert_type3A_1290, %sub3A_1298 : vector<16xf32>
      %mul3A_1300 = arith.constant 5.000000e-01 : f32
      %mul3A_1301 = vector.broadcast %mul3A_1300 : f32 to vector<16xf32>
      %mul3A_1302 = arith.mulf %mul3A_1301, %max3A_1282 : vector<16xf32>
      %mul3A_1303 = arith.mulf %mul3A_1302, %mul3A_1299 : vector<16xf32>
      %mul3A_1304 = arith.mulf %mul3A_1303, %mul3A_1299 : vector<16xf32>
      %sub3A_1305 = arith.constant 1.500000e+00 : f32
      %sub3A_1306 = vector.broadcast %sub3A_1305 : f32 to vector<16xf32>
      %sub3A_1307 = arith.subf %sub3A_1306, %mul3A_1304 : vector<16xf32>
      %mul3A_1308 = arith.mulf %mul3A_1299, %sub3A_1307 : vector<16xf32>
      %mul3A_1309 = arith.constant 5.000000e-01 : f32
      %mul3A_1310 = vector.broadcast %mul3A_1309 : f32 to vector<16xf32>
      %mul3A_1311 = arith.mulf %mul3A_1310, %max3A_1282 : vector<16xf32>
      %mul3A_1312 = arith.mulf %mul3A_1311, %mul3A_1308 : vector<16xf32>
      %mul3A_1313 = arith.mulf %mul3A_1312, %mul3A_1308 : vector<16xf32>
      %sub3A_1314 = arith.constant 1.500000e+00 : f32
      %sub3A_1315 = vector.broadcast %sub3A_1314 : f32 to vector<16xf32>
      %sub3A_1316 = arith.subf %sub3A_1315, %mul3A_1313 : vector<16xf32>
      %mul3A_1317 = arith.mulf %mul3A_1308, %sub3A_1316 : vector<16xf32>
      %mul3A_1318 = arith.mulf %max3A_1282, %mul3A_1317 : vector<16xf32>
      %sub3A_1319 = arith.subf %mul3A_1318, %scan3A_1215#3 : vector<16xf32>
      %ge3A_1320 = arith.constant 5 : i32
      %ge3A_1321 = vector.broadcast %ge3A_1320 : i32 to vector<16xi32>
      %ge3A_1322 = arith.cmpi sge, %iota3A, %ge3A_1321 : vector<16xi32>
      %lt3A_1323 = arith.constant 15 : i32
      %lt3A_1324 = vector.broadcast %lt3A_1323 : i32 to vector<16xi32>
      %lt3A_1325 = arith.cmpi slt, %iota3A, %lt3A_1324 : vector<16xi32>
      %and3A_1326 = arith.andi %ge3A_1322, %lt3A_1325 : vector<16xi1>
      %broadcast_in_dim3A_1327 = vector.broadcast %scan3A_44 : f32 to vector<16xf32>
      %select_n3A_1328 = arith.select %and3A_1326, %sub3A_1319, %broadcast_in_dim3A_1327 : vector<16xi1>, vector<16xf32>
      %reduce_min3A_1329 = arith.constant true
      %reduce_min3A_1330 = vector.broadcast %reduce_min3A_1329 : i1 to vector<16xi1>
      %reduce_min3A_1331 = tpu.scan <min>, %select_n3A_1328 masked %reduce_min3A_1330 : vector<16xf32>, vector<16xi1> -> vector<16xf32>
      %reduce_min3A_1332 = vector.extract %reduce_min3A_1331[15] : f32 from vector<16xf32>
      %slice3A_1333 = vector.extract_strided_slice %get3A_83 {offsets = [13], sizes = [1], strides = [1]} : vector<16xf32> to vector<1xf32>
      %squeeze3A_1334 = vector.extract %slice3A_1333[0] : f32 from vector<1xf32>
      %sub3A_1335 = arith.subf %reduce_min3A_1332, %squeeze3A_1334 : f32
      %eq3A_1336 = arith.constant 13 : i32
      %eq3A_1337 = vector.broadcast %eq3A_1336 : i32 to vector<16xi32>
      %eq3A_1338 = arith.cmpi eq, %iota3A, %eq3A_1337 : vector<16xi32>
      %broadcast_in_dim3A_1339 = vector.broadcast %sub3A_1335 : f32 to vector<16xf32>
      %select_n3A_1340 = arith.select %eq3A_1338, %broadcast_in_dim3A_1339, %select_n3A_1278 : vector<16xi1>, vector<16xf32>
      %add3A_1341 = arith.addf %scan3A_1215#4, %add3A_1204 : vector<16xf32>
      %max3A_1342 = arith.constant 0.000000e+00 : f32
      %max3A_1343 = vector.broadcast %max3A_1342 : f32 to vector<16xf32>
      %max3A_1344 = arith.maximumf %add3A_1341, %max3A_1343 : vector<16xf32>
      %bitcast_convert_type3A_1345 = tpu.bitcast %max3A_1344 : vector<16xf32> -> vector<16xi32>
      %shift_right_arithmetic3A_1346 = arith.constant 1 : i32
      %shift_right_arithmetic3A_1347 = vector.broadcast %shift_right_arithmetic3A_1346 : i32 to vector<16xi32>
      %shift_right_arithmetic3A_1348 = arith.shrsi %bitcast_convert_type3A_1345, %shift_right_arithmetic3A_1347 : vector<16xi32>
      %sub3A_1349 = arith.constant 1597463007 : i32
      %sub3A_1350 = vector.broadcast %sub3A_1349 : i32 to vector<16xi32>
      %sub3A_1351 = arith.subi %sub3A_1350, %shift_right_arithmetic3A_1348 : vector<16xi32>
      %bitcast_convert_type3A_1352 = tpu.bitcast %sub3A_1351 : vector<16xi32> -> vector<16xf32>
      %mul3A_1353 = arith.constant 5.000000e-01 : f32
      %mul3A_1354 = vector.broadcast %mul3A_1353 : f32 to vector<16xf32>
      %mul3A_1355 = arith.mulf %mul3A_1354, %max3A_1344 : vector<16xf32>
      %mul3A_1356 = arith.mulf %mul3A_1355, %bitcast_convert_type3A_1352 : vector<16xf32>
      %mul3A_1357 = arith.mulf %mul3A_1356, %bitcast_convert_type3A_1352 : vector<16xf32>
      %sub3A_1358 = arith.constant 1.500000e+00 : f32
      %sub3A_1359 = vector.broadcast %sub3A_1358 : f32 to vector<16xf32>
      %sub3A_1360 = arith.subf %sub3A_1359, %mul3A_1357 : vector<16xf32>
      %mul3A_1361 = arith.mulf %bitcast_convert_type3A_1352, %sub3A_1360 : vector<16xf32>
      %mul3A_1362 = arith.constant 5.000000e-01 : f32
      %mul3A_1363 = vector.broadcast %mul3A_1362 : f32 to vector<16xf32>
      %mul3A_1364 = arith.mulf %mul3A_1363, %max3A_1344 : vector<16xf32>
      %mul3A_1365 = arith.mulf %mul3A_1364, %mul3A_1361 : vector<16xf32>
      %mul3A_1366 = arith.mulf %mul3A_1365, %mul3A_1361 : vector<16xf32>
      %sub3A_1367 = arith.constant 1.500000e+00 : f32
      %sub3A_1368 = vector.broadcast %sub3A_1367 : f32 to vector<16xf32>
      %sub3A_1369 = arith.subf %sub3A_1368, %mul3A_1366 : vector<16xf32>
      %mul3A_1370 = arith.mulf %mul3A_1361, %sub3A_1369 : vector<16xf32>
      %mul3A_1371 = arith.constant 5.000000e-01 : f32
      %mul3A_1372 = vector.broadcast %mul3A_1371 : f32 to vector<16xf32>
      %mul3A_1373 = arith.mulf %mul3A_1372, %max3A_1344 : vector<16xf32>
      %mul3A_1374 = arith.mulf %mul3A_1373, %mul3A_1370 : vector<16xf32>
      %mul3A_1375 = arith.mulf %mul3A_1374, %mul3A_1370 : vector<16xf32>
      %sub3A_1376 = arith.constant 1.500000e+00 : f32
      %sub3A_1377 = vector.broadcast %sub3A_1376 : f32 to vector<16xf32>
      %sub3A_1378 = arith.subf %sub3A_1377, %mul3A_1375 : vector<16xf32>
      %mul3A_1379 = arith.mulf %mul3A_1370, %sub3A_1378 : vector<16xf32>
      %mul3A_1380 = arith.mulf %max3A_1344, %mul3A_1379 : vector<16xf32>
      %sub3A_1381 = arith.subf %mul3A_1380, %scan3A_1215#5 : vector<16xf32>
      %ge3A_1382 = arith.constant 5 : i32
      %ge3A_1383 = vector.broadcast %ge3A_1382 : i32 to vector<16xi32>
      %ge3A_1384 = arith.cmpi sge, %iota3A, %ge3A_1383 : vector<16xi32>
      %lt3A_1385 = arith.constant 15 : i32
      %lt3A_1386 = vector.broadcast %lt3A_1385 : i32 to vector<16xi32>
      %lt3A_1387 = arith.cmpi slt, %iota3A, %lt3A_1386 : vector<16xi32>
      %and3A_1388 = arith.andi %ge3A_1384, %lt3A_1387 : vector<16xi1>
      %broadcast_in_dim3A_1389 = vector.broadcast %scan3A_44 : f32 to vector<16xf32>
      %select_n3A_1390 = arith.select %and3A_1388, %sub3A_1381, %broadcast_in_dim3A_1389 : vector<16xi1>, vector<16xf32>
      %reduce_min3A_1391 = arith.constant true
      %reduce_min3A_1392 = vector.broadcast %reduce_min3A_1391 : i1 to vector<16xi1>
      %reduce_min3A_1393 = tpu.scan <min>, %select_n3A_1390 masked %reduce_min3A_1392 : vector<16xf32>, vector<16xi1> -> vector<16xf32>
      %reduce_min3A_1394 = vector.extract %reduce_min3A_1393[15] : f32 from vector<16xf32>
      %slice3A_1395 = vector.extract_strided_slice %get3A_83 {offsets = [14], sizes = [1], strides = [1]} : vector<16xf32> to vector<1xf32>
      %squeeze3A_1396 = vector.extract %slice3A_1395[0] : f32 from vector<1xf32>
      %sub3A_1397 = arith.subf %reduce_min3A_1394, %squeeze3A_1396 : f32
      %eq3A_1398 = arith.constant 14 : i32
      %eq3A_1399 = vector.broadcast %eq3A_1398 : i32 to vector<16xi32>
      %eq3A_1400 = arith.cmpi eq, %iota3A, %eq3A_1399 : vector<16xi32>
      %broadcast_in_dim3A_1401 = vector.broadcast %sub3A_1397 : f32 to vector<16xf32>
      %select_n3A_1402 = arith.select %eq3A_1400, %broadcast_in_dim3A_1401, %select_n3A_1340 : vector<16xi1>, vector<16xf32>
      %add3A_1403 = arith.addf %scan3A_1215#6, %add3A_1209 : vector<16xf32>
      %max3A_1404 = arith.constant 0.000000e+00 : f32
      %max3A_1405 = vector.broadcast %max3A_1404 : f32 to vector<16xf32>
      %max3A_1406 = arith.maximumf %add3A_1403, %max3A_1405 : vector<16xf32>
      %bitcast_convert_type3A_1407 = tpu.bitcast %max3A_1406 : vector<16xf32> -> vector<16xi32>
      %shift_right_arithmetic3A_1408 = arith.constant 1 : i32
      %shift_right_arithmetic3A_1409 = vector.broadcast %shift_right_arithmetic3A_1408 : i32 to vector<16xi32>
      %shift_right_arithmetic3A_1410 = arith.shrsi %bitcast_convert_type3A_1407, %shift_right_arithmetic3A_1409 : vector<16xi32>
      %sub3A_1411 = arith.constant 1597463007 : i32
      %sub3A_1412 = vector.broadcast %sub3A_1411 : i32 to vector<16xi32>
      %sub3A_1413 = arith.subi %sub3A_1412, %shift_right_arithmetic3A_1410 : vector<16xi32>
      %bitcast_convert_type3A_1414 = tpu.bitcast %sub3A_1413 : vector<16xi32> -> vector<16xf32>
      %mul3A_1415 = arith.constant 5.000000e-01 : f32
      %mul3A_1416 = vector.broadcast %mul3A_1415 : f32 to vector<16xf32>
      %mul3A_1417 = arith.mulf %mul3A_1416, %max3A_1406 : vector<16xf32>
      %mul3A_1418 = arith.mulf %mul3A_1417, %bitcast_convert_type3A_1414 : vector<16xf32>
      %mul3A_1419 = arith.mulf %mul3A_1418, %bitcast_convert_type3A_1414 : vector<16xf32>
      %sub3A_1420 = arith.constant 1.500000e+00 : f32
      %sub3A_1421 = vector.broadcast %sub3A_1420 : f32 to vector<16xf32>
      %sub3A_1422 = arith.subf %sub3A_1421, %mul3A_1419 : vector<16xf32>
      %mul3A_1423 = arith.mulf %bitcast_convert_type3A_1414, %sub3A_1422 : vector<16xf32>
      %mul3A_1424 = arith.constant 5.000000e-01 : f32
      %mul3A_1425 = vector.broadcast %mul3A_1424 : f32 to vector<16xf32>
      %mul3A_1426 = arith.mulf %mul3A_1425, %max3A_1406 : vector<16xf32>
      %mul3A_1427 = arith.mulf %mul3A_1426, %mul3A_1423 : vector<16xf32>
      %mul3A_1428 = arith.mulf %mul3A_1427, %mul3A_1423 : vector<16xf32>
      %sub3A_1429 = arith.constant 1.500000e+00 : f32
      %sub3A_1430 = vector.broadcast %sub3A_1429 : f32 to vector<16xf32>
      %sub3A_1431 = arith.subf %sub3A_1430, %mul3A_1428 : vector<16xf32>
      %mul3A_1432 = arith.mulf %mul3A_1423, %sub3A_1431 : vector<16xf32>
      %mul3A_1433 = arith.constant 5.000000e-01 : f32
      %mul3A_1434 = vector.broadcast %mul3A_1433 : f32 to vector<16xf32>
      %mul3A_1435 = arith.mulf %mul3A_1434, %max3A_1406 : vector<16xf32>
      %mul3A_1436 = arith.mulf %mul3A_1435, %mul3A_1432 : vector<16xf32>
      %mul3A_1437 = arith.mulf %mul3A_1436, %mul3A_1432 : vector<16xf32>
      %sub3A_1438 = arith.constant 1.500000e+00 : f32
      %sub3A_1439 = vector.broadcast %sub3A_1438 : f32 to vector<16xf32>
      %sub3A_1440 = arith.subf %sub3A_1439, %mul3A_1437 : vector<16xf32>
      %mul3A_1441 = arith.mulf %mul3A_1432, %sub3A_1440 : vector<16xf32>
      %mul3A_1442 = arith.mulf %max3A_1406, %mul3A_1441 : vector<16xf32>
      %sub3A_1443 = arith.subf %mul3A_1442, %scan3A_1215#7 : vector<16xf32>
      %ge3A_1444 = arith.constant 5 : i32
      %ge3A_1445 = vector.broadcast %ge3A_1444 : i32 to vector<16xi32>
      %ge3A_1446 = arith.cmpi sge, %iota3A, %ge3A_1445 : vector<16xi32>
      %lt3A_1447 = arith.constant 15 : i32
      %lt3A_1448 = vector.broadcast %lt3A_1447 : i32 to vector<16xi32>
      %lt3A_1449 = arith.cmpi slt, %iota3A, %lt3A_1448 : vector<16xi32>
      %and3A_1450 = arith.andi %ge3A_1446, %lt3A_1449 : vector<16xi1>
      %broadcast_in_dim3A_1451 = vector.broadcast %scan3A_44 : f32 to vector<16xf32>
      %select_n3A_1452 = arith.select %and3A_1450, %sub3A_1443, %broadcast_in_dim3A_1451 : vector<16xi1>, vector<16xf32>
      %reduce_min3A_1453 = arith.constant true
      %reduce_min3A_1454 = vector.broadcast %reduce_min3A_1453 : i1 to vector<16xi1>
      %reduce_min3A_1455 = tpu.scan <min>, %select_n3A_1452 masked %reduce_min3A_1454 : vector<16xf32>, vector<16xi1> -> vector<16xf32>
      %reduce_min3A_1456 = vector.extract %reduce_min3A_1455[15] : f32 from vector<16xf32>
      %slice3A_1457 = vector.extract_strided_slice %get3A_83 {offsets = [15], sizes = [1], strides = [1]} : vector<16xf32> to vector<1xf32>
      %squeeze3A_1458 = vector.extract %slice3A_1457[0] : f32 from vector<1xf32>
      %sub3A_1459 = arith.subf %reduce_min3A_1456, %squeeze3A_1458 : f32
      %eq3A_1460 = arith.constant 15 : i32
      %eq3A_1461 = vector.broadcast %eq3A_1460 : i32 to vector<16xi32>
      %eq3A_1462 = arith.cmpi eq, %iota3A, %eq3A_1461 : vector<16xi32>
      %broadcast_in_dim3A_1463 = vector.broadcast %sub3A_1459 : f32 to vector<16xf32>
      %select_n3A_1464 = arith.select %eq3A_1462, %broadcast_in_dim3A_1463, %select_n3A_1402 : vector<16xi1>, vector<16xf32>
      %add3A_1465 = arith.addf %scan3A_72, %select_n3A_1464 : vector<16xf32>
      %mul3A_1466 = arith.mulf %select_n3A_1464, %select_n3A_1464 : vector<16xf32>
      %add3A_1467 = arith.addf %scan3A_73, %mul3A_1466 : vector<16xf32>
      scf.yield %add3A_1465, %add3A_1467 : vector<16xf32>, vector<16xf32>
    }
    %scan3A_50 = arith.constant 10 : i32
    %reduce_sum3A = arith.constant true
    %reduce_sum3A_51 = vector.broadcast %reduce_sum3A : i1 to vector<16xi1>
    %reduce_sum3A_52 = tpu.scan <sum>, %scan3A_49#0 masked %reduce_sum3A_51 : vector<16xf32>, vector<16xi1> -> vector<16xf32>
    %reduce_sum3A_53 = vector.extract %reduce_sum3A_52[15] : f32 from vector<16xf32>
    %reduce_sum3A_54 = arith.constant true
    %reduce_sum3A_55 = vector.broadcast %reduce_sum3A_54 : i1 to vector<16xi1>
    %reduce_sum3A_56 = tpu.scan <sum>, %scan3A_49#1 masked %reduce_sum3A_55 : vector<16xf32>, vector<16xi1> -> vector<16xf32>
    %reduce_sum3A_57 = vector.extract %reduce_sum3A_56[15] : f32 from vector<16xf32>
    %eq3A_58 = arith.constant 0 : i32
    %eq3A_59 = vector.broadcast %eq3A_58 : i32 to vector<16xi32>
    %eq3A_60 = arith.cmpi eq, %iota3A, %eq3A_59 : vector<16xi32>
    %eq3A_61 = arith.constant 1 : i32
    %eq3A_62 = vector.broadcast %eq3A_61 : i32 to vector<16xi32>
    %eq3A_63 = arith.cmpi eq, %iota3A, %eq3A_62 : vector<16xi32>
    %jit3A_64 = arith.constant 0.000000e+00 : f32
    %broadcast_in_dim3A_65 = vector.broadcast %reduce_sum3A_57 : f32 to vector<16xf32>
    %broadcast_in_dim3A_66 = vector.broadcast %jit3A_64 : f32 to vector<16xf32>
    %select_n3A_67 = arith.select %eq3A_63, %broadcast_in_dim3A_65, %broadcast_in_dim3A_66 : vector<16xi1>, vector<16xf32>
    %broadcast_in_dim3A_68 = vector.broadcast %reduce_sum3A_53 : f32 to vector<16xf32>
    %select_n3A_69 = arith.select %eq3A_60, %broadcast_in_dim3A_68, %select_n3A_67 : vector<16xi1>, vector<16xf32>
    %swap3A = arith.constant 0 : index
    %swap3A_70 = tpu.vector_load %arg9[%swap3A] {strides = array<i32>} : memref<16xf32, #tpu.memory_space<vmem>>, vector<16xf32>,
    tpu.vector_store %arg9[%swap3A], %select_n3A_69 {strides = array<i32>} : memref<16xf32, #tpu.memory_space<vmem>>, vector<16xf32>,
    "tpu.region"() ({
      %run_scoped3A_71 = tpu.sem_alloc : memref<!tpu.dma_semaphore, #tpu.memory_space<semaphore_mem>>
      %dma_start3A = arith.constant 0 : i32
      %dma_start3A_72 = tpu.memref_slice %arg3[%add3A, %dma_start3A] : memref<32x16xf32, #tpu.memory_space<hbm>> -> memref<1x16xf32, #tpu.memory_space<hbm>>
      %dma_start3A_73 = tpu.memref_squeeze %dma_start3A_72 : memref<1x16xf32, #tpu.memory_space<hbm>> -> memref<16xf32, #tpu.memory_space<hbm>>
      %dma_start3A_74 = arith.constant 0 : i32
      %dma_start3A_75 = tpu.memref_slice %arg3[%add3A, %dma_start3A_74] : memref<32x16xf32, #tpu.memory_space<hbm>> -> memref<1x16xf32, #tpu.memory_space<hbm>>
      %dma_start3A_76 = tpu.memref_squeeze %dma_start3A_75 : memref<1x16xf32, #tpu.memory_space<hbm>> -> memref<16xf32, #tpu.memory_space<hbm>>
      tpu.enqueue_dma source(%arg9 : memref<16xf32, #tpu.memory_space<vmem>>) target(%dma_start3A_76 : memref<16xf32, #tpu.memory_space<hbm>>) target_semaphore(%run_scoped3A_71 : memref<!tpu.dma_semaphore, #tpu.memory_space<semaphore_mem>>)
      %dma_wait3A = arith.constant 0 : i32
      %dma_wait3A_77 = tpu.memref_slice %arg3[%add3A, %dma_wait3A] : memref<32x16xf32, #tpu.memory_space<hbm>> -> memref<1x16xf32, #tpu.memory_space<hbm>>
      %dma_wait3A_78 = tpu.memref_squeeze %dma_wait3A_77 : memref<1x16xf32, #tpu.memory_space<hbm>> -> memref<16xf32, #tpu.memory_space<hbm>>
      %dma_wait3A_79 = arith.constant 0 : i32
      %dma_wait3A_80 = tpu.memref_slice %arg3[%add3A, %dma_wait3A_79] : memref<32x16xf32, #tpu.memory_space<hbm>> -> memref<1x16xf32, #tpu.memory_space<hbm>>
      %dma_wait3A_81 = tpu.memref_squeeze %dma_wait3A_80 : memref<1x16xf32, #tpu.memory_space<hbm>> -> memref<16xf32, #tpu.memory_space<hbm>>
      tpu.wait_dma2 semaphore(%run_scoped3A_71 : memref<!tpu.dma_semaphore, #tpu.memory_space<semaphore_mem>>) src(%arg9 : memref<16xf32, #tpu.memory_space<vmem>>) dst(%dma_wait3A_81 : memref<16xf32, #tpu.memory_space<hbm>>)
      tpu.yield
    }) : () -> ()
    return
  }
}

module attributes {stable_mosaic.version = 14 : i64} {
  func.func @_tc_body(%arg0: i32, %arg1: i32, %arg2: memref<1x4x2048xf32, #tpu.memory_space<vmem>>, %arg3: memref<8x128xf32, #tpu.memory_space<vmem>>, %arg4: memref<768x2048xf32, #tpu.memory_space<vmem>>, %arg5: memref<2xf32, #tpu.memory_space<smem>>) attributes {dimension_semantics = [#tpu.dimension_semantics<arbitrary>, #tpu.dimension_semantics<arbitrary>], iteration_bounds = array<i64: 4, 1>, scalar_prefetch = 0 : i64, scratch_operands = 2 : i64, tpu.core_type = #tpu.core_type<tc>, window_params = [{transform_indices = @transform_0, window_bounds = array<i64: 1, 4, 2048>}, {pipeline_mode = #tpu.pipeline_mode<synchronous>, transform_indices = @transform_1, window_bounds = array<i64: 8, 128>}]} {
    %get3A = arith.constant 0 : index
    %get3A_0 = arith.constant 0 : index
    %get3A_1 = arith.constant 0 : index
    %get3A_2 = vector.load %arg2[%get3A, %get3A_0, %get3A_1] : memref<1x4x2048xf32, #tpu.memory_space<vmem>>, vector<1x1x2048xf32>
    %get3A_3 = vector.shape_cast %get3A_2 : vector<1x1x2048xf32> to vector<2048xf32>
    %get3A_4 = arith.constant 0 : index
    %get3A_5 = arith.constant 1 : index
    %get3A_6 = arith.constant 0 : index
    %get3A_7 = vector.load %arg2[%get3A_4, %get3A_5, %get3A_6] : memref<1x4x2048xf32, #tpu.memory_space<vmem>>, vector<1x1x2048xf32>
    %get3A_8 = vector.shape_cast %get3A_7 : vector<1x1x2048xf32> to vector<2048xf32>
    %get3A_9 = arith.constant 0 : index
    %get3A_10 = arith.constant 2 : index
    %get3A_11 = arith.constant 0 : index
    %get3A_12 = vector.load %arg2[%get3A_9, %get3A_10, %get3A_11] : memref<1x4x2048xf32, #tpu.memory_space<vmem>>, vector<1x1x2048xf32>
    %get3A_13 = vector.shape_cast %get3A_12 : vector<1x1x2048xf32> to vector<2048xf32>
    %get3A_14 = arith.constant 0 : index
    %get3A_15 = arith.constant 3 : index
    %get3A_16 = arith.constant 0 : index
    %get3A_17 = vector.load %arg2[%get3A_14, %get3A_15, %get3A_16] : memref<1x4x2048xf32, #tpu.memory_space<vmem>>, vector<1x1x2048xf32>
    %get3A_18 = vector.shape_cast %get3A_17 : vector<1x1x2048xf32> to vector<2048xf32>
    %mul3A = arith.constant 768 : i32
    %mul3A_19 = arith.muli %arg1, %mul3A : i32
    %get3A_20 = arith.constant 0 : index
    %get3A_21 = arith.constant 0 : index
    %get3A_22 = arith.index_cast %mul3A_19 : i32 to index
    %get3A_23 = vector.load %arg2[%get3A_20, %get3A_21, %get3A_22] : memref<1x4x2048xf32, #tpu.memory_space<vmem>>, vector<1x1x768xf32>
    %get3A_24 = vector.shape_cast %get3A_23 : vector<1x1x768xf32> to vector<768xf32>
    %mul3A_25 = arith.constant 768 : i32
    %mul3A_26 = arith.muli %arg1, %mul3A_25 : i32
    %get3A_27 = arith.constant 0 : index
    %get3A_28 = arith.constant 1 : index
    %get3A_29 = arith.index_cast %mul3A_26 : i32 to index
    %get3A_30 = vector.load %arg2[%get3A_27, %get3A_28, %get3A_29] : memref<1x4x2048xf32, #tpu.memory_space<vmem>>, vector<1x1x768xf32>
    %get3A_31 = vector.shape_cast %get3A_30 : vector<1x1x768xf32> to vector<768xf32>
    %mul3A_32 = arith.constant 768 : i32
    %mul3A_33 = arith.muli %arg1, %mul3A_32 : i32
    %get3A_34 = arith.constant 0 : index
    %get3A_35 = arith.constant 2 : index
    %get3A_36 = arith.index_cast %mul3A_33 : i32 to index
    %get3A_37 = vector.load %arg2[%get3A_34, %get3A_35, %get3A_36] : memref<1x4x2048xf32, #tpu.memory_space<vmem>>, vector<1x1x768xf32>
    %get3A_38 = vector.shape_cast %get3A_37 : vector<1x1x768xf32> to vector<768xf32>
    %mul3A_39 = arith.constant 768 : i32
    %mul3A_40 = arith.muli %arg1, %mul3A_39 : i32
    %get3A_41 = arith.constant 0 : index
    %get3A_42 = arith.constant 3 : index
    %get3A_43 = arith.index_cast %mul3A_40 : i32 to index
    %get3A_44 = vector.load %arg2[%get3A_41, %get3A_42, %get3A_43] : memref<1x4x2048xf32, #tpu.memory_space<vmem>>, vector<1x1x768xf32>
    %get3A_45 = vector.shape_cast %get3A_44 : vector<1x1x768xf32> to vector<768xf32>
    %broadcast_in_dim3A = vector.shape_cast %get3A_24 : vector<768xf32> to vector<768x1xf32>
    %broadcast_in_dim3A_46 = vector.shape_cast %get3A_3 : vector<2048xf32> to vector<1x2048xf32>
    %sub3A = vector.broadcast %broadcast_in_dim3A : vector<768x1xf32> to vector<768x2048xf32>
    %sub3A_47 = vector.broadcast %broadcast_in_dim3A_46 : vector<1x2048xf32> to vector<768x2048xf32>
    %sub3A_48 = arith.subf %sub3A, %sub3A_47 : vector<768x2048xf32>
    %broadcast_in_dim3A_49 = vector.shape_cast %get3A_31 : vector<768xf32> to vector<768x1xf32>
    %broadcast_in_dim3A_50 = vector.shape_cast %get3A_8 : vector<2048xf32> to vector<1x2048xf32>
    %sub3A_51 = vector.broadcast %broadcast_in_dim3A_49 : vector<768x1xf32> to vector<768x2048xf32>
    %sub3A_52 = vector.broadcast %broadcast_in_dim3A_50 : vector<1x2048xf32> to vector<768x2048xf32>
    %sub3A_53 = arith.subf %sub3A_51, %sub3A_52 : vector<768x2048xf32>
    %broadcast_in_dim3A_54 = vector.shape_cast %get3A_38 : vector<768xf32> to vector<768x1xf32>
    %broadcast_in_dim3A_55 = vector.shape_cast %get3A_13 : vector<2048xf32> to vector<1x2048xf32>
    %sub3A_56 = vector.broadcast %broadcast_in_dim3A_54 : vector<768x1xf32> to vector<768x2048xf32>
    %sub3A_57 = vector.broadcast %broadcast_in_dim3A_55 : vector<1x2048xf32> to vector<768x2048xf32>
    %sub3A_58 = arith.subf %sub3A_56, %sub3A_57 : vector<768x2048xf32>
    %mul3A_59 = arith.mulf %sub3A_48, %sub3A_48 : vector<768x2048xf32>
    %mul3A_60 = arith.mulf %sub3A_53, %sub3A_53 : vector<768x2048xf32>
    %add3A = arith.addf %mul3A_59, %mul3A_60 : vector<768x2048xf32>
    %mul3A_61 = arith.mulf %sub3A_58, %sub3A_58 : vector<768x2048xf32>
    %add3A_62 = arith.addf %add3A, %mul3A_61 : vector<768x2048xf32>
    %iota3A = tpu.iota {dimensions = array<i32: 1>} : vector<768x2048xi32>
    %mul3A_63 = arith.constant 768 : i32
    %mul3A_64 = arith.muli %arg1, %mul3A_63 : i32
    %iota3A_65 = tpu.iota {dimensions = array<i32: 0>} : vector<768x2048xi32>
    %add3A_66 = vector.broadcast %mul3A_64 : i32 to vector<768x2048xi32>
    %add3A_67 = arith.addi %add3A_66, %iota3A_65 : vector<768x2048xi32>
    %eq3A = arith.cmpi eq, %iota3A, %add3A_67 : vector<768x2048xi32>
    %jit3A = arith.constant 0x7F800000 : f32
    %broadcast_in_dim3A_68 = vector.broadcast %jit3A : f32 to vector<768x2048xf32>
    %select_n3A = arith.select %eq3A, %broadcast_in_dim3A_68, %add3A_62 : vector<768x2048xi1>, vector<768x2048xf32>
    %swap3A = arith.constant 0 : index
    %swap3A_69 = arith.constant 0 : index
    %swap3A_70 = vector.load %arg4[%swap3A, %swap3A_69] : memref<768x2048xf32, #tpu.memory_space<vmem>>, vector<768x2048xf32>
    tpu.vector_store %arg4[%swap3A, %swap3A_69], %select_n3A {strides = array<i32>} : memref<768x2048xf32, #tpu.memory_space<vmem>>, vector<768x2048xf32>,
    %broadcast_in_dim3A_71 = vector.shape_cast %get3A_18 : vector<2048xf32> to vector<1x2048xf32>
    %neg3A = arith.constant 0.000000e+00 : f32
    %neg3A_72 = arith.constant 0x7F800000 : f32
    %neg3A_73 = arith.subf %neg3A, %neg3A_72 : f32
    %broadcast_in_dim3A_74 = vector.broadcast %neg3A_73 : f32 to vector<768xf32>
    %broadcast_in_dim3A_75 = arith.constant 0x7F800000 : f32
    %broadcast_in_dim3A_76 = vector.broadcast %broadcast_in_dim3A_75 : f32 to vector<768xf32>
    %scan3A = arith.constant 0x7F800000 : f32
    %scan3A_77 = arith.constant 0 : i32
    %scan3A_78 = arith.constant 10 : i32
    %scan3A_79 = arith.addi %scan3A_77, %scan3A_78 : i32
    %scan3A_80 = arith.constant 1 : i32
    %scan3A_81:2 = scf.for %scan3A_105 = %scan3A_77 to %scan3A_79 step %scan3A_80 iter_args(%scan3A_106 = %broadcast_in_dim3A_74, %scan3A_107 = %broadcast_in_dim3A_76) -> (vector<768xf32>, vector<768xf32>)  : i32 {
      %get3A_108 = arith.constant 0 : index
      %get3A_109 = arith.constant 0 : index
      %get3A_110 = vector.load %arg4[%get3A_108, %get3A_109] : memref<768x2048xf32, #tpu.memory_space<vmem>>, vector<768x2048xf32>
      %broadcast_in_dim3A_111 = vector.shape_cast %scan3A_106 : vector<768xf32> to vector<768x1xf32>
      %gt3A_112 = vector.broadcast %broadcast_in_dim3A_111 : vector<768x1xf32> to vector<768x2048xf32>
      %gt3A_113 = arith.cmpf ogt, %get3A_110, %gt3A_112 : vector<768x2048xf32>
      %broadcast_in_dim3A_114 = vector.broadcast %scan3A : f32 to vector<768x2048xf32>
      %select_n3A_115 = arith.select %gt3A_113, %get3A_110, %broadcast_in_dim3A_114 : vector<768x2048xi1>, vector<768x2048xf32>
      %reduce_min3A = arith.constant dense<0x7F800000> : vector<768xf32>
      %reduce_min3A_116 = vector.multi_reduction <minimumf>, %select_n3A_115, %reduce_min3A [1] : vector<768x2048xf32> to vector<768xf32>
      %broadcast_in_dim3A_117 = vector.shape_cast %reduce_min3A_116 : vector<768xf32> to vector<768x1xf32>
      %eq3A_118 = vector.broadcast %broadcast_in_dim3A_117 : vector<768x1xf32> to vector<768x2048xf32>
      %eq3A_119 = arith.cmpf oeq, %get3A_110, %eq3A_118 : vector<768x2048xf32>
      %neg3A_120 = arith.constant 0.000000e+00 : f32
      %neg3A_121 = arith.subf %neg3A_120, %scan3A : f32
      %broadcast_in_dim3A_122 = vector.shape_cast %broadcast_in_dim3A_71 : vector<1x2048xf32> to vector<1x2048xf32>
      %broadcast_in_dim3A_123 = vector.broadcast %broadcast_in_dim3A_122 : vector<1x2048xf32> to vector<768x2048xf32>
      %broadcast_in_dim3A_124 = vector.broadcast %neg3A_121 : f32 to vector<768x2048xf32>
      %select_n3A_125 = arith.select %eq3A_119, %broadcast_in_dim3A_123, %broadcast_in_dim3A_124 : vector<768x2048xi1>, vector<768x2048xf32>
      %reduce_max3A = arith.constant dense<0xFF800000> : vector<768xf32>
      %reduce_max3A_126 = vector.multi_reduction <maximumf>, %select_n3A_125, %reduce_max3A [1] : vector<768x2048xf32> to vector<768xf32>
      %sqrt3A = math.sqrt %reduce_min3A_116 : vector<768xf32>
      %sub3A_127 = arith.subf %sqrt3A, %reduce_max3A_126 : vector<768xf32>
      %min3A = arith.minimumf %scan3A_107, %sub3A_127 : vector<768xf32>
      scf.yield %reduce_min3A_116, %min3A : vector<768xf32>, vector<768xf32>
    }
    %sub3A_82 = arith.subf %scan3A_81#1, %get3A_45 : vector<768xf32>
    %reduce_sum3A = vector.shape_cast %sub3A_82 : vector<768xf32> to vector<1x768xf32>
    %reduce_sum3A_83 = arith.constant dense<0.000000e+00> : vector<1xf32>
    %reduce_sum3A_84 = vector.multi_reduction <add>, %reduce_sum3A, %reduce_sum3A_83 [1] : vector<1x768xf32> to vector<1xf32>
    %reduce_sum3A_85 = vector.shape_cast %reduce_sum3A_84 : vector<1xf32> to vector<1x1xf32>
    %reduce_sum3A_86 = vector.extract %reduce_sum3A_85[0, 0] : f32 from vector<1x1xf32>
    %mul3A_87 = arith.mulf %sub3A_82, %sub3A_82 : vector<768xf32>
    %reduce_sum3A_88 = vector.shape_cast %mul3A_87 : vector<768xf32> to vector<1x768xf32>
    %reduce_sum3A_89 = arith.constant dense<0.000000e+00> : vector<1xf32>
    %reduce_sum3A_90 = vector.multi_reduction <add>, %reduce_sum3A_88, %reduce_sum3A_89 [1] : vector<1x768xf32> to vector<1xf32>
    %reduce_sum3A_91 = vector.shape_cast %reduce_sum3A_90 : vector<1xf32> to vector<1x1xf32>
    %reduce_sum3A_92 = vector.extract %reduce_sum3A_91[0, 0] : f32 from vector<1x1xf32>
    %eq3A_93 = arith.constant 0 : i32
    %eq3A_94 = arith.cmpi eq, %arg1, %eq3A_93 : i32
    %convert_element_type3A = arith.extui %eq3A_94 : i1 to i32
    %cond3A = arith.constant 0 : i32
    %cond3A_95 = arith.cmpi ne, %convert_element_type3A, %cond3A : i32
    scf.if %cond3A_95 {
      %swap3A_105 = arith.constant 0 : index
      %swap3A_106 = memref.load %arg5[%swap3A_105] : memref<2xf32, #tpu.memory_space<smem>>
      memref.store %reduce_sum3A_86, %arg5[%swap3A_105] : memref<2xf32, #tpu.memory_space<smem>>
      %swap3A_107 = arith.constant 1 : index
      %swap3A_108 = memref.load %arg5[%swap3A_107] : memref<2xf32, #tpu.memory_space<smem>>
      memref.store %reduce_sum3A_92, %arg5[%swap3A_107] : memref<2xf32, #tpu.memory_space<smem>>
    } else {
    }
    %gt3A = arith.constant 0 : i32
    %gt3A_96 = arith.cmpi sgt, %arg1, %gt3A : i32
    %convert_element_type3A_97 = arith.extui %gt3A_96 : i1 to i32
    %cond3A_98 = arith.constant 0 : i32
    %cond3A_99 = arith.cmpi ne, %convert_element_type3A_97, %cond3A_98 : i32
    scf.if %cond3A_99 {
      %get3A_105 = arith.constant 0 : index
      %get3A_106 = memref.load %arg5[%get3A_105] : memref<2xf32, #tpu.memory_space<smem>>
      %add3A_107 = arith.addf %get3A_106, %reduce_sum3A_86 : f32
      %swap3A_108 = arith.constant 0 : index
      %swap3A_109 = memref.load %arg5[%swap3A_108] : memref<2xf32, #tpu.memory_space<smem>>
      memref.store %add3A_107, %arg5[%swap3A_108] : memref<2xf32, #tpu.memory_space<smem>>
      %get3A_110 = arith.constant 1 : index
      %get3A_111 = memref.load %arg5[%get3A_110] : memref<2xf32, #tpu.memory_space<smem>>
      %add3A_112 = arith.addf %get3A_111, %reduce_sum3A_92 : f32
      %swap3A_113 = arith.constant 1 : index
      %swap3A_114 = memref.load %arg5[%swap3A_113] : memref<2xf32, #tpu.memory_space<smem>>
      memref.store %add3A_112, %arg5[%swap3A_113] : memref<2xf32, #tpu.memory_space<smem>>
    } else {
    }
    %eq3A_100 = arith.constant 0 : i32
    %eq3A_101 = arith.cmpi eq, %arg1, %eq3A_100 : i32
    %convert_element_type3A_102 = arith.extui %eq3A_101 : i1 to i32
    %cond3A_103 = arith.constant 0 : i32
    %cond3A_104 = arith.cmpi ne, %convert_element_type3A_102, %cond3A_103 : i32
    scf.if %cond3A_104 {
      %get3A_105 = arith.constant 0 : index
      %get3A_106 = memref.load %arg5[%get3A_105] : memref<2xf32, #tpu.memory_space<smem>>
      %broadcast_in_dim3A_107 = vector.broadcast %get3A_106 : f32 to vector<1x128xf32>
      %mul3A_108 = arith.constant 2 : i32
      %mul3A_109 = arith.muli %mul3A_108, %arg0 : i32
      %swap3A_110 = arith.index_cast %mul3A_109 : i32 to index
      %swap3A_111 = arith.constant 0 : index
      %swap3A_112 = vector.load %arg3[%swap3A_110, %swap3A_111] : memref<8x128xf32, #tpu.memory_space<vmem>>, vector<1x128xf32>
      tpu.vector_store %arg3[%swap3A_110, %swap3A_111], %broadcast_in_dim3A_107 {strides = array<i32>} : memref<8x128xf32, #tpu.memory_space<vmem>>, vector<1x128xf32>,
      %get3A_113 = arith.constant 1 : index
      %get3A_114 = memref.load %arg5[%get3A_113] : memref<2xf32, #tpu.memory_space<smem>>
      %broadcast_in_dim3A_115 = vector.broadcast %get3A_114 : f32 to vector<1x128xf32>
      %mul3A_116 = arith.constant 2 : i32
      %mul3A_117 = arith.muli %mul3A_116, %arg0 : i32
      %add3A_118 = arith.constant 1 : i32
      %add3A_119 = arith.addi %mul3A_117, %add3A_118 : i32
      %swap3A_120 = arith.index_cast %add3A_119 : i32 to index
      %swap3A_121 = arith.constant 0 : index
      %swap3A_122 = vector.load %arg3[%swap3A_120, %swap3A_121] : memref<8x128xf32, #tpu.memory_space<vmem>>, vector<1x128xf32>
      tpu.vector_store %arg3[%swap3A_120, %swap3A_121], %broadcast_in_dim3A_115 {strides = array<i32>} : memref<8x128xf32, #tpu.memory_space<vmem>>, vector<1x128xf32>,
    } else {
    }
    return
  }
  func.func @transform_0(%arg0: i32, %arg1: i32) -> (i32, i32, i32) {
    %c0_i32 = arith.constant 0 : i32
    %c0_i32_0 = arith.constant 0 : i32
    %c0_i32_1 = arith.constant 0 : i32
    return %arg0, %c0_i32, %c0_i32_0 : i32, i32, i32
  }
  func.func @transform_1(%arg0: i32, %arg1: i32) -> (i32, i32) {
    %c0_i32 = arith.constant 0 : i32
    %c0_i32_0 = arith.constant 0 : i32
    %c0_i32_1 = arith.constant 0 : i32
    return %c0_i32, %c0_i32_0 : i32, i32
  }
}

module attributes {stable_mosaic.version = 14 : i64} {
  func.func @_fin_body(%arg0: memref<32x16xf32, #tpu.memory_space<vmem>>, %arg1: memref<8x128xf32, #tpu.memory_space<vmem>>, %arg2: memref<8x128xf32, #tpu.memory_space<vmem>>) attributes {dimension_semantics = [], scalar_prefetch = 0 : i64, scratch_operands = 0 : i64, tpu.core_type = #tpu.core_type<tc>} {
    %get3A = arith.constant 0 : index
    %get3A_0 = arith.constant 0 : index
    %get3A_1 = vector.load %arg0[%get3A, %get3A_0] : memref<32x16xf32, #tpu.memory_space<vmem>>, vector<32x16xf32>
    %get3A_2 = arith.constant 0 : index
    %get3A_3 = arith.constant 0 : index
    %get3A_4 = vector.load %arg1[%get3A_2, %get3A_3] : memref<8x128xf32, #tpu.memory_space<vmem>>, vector<8x128xf32>
    %iota3A = tpu.iota {dimensions = array<i32: 0>} : vector<32x16xi32>
    %iota3A_5 = tpu.iota {dimensions = array<i32: 1>} : vector<32x16xi32>
    %iota3A_6 = tpu.iota {dimensions = array<i32: 0>} : vector<8x128xi32>
    %iota3A_7 = tpu.iota {dimensions = array<i32: 1>} : vector<8x128xi32>
    %jit3A = arith.constant 8 : i32
    %div3A = vector.broadcast %jit3A : i32 to vector<32x16xi32>
    %div3A_8 = arith.divsi %iota3A, %div3A : vector<32x16xi32>
    %sign3A = arith.constant 0 : i32
    %sign3A_9 = vector.broadcast %sign3A : i32 to vector<32x16xi32>
    %sign3A_10 = arith.cmpi sgt, %iota3A, %sign3A_9 : vector<32x16xi32>
    %sign3A_11 = arith.extui %sign3A_10 : vector<32x16xi1> to vector<32x16xi32>
    %sign3A_12 = arith.constant 0 : i32
    %sign3A_13 = vector.broadcast %sign3A_12 : i32 to vector<32x16xi32>
    %sign3A_14 = arith.cmpi slt, %iota3A, %sign3A_13 : vector<32x16xi32>
    %sign3A_15 = arith.extui %sign3A_14 : vector<32x16xi1> to vector<32x16xi32>
    %sign3A_16 = arith.subi %sign3A_11, %sign3A_15 : vector<32x16xi32>
    %sign3A_17 = arith.constant 0 : i32
    %sign3A_18 = arith.cmpi sgt, %jit3A, %sign3A_17 : i32
    %sign3A_19 = arith.extui %sign3A_18 : i1 to i32
    %sign3A_20 = arith.constant 0 : i32
    %sign3A_21 = arith.cmpi slt, %jit3A, %sign3A_20 : i32
    %sign3A_22 = arith.extui %sign3A_21 : i1 to i32
    %sign3A_23 = arith.subi %sign3A_19, %sign3A_22 : i32
    %ne3A = vector.broadcast %sign3A_23 : i32 to vector<32x16xi32>
    %ne3A_24 = arith.cmpi ne, %sign3A_16, %ne3A : vector<32x16xi32>
    %rem3A = vector.broadcast %jit3A : i32 to vector<32x16xi32>
    %rem3A_25 = arith.remsi %iota3A, %rem3A : vector<32x16xi32>
    %ne3A_26 = arith.constant 0 : i32
    %ne3A_27 = vector.broadcast %ne3A_26 : i32 to vector<32x16xi32>
    %ne3A_28 = arith.cmpi ne, %rem3A_25, %ne3A_27 : vector<32x16xi32>
    %and3A = arith.andi %ne3A_24, %ne3A_28 : vector<32x16xi1>
    %sub3A = arith.constant 1 : i32
    %sub3A_29 = vector.broadcast %sub3A : i32 to vector<32x16xi32>
    %sub3A_30 = arith.subi %div3A_8, %sub3A_29 : vector<32x16xi32>
    %select_n3A = arith.select %and3A, %sub3A_30, %div3A_8 : vector<32x16xi1>, vector<32x16xi32>
    %eq3A = arith.constant 0 : i32
    %eq3A_31 = vector.broadcast %eq3A : i32 to vector<32x16xi32>
    %eq3A_32 = arith.cmpi eq, %select_n3A, %eq3A_31 : vector<32x16xi32>
    %eq3A_33 = arith.constant 0 : i32
    %eq3A_34 = vector.broadcast %eq3A_33 : i32 to vector<32x16xi32>
    %eq3A_35 = arith.cmpi eq, %iota3A_5, %eq3A_34 : vector<32x16xi32>
    %and3A_36 = arith.andi %eq3A_32, %eq3A_35 : vector<32x16xi1>
    %jit3A_37 = arith.constant 0.000000e+00 : f32
    %broadcast_in_dim3A = vector.broadcast %jit3A_37 : f32 to vector<32x16xf32>
    %select_n3A_38 = arith.select %and3A_36, %get3A_1, %broadcast_in_dim3A : vector<32x16xi1>, vector<32x16xf32>
    %reduce_sum3A = vector.shape_cast %select_n3A_38 : vector<32x16xf32> to vector<1x32x16xf32>
    %reduce_sum3A_39 = arith.constant dense<0.000000e+00> : vector<1xf32>
    %reduce_sum3A_40 = vector.multi_reduction <add>, %reduce_sum3A, %reduce_sum3A_39 [1, 2] : vector<1x32x16xf32> to vector<1xf32>
    %reduce_sum3A_41 = vector.shape_cast %reduce_sum3A_40 : vector<1xf32> to vector<1x1x1xf32>
    %reduce_sum3A_42 = vector.extract %reduce_sum3A_41[0, 0, 0] : f32 from vector<1x1x1xf32>
    %eq3A_43 = arith.constant 1 : i32
    %eq3A_44 = vector.broadcast %eq3A_43 : i32 to vector<32x16xi32>
    %eq3A_45 = arith.cmpi eq, %iota3A_5, %eq3A_44 : vector<32x16xi32>
    %and3A_46 = arith.andi %eq3A_32, %eq3A_45 : vector<32x16xi1>
    %jit3A_47 = arith.constant 0.000000e+00 : f32
    %broadcast_in_dim3A_48 = vector.broadcast %jit3A_47 : f32 to vector<32x16xf32>
    %select_n3A_49 = arith.select %and3A_46, %get3A_1, %broadcast_in_dim3A_48 : vector<32x16xi1>, vector<32x16xf32>
    %reduce_sum3A_50 = vector.shape_cast %select_n3A_49 : vector<32x16xf32> to vector<1x32x16xf32>
    %reduce_sum3A_51 = arith.constant dense<0.000000e+00> : vector<1xf32>
    %reduce_sum3A_52 = vector.multi_reduction <add>, %reduce_sum3A_50, %reduce_sum3A_51 [1, 2] : vector<1x32x16xf32> to vector<1xf32>
    %reduce_sum3A_53 = vector.shape_cast %reduce_sum3A_52 : vector<1xf32> to vector<1x1x1xf32>
    %reduce_sum3A_54 = vector.extract %reduce_sum3A_53[0, 0, 0] : f32 from vector<1x1x1xf32>
    %eq3A_55 = arith.constant 0 : i32
    %eq3A_56 = vector.broadcast %eq3A_55 : i32 to vector<8x128xi32>
    %eq3A_57 = arith.cmpi eq, %iota3A_6, %eq3A_56 : vector<8x128xi32>
    %eq3A_58 = arith.constant 0 : i32
    %eq3A_59 = vector.broadcast %eq3A_58 : i32 to vector<8x128xi32>
    %eq3A_60 = arith.cmpi eq, %iota3A_7, %eq3A_59 : vector<8x128xi32>
    %and3A_61 = arith.andi %eq3A_57, %eq3A_60 : vector<8x128xi1>
    %jit3A_62 = arith.constant 0.000000e+00 : f32
    %broadcast_in_dim3A_63 = vector.broadcast %jit3A_62 : f32 to vector<8x128xf32>
    %select_n3A_64 = arith.select %and3A_61, %get3A_4, %broadcast_in_dim3A_63 : vector<8x128xi1>, vector<8x128xf32>
    %reduce_sum3A_65 = vector.shape_cast %select_n3A_64 : vector<8x128xf32> to vector<1x8x128xf32>
    %reduce_sum3A_66 = arith.constant dense<0.000000e+00> : vector<1xf32>
    %reduce_sum3A_67 = vector.multi_reduction <add>, %reduce_sum3A_65, %reduce_sum3A_66 [1, 2] : vector<1x8x128xf32> to vector<1xf32>
    %reduce_sum3A_68 = vector.shape_cast %reduce_sum3A_67 : vector<1xf32> to vector<1x1x1xf32>
    %reduce_sum3A_69 = vector.extract %reduce_sum3A_68[0, 0, 0] : f32 from vector<1x1x1xf32>
    %add3A = arith.addf %reduce_sum3A_42, %reduce_sum3A_69 : f32
    %eq3A_70 = arith.constant 1 : i32
    %eq3A_71 = vector.broadcast %eq3A_70 : i32 to vector<8x128xi32>
    %eq3A_72 = arith.cmpi eq, %iota3A_6, %eq3A_71 : vector<8x128xi32>
    %eq3A_73 = arith.constant 0 : i32
    %eq3A_74 = vector.broadcast %eq3A_73 : i32 to vector<8x128xi32>
    %eq3A_75 = arith.cmpi eq, %iota3A_7, %eq3A_74 : vector<8x128xi32>
    %and3A_76 = arith.andi %eq3A_72, %eq3A_75 : vector<8x128xi1>
    %jit3A_77 = arith.constant 0.000000e+00 : f32
    %broadcast_in_dim3A_78 = vector.broadcast %jit3A_77 : f32 to vector<8x128xf32>
    %select_n3A_79 = arith.select %and3A_76, %get3A_4, %broadcast_in_dim3A_78 : vector<8x128xi1>, vector<8x128xf32>
    %reduce_sum3A_80 = vector.shape_cast %select_n3A_79 : vector<8x128xf32> to vector<1x8x128xf32>
    %reduce_sum3A_81 = arith.constant dense<0.000000e+00> : vector<1xf32>
    %reduce_sum3A_82 = vector.multi_reduction <add>, %reduce_sum3A_80, %reduce_sum3A_81 [1, 2] : vector<1x8x128xf32> to vector<1xf32>
    %reduce_sum3A_83 = vector.shape_cast %reduce_sum3A_82 : vector<1xf32> to vector<1x1x1xf32>
    %reduce_sum3A_84 = vector.extract %reduce_sum3A_83[0, 0, 0] : f32 from vector<1x1x1xf32>
    %add3A_85 = arith.addf %reduce_sum3A_54, %reduce_sum3A_84 : f32
    %mul3A = arith.mulf %add3A, %add3A : f32
    %div3A_86 = arith.constant 2.048000e+03 : f32
    %div3A_87 = arith.divf %mul3A, %div3A_86 : f32
    %sub3A_88 = arith.subf %add3A_85, %div3A_87 : f32
    %sub3A_89 = arith.constant 2.048000e+03 : f32
    %sub3A_90 = arith.constant 1.000000e+00 : f32
    %sub3A_91 = arith.subf %sub3A_89, %sub3A_90 : f32
    %div3A_92 = arith.divf %sub3A_88, %sub3A_91 : f32
    %add3A_93 = arith.constant 0.000000e+00 : f32
    %add3A_94 = arith.addf %add3A_93, %div3A_92 : f32
    %jit3A_95 = arith.constant 8 : i32
    %div3A_96 = vector.broadcast %jit3A_95 : i32 to vector<32x16xi32>
    %div3A_97 = arith.divsi %iota3A, %div3A_96 : vector<32x16xi32>
    %sign3A_98 = arith.constant 0 : i32
    %sign3A_99 = vector.broadcast %sign3A_98 : i32 to vector<32x16xi32>
    %sign3A_100 = arith.cmpi sgt, %iota3A, %sign3A_99 : vector<32x16xi32>
    %sign3A_101 = arith.extui %sign3A_100 : vector<32x16xi1> to vector<32x16xi32>
    %sign3A_102 = arith.constant 0 : i32
    %sign3A_103 = vector.broadcast %sign3A_102 : i32 to vector<32x16xi32>
    %sign3A_104 = arith.cmpi slt, %iota3A, %sign3A_103 : vector<32x16xi32>
    %sign3A_105 = arith.extui %sign3A_104 : vector<32x16xi1> to vector<32x16xi32>
    %sign3A_106 = arith.subi %sign3A_101, %sign3A_105 : vector<32x16xi32>
    %sign3A_107 = arith.constant 0 : i32
    %sign3A_108 = arith.cmpi sgt, %jit3A_95, %sign3A_107 : i32
    %sign3A_109 = arith.extui %sign3A_108 : i1 to i32
    %sign3A_110 = arith.constant 0 : i32
    %sign3A_111 = arith.cmpi slt, %jit3A_95, %sign3A_110 : i32
    %sign3A_112 = arith.extui %sign3A_111 : i1 to i32
    %sign3A_113 = arith.subi %sign3A_109, %sign3A_112 : i32
    %ne3A_114 = vector.broadcast %sign3A_113 : i32 to vector<32x16xi32>
    %ne3A_115 = arith.cmpi ne, %sign3A_106, %ne3A_114 : vector<32x16xi32>
    %rem3A_116 = vector.broadcast %jit3A_95 : i32 to vector<32x16xi32>
    %rem3A_117 = arith.remsi %iota3A, %rem3A_116 : vector<32x16xi32>
    %ne3A_118 = arith.constant 0 : i32
    %ne3A_119 = vector.broadcast %ne3A_118 : i32 to vector<32x16xi32>
    %ne3A_120 = arith.cmpi ne, %rem3A_117, %ne3A_119 : vector<32x16xi32>
    %and3A_121 = arith.andi %ne3A_115, %ne3A_120 : vector<32x16xi1>
    %sub3A_122 = arith.constant 1 : i32
    %sub3A_123 = vector.broadcast %sub3A_122 : i32 to vector<32x16xi32>
    %sub3A_124 = arith.subi %div3A_97, %sub3A_123 : vector<32x16xi32>
    %select_n3A_125 = arith.select %and3A_121, %sub3A_124, %div3A_97 : vector<32x16xi1>, vector<32x16xi32>
    %eq3A_126 = arith.constant 1 : i32
    %eq3A_127 = vector.broadcast %eq3A_126 : i32 to vector<32x16xi32>
    %eq3A_128 = arith.cmpi eq, %select_n3A_125, %eq3A_127 : vector<32x16xi32>
    %eq3A_129 = arith.constant 0 : i32
    %eq3A_130 = vector.broadcast %eq3A_129 : i32 to vector<32x16xi32>
    %eq3A_131 = arith.cmpi eq, %iota3A_5, %eq3A_130 : vector<32x16xi32>
    %and3A_132 = arith.andi %eq3A_128, %eq3A_131 : vector<32x16xi1>
    %jit3A_133 = arith.constant 0.000000e+00 : f32
    %broadcast_in_dim3A_134 = vector.broadcast %jit3A_133 : f32 to vector<32x16xf32>
    %select_n3A_135 = arith.select %and3A_132, %get3A_1, %broadcast_in_dim3A_134 : vector<32x16xi1>, vector<32x16xf32>
    %reduce_sum3A_136 = vector.shape_cast %select_n3A_135 : vector<32x16xf32> to vector<1x32x16xf32>
    %reduce_sum3A_137 = arith.constant dense<0.000000e+00> : vector<1xf32>
    %reduce_sum3A_138 = vector.multi_reduction <add>, %reduce_sum3A_136, %reduce_sum3A_137 [1, 2] : vector<1x32x16xf32> to vector<1xf32>
    %reduce_sum3A_139 = vector.shape_cast %reduce_sum3A_138 : vector<1xf32> to vector<1x1x1xf32>
    %reduce_sum3A_140 = vector.extract %reduce_sum3A_139[0, 0, 0] : f32 from vector<1x1x1xf32>
    %eq3A_141 = arith.constant 1 : i32
    %eq3A_142 = vector.broadcast %eq3A_141 : i32 to vector<32x16xi32>
    %eq3A_143 = arith.cmpi eq, %iota3A_5, %eq3A_142 : vector<32x16xi32>
    %and3A_144 = arith.andi %eq3A_128, %eq3A_143 : vector<32x16xi1>
    %jit3A_145 = arith.constant 0.000000e+00 : f32
    %broadcast_in_dim3A_146 = vector.broadcast %jit3A_145 : f32 to vector<32x16xf32>
    %select_n3A_147 = arith.select %and3A_144, %get3A_1, %broadcast_in_dim3A_146 : vector<32x16xi1>, vector<32x16xf32>
    %reduce_sum3A_148 = vector.shape_cast %select_n3A_147 : vector<32x16xf32> to vector<1x32x16xf32>
    %reduce_sum3A_149 = arith.constant dense<0.000000e+00> : vector<1xf32>
    %reduce_sum3A_150 = vector.multi_reduction <add>, %reduce_sum3A_148, %reduce_sum3A_149 [1, 2] : vector<1x32x16xf32> to vector<1xf32>
    %reduce_sum3A_151 = vector.shape_cast %reduce_sum3A_150 : vector<1xf32> to vector<1x1x1xf32>
    %reduce_sum3A_152 = vector.extract %reduce_sum3A_151[0, 0, 0] : f32 from vector<1x1x1xf32>
    %eq3A_153 = arith.constant 2 : i32
    %eq3A_154 = vector.broadcast %eq3A_153 : i32 to vector<8x128xi32>
    %eq3A_155 = arith.cmpi eq, %iota3A_6, %eq3A_154 : vector<8x128xi32>
    %eq3A_156 = arith.constant 0 : i32
    %eq3A_157 = vector.broadcast %eq3A_156 : i32 to vector<8x128xi32>
    %eq3A_158 = arith.cmpi eq, %iota3A_7, %eq3A_157 : vector<8x128xi32>
    %and3A_159 = arith.andi %eq3A_155, %eq3A_158 : vector<8x128xi1>
    %jit3A_160 = arith.constant 0.000000e+00 : f32
    %broadcast_in_dim3A_161 = vector.broadcast %jit3A_160 : f32 to vector<8x128xf32>
    %select_n3A_162 = arith.select %and3A_159, %get3A_4, %broadcast_in_dim3A_161 : vector<8x128xi1>, vector<8x128xf32>
    %reduce_sum3A_163 = vector.shape_cast %select_n3A_162 : vector<8x128xf32> to vector<1x8x128xf32>
    %reduce_sum3A_164 = arith.constant dense<0.000000e+00> : vector<1xf32>
    %reduce_sum3A_165 = vector.multi_reduction <add>, %reduce_sum3A_163, %reduce_sum3A_164 [1, 2] : vector<1x8x128xf32> to vector<1xf32>
    %reduce_sum3A_166 = vector.shape_cast %reduce_sum3A_165 : vector<1xf32> to vector<1x1x1xf32>
    %reduce_sum3A_167 = vector.extract %reduce_sum3A_166[0, 0, 0] : f32 from vector<1x1x1xf32>
    %add3A_168 = arith.addf %reduce_sum3A_140, %reduce_sum3A_167 : f32
    %eq3A_169 = arith.constant 3 : i32
    %eq3A_170 = vector.broadcast %eq3A_169 : i32 to vector<8x128xi32>
    %eq3A_171 = arith.cmpi eq, %iota3A_6, %eq3A_170 : vector<8x128xi32>
    %eq3A_172 = arith.constant 0 : i32
    %eq3A_173 = vector.broadcast %eq3A_172 : i32 to vector<8x128xi32>
    %eq3A_174 = arith.cmpi eq, %iota3A_7, %eq3A_173 : vector<8x128xi32>
    %and3A_175 = arith.andi %eq3A_171, %eq3A_174 : vector<8x128xi1>
    %jit3A_176 = arith.constant 0.000000e+00 : f32
    %broadcast_in_dim3A_177 = vector.broadcast %jit3A_176 : f32 to vector<8x128xf32>
    %select_n3A_178 = arith.select %and3A_175, %get3A_4, %broadcast_in_dim3A_177 : vector<8x128xi1>, vector<8x128xf32>
    %reduce_sum3A_179 = vector.shape_cast %select_n3A_178 : vector<8x128xf32> to vector<1x8x128xf32>
    %reduce_sum3A_180 = arith.constant dense<0.000000e+00> : vector<1xf32>
    %reduce_sum3A_181 = vector.multi_reduction <add>, %reduce_sum3A_179, %reduce_sum3A_180 [1, 2] : vector<1x8x128xf32> to vector<1xf32>
    %reduce_sum3A_182 = vector.shape_cast %reduce_sum3A_181 : vector<1xf32> to vector<1x1x1xf32>
    %reduce_sum3A_183 = vector.extract %reduce_sum3A_182[0, 0, 0] : f32 from vector<1x1x1xf32>
    %add3A_184 = arith.addf %reduce_sum3A_152, %reduce_sum3A_183 : f32
    %mul3A_185 = arith.mulf %add3A_168, %add3A_168 : f32
    %div3A_186 = arith.constant 2.048000e+03 : f32
    %div3A_187 = arith.divf %mul3A_185, %div3A_186 : f32
    %sub3A_188 = arith.subf %add3A_184, %div3A_187 : f32
    %sub3A_189 = arith.constant 2.048000e+03 : f32
    %sub3A_190 = arith.constant 1.000000e+00 : f32
    %sub3A_191 = arith.subf %sub3A_189, %sub3A_190 : f32
    %div3A_192 = arith.divf %sub3A_188, %sub3A_191 : f32
    %add3A_193 = arith.addf %add3A_94, %div3A_192 : f32
    %jit3A_194 = arith.constant 8 : i32
    %div3A_195 = vector.broadcast %jit3A_194 : i32 to vector<32x16xi32>
    %div3A_196 = arith.divsi %iota3A, %div3A_195 : vector<32x16xi32>
    %sign3A_197 = arith.constant 0 : i32
    %sign3A_198 = vector.broadcast %sign3A_197 : i32 to vector<32x16xi32>
    %sign3A_199 = arith.cmpi sgt, %iota3A, %sign3A_198 : vector<32x16xi32>
    %sign3A_200 = arith.extui %sign3A_199 : vector<32x16xi1> to vector<32x16xi32>
    %sign3A_201 = arith.constant 0 : i32
    %sign3A_202 = vector.broadcast %sign3A_201 : i32 to vector<32x16xi32>
    %sign3A_203 = arith.cmpi slt, %iota3A, %sign3A_202 : vector<32x16xi32>
    %sign3A_204 = arith.extui %sign3A_203 : vector<32x16xi1> to vector<32x16xi32>
    %sign3A_205 = arith.subi %sign3A_200, %sign3A_204 : vector<32x16xi32>
    %sign3A_206 = arith.constant 0 : i32
    %sign3A_207 = arith.cmpi sgt, %jit3A_194, %sign3A_206 : i32
    %sign3A_208 = arith.extui %sign3A_207 : i1 to i32
    %sign3A_209 = arith.constant 0 : i32
    %sign3A_210 = arith.cmpi slt, %jit3A_194, %sign3A_209 : i32
    %sign3A_211 = arith.extui %sign3A_210 : i1 to i32
    %sign3A_212 = arith.subi %sign3A_208, %sign3A_211 : i32
    %ne3A_213 = vector.broadcast %sign3A_212 : i32 to vector<32x16xi32>
    %ne3A_214 = arith.cmpi ne, %sign3A_205, %ne3A_213 : vector<32x16xi32>
    %rem3A_215 = vector.broadcast %jit3A_194 : i32 to vector<32x16xi32>
    %rem3A_216 = arith.remsi %iota3A, %rem3A_215 : vector<32x16xi32>
    %ne3A_217 = arith.constant 0 : i32
    %ne3A_218 = vector.broadcast %ne3A_217 : i32 to vector<32x16xi32>
    %ne3A_219 = arith.cmpi ne, %rem3A_216, %ne3A_218 : vector<32x16xi32>
    %and3A_220 = arith.andi %ne3A_214, %ne3A_219 : vector<32x16xi1>
    %sub3A_221 = arith.constant 1 : i32
    %sub3A_222 = vector.broadcast %sub3A_221 : i32 to vector<32x16xi32>
    %sub3A_223 = arith.subi %div3A_196, %sub3A_222 : vector<32x16xi32>
    %select_n3A_224 = arith.select %and3A_220, %sub3A_223, %div3A_196 : vector<32x16xi1>, vector<32x16xi32>
    %eq3A_225 = arith.constant 2 : i32
    %eq3A_226 = vector.broadcast %eq3A_225 : i32 to vector<32x16xi32>
    %eq3A_227 = arith.cmpi eq, %select_n3A_224, %eq3A_226 : vector<32x16xi32>
    %eq3A_228 = arith.constant 0 : i32
    %eq3A_229 = vector.broadcast %eq3A_228 : i32 to vector<32x16xi32>
    %eq3A_230 = arith.cmpi eq, %iota3A_5, %eq3A_229 : vector<32x16xi32>
    %and3A_231 = arith.andi %eq3A_227, %eq3A_230 : vector<32x16xi1>
    %jit3A_232 = arith.constant 0.000000e+00 : f32
    %broadcast_in_dim3A_233 = vector.broadcast %jit3A_232 : f32 to vector<32x16xf32>
    %select_n3A_234 = arith.select %and3A_231, %get3A_1, %broadcast_in_dim3A_233 : vector<32x16xi1>, vector<32x16xf32>
    %reduce_sum3A_235 = vector.shape_cast %select_n3A_234 : vector<32x16xf32> to vector<1x32x16xf32>
    %reduce_sum3A_236 = arith.constant dense<0.000000e+00> : vector<1xf32>
    %reduce_sum3A_237 = vector.multi_reduction <add>, %reduce_sum3A_235, %reduce_sum3A_236 [1, 2] : vector<1x32x16xf32> to vector<1xf32>
    %reduce_sum3A_238 = vector.shape_cast %reduce_sum3A_237 : vector<1xf32> to vector<1x1x1xf32>
    %reduce_sum3A_239 = vector.extract %reduce_sum3A_238[0, 0, 0] : f32 from vector<1x1x1xf32>
    %eq3A_240 = arith.constant 1 : i32
    %eq3A_241 = vector.broadcast %eq3A_240 : i32 to vector<32x16xi32>
    %eq3A_242 = arith.cmpi eq, %iota3A_5, %eq3A_241 : vector<32x16xi32>
    %and3A_243 = arith.andi %eq3A_227, %eq3A_242 : vector<32x16xi1>
    %jit3A_244 = arith.constant 0.000000e+00 : f32
    %broadcast_in_dim3A_245 = vector.broadcast %jit3A_244 : f32 to vector<32x16xf32>
    %select_n3A_246 = arith.select %and3A_243, %get3A_1, %broadcast_in_dim3A_245 : vector<32x16xi1>, vector<32x16xf32>
    %reduce_sum3A_247 = vector.shape_cast %select_n3A_246 : vector<32x16xf32> to vector<1x32x16xf32>
    %reduce_sum3A_248 = arith.constant dense<0.000000e+00> : vector<1xf32>
    %reduce_sum3A_249 = vector.multi_reduction <add>, %reduce_sum3A_247, %reduce_sum3A_248 [1, 2] : vector<1x32x16xf32> to vector<1xf32>
    %reduce_sum3A_250 = vector.shape_cast %reduce_sum3A_249 : vector<1xf32> to vector<1x1x1xf32>
    %reduce_sum3A_251 = vector.extract %reduce_sum3A_250[0, 0, 0] : f32 from vector<1x1x1xf32>
    %eq3A_252 = arith.constant 4 : i32
    %eq3A_253 = vector.broadcast %eq3A_252 : i32 to vector<8x128xi32>
    %eq3A_254 = arith.cmpi eq, %iota3A_6, %eq3A_253 : vector<8x128xi32>
    %eq3A_255 = arith.constant 0 : i32
    %eq3A_256 = vector.broadcast %eq3A_255 : i32 to vector<8x128xi32>
    %eq3A_257 = arith.cmpi eq, %iota3A_7, %eq3A_256 : vector<8x128xi32>
    %and3A_258 = arith.andi %eq3A_254, %eq3A_257 : vector<8x128xi1>
    %jit3A_259 = arith.constant 0.000000e+00 : f32
    %broadcast_in_dim3A_260 = vector.broadcast %jit3A_259 : f32 to vector<8x128xf32>
    %select_n3A_261 = arith.select %and3A_258, %get3A_4, %broadcast_in_dim3A_260 : vector<8x128xi1>, vector<8x128xf32>
    %reduce_sum3A_262 = vector.shape_cast %select_n3A_261 : vector<8x128xf32> to vector<1x8x128xf32>
    %reduce_sum3A_263 = arith.constant dense<0.000000e+00> : vector<1xf32>
    %reduce_sum3A_264 = vector.multi_reduction <add>, %reduce_sum3A_262, %reduce_sum3A_263 [1, 2] : vector<1x8x128xf32> to vector<1xf32>
    %reduce_sum3A_265 = vector.shape_cast %reduce_sum3A_264 : vector<1xf32> to vector<1x1x1xf32>
    %reduce_sum3A_266 = vector.extract %reduce_sum3A_265[0, 0, 0] : f32 from vector<1x1x1xf32>
    %add3A_267 = arith.addf %reduce_sum3A_239, %reduce_sum3A_266 : f32
    %eq3A_268 = arith.constant 5 : i32
    %eq3A_269 = vector.broadcast %eq3A_268 : i32 to vector<8x128xi32>
    %eq3A_270 = arith.cmpi eq, %iota3A_6, %eq3A_269 : vector<8x128xi32>
    %eq3A_271 = arith.constant 0 : i32
    %eq3A_272 = vector.broadcast %eq3A_271 : i32 to vector<8x128xi32>
    %eq3A_273 = arith.cmpi eq, %iota3A_7, %eq3A_272 : vector<8x128xi32>
    %and3A_274 = arith.andi %eq3A_270, %eq3A_273 : vector<8x128xi1>
    %jit3A_275 = arith.constant 0.000000e+00 : f32
    %broadcast_in_dim3A_276 = vector.broadcast %jit3A_275 : f32 to vector<8x128xf32>
    %select_n3A_277 = arith.select %and3A_274, %get3A_4, %broadcast_in_dim3A_276 : vector<8x128xi1>, vector<8x128xf32>
    %reduce_sum3A_278 = vector.shape_cast %select_n3A_277 : vector<8x128xf32> to vector<1x8x128xf32>
    %reduce_sum3A_279 = arith.constant dense<0.000000e+00> : vector<1xf32>
    %reduce_sum3A_280 = vector.multi_reduction <add>, %reduce_sum3A_278, %reduce_sum3A_279 [1, 2] : vector<1x8x128xf32> to vector<1xf32>
    %reduce_sum3A_281 = vector.shape_cast %reduce_sum3A_280 : vector<1xf32> to vector<1x1x1xf32>
    %reduce_sum3A_282 = vector.extract %reduce_sum3A_281[0, 0, 0] : f32 from vector<1x1x1xf32>
    %add3A_283 = arith.addf %reduce_sum3A_251, %reduce_sum3A_282 : f32
    %mul3A_284 = arith.mulf %add3A_267, %add3A_267 : f32
    %div3A_285 = arith.constant 2.048000e+03 : f32
    %div3A_286 = arith.divf %mul3A_284, %div3A_285 : f32
    %sub3A_287 = arith.subf %add3A_283, %div3A_286 : f32
    %sub3A_288 = arith.constant 2.048000e+03 : f32
    %sub3A_289 = arith.constant 1.000000e+00 : f32
    %sub3A_290 = arith.subf %sub3A_288, %sub3A_289 : f32
    %div3A_291 = arith.divf %sub3A_287, %sub3A_290 : f32
    %add3A_292 = arith.addf %add3A_193, %div3A_291 : f32
    %jit3A_293 = arith.constant 8 : i32
    %div3A_294 = vector.broadcast %jit3A_293 : i32 to vector<32x16xi32>
    %div3A_295 = arith.divsi %iota3A, %div3A_294 : vector<32x16xi32>
    %sign3A_296 = arith.constant 0 : i32
    %sign3A_297 = vector.broadcast %sign3A_296 : i32 to vector<32x16xi32>
    %sign3A_298 = arith.cmpi sgt, %iota3A, %sign3A_297 : vector<32x16xi32>
    %sign3A_299 = arith.extui %sign3A_298 : vector<32x16xi1> to vector<32x16xi32>
    %sign3A_300 = arith.constant 0 : i32
    %sign3A_301 = vector.broadcast %sign3A_300 : i32 to vector<32x16xi32>
    %sign3A_302 = arith.cmpi slt, %iota3A, %sign3A_301 : vector<32x16xi32>
    %sign3A_303 = arith.extui %sign3A_302 : vector<32x16xi1> to vector<32x16xi32>
    %sign3A_304 = arith.subi %sign3A_299, %sign3A_303 : vector<32x16xi32>
    %sign3A_305 = arith.constant 0 : i32
    %sign3A_306 = arith.cmpi sgt, %jit3A_293, %sign3A_305 : i32
    %sign3A_307 = arith.extui %sign3A_306 : i1 to i32
    %sign3A_308 = arith.constant 0 : i32
    %sign3A_309 = arith.cmpi slt, %jit3A_293, %sign3A_308 : i32
    %sign3A_310 = arith.extui %sign3A_309 : i1 to i32
    %sign3A_311 = arith.subi %sign3A_307, %sign3A_310 : i32
    %ne3A_312 = vector.broadcast %sign3A_311 : i32 to vector<32x16xi32>
    %ne3A_313 = arith.cmpi ne, %sign3A_304, %ne3A_312 : vector<32x16xi32>
    %rem3A_314 = vector.broadcast %jit3A_293 : i32 to vector<32x16xi32>
    %rem3A_315 = arith.remsi %iota3A, %rem3A_314 : vector<32x16xi32>
    %ne3A_316 = arith.constant 0 : i32
    %ne3A_317 = vector.broadcast %ne3A_316 : i32 to vector<32x16xi32>
    %ne3A_318 = arith.cmpi ne, %rem3A_315, %ne3A_317 : vector<32x16xi32>
    %and3A_319 = arith.andi %ne3A_313, %ne3A_318 : vector<32x16xi1>
    %sub3A_320 = arith.constant 1 : i32
    %sub3A_321 = vector.broadcast %sub3A_320 : i32 to vector<32x16xi32>
    %sub3A_322 = arith.subi %div3A_295, %sub3A_321 : vector<32x16xi32>
    %select_n3A_323 = arith.select %and3A_319, %sub3A_322, %div3A_295 : vector<32x16xi1>, vector<32x16xi32>
    %eq3A_324 = arith.constant 3 : i32
    %eq3A_325 = vector.broadcast %eq3A_324 : i32 to vector<32x16xi32>
    %eq3A_326 = arith.cmpi eq, %select_n3A_323, %eq3A_325 : vector<32x16xi32>
    %eq3A_327 = arith.constant 0 : i32
    %eq3A_328 = vector.broadcast %eq3A_327 : i32 to vector<32x16xi32>
    %eq3A_329 = arith.cmpi eq, %iota3A_5, %eq3A_328 : vector<32x16xi32>
    %and3A_330 = arith.andi %eq3A_326, %eq3A_329 : vector<32x16xi1>
    %jit3A_331 = arith.constant 0.000000e+00 : f32
    %broadcast_in_dim3A_332 = vector.broadcast %jit3A_331 : f32 to vector<32x16xf32>
    %select_n3A_333 = arith.select %and3A_330, %get3A_1, %broadcast_in_dim3A_332 : vector<32x16xi1>, vector<32x16xf32>
    %reduce_sum3A_334 = vector.shape_cast %select_n3A_333 : vector<32x16xf32> to vector<1x32x16xf32>
    %reduce_sum3A_335 = arith.constant dense<0.000000e+00> : vector<1xf32>
    %reduce_sum3A_336 = vector.multi_reduction <add>, %reduce_sum3A_334, %reduce_sum3A_335 [1, 2] : vector<1x32x16xf32> to vector<1xf32>
    %reduce_sum3A_337 = vector.shape_cast %reduce_sum3A_336 : vector<1xf32> to vector<1x1x1xf32>
    %reduce_sum3A_338 = vector.extract %reduce_sum3A_337[0, 0, 0] : f32 from vector<1x1x1xf32>
    %eq3A_339 = arith.constant 1 : i32
    %eq3A_340 = vector.broadcast %eq3A_339 : i32 to vector<32x16xi32>
    %eq3A_341 = arith.cmpi eq, %iota3A_5, %eq3A_340 : vector<32x16xi32>
    %and3A_342 = arith.andi %eq3A_326, %eq3A_341 : vector<32x16xi1>
    %jit3A_343 = arith.constant 0.000000e+00 : f32
    %broadcast_in_dim3A_344 = vector.broadcast %jit3A_343 : f32 to vector<32x16xf32>
    %select_n3A_345 = arith.select %and3A_342, %get3A_1, %broadcast_in_dim3A_344 : vector<32x16xi1>, vector<32x16xf32>
    %reduce_sum3A_346 = vector.shape_cast %select_n3A_345 : vector<32x16xf32> to vector<1x32x16xf32>
    %reduce_sum3A_347 = arith.constant dense<0.000000e+00> : vector<1xf32>
    %reduce_sum3A_348 = vector.multi_reduction <add>, %reduce_sum3A_346, %reduce_sum3A_347 [1, 2] : vector<1x32x16xf32> to vector<1xf32>
    %reduce_sum3A_349 = vector.shape_cast %reduce_sum3A_348 : vector<1xf32> to vector<1x1x1xf32>
    %reduce_sum3A_350 = vector.extract %reduce_sum3A_349[0, 0, 0] : f32 from vector<1x1x1xf32>
    %eq3A_351 = arith.constant 6 : i32
    %eq3A_352 = vector.broadcast %eq3A_351 : i32 to vector<8x128xi32>
    %eq3A_353 = arith.cmpi eq, %iota3A_6, %eq3A_352 : vector<8x128xi32>
    %eq3A_354 = arith.constant 0 : i32
    %eq3A_355 = vector.broadcast %eq3A_354 : i32 to vector<8x128xi32>
    %eq3A_356 = arith.cmpi eq, %iota3A_7, %eq3A_355 : vector<8x128xi32>
    %and3A_357 = arith.andi %eq3A_353, %eq3A_356 : vector<8x128xi1>
    %jit3A_358 = arith.constant 0.000000e+00 : f32
    %broadcast_in_dim3A_359 = vector.broadcast %jit3A_358 : f32 to vector<8x128xf32>
    %select_n3A_360 = arith.select %and3A_357, %get3A_4, %broadcast_in_dim3A_359 : vector<8x128xi1>, vector<8x128xf32>
    %reduce_sum3A_361 = vector.shape_cast %select_n3A_360 : vector<8x128xf32> to vector<1x8x128xf32>
    %reduce_sum3A_362 = arith.constant dense<0.000000e+00> : vector<1xf32>
    %reduce_sum3A_363 = vector.multi_reduction <add>, %reduce_sum3A_361, %reduce_sum3A_362 [1, 2] : vector<1x8x128xf32> to vector<1xf32>
    %reduce_sum3A_364 = vector.shape_cast %reduce_sum3A_363 : vector<1xf32> to vector<1x1x1xf32>
    %reduce_sum3A_365 = vector.extract %reduce_sum3A_364[0, 0, 0] : f32 from vector<1x1x1xf32>
    %add3A_366 = arith.addf %reduce_sum3A_338, %reduce_sum3A_365 : f32
    %eq3A_367 = arith.constant 7 : i32
    %eq3A_368 = vector.broadcast %eq3A_367 : i32 to vector<8x128xi32>
    %eq3A_369 = arith.cmpi eq, %iota3A_6, %eq3A_368 : vector<8x128xi32>
    %eq3A_370 = arith.constant 0 : i32
    %eq3A_371 = vector.broadcast %eq3A_370 : i32 to vector<8x128xi32>
    %eq3A_372 = arith.cmpi eq, %iota3A_7, %eq3A_371 : vector<8x128xi32>
    %and3A_373 = arith.andi %eq3A_369, %eq3A_372 : vector<8x128xi1>
    %jit3A_374 = arith.constant 0.000000e+00 : f32
    %broadcast_in_dim3A_375 = vector.broadcast %jit3A_374 : f32 to vector<8x128xf32>
    %select_n3A_376 = arith.select %and3A_373, %get3A_4, %broadcast_in_dim3A_375 : vector<8x128xi1>, vector<8x128xf32>
    %reduce_sum3A_377 = vector.shape_cast %select_n3A_376 : vector<8x128xf32> to vector<1x8x128xf32>
    %reduce_sum3A_378 = arith.constant dense<0.000000e+00> : vector<1xf32>
    %reduce_sum3A_379 = vector.multi_reduction <add>, %reduce_sum3A_377, %reduce_sum3A_378 [1, 2] : vector<1x8x128xf32> to vector<1xf32>
    %reduce_sum3A_380 = vector.shape_cast %reduce_sum3A_379 : vector<1xf32> to vector<1x1x1xf32>
    %reduce_sum3A_381 = vector.extract %reduce_sum3A_380[0, 0, 0] : f32 from vector<1x1x1xf32>
    %add3A_382 = arith.addf %reduce_sum3A_350, %reduce_sum3A_381 : f32
    %mul3A_383 = arith.mulf %add3A_366, %add3A_366 : f32
    %div3A_384 = arith.constant 2.048000e+03 : f32
    %div3A_385 = arith.divf %mul3A_383, %div3A_384 : f32
    %sub3A_386 = arith.subf %add3A_382, %div3A_385 : f32
    %sub3A_387 = arith.constant 2.048000e+03 : f32
    %sub3A_388 = arith.constant 1.000000e+00 : f32
    %sub3A_389 = arith.subf %sub3A_387, %sub3A_388 : f32
    %div3A_390 = arith.divf %sub3A_386, %sub3A_389 : f32
    %add3A_391 = arith.addf %add3A_292, %div3A_390 : f32
    %div3A_392 = arith.constant 4.000000e+00 : f32
    %div3A_393 = arith.divf %add3A_391, %div3A_392 : f32
    %broadcast_in_dim3A_394 = vector.broadcast %div3A_393 : f32 to vector<8x128xf32>
    %swap3A = arith.constant 0 : index
    %swap3A_395 = arith.constant 0 : index
    %swap3A_396 = vector.load %arg2[%swap3A, %swap3A_395] : memref<8x128xf32, #tpu.memory_space<vmem>>, vector<8x128xf32>
    tpu.vector_store %arg2[%swap3A, %swap3A_395], %broadcast_in_dim3A_394 {strides = array<i32>} : memref<8x128xf32, #tpu.memory_space<vmem>>, vector<8x128xf32>,
    return
  }
}

</mosaic_0001>

<sc_bundles>
// kernel: kernel.5.cloned.1.call-start
scs
__scs_entry_jumppad:
0x0: {  	(pc) =	sbr.rel $0x88, $3  }
0x1: {  	(tag) =	ssettag $0x0;
	lr =	simm.s32 $0x1  }
0x2: {  	[smem:$0x3FA0] =	sst lr;
	_ =	strace $0xD0000000  }
0x3: {  	_ = 	snop  }
0x4: {  	_ = 	snop  }
0x5: {  	_ = 	snop  }
0x6: {  	_ = 	snop  }
0x7: {  	_ = 	snop  }
__scs_overlays_trampoline_lowered:
0x8: {  	[smem:$0x3FAF] =	sst s0  }
0x9: {  	[smem:$0x3FB0] =	sst s1  }
0xa: {  	[smem:$0x3FB1] =	sst s2  }
0xb: {  	[smem:$0x3FB2] =	sst s3  }
0xc: {  	[smem:$0x3FB3] =	sst s4  }
0xd: {  	[smem:$0x3FB4] =	sst s5  }
0xe: {  	[smem:$0x3FB5] =	sst s6  }
0xf: {  	[smem:$0x3FB6] =	sst s7  }
0x10: {  	[smem:$0x3FB7] =	sst s8  }
0x11: {  	[smem:$0x3FB8] =	sst s9;
	s0 =	simm.s32 @!p0 $0x0  }
0x12: {  	s1 =	sld [smem:$0x3F9E];
	s0 =	simm.s32 @p0 $0x1  }
0x13: {  	[smem:$0x3FB9] =	sst s0;
	s0 =	simm.s32 @!p1 $0x0  }
0x14: {  	s2 =	sld [smem:$0x3F9D];
	s0 =	simm.s32 @p1 $0x1  }
0x15: {  	[smem:$0x3FBA] =	sst s0;
	s0 =	simm.s32 @!p2 $0x0  }
0x16: {  	s3 =	sld [smem:$0x3FDB];
	s0 =	simm.s32 @p2 $0x1  }
0x17: {  	s4 =	simm.s32 $0x1BF5;
	[smem:$0x3FBC] =	sst s0  }
0x18: {  	s0 =	sld [smem:$0x3F9F];
	_ =	swait.ge [sflag:s4], $0x0  }
0x19: {  	s7 =	sld [smem:$0x3FA0]  }
0x1a: {  	s8 =	sadd.s32 $0xFFFFE003, lr  }
0x1b: {  	s9 =	sadd.s32 $0xFFFFFEF7, lr;
	s5 =	simm.s32 $0xFFFFFFFF;
	p2 =	slt.u32 s8, $0xFFFFF086  }
0x1c: {  	p1 =	slt.u32 s9, $0xF7A;
	s5 =	simm.s32 @!p2 $0x0  }
0x1d: {  	s5 =	simm.s32 @p1 $0x1;
	p0 =	seq.s32 s7, s2  }
0x1e: {  	s7 =	smul.u32 @!p0 $0xF7A, s2;
	p2 =	seq.s32 @!p0 s5, $0x0  }
0x1f: {  	s9 =	smul.u32 $0xF7A, s1;
	s8 =	simm.s32 @!p0 $0x1BF5;
	p2 =	por !p2, p0  }
0x20: {  	[sflag:s8] =	ssyncset.s32 @!p0 $0xFFFFF086;
	s6 =	sadd.s32 @!p0 s3, s7;
	s7 =	simm.s32 @!p0 $0x108  }
0x21: {  	s3 =	sadd.s32 s3, s9;
	s6 =	sadd.s32 @!p0 $0x88, s6;
	s7 =	simm.s32 @p2 $0x1082  }
0x22: {  	[simem:s7], [sflag:s8] =	dma.local @!p0 [hbm:s6], $0xF7A  }
0x23: {  	s9 =	sor.u32 $0xD0000000, s2;
	s6 =	simm.s32 $0x108;
	_ =	swait.ge @!p0 [sflag:s8], $0x0  }
0x24: {  	s3 =	sadd.s32 $0x88, s3;
	s6 =	simm.s32 @!p1 $0x1082;
	[sflag:s4] =	ssyncset.s32 $0xFFFFF086  }
0x25: {  	[simem:s6], [sflag:s4] =	dma.local [hbm:s3], $0xF7A  }
0x26: {  	[smem:$0x3FA0] =	sst s1;
	(tag) =	ssettag s2;
	_ =	strace s9  }
0x27: {  	s1 =	sld [smem:$0x3FB0]  }
0x28: {  	s2 =	sld [smem:$0x3FB1]  }
0x29: {  	s4 =	sld [smem:$0x3FB3]  }
0x2a: {  	p0 =	seq.s32 s5, $0x0;
	s5 =	sld [smem:$0x3FB4]  }
0x2b: {  	s6 =	sld [smem:$0x3FB5]  }
0x2c: {  	s7 =	sld [smem:$0x3FB6]  }
0x2d: {  	s3 =	simm.s32 $0x108;
	s8 =	sld [smem:$0x3FB7]  }
0x2e: {  	s3 =	simm.s32 @!p0 $0x1082;
	s9 =	sld [smem:$0x3FB8]  }
0x2f: {  	lr =	sadd.s32 s0, s3;
	s0 =	sld [smem:$0x3FAF]  }
0x30: {  	s3 =	sld [smem:$0x3FB2]  }
0x31: {  	[smem:$0x3FBB] =	sst s10  }
0x32: {  	s10 =	sld [smem:$0x3FB9];
	_ =	sdelay $0x3  }
0x33: {  	p0 =	seq.s32 s10, $0x1;
	s10 =	sld [smem:$0x3FBB];
	_ =	sdelay $0x3  }
0x34: {  	[smem:$0x3FBB] =	sst s10  }
0x35: {  	s10 =	sld [smem:$0x3FBA];
	_ =	sdelay $0x3  }
0x36: {  	p1 =	seq.s32 s10, $0x1;
	s10 =	sld [smem:$0x3FBB];
	_ =	sdelay $0x3  }
0x37: {  	[smem:$0x3FBB] =	sst s10  }
0x38: {  	s10 =	sld [smem:$0x3FBC]  }
0x39: {  	_ = 	snop;
	(pc) =	sbr.ind lr, $3  }
0x3a: {  	_ = 	snop  }
0x3b: {  	_ = 	snop  }
0x3c: {  	p2 =	seq.s32 s10, $0x1;
	s10 =	sld [smem:$0x3FBB]  }
0x3d: {  	_ =	shalt  }
0x3e: {  	_ =	shalt  }
0x3f: {  	_ =	shalt  }
0x40: {  	_ =	shalt  }
0x41: {  	_ =	shalt  }
0x42: {  	_ =	shalt  }
0x43: {  	_ =	shalt  }
0x44: {  	_ =	shalt  }
0x45: {  	_ =	shalt  }
0x46: {  	_ =	shalt  }
0x47: {  	_ =	shalt  }
0x48: {  	_ =	shalt  }
0x49: {  	_ =	shalt  }
0x4a: {  	_ =	shalt  }
0x4b: {  	_ =	shalt  }
0x4c: {  	_ =	shalt  }
0x4d: {  	_ =	shalt  }
0x4e: {  	_ =	shalt  }
0x4f: {  	_ =	shalt  }
0x50: {  	_ =	shalt  }
0x51: {  	_ =	shalt  }
0x52: {  	_ =	shalt  }
0x53: {  	_ =	shalt  }
0x54: {  	_ =	shalt  }
0x55: {  	_ =	shalt  }
0x56: {  	_ =	shalt  }
0x57: {  	_ =	shalt  }
0x58: {  	_ =	shalt  }
0x59: {  	_ =	shalt  }
0x5a: {  	_ =	shalt  }
0x5b: {  	_ =	shalt  }
0x5c: {  	_ =	shalt  }
0x5d: {  	_ =	shalt  }
0x5e: {  	_ =	shalt  }
0x5f: {  	_ =	shalt  }
0x60: {  	_ =	shalt  }
0x61: {  	_ =	shalt  }
0x62: {  	_ =	shalt  }
0x63: {  	_ =	shalt  }
0x64: {  	_ =	shalt  }
0x65: {  	_ =	shalt  }
0x66: {  	_ =	shalt  }
0x67: {  	_ =	shalt  }
0x68: {  	_ =	shalt  }
0x69: {  	_ =	shalt  }
0x6a: {  	_ =	shalt  }
0x6b: {  	_ =	shalt  }
0x6c: {  	_ =	shalt  }
0x6d: {  	_ =	shalt  }
0x6e: {  	_ =	shalt  }
0x6f: {  	_ =	shalt  }
0x70: {  	_ =	shalt  }
0x71: {  	_ =	shalt  }
0x72: {  	_ =	shalt  }
0x73: {  	_ =	shalt  }
0x74: {  	_ =	shalt  }
0x75: {  	_ =	shalt  }
0x76: {  	_ =	shalt  }
0x77: {  	_ =	shalt  }
0x78: {  	_ =	shalt  }
0x79: {  	_ =	shalt  }
0x7a: {  	_ =	shalt  }
0x7b: {  	_ =	shalt  }
0x7c: {  	_ =	shalt  }
0x7d: {  	_ =	shalt  }
0x7e: {  	_ =	shalt  }
0x7f: {  	_ =	shalt  }
0x80: {  	_ =	shalt  }
0x81: {  	_ =	shalt  }
0x82: {  	_ =	shalt  }
0x83: {  	_ =	shalt  }
0x84: {  	_ =	shalt  }
0x85: {  	_ =	shalt  }
0x86: {  	_ =	shalt  }
0x87: {  	_ =	shalt  }
.Lfunc_end0:
.L_simem_size_0:
called_computation_lowered:
.L_overlay_start_0:
0x88: {  	s2 =	sld [smem:$0x3FD9]  }
0x89: {  	s3 =	sld [smem:$0x3FFE];
	_ =	sdelay $0x1  }
0x8a: {  	s1 =	srdreg.scid  }
0x8b: {  	s0 =	sand.u32 $0x1, s1  }
0x8c: {  	s17 =	sshll.u32 s0, $0xA;
	s2 =	sadd.s32 s3, s2  }
0x8d: {  	s2 =	sadd.s32 s2, s17  }
0x8e: {  	[smem:$0x3FC7] =	sst s2  }
0x8f: {  	_ = 	snop  }
0x90: {  	s2 =	sld [smem:$0x3FC9];
	(tm) =	ssettm $0x1  }
0x91: {  	s18 =	sld [smem:$0x3FFB];
	_ =	sdelay $0x3  }
0x92: {  	_ =	strace s18  }
0x93: {  	s3 =	sld [smem:$0x3FFC];
	_ =	sdelay $0x3  }
0x94: {  	_ =	strace s3  }
0x95: {  	s3 =	sld [smem:$0x3FFD];
	_ =	sdelay $0x3  }
0x96: {  	_ =	strace s3  }
0x97: {  	_ =	strace $0x8FFFFFFF  }
0x98: {  	s19 =	sld [smem:$0x3FDB];
	_ =	sdelay $0x1  }
0x99: {  	s4 =	simm.s32 $_scs_section_size  }
0x9a: {  	s5 =	simm.s32 $_size__tile_overlayer_lowered;
	s6 =	simm.s32 $_tile_overlayer_lowered  }
0x9b: {  	s22 =	simm.s32 $0x1BFF;
	s21 =	sshll.u32 s6, $0x1;
	s3 =	sadd.s32 s4, s19  }
0x9c: {  	s7 =	simm.s32 $0x0;
	s20 =	sshll.u32 s5, $0x1;
	s5 =	sadd.s32 s21, s3  }
0x9d: {  	[timem:s7], [sflag:s22] =	dma.local [hbm:s5], s20  }
0x9e: {  	_ =	swait.ge [sflag:s22], s20  }
0x9f: {  	s4 =	ssub.s32 $0x0, s20;
	[sflag:s22] =	ssyncset.done $0x0  }
0xa0: {  	[sflag:s22] =	ssyncadd.s32 s4;
	_ =	sdelay $0x1  }
0xa1: {  	s23 =	simm.s32 $0x1B8B  }
0xa2: {  	_ =	swait.ge [sflag:s23], $0x1  }
0xa3: {  	[sflag:s23] =	ssyncset.done $0x0  }
0xa4: {  	s25 =	simm.s32 $0x1B8E;
	s24 =	sld [smem:$0x3FFE];
	[sflag:s23] =	ssyncadd.s32 $0xFFFFFFFF  }
0xa5: {  	s26 =	simm.s32 $execute0_lowered;
	[smem:$0x3FD2] =	sst s25  }
0xa6: {  	s5 =	sshll.u32 s26, $0x1;
	_ =	strace $0x80000046;
	[dreg:$0x1] =	wrdreg $0xFFFFFFFF  }
0xa7: {  	s28 =	simm.s32 $_size_execute0_lowered;
	s3 =	sadd.s32 s3, s5;
	[dreg:$0x0] =	wrdreg $0x0  }
0xa8: {  	s5 =	sshll.u32 s28, $0x1;
	[dreg:$0x2] =	wrdreg s3  }
0xa9: {  	[dreg:$0x3] =	wrdreg s5  }
0xaa: {  	[dreg:$0x4] =	wrdreg $0xC0  }
0xab: {  	_ =	task [dreg:s7], $0x5FFFF  }
0xac: {  	[dreg:$0x1] =	wrdreg $0xFFFFFFFF  }
0xad: {  	[dreg:$0x0] =	wrdreg $0x60  }
0xae: {  	[dreg:$0x2] =	wrdreg s2  }
0xaf: {  	[dreg:$0x3] =	wrdreg s24  }
0xb0: {  	[dreg:$0x4] =	wrdreg $0x9  }
0xb1: {  	_ =	task.clear_ibuf [dreg:s7], $0x5FFFF;
	_ =	strace $0x90000046  }
0xb2: {  	s29 =	simm.s32 $0x9;
	_ =	strace $0x80000048  }
0xb3: {  	_ =	swait.ge [sflag:s29], $0x1  }
0xb4: {  	[sflag:s29] =	ssyncadd.s32 $0xFFFFFFFF  }
0xb5: {  	_ =	strace $0x90000048  }
0xb6: {  	_ =	sfence  }
0xb7: {  	s30 =	sld [smem:$0x0];
	_ =	sdelay $0x2  }
0xb8: {  	s31 =	sshll.u32 s1, $0xD;
	s1 =	sshrl.u32 s1, $0x2  }
0xb9: {  	s3 =	sand.u32 $0x4000, s31;
	s1 =	sadd.s32 s1, s30  }
0xba: {  	s0 =	sor.u32 s3, s0;
	s1 =	sshll.u32 s1, $0x11  }
0xbb: {  	s0 =	sor.u32 s1, s0  }
0xbc: {  	s0 =	sadd.s32 $0x8F2B, s0  }
0xbd: {  	[sflag:s0] =	ssyncadd.remote.s32 $0x1  }
0xbe: {  	_ =	sfence.sel $0xFFFF  }
0xbf: {  	[dreg:$0x0] =	wrdreg $0xFFFFFFFF;
	(pc) =	sbr.abs _section_cstart, $3  }
0xc0: {  	[dreg:$0x1] =	wrdreg $0xFFFFFFFF  }
0xc1: {  	_ =	task.clear_ibuf [dreg:s7], $0x2FFFF;
	_ =	strace $0x9FFFFFFF  }
0xc2: {  	(tm) =	ssettm $0x7FFFFFFF  }
0xc3: {  	_ =	shalt  }
tec
execute0_lowered:
.L_overlay_start_1:
0x0: {  	(tag) =	ssettag $0x1  }
0x1: {  	s3 =	rddreg [dreg:$0x0]  }
0x2: {  	s4 =	rddreg [dreg:$0x1];
	s1 =	simm.s32 $0x0;
	s5 =	srdreg.scid  }
0x3: {  	s0 =	stileid.u32;
	[smem:$0x7FF] =	sst s1;
	s5 =	sand.u32 $0x1, s5  }
0x4: {  	s6 =	sshll.u32 s0, $0x1;
	s8 =	sshll.u32 s0, $0x8;
	_ =	strace $0x80000047  }
0x5: {  	s6 =	sor.u32 s5, s6;
	s5 =	ssub.s32 $0x2, s5;
	s8 =	sand.u32 $0xC00, s8  }
0x6: {  	s7 =	sshll.u32 s6, $0x4;
	s6 =	sand.u32 $0x7, s6;
	s26 =	sadd.s32 s3, s8  }
0x7: {  	s25 =	sshrl.u32 s5, $0x1;
	s2 =	sadd.s32 $0x10, s26;
	[dreg:$0x3] =	wrdreg s26  }
0x8: {  	vm0 =	vcmask $0x133C;
	vm2 =	vcmask $0x704;
	vm4 =	vcmask $0xF0C;
	s6 =	smul.u32 $0xA0, s6;
	s29 =	sadd.s32 $0x20, s26;
	[dreg:$0x4] =	wrdreg s2  }
0x9: {  	vm5 =	vcmask $0x1310;
	vm6 =	vcmask $0x1714;
	vm7 =	vcmask $0x1B18;
	s7 =	sadd.s32 s7, s4;
	s0 =	sadd.s32 $0x30, s26;
	[dreg:$0x5] =	wrdreg s29  }
0xa: {  	vm8 =	vcmask $0x1F1C;
	vm9 =	vcmask $0x2320;
	vm10 =	vcmask $0x2724;
	s28 =	ssub.s32 s5, s25;
	[dreg:$0x6] =	wrdreg s0;
	s30 =	sadd.s32 $0x800, s7  }
0xb: {  	vm11 =	vcmask $0x2B28;
	vm12 =	vcmask $0x2F2C;
	vm13 =	vcmask $0x3330;
	s31 =	smax.u32 s28, $0x1;
	s16 =	sadd.s32 $0x300, s6;
	[dreg:$0x7] =	wrdreg s30  }
0xc: {  	vm14 =	vcmask $0x3734;
	vm15 =	vcmask $0x3B38;
	s4 =	simm.s32 $0x1;
	s2 =	simm.s32 $0x0;
	[dreg:$0x8] =	wrdreg s31;
	v0 =	vmov s16  }
.LBB2_1:
0xd: {  	[dreg:$0x9] =	wrdreg s2  }
0xe: {  	s0 =	rddreg [dreg:$0x3];
	s24 =	simm.s32 $0x80;
	s3 =	simm.s32 $0x200  }
0xf: {  	[tilespmem:s1], [sflag:$0x1] =	stream.strided.gather [hbm4b:s0+s24], $0x800, s3, s24, $0x38;
	[tilespmem:$0x2880] =	vst v63  }
0x10: {  	_ =	swait.ge [sflag:s4], $0x800  }
0x11: {  	[sflag:s4] =	ssyncset.done $0x0  }
0x12: {  	s26 =	simm.s32 $0x800;
	s25 =	rddreg [dreg:$0x4];
	[sflag:s4] =	ssyncadd.s32 $0xFFFFF800  }
0x13: {  	[tilespmem:s26], [sflag:$0x1] =	stream.strided.gather [hbm4b:s25+s24], $0x800, s3, s24, $0x38;
	[tilespmem:$0x2880] =	vst v63  }
0x14: {  	_ =	swait.ge [sflag:s4], $0x800  }
0x15: {  	[sflag:s4] =	ssyncset.done $0x0  }
0x16: {  	s29 =	simm.s32 $0x1000;
	s28 =	rddreg [dreg:$0x5];
	[sflag:s4] =	ssyncadd.s32 $0xFFFFF800  }
0x17: {  	[tilespmem:s29], [sflag:$0x1] =	stream.strided.gather [hbm4b:s28+s24], $0x800, s3, s24, $0x38;
	[tilespmem:$0x2880] =	vst v63  }
0x18: {  	_ =	swait.ge [sflag:s4], $0x800  }
0x19: {  	[sflag:s4] =	ssyncset.done $0x0  }
0x1a: {  	s31 =	simm.s32 $0x1800;
	s30 =	rddreg [dreg:$0x6];
	[sflag:s4] =	ssyncadd.s32 $0xFFFFF800  }
0x1b: {  	[tilespmem:s31], [sflag:$0x1] =	stream.strided.gather [hbm4b:s30+s24], $0x800, s3, s24, $0x38;
	[tilespmem:$0x2880] =	vst v63  }
0x1c: {  	_ =	swait.ge [sflag:s4], $0x800  }
0x1d: {  	[sflag:s4] =	ssyncset.done $0x0  }
0x1e: {  	s17 =	simm.s32 $0x0;
	[sflag:s4] =	ssyncadd.s32 $0xFFFFF800  }
0x1f: {  	v1 =	vld [tilespmem:s17+$0x0]  }
0x20: {  	v2 =	vld [tilespmem:s17+$0x800]  }
0x21: {  	v3 =	vld [tilespmem:s17+$0x1000];
	_ =	sdelay $0x2  }
0x22: {  	s18 =	simm.s32 $0x10  }
0x23: {  	v4 =	vmul.f32 v1, v1;
	v2 =	vmul.f32 v2, v2;
	v1 =	vld [tilespmem:s18+$0x0]  }
0x24: {  	v5 =	vmul.f32 v3, v3;
	v3 =	vld [tilespmem:s18+$0x800]  }
0x25: {  	v4 =	vadd.f32 v2, v4  }
0x26: {  	v2 =	vld [tilespmem:s18+$0x1000]  }
0x27: {  	s19 =	simm.s32 $0x80;
	v4 =	vadd.f32 v5, v4  }
.LBB2_2:
0x28: {  	s20 =	sshra.s32 s19, $0x2;
	p0 =	sne.s32 s19, $0x1FC0  }
.Ltmp0:
0x29: {  	s19 =	sadd.s32 $0x40, s19;
	v5 =	vmul.f32 v1, v1;
	v1 =	vld [tilespmem:s20+$0x0];
	v6 =	vmul.f32 v3, v3;
	[tilespmem:s17+$0x2000] =	vst v4;
	(pc) =	sbr.rel @p0 .LBB2_2-.Ltmp0, $4  }
0x2a: {  	s17 =	smov.u32 s18;
	s18 =	smov.u32 s20;
	v3 =	vld [tilespmem:s20+$0x800]  }
0x2b: {  	v4 =	vadd.f32 v6, v5;
	v5 =	vmul.f32 v2, v2  }
0x2c: {  	v2 =	vld [tilespmem:s18+$0x1000]  }
0x2d: {  	v4 =	vadd.f32 v5, v4  }
0x2e: {  	_ = 	snop  }
0x2f: {  	v1 =	vmul.f32 v1, v1;
	v3 =	vmul.f32 v3, v3;
	_ =	sdelay $0x1  }
0x30: {  	v1 =	vadd.f32 v3, v1;
	v2 =	vmul.f32 v2, v2;
	_ =	sdelay $0x1  }
0x31: {  	v1 =	vadd.f32 v2, v1  }
0x32: {  	[tilespmem:s17+$0x2000] =	vst v4  }
0x33: {  	s0 =	simm.s32 $0x0;
	v3 =	vimm.f32 $0.0e+00;
	v2 =	vimm.f32 $0.0e+00;
	[tilespmem:s18+$0x2000] =	vst v1;
	v1 =	vimm.f32 $0.0e+00  }
.LBB2_4:
0x34: {  	_ =	sdelay $0x2  }
0x35: {  	s22 =	sshll.u32 s0, $0x4  }
0x36: {  	v6 =	vld.idx.msk [tilespmem:v0+s22+$0x0 ss:$0x1], $0xffff  }
0x37: {  	v7 =	vld.idx.msk [tilespmem:v0+s22+$0x800 ss:$0x1], $0xffff  }
0x38: {  	v5 =	vld.idx.msk [tilespmem:v0+s22+$0x1000 ss:$0x1], $0xffff;
	_ =	sdelay $0x3  }
0x39: {  	s23 =	simm.s32 $0x1020;
	v13 =	vmul.f32 $-2.000000000e+00, v6  }
0x3a: {  	s18 =	simm.s32 $0x20;
	v4 =	vld [tilespmem:s23+$0xFFFFFFE0];
	v11 =	vmul.f32 $-2.000000000e+00, v7;
	v12 =	vmul.f32 $-2.000000000e+00, v5  }
0x3b: {  	s19 =	simm.s32 $0x820;
	v23 =	vld [tilespmem:s18+$0xFFFFFFE0];
	v8 =	vbroadcast v13, $0x0;
	v9 =	vbroadcast v13, $0x1  }
0x3c: {  	s20 =	simm.s32 $0x2020;
	v24 =	vld [tilespmem:s19+$0xFFFFFFE0];
	v10 =	vbroadcast v13, $0x2;
	v14 =	vbroadcast v13, $0x3  }
0x3d: {  	v25 =	vld [tilespmem:s20+$0xFFFFFFE0];
	v15 =	vbroadcast v11, $0x0;
	v16 =	vbroadcast v11, $0x1  }
0x3e: {  	v17 =	vbroadcast v11, $0x2;
	v18 =	vbroadcast v11, $0x3  }
0x3f: {  	v19 =	vbroadcast v12, $0x0;
	v20 =	vbroadcast v12, $0x1  }
0x40: {  	v21 =	vbroadcast v12, $0x2;
	v26 =	vmul.f32 v23, v8  }
0x41: {  	v22 =	vbroadcast v12, $0x3;
	v27 =	vmul.f32 v23, v9  }
0x42: {  	s21 =	simm.s32 $0x1820;
	v28 =	vmul.f32 v4, v19;
	v29 =	vmul.f32 v24, v15;
	v26 =	vadd.f32 v25, v26  }
0x43: {  	v31 =	vld [tilespmem:s21+$0xFFFFFFE0];
	v30 =	vmul.f32 v23, v10;
	v32 =	vmul.f32 v24, v16;
	v27 =	vadd.f32 v25, v27  }
0x44: {  	v33 =	vmul.f32 v4, v20;
	v23 =	vmul.f32 v23, v14;
	v26 =	vadd.f32 v26, v29  }
0x45: {  	v29 =	vadd.f32 v25, v30;
	v30 =	vmul.f32 v24, v17;
	v27 =	vadd.f32 v27, v32  }
0x46: {  	v23 =	vadd.f32 v25, v23;
	v24 =	vmul.f32 v24, v18;
	v25 =	vadd.f32 v26, v28  }
0x47: {  	v28 =	vadd.f32 v29, v30;
	v29 =	vmul.f32 v4, v21;
	v27 =	vadd.f32 v27, v33;
	v30 =	vld [tilespmem:s18+$0xFFFFFFF0]  }
0x48: {  	v23 =	vadd.f32 v23, v24;
	v4 =	vmul.f32 v4, v22;
	v24 =	vld [tilespmem:s19+$0xFFFFFFF0];
	(xrf1) =	vsort.ascd.msk.f32 $0xffff, v25, v31  }
0x49: {  	v25 =	vadd.f32 v28, v29;
	(xrf1) =	vsort.ascd.msk.f32 $0xffff, v27, v31;
	v27 =	vld [tilespmem:s20+$0xFFFFFFF0]  }
0x4a: {  	v26 =	vld [tilespmem:s23+$0xFFFFFFF0];
	v4 =	vadd.f32 v23, v4  }
0x4b: {  	(xrf1) =	vsort.ascd.msk.f32 $0xffff, v25, v31  }
0x4c: {  	(xrf1) =	vsort.ascd.msk.f32 $0xffff, v4, v31;
	v4 =	vmul.f32 v30, v8;
	_ =	sdelay $0x1  }
0x4d: {  	v25 =	vmul.f32 v30, v9;
	v29 =	vmul.f32 v24, v15;
	v4 =	vadd.f32 v27, v4  }
0x4e: {  	v23 =	vmul.f32 v26, v19;
	v31 =	vmul.f32 v30, v10  }
0x4f: {  	v50 =	vmul.f32 v24, v16;
	v25 =	vadd.f32 v27, v25;
	v4 =	vadd.f32 v4, v29  }
0x50: {  	v28 =	vmul.f32 v26, v20;
	v29 =	vadd.f32 v27, v31;
	v31 =	vmul.f32 v24, v17  }
0x51: {  	v49 =	vld [tilespmem:s21+$0xFFFFFFF0];
	v30 =	vmul.f32 v30, v14;
	v25 =	vadd.f32 v25, v50;
	v4 =	vadd.f32 v4, v23  }
0x52: {  	v23 =	vadd.f32 v29, v31;
	v29 =	vmul.f32 v26, v21;
	v26 =	vmul.f32 v26, v22  }
0x53: {  	v27 =	vadd.f32 v27, v30;
	v24 =	vmul.f32 v24, v18;
	v25 =	vadd.f32 v25, v28;
	_ =	sdelay $0x1  }
0x54: {  	v24 =	vadd.f32 v27, v24  }
0x55: {  	v23 =	vadd.f32 v23, v29;
	(xrf1) =	vsort.ascd.msk.f32 $0xffff, v4, v49  }
0x56: {  	v4 =	vadd.f32 v24, v26;
	v24 =	vimm.f32 $+Inf;
	(xrf1) =	vsort.ascd.msk.f32 $0xffff, v25, v49;
	v25, v26, _ =	vpop (xrf1)  }
0x57: {  	vm1 =	vle.f32 v24, v25  }
0x58: {  	v26 =	vsel vm1, v2, v26  }
0x59: {  	(xrf1) =	vsort.ascd.msk.f32 $0xffff, v23, v49;
	v23, v27, _ =	vpop (xrf1);
	v25 =	vsel vm1, v24, v25  }
0x5a: {  	v30 =	vld [tilespmem:s18+$0x0];
	(xrf1) =	vsort.ascd.msk.f32 $0xffff, v4, v49;
	vm1 =	vle.f32 v24, v23  }
0x5b: {  	v31 =	vld [tilespmem:s19+$0x0];
	v28, v29, _ =	vpop (xrf1);
	v23 =	vsel vm1, v24, v23;
	v27 =	vsel vm1, v2, v27;
	(xrf1) =	vsort.dscd.msk.f32 $0xffff, v25, v26  }
0x5c: {  	vm1 =	vle.f32 v24, v28;
	(xrf1) =	vsort.dscd.msk.f32 $0xffff, v23, v27;
	v23 =	vld [tilespmem:s20+$0x0];
	v25, v26, _ =	vpop (xrf1)  }
0x5d: {  	v27 =	vsel vm1, v24, v28;
	v28 =	vsel vm1, v2, v29;
	vm1 =	vle.f32 v24, v25  }
0x5e: {  	v4 =	vld [tilespmem:s23+$0x0];
	(xrf1) =	vsort.dscd.msk.f32 $0xffff, v27, v28;
	v24 =	vsel vm1, v24, v25;
	v25 =	vsel vm1, v2, v26  }
0x5f: {  	(xrf1) =	vsort.dscd.msk.f32 $0xffff, v24, v25;
	v24 =	vmul.f32 v30, v8  }
0x60: {  	v26 =	vmul.f32 v30, v9  }
0x61: {  	v29 =	vmul.f32 v30, v10;
	v28 =	vmul.f32 v31, v15;
	v24 =	vadd.f32 v23, v24  }
0x62: {  	v30 =	vmul.f32 v30, v14;
	v26 =	vadd.f32 v23, v26  }
0x63: {  	v25 =	vmul.f32 v4, v19;
	v24 =	vadd.f32 v24, v28;
	v28 =	vadd.f32 v23, v29  }
0x64: {  	v29 =	vmul.f32 v31, v17;
	v23 =	vadd.f32 v23, v30;
	v30 =	vmul.f32 v31, v18  }
0x65: {  	v51 =	vld [tilespmem:s21+$0x0];
	v52 =	vmul.f32 v31, v16;
	v27 =	vmul.f32 v4, v20  }
0x66: {  	v24 =	vadd.f32 v24, v25;
	v25 =	vadd.f32 v28, v29;
	v28 =	vmul.f32 v4, v21  }
0x67: {  	v26 =	vadd.f32 v26, v52;
	v31, v53, _ =	vpop (xrf1);
	v23 =	vadd.f32 v23, v30  }
0x68: {  	v29, v34, _ =	vpop (xrf1)  }
0x69: {  	v26 =	vadd.f32 v26, v27;
	v4 =	vmul.f32 v4, v22;
	v27, v30, _ =	vpop (xrf1)  }
0x6a: {  	v25 =	vadd.f32 v25, v28;
	(xrf1) =	vsort.ascd.msk.f32 $0xffff, v24, v51;
	v28, v35, _ =	vpop (xrf1)  }
0x6b: {  	v4 =	vadd.f32 v23, v4;
	(xrf1) =	vsort.ascd.msk.f32 $0xffff, v26, v51;
	v23, v24, _ =	vpop (xrf1)  }
0x6c: {  	(xrf1) =	vsort.ascd.msk.f32 $0xffff, v25, v51;
	vm1 =	vle.f32 v23, v31  }
0x6d: {  	v26, v36, _ =	vpop (xrf1);
	(xrf1) =	vsort.ascd.msk.f32 $0xffff, v4, v51;
	v4 =	vsel vm1, v23, v31;
	v23 =	vsel vm1, v24, v53;
	v24 =	vld [tilespmem:s18+$0x10]  }
0x6e: {  	vm1 =	vle.f32 v26, v29  }
0x6f: {  	v54, v55, _ =	vpop (xrf1);
	(xrf1) =	vsort.dscd.msk.f32 $0xffff, v4, v23;
	v4 =	vsel vm1, v26, v29;
	v26 =	vld [tilespmem:s20+$0x10]  }
0x70: {  	v31 =	vld [tilespmem:s19+$0x10];
	v23, v29, _ =	vpop (xrf1)  }
0x71: {  	v34 =	vsel vm1, v36, v34;
	vm1 =	vle.f32 v23, v28  }
0x72: {  	(xrf1) =	vsort.dscd.msk.f32 $0xffff, v4, v34;
	v4 =	vsel vm1, v23, v28;
	v23 =	vmul.f32 v24, v8  }
0x73: {  	vm3 =	vle.f32 v54, v27  }
0x74: {  	v27 =	vsel vm3, v54, v27;
	v30 =	vsel vm3, v55, v30;
	v28 =	vadd.f32 v26, v23  }
0x75: {  	(xrf1) =	vsort.dscd.msk.f32 $0xffff, v27, v30;
	v30 =	vmul.f32 v31, v15;
	_ =	sdelay $0x2  }
0x76: {  	v25 =	vld [tilespmem:s23+$0x10];
	v29 =	vsel vm1, v29, v35  }
0x77: {  	v27 =	vmul.f32 v24, v9;
	v60 =	vadd.f32 v28, v30;
	v30, v28, _ =	vpop (xrf1);
	(xrf1) =	vsort.dscd.msk.f32 $0xffff, v4, v29  }
0x78: {  	v58 =	vmul.f32 v24, v10;
	v24 =	vmul.f32 v24, v14  }
0x79: {  	v59 =	vmul.f32 v31, v16;
	v27 =	vadd.f32 v26, v27  }
0x7a: {  	v23 =	vld [tilespmem:s21+$0x10];
	v34 =	vadd.f32 v26, v58;
	v24 =	vadd.f32 v26, v24;
	v26 =	vmul.f32 v31, v18  }
0x7b: {  	v56 =	vmul.f32 v25, v19;
	v37 =	vmul.f32 v31, v17;
	v27 =	vadd.f32 v27, v59  }
0x7c: {  	v57 =	vmul.f32 v25, v20  }
0x7d: {  	v61 =	vmul.f32 v25, v21;
	v34 =	vadd.f32 v34, v37;
	v32 =	vadd.f32 v60, v56  }
0x7e: {  	v63 =	vmul.f32 v25, v22;
	v62 =	vadd.f32 v24, v26;
	v4 =	vadd.f32 v27, v57;
	v31, v29, _ =	vpop (xrf1)  }
0x7f: {  	v35 =	vadd.f32 v34, v61;
	(xrf1) =	vsort.ascd.msk.f32 $0xffff, v32, v23;
	v27, v26, _ =	vpop (xrf1)  }
0x80: {  	v32 =	vadd.f32 v62, v63;
	(xrf1) =	vsort.ascd.msk.f32 $0xffff, v4, v23;
	v25, v24, _ =	vpop (xrf1)  }
0x81: {  	s23 =	simm.s32 $0x1060;
	v4 =	vld.idx.msk [tilespmem:v0+s22+$0x1800 ss:$0x1], $0xffff;
	s22 =	simm.s32 $0x0;
	(xrf1) =	vsort.ascd.msk.f32 $0xffff, v35, v23;
	v34, v33, _ =	vpop (xrf1)  }
.LBB2_5:
0x82: {  	v35 =	vld [tilespmem:s23+$0xFFFFFFE0];
	vm1 =	vle.f32 v34, v30;
	s18 =	sadd.s32 $0x40, s18;
	v36, v37, _ =	vpop (xrf1);
	(xrf1) =	vsort.ascd.msk.f32 $0xffff, v32, v23  }
0x83: {  	s19 =	sadd.s32 $0x40, s19;
	v23 =	vld [tilespmem:s18+$0xFFFFFFE0];
	v38 =	vsel vm1, v34, v30;
	v28 =	vsel vm1, v33, v28;
	vm1 =	vle.f32 v36, v31  }
0x84: {  	s20 =	sadd.s32 $0x40, s20;
	v32 =	vld [tilespmem:s19+$0xFFFFFFE0];
	v31 =	vsel vm1, v36, v31;
	v29 =	vsel vm1, v37, v29;
	v33, v34, _ =	vpop (xrf1);
	(xrf1) =	vsort.dscd.msk.f32 $0xffff, v38, v28  }
0x85: {  	v28 =	vld [tilespmem:s20+$0xFFFFFFE0];
	vm1 =	vle.f32 v33, v27;
	v30, v36, _ =	vpop (xrf1);
	(xrf1) =	vsort.dscd.msk.f32 $0xffff, v31, v29  }
0x86: {  	v27 =	vsel vm1, v33, v27;
	v26 =	vsel vm1, v34, v26;
	vm1 =	vle.f32 v30, v25  }
0x87: {  	v25 =	vsel vm1, v30, v25;
	v24 =	vsel vm1, v36, v24;
	(xrf1) =	vsort.dscd.msk.f32 $0xffff, v27, v26  }
0x88: {  	v27 =	vmul.f32 v35, v19;
	v26 =	vmul.f32 v23, v8;
	(xrf1) =	vsort.dscd.msk.f32 $0xffff, v25, v24  }
0x89: {  	v24 =	vmul.f32 v23, v9;
	v25 =	vmul.f32 v35, v20  }
0x8a: {  	s21 =	sadd.s32 $0x40, s21;
	v30 =	vmul.f32 v23, v10;
	v29 =	vmul.f32 v32, v15;
	v26 =	vadd.f32 v28, v26  }
0x8b: {  	v23 =	vmul.f32 v23, v14;
	v38 =	vmul.f32 v32, v16;
	v24 =	vadd.f32 v28, v24;
	v31 =	vld [tilespmem:s21+$0xFFFFFFE0]  }
0x8c: {  	s22 =	sadd.s32 $0x4, s22;
	v36 =	vmul.f32 v32, v17;
	v40 =	vadd.f32 v28, v30;
	v26 =	vadd.f32 v26, v29  }
0x8d: {  	p0 =	slt.u32 s22, $0x7C;
	v37 =	vmul.f32 v32, v18;
	v23 =	vadd.f32 v28, v23;
	v24 =	vadd.f32 v24, v38;
	v32, v33, _ =	vpop (xrf1)  }
0x8e: {  	v38 =	vadd.f32 v26, v27;
	v27 =	vadd.f32 v40, v36;
	v36 =	vmul.f32 v35, v21;
	v30, v34, _ =	vpop (xrf1)  }
0x8f: {  	v23 =	vadd.f32 v23, v37;
	v37 =	vmul.f32 v35, v22;
	v39 =	vadd.f32 v24, v25;
	v28, v35, _ =	vpop (xrf1)  }
0x90: {  	v27 =	vadd.f32 v27, v36;
	(xrf1) =	vsort.ascd.msk.f32 $0xffff, v38, v31;
	v26, v29, _ =	vpop (xrf1)  }
0x91: {  	v36 =	vadd.f32 v23, v37;
	(xrf1) =	vsort.ascd.msk.f32 $0xffff, v39, v31  }
0x92: {  	(xrf1) =	vsort.ascd.msk.f32 $0xffff, v27, v31;
	v24, v25, _ =	vpop (xrf1)  }
0x93: {  	v27 =	vld [tilespmem:s23+$0xFFFFFFF0];
	(xrf1) =	vsort.ascd.msk.f32 $0xffff, v36, v31;
	vm1 =	vle.f32 v24, v32;
	v23, v31, _ =	vpop (xrf1)  }
0x94: {  	v36 =	vld [tilespmem:s18+$0xFFFFFFF0];
	v24 =	vsel vm1, v24, v32;
	v37 =	vsel vm1, v25, v33;
	vm1 =	vle.f32 v23, v30  }
0x95: {  	v32 =	vld [tilespmem:s19+$0xFFFFFFF0];
	v23 =	vsel vm1, v23, v30;
	v30 =	vsel vm1, v31, v34;
	v31, v33, _ =	vpop (xrf1);
	(xrf1) =	vsort.dscd.msk.f32 $0xffff, v24, v37  }
0x96: {  	v24 =	vld [tilespmem:s20+$0xFFFFFFF0];
	vm1 =	vle.f32 v31, v28;
	v25, v34, _ =	vpop (xrf1);
	(xrf1) =	vsort.dscd.msk.f32 $0xffff, v23, v30  }
0x97: {  	v23 =	vsel vm1, v31, v28;
	v28 =	vsel vm1, v33, v35;
	vm1 =	vle.f32 v25, v26  }
0x98: {  	v25 =	vsel vm1, v25, v26;
	v26 =	vsel vm1, v34, v29;
	(xrf1) =	vsort.dscd.msk.f32 $0xffff, v23, v28  }
0x99: {  	v28 =	vmul.f32 v27, v19;
	v23 =	vmul.f32 v36, v8;
	(xrf1) =	vsort.dscd.msk.f32 $0xffff, v25, v26  }
0x9a: {  	v25 =	vmul.f32 v36, v9;
	v26 =	vmul.f32 v27, v20  }
0x9b: {  	v30 =	vmul.f32 v36, v10;
	v29 =	vmul.f32 v32, v15;
	v23 =	vadd.f32 v24, v23  }
0x9c: {  	v39 =	vmul.f32 v36, v14;
	v38 =	vmul.f32 v32, v16;
	v25 =	vadd.f32 v24, v25;
	v31 =	vld [tilespmem:s21+$0xFFFFFFF0]  }
0x9d: {  	v40 =	vmul.f32 v32, v17;
	v23 =	vadd.f32 v23, v29;
	v29 =	vadd.f32 v24, v30  }
0x9e: {  	v37 =	vmul.f32 v32, v18;
	v25 =	vadd.f32 v25, v38;
	v24 =	vadd.f32 v24, v39;
	v33, v34, _ =	vpop (xrf1)  }
0x9f: {  	v38 =	vmul.f32 v27, v21;
	v23 =	vadd.f32 v23, v28;
	v28 =	vadd.f32 v29, v40;
	v30, v35, _ =	vpop (xrf1)  }
0xa0: {  	v39 =	vadd.f32 v25, v26;
	v37 =	vadd.f32 v24, v37;
	v26 =	vmul.f32 v27, v22;
	v27, v32, _ =	vpop (xrf1)  }
0xa1: {  	v38 =	vadd.f32 v28, v38;
	v29, v36, _ =	vpop (xrf1);
	(xrf1) =	vsort.ascd.msk.f32 $0xffff, v23, v31  }
0xa2: {  	v37 =	vadd.f32 v37, v26;
	(xrf1) =	vsort.ascd.msk.f32 $0xffff, v39, v31  }
0xa3: {  	(xrf1) =	vsort.ascd.msk.f32 $0xffff, v38, v31;
	v24, v25, _ =	vpop (xrf1)  }
0xa4: {  	vm1 =	vle.f32 v24, v33;
	v26 =	vld [tilespmem:s23+$0x0];
	(xrf1) =	vsort.ascd.msk.f32 $0xffff, v37, v31;
	v23, v28, _ =	vpop (xrf1)  }
0xa5: {  	v37 =	vsel vm1, v24, v33;
	v33 =	vsel vm1, v25, v34;
	vm1 =	vle.f32 v23, v30;
	v31 =	vld [tilespmem:s18+$0x0]  }
0xa6: {  	v38 =	vsel vm1, v23, v30;
	v34 =	vsel vm1, v28, v35;
	v30 =	vld [tilespmem:s19+$0x0];
	(xrf1) =	vsort.dscd.msk.f32 $0xffff, v37, v33;
	v24, v25, _ =	vpop (xrf1)  }
0xa7: {  	vm1 =	vle.f32 v24, v27;
	v33 =	vld [tilespmem:s20+$0x0];
	(xrf1) =	vsort.dscd.msk.f32 $0xffff, v38, v34;
	v23, v28, _ =	vpop (xrf1)  }
0xa8: {  	v24 =	vsel vm1, v24, v27;
	v25 =	vsel vm1, v25, v32;
	vm1 =	vle.f32 v23, v29  }
0xa9: {  	v23 =	vsel vm1, v23, v29;
	v27 =	vsel vm1, v28, v36;
	(xrf1) =	vsort.dscd.msk.f32 $0xffff, v24, v25  }
0xaa: {  	v25 =	vmul.f32 v26, v19;
	v24 =	vmul.f32 v31, v8;
	(xrf1) =	vsort.dscd.msk.f32 $0xffff, v23, v27  }
0xab: {  	v23 =	vmul.f32 v31, v9;
	v27 =	vmul.f32 v26, v20  }
0xac: {  	v29 =	vmul.f32 v31, v10;
	v28 =	vmul.f32 v30, v15;
	v24 =	vadd.f32 v33, v24  }
0xad: {  	v36 =	vmul.f32 v31, v14;
	v39 =	vmul.f32 v30, v16;
	v23 =	vadd.f32 v33, v23;
	v32 =	vld [tilespmem:s21+$0x0]  }
0xae: {  	v40 =	vmul.f32 v30, v17;
	v24 =	vadd.f32 v24, v28;
	v28 =	vadd.f32 v33, v29  }
0xaf: {  	v37 =	vmul.f32 v30, v18;
	v23 =	vadd.f32 v23, v39;
	v39 =	vadd.f32 v33, v36;
	v33, v34, _ =	vpop (xrf1)  }
0xb0: {  	v38 =	vmul.f32 v26, v21;
	v24 =	vadd.f32 v24, v25;
	v25 =	vadd.f32 v28, v40;
	v29, v35, _ =	vpop (xrf1)  }
0xb1: {  	v40 =	vadd.f32 v23, v27;
	v27 =	vadd.f32 v39, v37;
	v39 =	vmul.f32 v26, v22;
	v30, v31, _ =	vpop (xrf1)  }
0xb2: {  	v25 =	vadd.f32 v25, v38;
	v28, v36, _ =	vpop (xrf1);
	(xrf1) =	vsort.ascd.msk.f32 $0xffff, v24, v32  }
0xb3: {  	v24 =	vadd.f32 v27, v39;
	(xrf1) =	vsort.ascd.msk.f32 $0xffff, v40, v32  }
0xb4: {  	v23, v26, _ =	vpop (xrf1);
	(xrf1) =	vsort.ascd.msk.f32 $0xffff, v25, v32  }
0xb5: {  	vm1 =	vle.f32 v23, v33;
	v25 =	vld [tilespmem:s23+$0x10];
	v27, v37, _ =	vpop (xrf1);
	(xrf1) =	vsort.ascd.msk.f32 $0xffff, v24, v32  }
0xb6: {  	v38 =	vsel vm1, v23, v33;
	v24 =	vsel vm1, v26, v34;
	vm1 =	vle.f32 v27, v29;
	v26 =	vld [tilespmem:s18+$0x10]  }
0xb7: {  	v27 =	vsel vm1, v27, v29;
	v29 =	vsel vm1, v37, v35;
	v32 =	vld [tilespmem:s19+$0x10];
	v33, v34, _ =	vpop (xrf1);
	(xrf1) =	vsort.dscd.msk.f32 $0xffff, v38, v24  }
0xb8: {  	vm1 =	vle.f32 v33, v30;
	v24 =	vld [tilespmem:s20+$0x10];
	v23, v35, _ =	vpop (xrf1);
	(xrf1) =	vsort.dscd.msk.f32 $0xffff, v27, v29  }
0xb9: {  	v27 =	vsel vm1, v33, v30;
	v29 =	vsel vm1, v34, v31;
	vm1 =	vle.f32 v23, v28  }
0xba: {  	v23 =	vsel vm1, v23, v28;
	v28 =	vsel vm1, v35, v36;
	(xrf1) =	vsort.dscd.msk.f32 $0xffff, v27, v29  }
0xbb: {  	v29 =	vmul.f32 v25, v19;
	v27 =	vmul.f32 v26, v8;
	(xrf1) =	vsort.dscd.msk.f32 $0xffff, v23, v28  }
0xbc: {  	v33 =	vmul.f32 v25, v20;
	v41 =	vmul.f32 v26, v9  }
0xbd: {  	v31 =	vmul.f32 v26, v10;
	v40 =	vmul.f32 v32, v15;
	v27 =	vadd.f32 v24, v27  }
0xbe: {  	v34 =	vmul.f32 v32, v16;
	v36 =	vadd.f32 v24, v41;
	v41 =	vmul.f32 v26, v14;
	v23 =	vld [tilespmem:s21+$0x10]  }
0xbf: {  	v35 =	vmul.f32 v32, v17;
	v37 =	vadd.f32 v24, v31;
	v40 =	vadd.f32 v27, v40  }
0xc0: {  	v38 =	vmul.f32 v32, v18;
	v34 =	vadd.f32 v36, v34;
	v39 =	vadd.f32 v24, v41;
	v30, v28, _ =	vpop (xrf1)  }
.Ltmp1:
0xc1: {  	v35 =	vadd.f32 v37, v35;
	v36 =	vmul.f32 v25, v21;
	v32 =	vadd.f32 v40, v29;
	v31, v29, _ =	vpop (xrf1);
	(pc) =	sbr.rel @p0 .LBB2_5-.Ltmp1, $4  }
0xc2: {  	v37 =	vmul.f32 v25, v22;
	v40 =	vadd.f32 v34, v33;
	v38 =	vadd.f32 v39, v38;
	v27, v26, _ =	vpop (xrf1)  }
0xc3: {  	v35 =	vadd.f32 v35, v36;
	v25, v24, _ =	vpop (xrf1);
	(xrf1) =	vsort.ascd.msk.f32 $0xffff, v32, v23  }
0xc4: {  	v32 =	vadd.f32 v38, v37;
	(xrf1) =	vsort.ascd.msk.f32 $0xffff, v40, v23  }
0xc5: {  	s23 =	sadd.s32 $0x40, s23;
	v34, v33, _ =	vpop (xrf1);
	(xrf1) =	vsort.ascd.msk.f32 $0xffff, v35, v23  }
0xc6: {  	vm1 =	vle.f32 v34, v30  }
0xc7: {  	v8, v9, _ =	vpop (xrf1);
	v14 =	vsel vm1, v33, v28  }
0xc8: {  	(xrf1) =	vsort.ascd.msk.f32 $0xffff, v32, v23;
	v10 =	vsel vm1, v34, v30;
	vm1 =	vle.f32 v8, v31  }
0xc9: {  	v8 =	vsel vm1, v8, v31;
	v9 =	vsel vm1, v9, v29;
	v15, v16, _ =	vpop (xrf1);
	(xrf1) =	vsort.dscd.msk.f32 $0xffff, v10, v14  }
0xca: {  	vm1 =	vle.f32 v15, v27;
	(xrf1) =	vsort.dscd.msk.f32 $0xffff, v8, v9  }
0xcb: {  	v8 =	vsel vm1, v15, v27;
	v9 =	vsel vm1, v16, v26;
	v10, v14, _ =	vpop (xrf1)  }
0xcc: {  	(xrf1) =	vsort.dscd.msk.f32 $0xffff, v8, v9;
	vm1 =	vle.f32 v10, v25  }
0xcd: {  	v8 =	vsel vm1, v10, v25;
	v9 =	vsel vm1, v14, v24  }
0xce: {  	(xrf1) =	vsort.dscd.msk.f32 $0xffff, v8, v9;
	_ =	sdelay $0x4  }
0xcf: {  	v8, v9, _ =	vpop (xrf1)  }
0xd0: {  	v10, v14, _ =	vpop (xrf1)  }
0xd1: {  	v15, v16, _ =	vpop (xrf1)  }
0xd2: {  	s18 =	simm.s32 $0x20;
	v28 =	vbroadcast v12, $0x5;
	v17, v18, _ =	vpop (xrf1)  }
0xd3: {  	v36 =	vld [tilespmem:s18+$0xFFFFFFE0];
	v30 =	vbroadcast v12, $0x7;
	v26 =	vbroadcast v11, $0x7;
	v19, v20, _ =	vpop (xrf1)  }
0xd4: {  	s20 =	simm.s32 $0x2020;
	v24 =	vbroadcast v11, $0x5;
	v25 =	vbroadcast v11, $0x6;
	vm1 =	vle.f32 v19, v8;
	v21, v22, _ =	vpop (xrf1)  }
0xd5: {  	s19 =	simm.s32 $0x820;
	v38 =	vld [tilespmem:s20+$0xFFFFFFE0];
	v8 =	vsel vm1, v19, v8;
	vm3 =	vle.f32 v21, v10;
	v9 =	vsel vm1, v20, v9  }
0xd6: {  	v37 =	vld [tilespmem:s19+$0xFFFFFFE0];
	v19 =	vbroadcast v13, $0x4;
	v10 =	vsel vm3, v21, v10;
	v14 =	vsel vm3, v22, v14;
	v21, v23, _ =	vpop (xrf1);
	(xrf1) =	vsort.dscd.msk.f32 $0xffff, v8, v9  }
0xd7: {  	v20 =	vbroadcast v13, $0x5;
	v22 =	vbroadcast v13, $0x7;
	vm1 =	vle.f32 v21, v15;
	(xrf1) =	vsort.dscd.msk.f32 $0xffff, v10, v14  }
0xd8: {  	s22 =	simm.s32 $0x1020;
	v10 =	vmul.f32 v36, v19;
	v15 =	vsel vm1, v21, v15;
	v16 =	vsel vm1, v23, v16;
	v27, v29, _ =	vpop (xrf1)  }
0xd9: {  	v31 =	vld [tilespmem:s22+$0xFFFFFFE0];
	v21 =	vbroadcast v13, $0x6;
	v23 =	vbroadcast v11, $0x4;
	(xrf1) =	vsort.dscd.msk.f32 $0xffff, v15, v16;
	vm1 =	vle.f32 v27, v17  }
0xda: {  	v10 =	vadd.f32 v38, v10;
	v8 =	vsel vm1, v27, v17;
	v9 =	vsel vm1, v29, v18  }
0xdb: {  	v14 =	vmul.f32 v37, v23;
	(xrf1) =	vsort.dscd.msk.f32 $0xffff, v8, v9;
	v8 =	vmul.f32 v36, v20  }
0xdc: {  	s21 =	simm.s32 $0x1820;
	v15 =	vmul.f32 v36, v21;
	v27 =	vbroadcast v12, $0x4  }
0xdd: {  	v16 =	vld [tilespmem:s21+$0xFFFFFFE0];
	v17 =	vmul.f32 v37, v24;
	v10 =	vadd.f32 v10, v14;
	v8 =	vadd.f32 v38, v8  }
0xde: {  	v14 =	vadd.f32 v38, v15;
	v15 =	vmul.f32 v37, v25;
	v9 =	vmul.f32 v31, v27  }
0xdf: {  	v32 =	vmul.f32 v36, v22;
	v18 =	vmul.f32 v31, v28;
	v8 =	vadd.f32 v8, v17  }
0xe0: {  	v29 =	vbroadcast v12, $0x6;
	v9 =	vadd.f32 v10, v9;
	v10 =	vadd.f32 v14, v15  }
0xe1: {  	v39 =	vmul.f32 v37, v26;
	v15 =	vld [tilespmem:s18+$0xFFFFFFF0];
	v17 =	vadd.f32 v38, v32;
	v8 =	vadd.f32 v8, v18  }
0xe2: {  	v14 =	vmul.f32 v31, v29;
	(xrf1) =	vsort.ascd.msk.f32 $0xffff, v9, v16;
	v9 =	vld [tilespmem:s19+$0xFFFFFFF0]  }
0xe3: {  	v17 =	vadd.f32 v17, v39;
	v18 =	vmul.f32 v31, v30;
	(xrf1) =	vsort.ascd.msk.f32 $0xffff, v8, v16;
	v8 =	vld [tilespmem:s20+$0xFFFFFFF0]  }
0xe4: {  	v40 =	vld [tilespmem:s22+$0xFFFFFFF0];
	v10 =	vadd.f32 v10, v14  }
0xe5: {  	v14 =	vadd.f32 v17, v18  }
0xe6: {  	(xrf1) =	vsort.ascd.msk.f32 $0xffff, v10, v16;
	v10 =	vmul.f32 v15, v19  }
0xe7: {  	(xrf1) =	vsort.ascd.msk.f32 $0xffff, v14, v16;
	v14 =	vmul.f32 v15, v20  }
0xe8: {  	v17 =	vmul.f32 v9, v23;
	v10 =	vadd.f32 v8, v10  }
0xe9: {  	v18 =	vmul.f32 v15, v21;
	v16 =	vmul.f32 v40, v27;
	v14 =	vadd.f32 v8, v14  }
0xea: {  	v42 =	vmul.f32 v9, v24;
	v15 =	vmul.f32 v15, v22;
	v10 =	vadd.f32 v10, v17  }
0xeb: {  	v35 =	vmul.f32 v9, v25;
	v9 =	vmul.f32 v9, v26;
	v17 =	vadd.f32 v8, v18  }
0xec: {  	v41 =	vld [tilespmem:s21+$0xFFFFFFF0];
	v8 =	vadd.f32 v8, v15  }
0xed: {  	v15 =	vadd.f32 v10, v16  }
0xee: {  	v31 =	vmul.f32 v40, v28;
	v34 =	vadd.f32 v14, v42;
	v18, v14, _ =	vpop (xrf1)  }
0xef: {  	v36 =	vmul.f32 v40, v29;
	v35 =	vadd.f32 v17, v35;
	v17, v10, _ =	vpop (xrf1)  }
0xf0: {  	v33 =	vmul.f32 v40, v30;
	v31 =	vadd.f32 v34, v31;
	v43 =	vadd.f32 v8, v9;
	v16, v9, _ =	vpop (xrf1)  }
0xf1: {  	v35 =	vadd.f32 v35, v36;
	(xrf1) =	vsort.ascd.msk.f32 $0xffff, v15, v41;
	v15, v8, _ =	vpop (xrf1)  }
0xf2: {  	v33 =	vadd.f32 v43, v33;
	(xrf1) =	vsort.ascd.msk.f32 $0xffff, v31, v41;
	v31 =	vimm.f32 $+Inf;
	v45, v44, _ =	vpop (xrf1)  }
0xf3: {  	v46 =	vimm.f32 $0.0e+00;
	(xrf1) =	vsort.ascd.msk.f32 $0xffff, v35, v41;
	vm1 =	vle.f32 v31, v45  }
0xf4: {  	v47 =	vld [tilespmem:s22+$0x0];
	(xrf1) =	vsort.ascd.msk.f32 $0xffff, v33, v41;
	v37, v38, _ =	vpop (xrf1);
	v52 =	vsel vm1, v31, v45;
	v53 =	vsel vm1, v46, v44  }
0xf5: {  	v40 =	vld [tilespmem:s18+$0x0];
	vm1 =	vle.f32 v31, v37;
	v54, v39, _ =	vpop (xrf1);
	(xrf1) =	vsort.dscd.msk.f32 $0xffff, v52, v53  }
0xf6: {  	v55 =	vld [tilespmem:s20+$0x0];
	v37 =	vsel vm1, v31, v37;
	v38 =	vsel vm1, v46, v38;
	vm1 =	vle.f32 v31, v54  }
0xf7: {  	v41 =	vld [tilespmem:s19+$0x0];
	v33, v34, _ =	vpop (xrf1);
	(xrf1) =	vsort.dscd.msk.f32 $0xffff, v37, v38;
	v36 =	vsel vm1, v31, v54;
	v56 =	vsel vm1, v46, v39  }
0xf8: {  	vm1 =	vle.f32 v31, v33;
	(xrf1) =	vsort.dscd.msk.f32 $0xffff, v36, v56  }
0xf9: {  	v31 =	vsel vm1, v31, v33;
	v57 =	vsel vm1, v46, v34  }
0xfa: {  	v59 =	vmul.f32 v40, v20;
	(xrf1) =	vsort.dscd.msk.f32 $0xffff, v31, v57;
	v31 =	vmul.f32 v40, v19  }
0xfb: {  	v62 =	vmul.f32 v40, v21;
	v40 =	vmul.f32 v40, v22  }
0xfc: {  	v58 =	vmul.f32 v47, v27;
	v61 =	vmul.f32 v41, v23;
	v31 =	vadd.f32 v55, v31  }
0xfd: {  	v63 =	vld [tilespmem:s21+$0x0];
	v42 =	vmul.f32 v41, v24;
	v34 =	vadd.f32 v55, v59;
	v37 =	vadd.f32 v55, v40  }
0xfe: {  	v48 =	vadd.f32 v55, v62;
	v49 =	vmul.f32 v41, v25;
	v31 =	vadd.f32 v31, v61  }
0xff: {  	v60 =	vmul.f32 v47, v28;
	v50 =	vmul.f32 v41, v26;
	v34 =	vadd.f32 v34, v42;
	v52, v51, _ =	vpop (xrf1)  }
0x100: {  	v54 =	vmul.f32 v47, v29;
	v53 =	vadd.f32 v48, v49;
	v55, v43, _ =	vpop (xrf1);
	v31 =	vadd.f32 v31, v58  }
0x101: {  	v32 =	vmul.f32 v47, v30;
	v34 =	vadd.f32 v34, v60;
	v56 =	vadd.f32 v37, v50;
	v37, v40, _ =	vpop (xrf1)  }
0x102: {  	v33 =	vadd.f32 v53, v54;
	v57, v44, _ =	vpop (xrf1);
	(xrf1) =	vsort.ascd.msk.f32 $0xffff, v31, v63  }
0x103: {  	v62 =	vld [tilespmem:s18+$0x10];
	v31 =	vadd.f32 v56, v32;
	(xrf1) =	vsort.ascd.msk.f32 $0xffff, v34, v63;
	v58, v59, _ =	vpop (xrf1)  }
0x104: {  	(xrf1) =	vsort.ascd.msk.f32 $0xffff, v33, v63;
	vm1 =	vle.f32 v58, v52  }
0x105: {  	v50 =	vld [tilespmem:s20+$0x10];
	v60, v45, _ =	vpop (xrf1);
	(xrf1) =	vsort.ascd.msk.f32 $0xffff, v31, v63;
	v31 =	vsel vm1, v58, v52;
	v61 =	vsel vm1, v59, v51  }
0x106: {  	v63 =	vld [tilespmem:s19+$0x10];
	vm1 =	vle.f32 v60, v55;
	v48, v49, _ =	vpop (xrf1);
	(xrf1) =	vsort.dscd.msk.f32 $0xffff, v31, v61  }
0x107: {  	v31 =	vsel vm1, v60, v55;
	vm3 =	vle.f32 v48, v37;
	v43 =	vsel vm1, v45, v43  }
0x108: {  	v53 =	vmul.f32 v62, v20;
	v35, v38, _ =	vpop (xrf1);
	v37 =	vsel vm3, v48, v37;
	(xrf1) =	vsort.dscd.msk.f32 $0xffff, v31, v43  }
0x109: {  	vm1 =	vle.f32 v35, v57;
	v40 =	vsel vm3, v49, v40;
	v31 =	vmul.f32 v62, v19  }
0x10a: {  	v33 =	vld [tilespmem:s22+$0x10];
	v35 =	vsel vm1, v35, v57;
	v51 =	vsel vm1, v38, v44;
	(xrf1) =	vsort.dscd.msk.f32 $0xffff, v37, v40  }
0x10b: {  	v55 =	vadd.f32 v50, v31;
	v56 =	vmul.f32 v63, v23;
	(xrf1) =	vsort.dscd.msk.f32 $0xffff, v35, v51  }
0x10c: {  	v36 =	vadd.f32 v50, v53;
	v34 =	vmul.f32 v62, v22  }
0x10d: {  	v57 =	vmul.f32 v62, v21;
	v37 =	vadd.f32 v55, v56  }
0x10e: {  	v32 =	vadd.f32 v50, v34;
	v31 =	vld [tilespmem:s21+$0x10];
	v58 =	vmul.f32 v63, v24  }
0x10f: {  	v52 =	vmul.f32 v33, v27;
	v59 =	vmul.f32 v63, v25;
	v43 =	vadd.f32 v50, v57  }
0x110: {  	v54 =	vmul.f32 v33, v28;
	v60 =	vmul.f32 v63, v26;
	v44 =	vadd.f32 v36, v58  }
0x111: {  	v61 =	vmul.f32 v33, v29;
	v43 =	vadd.f32 v43, v59;
	v42 =	vadd.f32 v37, v52;
	v38, v36, _ =	vpop (xrf1)  }
0x112: {  	v63 =	vmul.f32 v33, v30;
	v62 =	vadd.f32 v32, v60;
	v40 =	vadd.f32 v44, v54;
	v39, v37, _ =	vpop (xrf1)  }
0x113: {  	v43 =	vadd.f32 v43, v61;
	(xrf1) =	vsort.ascd.msk.f32 $0xffff, v42, v31;
	v35, v34, _ =	vpop (xrf1)  }
0x114: {  	(xrf1) =	vsort.ascd.msk.f32 $0xffff, v40, v31;
	v40 =	vadd.f32 v62, v63;
	v33, v32, _ =	vpop (xrf1)  }
0x115: {  	s23 =	simm.s32 $0x1060;
	s22 =	simm.s32 $0x0;
	(xrf1) =	vsort.ascd.msk.f32 $0xffff, v43, v31;
	v42, v41, _ =	vpop (xrf1)  }
.LBB2_7:
0x116: {  	v43 =	vld [tilespmem:s23+$0xFFFFFFE0];
	vm1 =	vle.f32 v42, v38;
	s18 =	sadd.s32 $0x40, s18;
	v44, v45, _ =	vpop (xrf1);
	(xrf1) =	vsort.ascd.msk.f32 $0xffff, v40, v31  }
0x117: {  	s19 =	sadd.s32 $0x40, s19;
	v31 =	vld [tilespmem:s18+$0xFFFFFFE0];
	v46 =	vsel vm1, v42, v38;
	v36 =	vsel vm1, v41, v36;
	vm1 =	vle.f32 v44, v39  }
0x118: {  	s20 =	sadd.s32 $0x40, s20;
	v40 =	vld [tilespmem:s19+$0xFFFFFFE0];
	v39 =	vsel vm1, v44, v39;
	v37 =	vsel vm1, v45, v37;
	v41, v42, _ =	vpop (xrf1);
	(xrf1) =	vsort.dscd.msk.f32 $0xffff, v46, v36  }
0x119: {  	v36 =	vld [tilespmem:s20+$0xFFFFFFE0];
	vm1 =	vle.f32 v41, v35;
	v38, v44, _ =	vpop (xrf1);
	(xrf1) =	vsort.dscd.msk.f32 $0xffff, v39, v37  }
0x11a: {  	v35 =	vsel vm1, v41, v35;
	v34 =	vsel vm1, v42, v34;
	vm1 =	vle.f32 v38, v33  }
0x11b: {  	v33 =	vsel vm1, v38, v33;
	v32 =	vsel vm1, v44, v32;
	(xrf1) =	vsort.dscd.msk.f32 $0xffff, v35, v34  }
0x11c: {  	v35 =	vmul.f32 v43, v27;
	v34 =	vmul.f32 v31, v19;
	(xrf1) =	vsort.dscd.msk.f32 $0xffff, v33, v32  }
0x11d: {  	v32 =	vmul.f32 v31, v20;
	v33 =	vmul.f32 v43, v28  }
0x11e: {  	s21 =	sadd.s32 $0x40, s21;
	v38 =	vmul.f32 v31, v21;
	v37 =	vmul.f32 v40, v23;
	v34 =	vadd.f32 v36, v34  }
0x11f: {  	v31 =	vmul.f32 v31, v22;
	v46 =	vmul.f32 v40, v24;
	v32 =	vadd.f32 v36, v32;
	v39 =	vld [tilespmem:s21+$0xFFFFFFE0]  }
0x120: {  	s22 =	sadd.s32 $0x4, s22;
	v44 =	vmul.f32 v40, v25;
	v48 =	vadd.f32 v36, v38;
	v34 =	vadd.f32 v34, v37  }
0x121: {  	p0 =	slt.u32 s22, $0x7C;
	v45 =	vmul.f32 v40, v26;
	v31 =	vadd.f32 v36, v31;
	v32 =	vadd.f32 v32, v46;
	v40, v41, _ =	vpop (xrf1)  }
0x122: {  	v46 =	vadd.f32 v34, v35;
	v35 =	vadd.f32 v48, v44;
	v44 =	vmul.f32 v43, v29;
	v38, v42, _ =	vpop (xrf1)  }
0x123: {  	v31 =	vadd.f32 v31, v45;
	v45 =	vmul.f32 v43, v30;
	v47 =	vadd.f32 v32, v33;
	v36, v43, _ =	vpop (xrf1)  }
0x124: {  	v35 =	vadd.f32 v35, v44;
	(xrf1) =	vsort.ascd.msk.f32 $0xffff, v46, v39;
	v34, v37, _ =	vpop (xrf1)  }
0x125: {  	v44 =	vadd.f32 v31, v45;
	(xrf1) =	vsort.ascd.msk.f32 $0xffff, v47, v39  }
0x126: {  	(xrf1) =	vsort.ascd.msk.f32 $0xffff, v35, v39;
	v32, v33, _ =	vpop (xrf1)  }
0x127: {  	v35 =	vld [tilespmem:s23+$0xFFFFFFF0];
	(xrf1) =	vsort.ascd.msk.f32 $0xffff, v44, v39;
	vm1 =	vle.f32 v32, v40;
	v31, v39, _ =	vpop (xrf1)  }
0x128: {  	v44 =	vld [tilespmem:s18+$0xFFFFFFF0];
	v32 =	vsel vm1, v32, v40;
	v45 =	vsel vm1, v33, v41;
	vm1 =	vle.f32 v31, v38  }
0x129: {  	v40 =	vld [tilespmem:s19+$0xFFFFFFF0];
	v31 =	vsel vm1, v31, v38;
	v38 =	vsel vm1, v39, v42;
	v39, v41, _ =	vpop (xrf1);
	(xrf1) =	vsort.dscd.msk.f32 $0xffff, v32, v45  }
0x12a: {  	v32 =	vld [tilespmem:s20+$0xFFFFFFF0];
	vm1 =	vle.f32 v39, v36;
	v33, v42, _ =	vpop (xrf1);
	(xrf1) =	vsort.dscd.msk.f32 $0xffff, v31, v38  }
0x12b: {  	v31 =	vsel vm1, v39, v36;
	v36 =	vsel vm1, v41, v43;
	vm1 =	vle.f32 v33, v34  }
0x12c: {  	v33 =	vsel vm1, v33, v34;
	v34 =	vsel vm1, v42, v37;
	(xrf1) =	vsort.dscd.msk.f32 $0xffff, v31, v36  }
0x12d: {  	v36 =	vmul.f32 v35, v27;
	v31 =	vmul.f32 v44, v19;
	(xrf1) =	vsort.dscd.msk.f32 $0xffff, v33, v34  }
0x12e: {  	v33 =	vmul.f32 v44, v20;
	v34 =	vmul.f32 v35, v28  }
0x12f: {  	v38 =	vmul.f32 v44, v21;
	v37 =	vmul.f32 v40, v23;
	v31 =	vadd.f32 v32, v31  }
0x130: {  	v47 =	vmul.f32 v44, v22;
	v46 =	vmul.f32 v40, v24;
	v33 =	vadd.f32 v32, v33;
	v39 =	vld [tilespmem:s21+$0xFFFFFFF0]  }
0x131: {  	v48 =	vmul.f32 v40, v25;
	v31 =	vadd.f32 v31, v37;
	v37 =	vadd.f32 v32, v38  }
0x132: {  	v45 =	vmul.f32 v40, v26;
	v33 =	vadd.f32 v33, v46;
	v32 =	vadd.f32 v32, v47;
	v41, v42, _ =	vpop (xrf1)  }
0x133: {  	v46 =	vmul.f32 v35, v29;
	v31 =	vadd.f32 v31, v36;
	v36 =	vadd.f32 v37, v48;
	v38, v43, _ =	vpop (xrf1)  }
0x134: {  	v47 =	vadd.f32 v33, v34;
	v45 =	vadd.f32 v32, v45;
	v34 =	vmul.f32 v35, v30;
	v35, v40, _ =	vpop (xrf1)  }
0x135: {  	v46 =	vadd.f32 v36, v46;
	v37, v44, _ =	vpop (xrf1);
	(xrf1) =	vsort.ascd.msk.f32 $0xffff, v31, v39  }
0x136: {  	v45 =	vadd.f32 v45, v34;
	(xrf1) =	vsort.ascd.msk.f32 $0xffff, v47, v39  }
0x137: {  	(xrf1) =	vsort.ascd.msk.f32 $0xffff, v46, v39;
	v32, v33, _ =	vpop (xrf1)  }
0x138: {  	vm1 =	vle.f32 v32, v41;
	v34 =	vld [tilespmem:s23+$0x0];
	(xrf1) =	vsort.ascd.msk.f32 $0xffff, v45, v39;
	v31, v36, _ =	vpop (xrf1)  }
0x139: {  	v45 =	vsel vm1, v32, v41;
	v41 =	vsel vm1, v33, v42;
	vm1 =	vle.f32 v31, v38;
	v39 =	vld [tilespmem:s18+$0x0]  }
0x13a: {  	v46 =	vsel vm1, v31, v38;
	v42 =	vsel vm1, v36, v43;
	v38 =	vld [tilespmem:s19+$0x0];
	(xrf1) =	vsort.dscd.msk.f32 $0xffff, v45, v41;
	v32, v33, _ =	vpop (xrf1)  }
0x13b: {  	vm1 =	vle.f32 v32, v35;
	v41 =	vld [tilespmem:s20+$0x0];
	(xrf1) =	vsort.dscd.msk.f32 $0xffff, v46, v42;
	v31, v36, _ =	vpop (xrf1)  }
0x13c: {  	v32 =	vsel vm1, v32, v35;
	v33 =	vsel vm1, v33, v40;
	vm1 =	vle.f32 v31, v37  }
0x13d: {  	v31 =	vsel vm1, v31, v37;
	v35 =	vsel vm1, v36, v44;
	(xrf1) =	vsort.dscd.msk.f32 $0xffff, v32, v33  }
0x13e: {  	v33 =	vmul.f32 v34, v27;
	v32 =	vmul.f32 v39, v19;
	(xrf1) =	vsort.dscd.msk.f32 $0xffff, v31, v35  }
0x13f: {  	v31 =	vmul.f32 v39, v20;
	v35 =	vmul.f32 v34, v28  }
0x140: {  	v37 =	vmul.f32 v39, v21;
	v36 =	vmul.f32 v38, v23;
	v32 =	vadd.f32 v41, v32  }
0x141: {  	v44 =	vmul.f32 v39, v22;
	v47 =	vmul.f32 v38, v24;
	v31 =	vadd.f32 v41, v31;
	v40 =	vld [tilespmem:s21+$0x0]  }
0x142: {  	v48 =	vmul.f32 v38, v25;
	v32 =	vadd.f32 v32, v36;
	v36 =	vadd.f32 v41, v37  }
0x143: {  	v45 =	vmul.f32 v38, v26;
	v31 =	vadd.f32 v31, v47;
	v47 =	vadd.f32 v41, v44;
	v41, v42, _ =	vpop (xrf1)  }
0x144: {  	v46 =	vmul.f32 v34, v29;
	v32 =	vadd.f32 v32, v33;
	v33 =	vadd.f32 v36, v48;
	v37, v43, _ =	vpop (xrf1)  }
0x145: {  	v48 =	vadd.f32 v31, v35;
	v35 =	vadd.f32 v47, v45;
	v47 =	vmul.f32 v34, v30;
	v38, v39, _ =	vpop (xrf1)  }
0x146: {  	v33 =	vadd.f32 v33, v46;
	v36, v44, _ =	vpop (xrf1);
	(xrf1) =	vsort.ascd.msk.f32 $0xffff, v32, v40  }
0x147: {  	v32 =	vadd.f32 v35, v47;
	(xrf1) =	vsort.ascd.msk.f32 $0xffff, v48, v40  }
0x148: {  	v31, v34, _ =	vpop (xrf1);
	(xrf1) =	vsort.ascd.msk.f32 $0xffff, v33, v40  }
0x149: {  	vm1 =	vle.f32 v31, v41;
	v33 =	vld [tilespmem:s23+$0x10];
	v35, v45, _ =	vpop (xrf1);
	(xrf1) =	vsort.ascd.msk.f32 $0xffff, v32, v40  }
0x14a: {  	v46 =	vsel vm1, v31, v41;
	v32 =	vsel vm1, v34, v42;
	vm1 =	vle.f32 v35, v37;
	v34 =	vld [tilespmem:s18+$0x10]  }
0x14b: {  	v35 =	vsel vm1, v35, v37;
	v37 =	vsel vm1, v45, v43;
	v40 =	vld [tilespmem:s19+$0x10];
	v41, v42, _ =	vpop (xrf1);
	(xrf1) =	vsort.dscd.msk.f32 $0xffff, v46, v32  }
0x14c: {  	vm1 =	vle.f32 v41, v38;
	v32 =	vld [tilespmem:s20+$0x10];
	v31, v43, _ =	vpop (xrf1);
	(xrf1) =	vsort.dscd.msk.f32 $0xffff, v35, v37  }
0x14d: {  	v35 =	vsel vm1, v41, v38;
	v37 =	vsel vm1, v42, v39;
	vm1 =	vle.f32 v31, v36  }
0x14e: {  	v31 =	vsel vm1, v31, v36;
	v36 =	vsel vm1, v43, v44;
	(xrf1) =	vsort.dscd.msk.f32 $0xffff, v35, v37  }
0x14f: {  	v37 =	vmul.f32 v33, v27;
	v35 =	vmul.f32 v34, v19;
	(xrf1) =	vsort.dscd.msk.f32 $0xffff, v31, v36  }
0x150: {  	v41 =	vmul.f32 v33, v28;
	v49 =	vmul.f32 v34, v20  }
0x151: {  	v39 =	vmul.f32 v34, v21;
	v48 =	vmul.f32 v40, v23;
	v35 =	vadd.f32 v32, v35  }
0x152: {  	v42 =	vmul.f32 v40, v24;
	v44 =	vadd.f32 v32, v49;
	v49 =	vmul.f32 v34, v22;
	v31 =	vld [tilespmem:s21+$0x10]  }
0x153: {  	v43 =	vmul.f32 v40, v25;
	v45 =	vadd.f32 v32, v39;
	v48 =	vadd.f32 v35, v48  }
0x154: {  	v46 =	vmul.f32 v40, v26;
	v42 =	vadd.f32 v44, v42;
	v47 =	vadd.f32 v32, v49;
	v38, v36, _ =	vpop (xrf1)  }
.Ltmp2:
0x155: {  	v43 =	vadd.f32 v45, v43;
	v44 =	vmul.f32 v33, v29;
	v40 =	vadd.f32 v48, v37;
	v39, v37, _ =	vpop (xrf1);
	(pc) =	sbr.rel @p0 .LBB2_7-.Ltmp2, $4  }
0x156: {  	v45 =	vmul.f32 v33, v30;
	v48 =	vadd.f32 v42, v41;
	v46 =	vadd.f32 v47, v46;
	v35, v34, _ =	vpop (xrf1)  }
0x157: {  	v43 =	vadd.f32 v43, v44;
	v33, v32, _ =	vpop (xrf1);
	(xrf1) =	vsort.ascd.msk.f32 $0xffff, v40, v31  }
0x158: {  	v40 =	vadd.f32 v46, v45;
	(xrf1) =	vsort.ascd.msk.f32 $0xffff, v48, v31  }
0x159: {  	s23 =	sadd.s32 $0x40, s23;
	v42, v41, _ =	vpop (xrf1);
	(xrf1) =	vsort.ascd.msk.f32 $0xffff, v43, v31  }
0x15a: {  	vm1 =	vle.f32 v42, v38  }
0x15b: {  	v19, v20, _ =	vpop (xrf1);
	v22 =	vsel vm1, v41, v36  }
0x15c: {  	(xrf1) =	vsort.ascd.msk.f32 $0xffff, v40, v31;
	v21 =	vsel vm1, v42, v38;
	vm1 =	vle.f32 v19, v39  }
0x15d: {  	v19 =	vsel vm1, v19, v39;
	v20 =	vsel vm1, v20, v37;
	v23, v24, _ =	vpop (xrf1);
	(xrf1) =	vsort.dscd.msk.f32 $0xffff, v21, v22  }
0x15e: {  	vm1 =	vle.f32 v23, v35;
	(xrf1) =	vsort.dscd.msk.f32 $0xffff, v19, v20  }
0x15f: {  	v19 =	vsel vm1, v23, v35;
	v20 =	vsel vm1, v24, v34;
	v21, v22, _ =	vpop (xrf1)  }
0x160: {  	(xrf1) =	vsort.dscd.msk.f32 $0xffff, v19, v20;
	vm1 =	vle.f32 v21, v33  }
0x161: {  	v19 =	vsel vm1, v21, v33;
	v20 =	vsel vm1, v22, v32  }
0x162: {  	(xrf1) =	vsort.dscd.msk.f32 $0xffff, v19, v20;
	_ =	sdelay $0x4  }
0x163: {  	v19, v20, _ =	vpop (xrf1)  }
0x164: {  	v21, v22, _ =	vpop (xrf1)  }
0x165: {  	v23, v24, _ =	vpop (xrf1)  }
0x166: {  	s18 =	simm.s32 $0x20;
	v25, v26, _ =	vpop (xrf1)  }
0x167: {  	v52 =	vld [tilespmem:s18+$0xFFFFFFE0];
	v36 =	vbroadcast v12, $0x9;
	v38 =	vbroadcast v12, $0xB;
	v27, v28, _ =	vpop (xrf1)  }
0x168: {  	v34 =	vbroadcast v11, $0xB;
	v35 =	vbroadcast v12, $0x8;
	vm1 =	vle.f32 v27, v19;
	v29, v30, _ =	vpop (xrf1)  }
0x169: {  	s19 =	simm.s32 $0x820;
	v32 =	vbroadcast v11, $0x9;
	v19 =	vsel vm1, v27, v19;
	vm3 =	vle.f32 v29, v21  }
0x16a: {  	s20 =	simm.s32 $0x2020;
	v53 =	vld [tilespmem:s19+$0xFFFFFFE0];
	v20 =	vsel vm1, v28, v20;
	v27 =	vbroadcast v13, $0x8;
	v21 =	vsel vm3, v29, v21;
	v29, v31, _ =	vpop (xrf1)  }
0x16b: {  	s22 =	simm.s32 $0x1020;
	v56 =	vld [tilespmem:s20+$0xFFFFFFE0];
	v33 =	vbroadcast v11, $0xA;
	v22 =	vsel vm3, v30, v22;
	(xrf1) =	vsort.dscd.msk.f32 $0xffff, v19, v20;
	vm1 =	vle.f32 v29, v23  }
0x16c: {  	v51 =	vld [tilespmem:s22+$0xFFFFFFE0];
	v28 =	vbroadcast v13, $0x9;
	(xrf1) =	vsort.dscd.msk.f32 $0xffff, v21, v22;
	v21 =	vmul.f32 v52, v27;
	v23 =	vsel vm1, v29, v23;
	v55, v54, _ =	vpop (xrf1)  }
0x16d: {  	v29 =	vbroadcast v13, $0xA;
	v24 =	vsel vm1, v31, v24;
	vm1 =	vle.f32 v55, v25  }
0x16e: {  	v31 =	vbroadcast v11, $0x8;
	(xrf1) =	vsort.dscd.msk.f32 $0xffff, v23, v24;
	v19 =	vsel vm1, v55, v25;
	v20 =	vsel vm1, v54, v26  }
0x16f: {  	v30 =	vbroadcast v13, $0xB;
	(xrf1) =	vsort.dscd.msk.f32 $0xffff, v19, v20;
	v19 =	vmul.f32 v52, v28  }
0x170: {  	s21 =	simm.s32 $0x1820;
	v21 =	vadd.f32 v56, v21;
	v22 =	vmul.f32 v53, v31;
	v23 =	vmul.f32 v52, v29  }
0x171: {  	v24 =	vld [tilespmem:s21+$0xFFFFFFE0];
	v25 =	vmul.f32 v53, v32;
	v20 =	vmul.f32 v51, v35;
	v19 =	vadd.f32 v56, v19  }
0x172: {  	v21 =	vadd.f32 v21, v22;
	v22 =	vadd.f32 v56, v23;
	v23 =	vmul.f32 v53, v33  }
0x173: {  	v40 =	vmul.f32 v52, v30;
	v26 =	vmul.f32 v51, v36;
	v19 =	vadd.f32 v19, v25  }
0x174: {  	v37 =	vbroadcast v12, $0xA;
	v20 =	vadd.f32 v21, v20;
	v21 =	vadd.f32 v22, v23  }
0x175: {  	v57 =	vmul.f32 v53, v34;
	v23 =	vld [tilespmem:s18+$0xFFFFFFF0];
	v25 =	vadd.f32 v56, v40;
	v19 =	vadd.f32 v19, v26  }
0x176: {  	v22 =	vmul.f32 v51, v37;
	(xrf1) =	vsort.ascd.msk.f32 $0xffff, v20, v24;
	v20 =	vld [tilespmem:s19+$0xFFFFFFF0]  }
0x177: {  	v25 =	vadd.f32 v25, v57;
	v26 =	vmul.f32 v51, v38;
	(xrf1) =	vsort.ascd.msk.f32 $0xffff, v19, v24;
	v19 =	vld [tilespmem:s20+$0xFFFFFFF0]  }
0x178: {  	v21 =	vadd.f32 v21, v22  }
0x179: {  	v22 =	vadd.f32 v25, v26  }
0x17a: {  	v58 =	vld [tilespmem:s22+$0xFFFFFFF0];
	(xrf1) =	vsort.ascd.msk.f32 $0xffff, v21, v24;
	v21 =	vmul.f32 v23, v27  }
0x17b: {  	(xrf1) =	vsort.ascd.msk.f32 $0xffff, v22, v24;
	v22 =	vmul.f32 v23, v28  }
0x17c: {  	v25 =	vmul.f32 v20, v31;
	v21 =	vadd.f32 v19, v21  }
0x17d: {  	v26 =	vmul.f32 v23, v29;
	v61 =	vmul.f32 v20, v32;
	v22 =	vadd.f32 v19, v22  }
0x17e: {  	v43 =	vmul.f32 v20, v33;
	v23 =	vmul.f32 v23, v30;
	v21 =	vadd.f32 v21, v25  }
0x17f: {  	v60 =	vld [tilespmem:s21+$0xFFFFFFF0];
	v20 =	vmul.f32 v20, v34;
	v24 =	vmul.f32 v58, v35;
	v25 =	vadd.f32 v19, v26  }
0x180: {  	v19 =	vadd.f32 v19, v23  }
0x181: {  	v48 =	vld [tilespmem:s18+$0x0];
	v59 =	vmul.f32 v58, v36;
	v42 =	vadd.f32 v22, v61;
	v23 =	vadd.f32 v21, v24  }
0x182: {  	v44 =	vmul.f32 v58, v37;
	v43 =	vadd.f32 v25, v43;
	v26, v22, _ =	vpop (xrf1)  }
0x183: {  	v41 =	vmul.f32 v58, v38;
	v39 =	vadd.f32 v42, v59;
	v62 =	vadd.f32 v19, v20;
	v25, v21, _ =	vpop (xrf1)  }
0x184: {  	v43 =	vadd.f32 v43, v44;
	(xrf1) =	vsort.ascd.msk.f32 $0xffff, v23, v60;
	v24, v20, _ =	vpop (xrf1)  }
0x185: {  	v49 =	vld [tilespmem:s19+$0x0];
	v41 =	vadd.f32 v62, v41;
	(xrf1) =	vsort.ascd.msk.f32 $0xffff, v39, v60;
	v23, v19, _ =	vpop (xrf1)  }
0x186: {  	v63 =	vimm.f32 $+Inf;
	v61 =	vmul.f32 v48, v28;
	(xrf1) =	vsort.ascd.msk.f32 $0xffff, v43, v60;
	v51, v50, _ =	vpop (xrf1)  }
0x187: {  	v52 =	vimm.f32 $0.0e+00;
	v59 =	vmul.f32 v48, v27;
	(xrf1) =	vsort.ascd.msk.f32 $0xffff, v41, v60;
	v45, v46, _ =	vpop (xrf1);
	vm1 =	vle.f32 v63, v51  }
0x188: {  	v56 =	vld [tilespmem:s20+$0x0];
	v53 =	vsel vm1, v63, v51;
	v54 =	vsel vm1, v52, v50;
	vm1 =	vle.f32 v63, v45  }
0x189: {  	v55, v47, _ =	vpop (xrf1);
	v45 =	vsel vm1, v63, v45;
	v46 =	vsel vm1, v52, v46;
	(xrf1) =	vsort.dscd.msk.f32 $0xffff, v53, v54  }
0x18a: {  	v40 =	vld [tilespmem:s22+$0x0];
	v50 =	vmul.f32 v49, v32;
	v41, v42, _ =	vpop (xrf1);
	vm1 =	vle.f32 v63, v55;
	(xrf1) =	vsort.dscd.msk.f32 $0xffff, v45, v46  }
0x18b: {  	v44 =	vsel vm1, v63, v55;
	v57 =	vsel vm1, v52, v47;
	vm1 =	vle.f32 v63, v41  }
0x18c: {  	v39 =	vsel vm1, v63, v41;
	v58 =	vsel vm1, v52, v42;
	(xrf1) =	vsort.dscd.msk.f32 $0xffff, v44, v57  }
0x18d: {  	v63 =	vmul.f32 v49, v31;
	(xrf1) =	vsort.dscd.msk.f32 $0xffff, v39, v58;
	v39 =	vadd.f32 v56, v59  }
0x18e: {  	v47 =	vld [tilespmem:s21+$0x0];
	v52 =	vmul.f32 v48, v29;
	v42 =	vadd.f32 v56, v61;
	v48 =	vmul.f32 v48, v30  }
0x18f: {  	v60 =	vmul.f32 v40, v35;
	v39 =	vadd.f32 v39, v63  }
0x190: {  	v62 =	vmul.f32 v40, v36;
	v42 =	vadd.f32 v42, v50;
	v45 =	vadd.f32 v56, v48  }
0x191: {  	v54 =	vmul.f32 v49, v33;
	v39 =	vadd.f32 v39, v60  }
0x192: {  	v55 =	vmul.f32 v49, v34;
	v53 =	vadd.f32 v56, v52;
	v42 =	vadd.f32 v42, v62;
	v56, v50, _ =	vpop (xrf1)  }
0x193: {  	v58 =	vmul.f32 v40, v37;
	v46, v51, _ =	vpop (xrf1);
	(xrf1) =	vsort.ascd.msk.f32 $0xffff, v39, v47  }
0x194: {  	v57 =	vadd.f32 v53, v54;
	v59 =	vadd.f32 v45, v55;
	v45, v48, _ =	vpop (xrf1);
	(xrf1) =	vsort.ascd.msk.f32 $0xffff, v42, v47;
	v42 =	vld [tilespmem:s18+$0x10]  }
0x195: {  	v40 =	vmul.f32 v40, v38  }
0x196: {  	v41 =	vadd.f32 v57, v58  }
0x197: {  	v60 =	vadd.f32 v59, v40;
	v44, v52, _ =	vpop (xrf1)  }
0x198: {  	v61, v62, _ =	vpop (xrf1);
	(xrf1) =	vsort.ascd.msk.f32 $0xffff, v41, v47  }
0x199: {  	v40 =	vld [tilespmem:s20+$0x10];
	vm1 =	vle.f32 v61, v56;
	v63, v53, _ =	vpop (xrf1);
	(xrf1) =	vsort.ascd.msk.f32 $0xffff, v60, v47;
	v60 =	vmul.f32 v42, v27  }
0x19a: {  	v47 =	vld [tilespmem:s19+$0x10];
	v55 =	vsel vm1, v61, v56;
	v56 =	vsel vm1, v62, v50;
	vm1 =	vle.f32 v63, v46  }
0x19b: {  	v57, v58, _ =	vpop (xrf1);
	(xrf1) =	vsort.dscd.msk.f32 $0xffff, v55, v56;
	v59 =	vsel vm1, v63, v46;
	v51 =	vsel vm1, v53, v51  }
0x19c: {  	v61 =	vmul.f32 v42, v28;
	vm3 =	vle.f32 v57, v45;
	v43, v46, _ =	vpop (xrf1);
	(xrf1) =	vsort.dscd.msk.f32 $0xffff, v59, v51  }
0x19d: {  	v41 =	vld [tilespmem:s22+$0x10];
	v45 =	vsel vm3, v57, v45;
	vm1 =	vle.f32 v43, v44;
	v48 =	vsel vm3, v58, v48  }
0x19e: {  	v43 =	vsel vm1, v43, v44;
	v49 =	vsel vm1, v46, v52;
	(xrf1) =	vsort.dscd.msk.f32 $0xffff, v45, v48  }
0x19f: {  	v63 =	vadd.f32 v40, v60;
	v56 =	vmul.f32 v47, v31;
	(xrf1) =	vsort.dscd.msk.f32 $0xffff, v43, v49  }
0x1a0: {  	v44 =	vadd.f32 v40, v61  }
0x1a1: {  	v57 =	vmul.f32 v42, v29;
	v42 =	vmul.f32 v42, v30;
	v45 =	vadd.f32 v63, v56  }
0x1a2: {  	v39 =	vld [tilespmem:s21+$0x10];
	v50 =	vmul.f32 v41, v35;
	v58 =	vmul.f32 v47, v32  }
0x1a3: {  	v51 =	vadd.f32 v40, v57;
	v59 =	vmul.f32 v47, v33;
	v40 =	vadd.f32 v40, v42  }
0x1a4: {  	v62 =	vmul.f32 v41, v36;
	v60 =	vmul.f32 v47, v34;
	v52 =	vadd.f32 v44, v58  }
0x1a5: {  	v61 =	vmul.f32 v41, v37;
	v51 =	vadd.f32 v51, v59;
	v46, v44, _ =	vpop (xrf1);
	v50 =	vadd.f32 v45, v50  }
0x1a6: {  	v63 =	vmul.f32 v41, v38;
	v48 =	vadd.f32 v52, v62;
	v62 =	vadd.f32 v40, v60;
	v47, v45, _ =	vpop (xrf1)  }
0x1a7: {  	v51 =	vadd.f32 v51, v61;
	(xrf1) =	vsort.ascd.msk.f32 $0xffff, v50, v39;
	v43, v42, _ =	vpop (xrf1)  }
0x1a8: {  	(xrf1) =	vsort.ascd.msk.f32 $0xffff, v48, v39;
	v48 =	vadd.f32 v62, v63;
	v41, v40, _ =	vpop (xrf1)  }
0x1a9: {  	s23 =	simm.s32 $0x1060;
	s22 =	simm.s32 $0x0;
	(xrf1) =	vsort.ascd.msk.f32 $0xffff, v51, v39;
	v50, v49, _ =	vpop (xrf1)  }
.LBB2_9:
0x1aa: {  	v51 =	vld [tilespmem:s23+$0xFFFFFFE0];
	vm1 =	vle.f32 v50, v46;
	s18 =	sadd.s32 $0x40, s18;
	v52, v53, _ =	vpop (xrf1);
	(xrf1) =	vsort.ascd.msk.f32 $0xffff, v48, v39  }
0x1ab: {  	s19 =	sadd.s32 $0x40, s19;
	v39 =	vld [tilespmem:s18+$0xFFFFFFE0];
	v54 =	vsel vm1, v50, v46;
	v44 =	vsel vm1, v49, v44;
	vm1 =	vle.f32 v52, v47  }
0x1ac: {  	s20 =	sadd.s32 $0x40, s20;
	v48 =	vld [tilespmem:s19+$0xFFFFFFE0];
	v47 =	vsel vm1, v52, v47;
	v45 =	vsel vm1, v53, v45;
	v49, v50, _ =	vpop (xrf1);
	(xrf1) =	vsort.dscd.msk.f32 $0xffff, v54, v44  }
0x1ad: {  	v44 =	vld [tilespmem:s20+$0xFFFFFFE0];
	vm1 =	vle.f32 v49, v43;
	v46, v52, _ =	vpop (xrf1);
	(xrf1) =	vsort.dscd.msk.f32 $0xffff, v47, v45  }
0x1ae: {  	v43 =	vsel vm1, v49, v43;
	v42 =	vsel vm1, v50, v42;
	vm1 =	vle.f32 v46, v41  }
0x1af: {  	v41 =	vsel vm1, v46, v41;
	v40 =	vsel vm1, v52, v40;
	(xrf1) =	vsort.dscd.msk.f32 $0xffff, v43, v42  }
0x1b0: {  	v43 =	vmul.f32 v51, v35;
	v42 =	vmul.f32 v39, v27;
	(xrf1) =	vsort.dscd.msk.f32 $0xffff, v41, v40  }
0x1b1: {  	v40 =	vmul.f32 v39, v28;
	v41 =	vmul.f32 v51, v36  }
0x1b2: {  	s21 =	sadd.s32 $0x40, s21;
	v46 =	vmul.f32 v39, v29;
	v45 =	vmul.f32 v48, v31;
	v42 =	vadd.f32 v44, v42  }
0x1b3: {  	v39 =	vmul.f32 v39, v30;
	v54 =	vmul.f32 v48, v32;
	v40 =	vadd.f32 v44, v40;
	v47 =	vld [tilespmem:s21+$0xFFFFFFE0]  }
0x1b4: {  	s22 =	sadd.s32 $0x4, s22;
	v52 =	vmul.f32 v48, v33;
	v56 =	vadd.f32 v44, v46;
	v42 =	vadd.f32 v42, v45  }
0x1b5: {  	p0 =	slt.u32 s22, $0x7C;
	v53 =	vmul.f32 v48, v34;
	v39 =	vadd.f32 v44, v39;
	v40 =	vadd.f32 v40, v54;
	v48, v49, _ =	vpop (xrf1)  }
0x1b6: {  	v54 =	vadd.f32 v42, v43;
	v43 =	vadd.f32 v56, v52;
	v52 =	vmul.f32 v51, v37;
	v46, v50, _ =	vpop (xrf1)  }
0x1b7: {  	v39 =	vadd.f32 v39, v53;
	v53 =	vmul.f32 v51, v38;
	v55 =	vadd.f32 v40, v41;
	v44, v51, _ =	vpop (xrf1)  }
0x1b8: {  	v43 =	vadd.f32 v43, v52;
	(xrf1) =	vsort.ascd.msk.f32 $0xffff, v54, v47;
	v42, v45, _ =	vpop (xrf1)  }
0x1b9: {  	v52 =	vadd.f32 v39, v53;
	(xrf1) =	vsort.ascd.msk.f32 $0xffff, v55, v47  }
0x1ba: {  	(xrf1) =	vsort.ascd.msk.f32 $0xffff, v43, v47;
	v40, v41, _ =	vpop (xrf1)  }
0x1bb: {  	v43 =	vld [tilespmem:s23+$0xFFFFFFF0];
	(xrf1) =	vsort.ascd.msk.f32 $0xffff, v52, v47;
	vm1 =	vle.f32 v40, v48;
	v39, v47, _ =	vpop (xrf1)  }
0x1bc: {  	v52 =	vld [tilespmem:s18+$0xFFFFFFF0];
	v40 =	vsel vm1, v40, v48;
	v53 =	vsel vm1, v41, v49;
	vm1 =	vle.f32 v39, v46  }
0x1bd: {  	v48 =	vld [tilespmem:s19+$0xFFFFFFF0];
	v39 =	vsel vm1, v39, v46;
	v46 =	vsel vm1, v47, v50;
	v47, v49, _ =	vpop (xrf1);
	(xrf1) =	vsort.dscd.msk.f32 $0xffff, v40, v53  }
0x1be: {  	v40 =	vld [tilespmem:s20+$0xFFFFFFF0];
	vm1 =	vle.f32 v47, v44;
	v41, v50, _ =	vpop (xrf1);
	(xrf1) =	vsort.dscd.msk.f32 $0xffff, v39, v46  }
0x1bf: {  	v39 =	vsel vm1, v47, v44;
	v44 =	vsel vm1, v49, v51;
	vm1 =	vle.f32 v41, v42  }
0x1c0: {  	v41 =	vsel vm1, v41, v42;
	v42 =	vsel vm1, v50, v45;
	(xrf1) =	vsort.dscd.msk.f32 $0xffff, v39, v44  }
0x1c1: {  	v44 =	vmul.f32 v43, v35;
	v39 =	vmul.f32 v52, v27;
	(xrf1) =	vsort.dscd.msk.f32 $0xffff, v41, v42  }
0x1c2: {  	v41 =	vmul.f32 v52, v28;
	v42 =	vmul.f32 v43, v36  }
0x1c3: {  	v46 =	vmul.f32 v52, v29;
	v45 =	vmul.f32 v48, v31;
	v39 =	vadd.f32 v40, v39  }
0x1c4: {  	v55 =	vmul.f32 v52, v30;
	v54 =	vmul.f32 v48, v32;
	v41 =	vadd.f32 v40, v41;
	v47 =	vld [tilespmem:s21+$0xFFFFFFF0]  }
0x1c5: {  	v56 =	vmul.f32 v48, v33;
	v39 =	vadd.f32 v39, v45;
	v45 =	vadd.f32 v40, v46  }
0x1c6: {  	v53 =	vmul.f32 v48, v34;
	v41 =	vadd.f32 v41, v54;
	v40 =	vadd.f32 v40, v55;
	v49, v50, _ =	vpop (xrf1)  }
0x1c7: {  	v54 =	vmul.f32 v43, v37;
	v39 =	vadd.f32 v39, v44;
	v44 =	vadd.f32 v45, v56;
	v46, v51, _ =	vpop (xrf1)  }
0x1c8: {  	v55 =	vadd.f32 v41, v42;
	v53 =	vadd.f32 v40, v53;
	v42 =	vmul.f32 v43, v38;
	v43, v48, _ =	vpop (xrf1)  }
0x1c9: {  	v54 =	vadd.f32 v44, v54;
	v45, v52, _ =	vpop (xrf1);
	(xrf1) =	vsort.ascd.msk.f32 $0xffff, v39, v47  }
0x1ca: {  	v53 =	vadd.f32 v53, v42;
	(xrf1) =	vsort.ascd.msk.f32 $0xffff, v55, v47  }
0x1cb: {  	(xrf1) =	vsort.ascd.msk.f32 $0xffff, v54, v47;
	v40, v41, _ =	vpop (xrf1)  }
0x1cc: {  	vm1 =	vle.f32 v40, v49;
	v42 =	vld [tilespmem:s23+$0x0];
	(xrf1) =	vsort.ascd.msk.f32 $0xffff, v53, v47;
	v39, v44, _ =	vpop (xrf1)  }
0x1cd: {  	v53 =	vsel vm1, v40, v49;
	v49 =	vsel vm1, v41, v50;
	vm1 =	vle.f32 v39, v46;
	v47 =	vld [tilespmem:s18+$0x0]  }
0x1ce: {  	v54 =	vsel vm1, v39, v46;
	v50 =	vsel vm1, v44, v51;
	v46 =	vld [tilespmem:s19+$0x0];
	(xrf1) =	vsort.dscd.msk.f32 $0xffff, v53, v49;
	v40, v41, _ =	vpop (xrf1)  }
0x1cf: {  	vm1 =	vle.f32 v40, v43;
	v49 =	vld [tilespmem:s20+$0x0];
	(xrf1) =	vsort.dscd.msk.f32 $0xffff, v54, v50;
	v39, v44, _ =	vpop (xrf1)  }
0x1d0: {  	v40 =	vsel vm1, v40, v43;
	v41 =	vsel vm1, v41, v48;
	vm1 =	vle.f32 v39, v45  }
0x1d1: {  	v39 =	vsel vm1, v39, v45;
	v43 =	vsel vm1, v44, v52;
	(xrf1) =	vsort.dscd.msk.f32 $0xffff, v40, v41  }
0x1d2: {  	v41 =	vmul.f32 v42, v35;
	v40 =	vmul.f32 v47, v27;
	(xrf1) =	vsort.dscd.msk.f32 $0xffff, v39, v43  }
0x1d3: {  	v39 =	vmul.f32 v47, v28;
	v43 =	vmul.f32 v42, v36  }
0x1d4: {  	v45 =	vmul.f32 v47, v29;
	v44 =	vmul.f32 v46, v31;
	v40 =	vadd.f32 v49, v40  }
0x1d5: {  	v52 =	vmul.f32 v47, v30;
	v55 =	vmul.f32 v46, v32;
	v39 =	vadd.f32 v49, v39;
	v48 =	vld [tilespmem:s21+$0x0]  }
0x1d6: {  	v56 =	vmul.f32 v46, v33;
	v40 =	vadd.f32 v40, v44;
	v44 =	vadd.f32 v49, v45  }
0x1d7: {  	v53 =	vmul.f32 v46, v34;
	v39 =	vadd.f32 v39, v55;
	v55 =	vadd.f32 v49, v52;
	v49, v50, _ =	vpop (xrf1)  }
0x1d8: {  	v54 =	vmul.f32 v42, v37;
	v40 =	vadd.f32 v40, v41;
	v41 =	vadd.f32 v44, v56;
	v45, v51, _ =	vpop (xrf1)  }
0x1d9: {  	v56 =	vadd.f32 v39, v43;
	v43 =	vadd.f32 v55, v53;
	v55 =	vmul.f32 v42, v38;
	v46, v47, _ =	vpop (xrf1)  }
0x1da: {  	v41 =	vadd.f32 v41, v54;
	v44, v52, _ =	vpop (xrf1);
	(xrf1) =	vsort.ascd.msk.f32 $0xffff, v40, v48  }
0x1db: {  	v40 =	vadd.f32 v43, v55;
	(xrf1) =	vsort.ascd.msk.f32 $0xffff, v56, v48  }
0x1dc: {  	v39, v42, _ =	vpop (xrf1);
	(xrf1) =	vsort.ascd.msk.f32 $0xffff, v41, v48  }
0x1dd: {  	vm1 =	vle.f32 v39, v49;
	v41 =	vld [tilespmem:s23+$0x10];
	v43, v53, _ =	vpop (xrf1);
	(xrf1) =	vsort.ascd.msk.f32 $0xffff, v40, v48  }
0x1de: {  	v54 =	vsel vm1, v39, v49;
	v40 =	vsel vm1, v42, v50;
	vm1 =	vle.f32 v43, v45;
	v42 =	vld [tilespmem:s18+$0x10]  }
0x1df: {  	v43 =	vsel vm1, v43, v45;
	v45 =	vsel vm1, v53, v51;
	v48 =	vld [tilespmem:s19+$0x10];
	v49, v50, _ =	vpop (xrf1);
	(xrf1) =	vsort.dscd.msk.f32 $0xffff, v54, v40  }
0x1e0: {  	vm1 =	vle.f32 v49, v46;
	v40 =	vld [tilespmem:s20+$0x10];
	v39, v51, _ =	vpop (xrf1);
	(xrf1) =	vsort.dscd.msk.f32 $0xffff, v43, v45  }
0x1e1: {  	v43 =	vsel vm1, v49, v46;
	v45 =	vsel vm1, v50, v47;
	vm1 =	vle.f32 v39, v44  }
0x1e2: {  	v39 =	vsel vm1, v39, v44;
	v44 =	vsel vm1, v51, v52;
	(xrf1) =	vsort.dscd.msk.f32 $0xffff, v43, v45  }
0x1e3: {  	v45 =	vmul.f32 v41, v35;
	v43 =	vmul.f32 v42, v27;
	(xrf1) =	vsort.dscd.msk.f32 $0xffff, v39, v44  }
0x1e4: {  	v49 =	vmul.f32 v41, v36;
	v57 =	vmul.f32 v42, v28  }
0x1e5: {  	v47 =	vmul.f32 v42, v29;
	v56 =	vmul.f32 v48, v31;
	v43 =	vadd.f32 v40, v43  }
0x1e6: {  	v50 =	vmul.f32 v48, v32;
	v52 =	vadd.f32 v40, v57;
	v57 =	vmul.f32 v42, v30;
	v39 =	vld [tilespmem:s21+$0x10]  }
0x1e7: {  	v51 =	vmul.f32 v48, v33;
	v53 =	vadd.f32 v40, v47;
	v56 =	vadd.f32 v43, v56  }
0x1e8: {  	v54 =	vmul.f32 v48, v34;
	v50 =	vadd.f32 v52, v50;
	v55 =	vadd.f32 v40, v57;
	v46, v44, _ =	vpop (xrf1)  }
.Ltmp3:
0x1e9: {  	v51 =	vadd.f32 v53, v51;
	v52 =	vmul.f32 v41, v37;
	v48 =	vadd.f32 v56, v45;
	v47, v45, _ =	vpop (xrf1);
	(pc) =	sbr.rel @p0 .LBB2_9-.Ltmp3, $4  }
0x1ea: {  	v53 =	vmul.f32 v41, v38;
	v56 =	vadd.f32 v50, v49;
	v54 =	vadd.f32 v55, v54;
	v43, v42, _ =	vpop (xrf1)  }
0x1eb: {  	v51 =	vadd.f32 v51, v52;
	v41, v40, _ =	vpop (xrf1);
	(xrf1) =	vsort.ascd.msk.f32 $0xffff, v48, v39  }
0x1ec: {  	v48 =	vadd.f32 v54, v53;
	(xrf1) =	vsort.ascd.msk.f32 $0xffff, v56, v39  }
0x1ed: {  	s23 =	sadd.s32 $0x40, s23;
	v50, v49, _ =	vpop (xrf1);
	(xrf1) =	vsort.ascd.msk.f32 $0xffff, v51, v39  }
0x1ee: {  	vm1 =	vle.f32 v50, v46  }
0x1ef: {  	v27, v28, _ =	vpop (xrf1);
	v30 =	vsel vm1, v49, v44  }
0x1f0: {  	(xrf1) =	vsort.ascd.msk.f32 $0xffff, v48, v39;
	v29 =	vsel vm1, v50, v46;
	vm1 =	vle.f32 v27, v47  }
0x1f1: {  	v27 =	vsel vm1, v27, v47;
	v28 =	vsel vm1, v28, v45;
	v31, v32, _ =	vpop (xrf1);
	(xrf1) =	vsort.dscd.msk.f32 $0xffff, v29, v30  }
0x1f2: {  	vm1 =	vle.f32 v31, v43;
	(xrf1) =	vsort.dscd.msk.f32 $0xffff, v27, v28  }
0x1f3: {  	v27 =	vsel vm1, v31, v43;
	v28 =	vsel vm1, v32, v42;
	v29, v30, _ =	vpop (xrf1)  }
0x1f4: {  	(xrf1) =	vsort.dscd.msk.f32 $0xffff, v27, v28;
	vm1 =	vle.f32 v29, v41  }
0x1f5: {  	v27 =	vsel vm1, v29, v41;
	v28 =	vsel vm1, v30, v40  }
0x1f6: {  	(xrf1) =	vsort.dscd.msk.f32 $0xffff, v27, v28;
	_ =	sdelay $0x4  }
0x1f7: {  	v27, v28, _ =	vpop (xrf1)  }
0x1f8: {  	v29, v30, _ =	vpop (xrf1)  }
0x1f9: {  	v31, v36, _ =	vpop (xrf1)  }
0x1fa: {  	s18 =	simm.s32 $0x20;
	v38 =	vbroadcast v11, $0xE;
	v58, v57, _ =	vpop (xrf1)  }
0x1fb: {  	v39 =	vbroadcast v11, $0xF;
	v62 =	vld [tilespmem:s18+$0xFFFFFFE0];
	v32 =	vbroadcast v13, $0xC;
	v59, v33, _ =	vpop (xrf1)  }
0x1fc: {  	s22 =	simm.s32 $0x1020;
	v42 =	vbroadcast v12, $0xE;
	v43 =	vbroadcast v12, $0xF;
	vm1 =	vle.f32 v59, v27;
	v34, v35, _ =	vpop (xrf1)  }
0x1fd: {  	s20 =	simm.s32 $0x2020;
	v61 =	vld [tilespmem:s22+$0xFFFFFFE0];
	v27 =	vsel vm1, v59, v27;
	vm3 =	vle.f32 v34, v29;
	v28 =	vsel vm1, v33, v28  }
0x1fe: {  	s19 =	simm.s32 $0x820;
	v50 =	vld [tilespmem:s20+$0xFFFFFFE0];
	v33 =	vbroadcast v13, $0xD;
	v29 =	vsel vm3, v34, v29;
	v30 =	vsel vm3, v35, v30;
	v60, v37, _ =	vpop (xrf1)  }
0x1ff: {  	v34 =	vbroadcast v13, $0xE;
	v35 =	vbroadcast v13, $0xF;
	v13 =	vld [tilespmem:s19+$0xFFFFFFE0];
	vm1 =	vle.f32 v60, v31  }
0x200: {  	v40 =	vbroadcast v12, $0xC;
	(xrf1) =	vsort.dscd.msk.f32 $0xffff, v27, v28;
	v28 =	vmul.f32 v62, v32;
	v31 =	vsel vm1, v60, v31;
	v48, v63, _ =	vpop (xrf1)  }
0x201: {  	(xrf1) =	vsort.dscd.msk.f32 $0xffff, v29, v30;
	v49 =	vsel vm1, v37, v36;
	v36 =	vbroadcast v11, $0xC;
	vm1 =	vle.f32 v48, v58  }
0x202: {  	v37 =	vbroadcast v11, $0xD;
	(xrf1) =	vsort.dscd.msk.f32 $0xffff, v31, v49;
	v11 =	vsel vm1, v48, v58;
	v27 =	vsel vm1, v63, v57  }
0x203: {  	v41 =	vbroadcast v12, $0xD;
	(xrf1) =	vsort.dscd.msk.f32 $0xffff, v11, v27;
	v11 =	vmul.f32 v62, v33  }
0x204: {  	s21 =	simm.s32 $0x1820;
	v12 =	vmul.f32 v61, v40;
	v27 =	vadd.f32 v50, v28;
	v28 =	vmul.f32 v13, v36  }
0x205: {  	v30 =	vld [tilespmem:s21+$0xFFFFFFE0];
	v29 =	vmul.f32 v62, v34;
	v31 =	vmul.f32 v13, v37;
	v11 =	vadd.f32 v50, v11  }
0x206: {  	v51 =	vmul.f32 v61, v41;
	v45 =	vmul.f32 v62, v35;
	v27 =	vadd.f32 v27, v28  }
0x207: {  	v28 =	vadd.f32 v50, v29;
	v29 =	vmul.f32 v13, v38;
	v11 =	vadd.f32 v11, v31  }
0x208: {  	v13 =	vmul.f32 v13, v39;
	v31 =	vadd.f32 v50, v45;
	v12 =	vadd.f32 v27, v12  }
0x209: {  	v27 =	vadd.f32 v28, v29;
	v28 =	vmul.f32 v61, v42;
	v29 =	vld [tilespmem:s18+$0xFFFFFFF0];
	v11 =	vadd.f32 v11, v51  }
0x20a: {  	v13 =	vadd.f32 v31, v13;
	v31 =	vmul.f32 v61, v43;
	(xrf1) =	vsort.ascd.msk.f32 $0xffff, v12, v30;
	v12 =	vld [tilespmem:s19+$0xFFFFFFF0]  }
0x20b: {  	v27 =	vadd.f32 v27, v28;
	(xrf1) =	vsort.ascd.msk.f32 $0xffff, v11, v30;
	v11 =	vld [tilespmem:s20+$0xFFFFFFF0]  }
0x20c: {  	v52 =	vld [tilespmem:s22+$0xFFFFFFF0];
	v13 =	vadd.f32 v13, v31  }
0x20d: {  	(xrf1) =	vsort.ascd.msk.f32 $0xffff, v27, v30  }
0x20e: {  	(xrf1) =	vsort.ascd.msk.f32 $0xffff, v13, v30;
	v13 =	vmul.f32 v29, v32  }
0x20f: {  	v27 =	vmul.f32 v29, v33  }
0x210: {  	v30 =	vmul.f32 v12, v36;
	v13 =	vadd.f32 v11, v13  }
0x211: {  	v28 =	vmul.f32 v52, v40;
	v31 =	vmul.f32 v29, v34;
	v27 =	vadd.f32 v11, v27  }
0x212: {  	v29 =	vmul.f32 v29, v35;
	v55 =	vmul.f32 v12, v37;
	v13 =	vadd.f32 v13, v30  }
0x213: {  	v54 =	vld [tilespmem:s21+$0xFFFFFFF0];
	v56 =	vmul.f32 v12, v38;
	v12 =	vmul.f32 v12, v39;
	v30 =	vadd.f32 v11, v31  }
0x214: {  	v11 =	vadd.f32 v11, v29  }
0x215: {  	v53 =	vmul.f32 v52, v41;
	v47 =	vadd.f32 v27, v55;
	v28 =	vadd.f32 v13, v28  }
0x216: {  	v57 =	vmul.f32 v52, v42;
	v48 =	vadd.f32 v30, v56;
	v31, v27, _ =	vpop (xrf1)  }
0x217: {  	v45 =	vmul.f32 v52, v43;
	v44 =	vadd.f32 v47, v53;
	v58 =	vadd.f32 v11, v12;
	v30, v13, _ =	vpop (xrf1)  }
0x218: {  	v48 =	vadd.f32 v48, v57;
	(xrf1) =	vsort.ascd.msk.f32 $0xffff, v28, v54;
	v29, v12, _ =	vpop (xrf1)  }
0x219: {  	v45 =	vadd.f32 v58, v45;
	(xrf1) =	vsort.ascd.msk.f32 $0xffff, v44, v54;
	v28, v11, _ =	vpop (xrf1)  }
0x21a: {  	v44 =	vimm.f32 $+Inf;
	(xrf1) =	vsort.ascd.msk.f32 $0xffff, v48, v54;
	v60, v59, _ =	vpop (xrf1)  }
0x21b: {  	v61 =	vimm.f32 $0.0e+00;
	v53 =	vld [tilespmem:s18+$0x0];
	(xrf1) =	vsort.ascd.msk.f32 $0xffff, v45, v54;
	v62, v51, _ =	vpop (xrf1);
	vm1 =	vle.f32 v44, v60  }
0x21c: {  	v63 =	vsel vm1, v44, v60;
	v56 =	vsel vm1, v61, v59;
	vm1 =	vle.f32 v44, v62  }
0x21d: {  	v54 =	vld [tilespmem:s19+$0x0];
	v57, v52, _ =	vpop (xrf1);
	v50 =	vsel vm1, v44, v62;
	v51 =	vsel vm1, v61, v51;
	(xrf1) =	vsort.dscd.msk.f32 $0xffff, v63, v56  }
0x21e: {  	v46, v47, _ =	vpop (xrf1);
	vm1 =	vle.f32 v44, v57;
	(xrf1) =	vsort.dscd.msk.f32 $0xffff, v50, v51;
	v50 =	vld [tilespmem:s20+$0x0]  }
0x21f: {  	v45 =	vld [tilespmem:s22+$0x0];
	v49 =	vsel vm1, v44, v57;
	v58 =	vsel vm1, v61, v52  }
0x220: {  	v60 =	vmul.f32 v53, v32;
	vm1 =	vle.f32 v44, v46;
	(xrf1) =	vsort.dscd.msk.f32 $0xffff, v49, v58  }
0x221: {  	v62 =	vmul.f32 v53, v33;
	v44 =	vsel vm1, v44, v46;
	v59 =	vsel vm1, v61, v47  }
0x222: {  	v57 =	vmul.f32 v53, v34;
	v55 =	vmul.f32 v54, v37;
	(xrf1) =	vsort.dscd.msk.f32 $0xffff, v44, v59  }
0x223: {  	v63 =	vmul.f32 v54, v36;
	v53 =	vmul.f32 v53, v35;
	v44 =	vadd.f32 v50, v60  }
0x224: {  	v61 =	vmul.f32 v45, v40;
	v47 =	vadd.f32 v50, v62;
	v58 =	vadd.f32 v50, v57  }
0x225: {  	v52 =	vld [tilespmem:s21+$0x0];
	v59 =	vmul.f32 v54, v38;
	v50 =	vadd.f32 v50, v53;
	v44 =	vadd.f32 v44, v63  }
0x226: {  	v48 =	vmul.f32 v45, v41;
	v62 =	vmul.f32 v45, v42;
	v47 =	vadd.f32 v47, v55  }
0x227: {  	v60 =	vmul.f32 v54, v39;
	v54, v55, _ =	vpop (xrf1);
	v44 =	vadd.f32 v44, v61;
	v61 =	vadd.f32 v58, v59  }
0x228: {  	v51, v56, _ =	vpop (xrf1)  }
0x229: {  	v45 =	vmul.f32 v45, v43;
	v63 =	vadd.f32 v50, v60;
	v47 =	vadd.f32 v47, v48;
	v50, v53, _ =	vpop (xrf1)  }
0x22a: {  	v49, v57, _ =	vpop (xrf1);
	v46 =	vadd.f32 v61, v62;
	(xrf1) =	vsort.ascd.msk.f32 $0xffff, v44, v52  }
0x22b: {  	v60 =	vadd.f32 v63, v45;
	(xrf1) =	vsort.ascd.msk.f32 $0xffff, v47, v52;
	v61, v62, _ =	vpop (xrf1)  }
0x22c: {  	v47 =	vld [tilespmem:s18+$0x10];
	(xrf1) =	vsort.ascd.msk.f32 $0xffff, v46, v52;
	vm1 =	vle.f32 v61, v54  }
0x22d: {  	v45 =	vld [tilespmem:s20+$0x10];
	v63, v58, _ =	vpop (xrf1);
	(xrf1) =	vsort.ascd.msk.f32 $0xffff, v60, v52;
	v59 =	vsel vm1, v61, v54;
	v60 =	vsel vm1, v62, v55  }
0x22e: {  	v46 =	vld [tilespmem:s22+$0x10];
	vm1 =	vle.f32 v63, v51;
	v61, v62, _ =	vpop (xrf1);
	(xrf1) =	vsort.dscd.msk.f32 $0xffff, v59, v60  }
0x22f: {  	v52 =	vld [tilespmem:s19+$0x10];
	v63 =	vsel vm1, v63, v51;
	vm3 =	vle.f32 v61, v50;
	v56 =	vsel vm1, v58, v56  }
0x230: {  	v48, v51, _ =	vpop (xrf1);
	v50 =	vsel vm3, v61, v50;
	(xrf1) =	vsort.dscd.msk.f32 $0xffff, v63, v56  }
0x231: {  	vm1 =	vle.f32 v48, v49;
	v53 =	vsel vm3, v62, v53;
	v60 =	vmul.f32 v47, v32  }
0x232: {  	v44 =	vsel vm1, v48, v49;
	v49 =	vsel vm1, v51, v57;
	(xrf1) =	vsort.dscd.msk.f32 $0xffff, v50, v53  }
0x233: {  	v61 =	vmul.f32 v47, v33;
	(xrf1) =	vsort.dscd.msk.f32 $0xffff, v44, v49  }
0x234: {  	v54 =	vmul.f32 v46, v40;
	v62 =	vadd.f32 v45, v60;
	v63 =	vmul.f32 v52, v36  }
0x235: {  	v60 =	vmul.f32 v47, v34;
	v50 =	vadd.f32 v45, v61;
	v61 =	vmul.f32 v52, v37  }
0x236: {  	v53 =	vmul.f32 v46, v41;
	v48 =	vld [tilespmem:s21+$0x10];
	v47 =	vmul.f32 v47, v35;
	v55 =	vadd.f32 v62, v63  }
0x237: {  	v56 =	vadd.f32 v45, v60;
	v62 =	vmul.f32 v52, v38;
	v57 =	vadd.f32 v50, v61  }
0x238: {  	v45 =	vadd.f32 v45, v47;
	v63 =	vmul.f32 v52, v39;
	v54 =	vadd.f32 v55, v54  }
0x239: {  	v61 =	vmul.f32 v46, v42;
	v60 =	vadd.f32 v56, v62;
	v52, v51, _ =	vpop (xrf1)  }
0x23a: {  	v53 =	vadd.f32 v57, v53;
	v62 =	vadd.f32 v45, v63;
	v63 =	vmul.f32 v46, v43;
	v50, v49, _ =	vpop (xrf1)  }
0x23b: {  	v56 =	vadd.f32 v60, v61;
	v47, v46, _ =	vpop (xrf1);
	(xrf1) =	vsort.ascd.msk.f32 $0xffff, v54, v48  }
0x23c: {  	v45, v44, _ =	vpop (xrf1);
	(xrf1) =	vsort.ascd.msk.f32 $0xffff, v53, v48;
	v53 =	vadd.f32 v62, v63  }
0x23d: {  	[dreg:$0xa] =	wrdreg s0;
	s23 =	simm.s32 $0x1060;
	s22 =	simm.s32 $0x0;
	(xrf1) =	vsort.ascd.msk.f32 $0xffff, v56, v48;
	v55, v54, _ =	vpop (xrf1)  }
.LBB2_11:
0x23e: {  	v56 =	vld [tilespmem:s23+$0xFFFFFFE0];
	vm1 =	vle.f32 v55, v52;
	s18 =	sadd.s32 $0x40, s18;
	v57, v58, _ =	vpop (xrf1);
	(xrf1) =	vsort.ascd.msk.f32 $0xffff, v53, v48  }
0x23f: {  	s19 =	sadd.s32 $0x40, s19;
	v48 =	vld [tilespmem:s18+$0xFFFFFFE0];
	v59 =	vsel vm1, v55, v52;
	v51 =	vsel vm1, v54, v51;
	vm1 =	vle.f32 v57, v50  }
0x240: {  	s20 =	sadd.s32 $0x40, s20;
	v53 =	vld [tilespmem:s19+$0xFFFFFFE0];
	v50 =	vsel vm1, v57, v50;
	v49 =	vsel vm1, v58, v49;
	v54, v55, _ =	vpop (xrf1);
	(xrf1) =	vsort.dscd.msk.f32 $0xffff, v59, v51  }
0x241: {  	v51 =	vld [tilespmem:s20+$0xFFFFFFE0];
	vm1 =	vle.f32 v54, v47;
	v52, v57, _ =	vpop (xrf1);
	(xrf1) =	vsort.dscd.msk.f32 $0xffff, v50, v49  }
0x242: {  	v47 =	vsel vm1, v54, v47;
	v46 =	vsel vm1, v55, v46;
	vm1 =	vle.f32 v52, v45  }
0x243: {  	v45 =	vsel vm1, v52, v45;
	v44 =	vsel vm1, v57, v44;
	(xrf1) =	vsort.dscd.msk.f32 $0xffff, v47, v46  }
0x244: {  	v47 =	vmul.f32 v56, v40;
	v46 =	vmul.f32 v48, v32;
	(xrf1) =	vsort.dscd.msk.f32 $0xffff, v45, v44  }
0x245: {  	v44 =	vmul.f32 v48, v33;
	v45 =	vmul.f32 v56, v41  }
0x246: {  	s21 =	sadd.s32 $0x40, s21;
	v50 =	vmul.f32 v48, v34;
	v49 =	vmul.f32 v53, v36;
	v46 =	vadd.f32 v51, v46  }
0x247: {  	v48 =	vmul.f32 v48, v35;
	v59 =	vmul.f32 v53, v37;
	v44 =	vadd.f32 v51, v44;
	v52 =	vld [tilespmem:s21+$0xFFFFFFE0]  }
0x248: {  	s22 =	sadd.s32 $0x4, s22;
	v57 =	vmul.f32 v53, v38;
	v61 =	vadd.f32 v51, v50;
	v46 =	vadd.f32 v46, v49  }
0x249: {  	p0 =	slt.u32 s22, $0x7C;
	v58 =	vmul.f32 v53, v39;
	v48 =	vadd.f32 v51, v48;
	v44 =	vadd.f32 v44, v59;
	v53, v54, _ =	vpop (xrf1)  }
0x24a: {  	v61 =	vadd.f32 v61, v57;
	v57 =	vmul.f32 v56, v42;
	v59 =	vadd.f32 v46, v47;
	v50, v55, _ =	vpop (xrf1)  }
0x24b: {  	v60 =	vadd.f32 v44, v45;
	v45 =	vadd.f32 v48, v58;
	v48 =	vmul.f32 v56, v43;
	v51, v56, _ =	vpop (xrf1)  }
0x24c: {  	v57 =	vadd.f32 v61, v57;
	(xrf1) =	vsort.ascd.msk.f32 $0xffff, v59, v52;
	v46, v49, _ =	vpop (xrf1)  }
0x24d: {  	v58 =	vadd.f32 v45, v48;
	(xrf1) =	vsort.ascd.msk.f32 $0xffff, v60, v52  }
0x24e: {  	(xrf1) =	vsort.ascd.msk.f32 $0xffff, v57, v52;
	v44, v47, _ =	vpop (xrf1)  }
0x24f: {  	v48 =	vld [tilespmem:s23+$0xFFFFFFF0];
	(xrf1) =	vsort.ascd.msk.f32 $0xffff, v58, v52;
	vm1 =	vle.f32 v44, v53;
	v45, v52, _ =	vpop (xrf1)  }
0x250: {  	v57 =	vld [tilespmem:s18+$0xFFFFFFF0];
	v44 =	vsel vm1, v44, v53;
	v58 =	vsel vm1, v47, v54;
	vm1 =	vle.f32 v45, v50  }
0x251: {  	v53 =	vld [tilespmem:s19+$0xFFFFFFF0];
	v45 =	vsel vm1, v45, v50;
	v50 =	vsel vm1, v52, v55;
	v52, v54, _ =	vpop (xrf1);
	(xrf1) =	vsort.dscd.msk.f32 $0xffff, v44, v58  }
0x252: {  	v44 =	vld [tilespmem:s20+$0xFFFFFFF0];
	vm1 =	vle.f32 v52, v51;
	v47, v55, _ =	vpop (xrf1);
	(xrf1) =	vsort.dscd.msk.f32 $0xffff, v45, v50  }
0x253: {  	v45 =	vsel vm1, v52, v51;
	v50 =	vsel vm1, v54, v56;
	vm1 =	vle.f32 v47, v46  }
0x254: {  	v46 =	vsel vm1, v47, v46;
	v47 =	vsel vm1, v55, v49;
	(xrf1) =	vsort.dscd.msk.f32 $0xffff, v45, v50  }
0x255: {  	v49 =	vmul.f32 v48, v40;
	v45 =	vmul.f32 v57, v32;
	(xrf1) =	vsort.dscd.msk.f32 $0xffff, v46, v47  }
0x256: {  	v46 =	vmul.f32 v57, v33;
	v47 =	vmul.f32 v48, v41  }
0x257: {  	v51 =	vmul.f32 v57, v34;
	v50 =	vmul.f32 v53, v36;
	v45 =	vadd.f32 v44, v45  }
0x258: {  	v60 =	vmul.f32 v57, v35;
	v59 =	vmul.f32 v53, v37;
	v46 =	vadd.f32 v44, v46;
	v52 =	vld [tilespmem:s21+$0xFFFFFFF0]  }
0x259: {  	v61 =	vmul.f32 v53, v38;
	v45 =	vadd.f32 v45, v50;
	v50 =	vadd.f32 v44, v51  }
0x25a: {  	v58 =	vmul.f32 v53, v39;
	v46 =	vadd.f32 v46, v59;
	v44 =	vadd.f32 v44, v60;
	v54, v55, _ =	vpop (xrf1)  }
0x25b: {  	v59 =	vmul.f32 v48, v42;
	v45 =	vadd.f32 v45, v49;
	v49 =	vadd.f32 v50, v61;
	v51, v56, _ =	vpop (xrf1)  }
0x25c: {  	v60 =	vadd.f32 v46, v47;
	v44 =	vadd.f32 v44, v58;
	v47 =	vmul.f32 v48, v43;
	v48, v53, _ =	vpop (xrf1)  }
0x25d: {  	v59 =	vadd.f32 v49, v59;
	v50, v57, _ =	vpop (xrf1);
	(xrf1) =	vsort.ascd.msk.f32 $0xffff, v45, v52  }
0x25e: {  	v58 =	vadd.f32 v44, v47;
	(xrf1) =	vsort.ascd.msk.f32 $0xffff, v60, v52  }
0x25f: {  	(xrf1) =	vsort.ascd.msk.f32 $0xffff, v59, v52;
	v45, v46, _ =	vpop (xrf1)  }
0x260: {  	vm1 =	vle.f32 v45, v54;
	v47 =	vld [tilespmem:s23+$0x0];
	(xrf1) =	vsort.ascd.msk.f32 $0xffff, v58, v52;
	v44, v49, _ =	vpop (xrf1)  }
0x261: {  	v58 =	vsel vm1, v45, v54;
	v54 =	vsel vm1, v46, v55;
	vm1 =	vle.f32 v44, v51;
	v52 =	vld [tilespmem:s18+$0x0]  }
0x262: {  	v59 =	vsel vm1, v44, v51;
	v55 =	vsel vm1, v49, v56;
	v51 =	vld [tilespmem:s19+$0x0];
	(xrf1) =	vsort.dscd.msk.f32 $0xffff, v58, v54;
	v45, v46, _ =	vpop (xrf1)  }
0x263: {  	vm1 =	vle.f32 v45, v48;
	(xrf1) =	vsort.dscd.msk.f32 $0xffff, v59, v55;
	v44, v49, _ =	vpop (xrf1)  }
0x264: {  	v54 =	vld [tilespmem:s20+$0x0];
	v45 =	vsel vm1, v45, v48;
	v46 =	vsel vm1, v46, v53;
	vm1 =	vle.f32 v44, v50  }
0x265: {  	v44 =	vsel vm1, v44, v50  }
0x266: {  	v48 =	vsel vm1, v49, v57;
	(xrf1) =	vsort.dscd.msk.f32 $0xffff, v45, v46;
	v46 =	vmul.f32 v47, v40  }
0x267: {  	v45 =	vmul.f32 v52, v32;
	(xrf1) =	vsort.dscd.msk.f32 $0xffff, v44, v48;
	v44 =	vmul.f32 v52, v33  }
0x268: {  	v48 =	vmul.f32 v47, v41;
	v50 =	vmul.f32 v52, v34  }
0x269: {  	v52 =	vmul.f32 v52, v35;
	v49 =	vmul.f32 v51, v36;
	v45 =	vadd.f32 v54, v45  }
0x26a: {  	v60 =	vmul.f32 v51, v37;
	v44 =	vadd.f32 v54, v44;
	v53 =	vld [tilespmem:s21+$0x0]  }
0x26b: {  	v61 =	vmul.f32 v51, v38;
	v45 =	vadd.f32 v45, v49;
	v49 =	vadd.f32 v54, v50  }
0x26c: {  	v58 =	vmul.f32 v51, v39;
	v44 =	vadd.f32 v44, v60;
	v60 =	vadd.f32 v54, v52;
	v54, v55, _ =	vpop (xrf1)  }
0x26d: {  	v59 =	vmul.f32 v47, v42;
	v45 =	vadd.f32 v45, v46;
	v46 =	vadd.f32 v49, v61;
	v50, v56, _ =	vpop (xrf1)  }
0x26e: {  	v61 =	vadd.f32 v44, v48;
	v48 =	vadd.f32 v60, v58;
	v60 =	vmul.f32 v47, v43;
	v51, v52, _ =	vpop (xrf1)  }
0x26f: {  	v46 =	vadd.f32 v46, v59;
	v49, v57, _ =	vpop (xrf1);
	(xrf1) =	vsort.ascd.msk.f32 $0xffff, v45, v53  }
0x270: {  	v45 =	vadd.f32 v48, v60;
	(xrf1) =	vsort.ascd.msk.f32 $0xffff, v61, v53  }
0x271: {  	v44, v47, _ =	vpop (xrf1);
	(xrf1) =	vsort.ascd.msk.f32 $0xffff, v46, v53  }
0x272: {  	vm1 =	vle.f32 v44, v54;
	v46 =	vld [tilespmem:s23+$0x10];
	v48, v58, _ =	vpop (xrf1);
	(xrf1) =	vsort.ascd.msk.f32 $0xffff, v45, v53  }
0x273: {  	v44 =	vsel vm1, v44, v54;
	v59 =	vsel vm1, v47, v55;
	vm1 =	vle.f32 v48, v50;
	v47 =	vld [tilespmem:s18+$0x10]  }
0x274: {  	v48 =	vsel vm1, v48, v50;
	v50 =	vsel vm1, v58, v56;
	v53 =	vld [tilespmem:s19+$0x10];
	v54, v55, _ =	vpop (xrf1);
	(xrf1) =	vsort.dscd.msk.f32 $0xffff, v44, v59  }
0x275: {  	vm1 =	vle.f32 v54, v51;
	v44 =	vld [tilespmem:s20+$0x10];
	v45, v56, _ =	vpop (xrf1);
	(xrf1) =	vsort.dscd.msk.f32 $0xffff, v48, v50  }
0x276: {  	v48 =	vsel vm1, v54, v51;
	v50 =	vsel vm1, v55, v52;
	vm1 =	vle.f32 v45, v49  }
0x277: {  	v45 =	vsel vm1, v45, v49;
	v49 =	vsel vm1, v56, v57;
	(xrf1) =	vsort.dscd.msk.f32 $0xffff, v48, v50  }
0x278: {  	v50 =	vmul.f32 v46, v40;
	v48 =	vmul.f32 v47, v32;
	(xrf1) =	vsort.dscd.msk.f32 $0xffff, v45, v49  }
0x279: {  	v54 =	vmul.f32 v46, v41;
	v45 =	vmul.f32 v47, v33  }
0x27a: {  	v58 =	vmul.f32 v47, v34;
	v62 =	vmul.f32 v53, v36;
	v63 =	vadd.f32 v44, v48  }
0x27b: {  	v47 =	vmul.f32 v47, v35;
	v55 =	vmul.f32 v53, v37;
	v45 =	vadd.f32 v44, v45;
	v48 =	vld [tilespmem:s21+$0x10]  }
0x27c: {  	v57 =	vmul.f32 v53, v38;
	v56 =	vadd.f32 v44, v58;
	v59 =	vadd.f32 v63, v62  }
0x27d: {  	v60 =	vmul.f32 v53, v39;
	v61 =	vadd.f32 v44, v47;
	v62 =	vadd.f32 v45, v55;
	v52, v51, _ =	vpop (xrf1)  }
.Ltmp4:
0x27e: {  	v55 =	vadd.f32 v56, v57;
	v56 =	vmul.f32 v46, v42;
	v53 =	vadd.f32 v59, v50;
	v50, v49, _ =	vpop (xrf1);
	(pc) =	sbr.rel @p0 .LBB2_11-.Ltmp4, $4  }
0x27f: {  	v58 =	vmul.f32 v46, v43;
	v57 =	vadd.f32 v61, v60;
	v59 =	vadd.f32 v62, v54;
	v47, v46, _ =	vpop (xrf1)  }
0x280: {  	v56 =	vadd.f32 v55, v56;
	v45, v44, _ =	vpop (xrf1);
	(xrf1) =	vsort.ascd.msk.f32 $0xffff, v53, v48  }
0x281: {  	v53 =	vadd.f32 v57, v58;
	(xrf1) =	vsort.ascd.msk.f32 $0xffff, v59, v48  }
0x282: {  	s23 =	sadd.s32 $0x40, s23;
	v55, v54, _ =	vpop (xrf1);
	(xrf1) =	vsort.ascd.msk.f32 $0xffff, v56, v48  }
0x283: {  	v6 =	vmul.f32 v6, v6;
	v7 =	vmul.f32 v7, v7;
	_ =	sdelay $0x1  }
0x284: {  	v5 =	vmul.f32 v5, v5;
	v6 =	vadd.f32 v7, v6;
	_ =	sdelay $0x1  }
0x285: {  	v5 =	vadd.f32 v5, v6;
	_ =	sdelay $0x1  }
0x286: {  	v6 =	vbroadcast v5, $0x0;
	_ =	sdelay $0x1  }
0x287: {  	v6 =	vadd.f32 v18, v6;
	_ =	sdelay $0x1  }
0x288: {  	v7 =	vmax.f32 v6, $0.0e+00  }
0x289: {  	v6 =	vshra.s32 v7, $0x1;
	v63 =	vmul.f32 $5.000000000e-01, v7  }
0x28a: {  	v6 =	vsub.s32 $0x5F3759DF, v6  }
0x28b: {  	vm1 =	vle.f32 v55, v52;
	v32 =	vmul.f32 v6, v63  }
0x28c: {  	v33 =	vsel vm1, v55, v52;
	v34 =	vsel vm1, v54, v51;
	v54, v35, _ =	vpop (xrf1)  }
0x28d: {  	(xrf1) =	vsort.ascd.msk.f32 $0xffff, v53, v48;
	vm1 =	vle.f32 v54, v50;
	v53 =	vbroadcast v5, $0x1;
	v32 =	vmul.f32 v6, v32  }
0x28e: {  	v59, v58, _ =	vpop (xrf1);
	v55 =	vsel vm1, v54, v50;
	v56 =	vsel vm1, v35, v49  }
0x28f: {  	(xrf1) =	vsort.dscd.msk.f32 $0xffff, v33, v34;
	vm1 =	vle.f32 v59, v47;
	v17 =	vadd.f32 v17, v53;
	v32 =	vsub.f32 $1.500000000e+00, v32  }
0x290: {  	v41 =	vsel vm1, v58, v46  }
0x291: {  	v39 =	vbroadcast v5, $0x2;
	v33 =	vmax.f32 v17, $0.0e+00;
	v6 =	vmul.f32 v6, v32  }
0x292: {  	v52 =	vbroadcast v5, $0x5;
	v60 =	vshra.s32 v33, $0x1;
	v36 =	vmul.f32 $5.000000000e-01, v33  }
0x293: {  	(xrf1) =	vsort.dscd.msk.f32 $0xffff, v55, v56;
	v61 =	vbroadcast v5, $0x3;
	v35 =	vsub.s32 $0x5F3759DF, v60;
	v57 =	vmul.f32 v6, v63  }
0x294: {  	v16 =	vadd.f32 v16, v39;
	v25 =	vadd.f32 v25, v52;
	v40 =	vmul.f32 v35, v36  }
0x295: {  	v37, v38, _ =	vpop (xrf1);
	v52 =	vbroadcast v5, $0x7;
	v17 =	vsel vm1, v59, v47;
	v34 =	vmul.f32 v57, v6  }
0x296: {  	vm1 =	vle.f32 v37, v45;
	v48 =	vmax.f32 v16, $0.0e+00;
	v42, v43, _ =	vpop (xrf1);
	v40 =	vmul.f32 v35, v40  }
0x297: {  	v55 =	vshra.s32 v48, $0x1;
	v49 =	vmul.f32 $5.000000000e-01, v48;
	v46, v47, _ =	vpop (xrf1);
	v34 =	vsub.f32 $1.500000000e+00, v34  }
0x298: {  	v38 =	vsel vm1, v38, v44;
	v39, v44, _ =	vpop (xrf1);
	(xrf1) =	vsort.dscd.msk.f32 $0xffff, v17, v41;
	v41 =	vsub.s32 $0x5F3759DF, v55;
	v40 =	vsub.f32 $1.500000000e+00, v40  }
0x299: {  	v15 =	vadd.f32 v15, v61;
	v56 =	vmul.f32 v41, v49;
	v34 =	vmul.f32 v34, v6  }
0x29a: {  	v25 =	vmax.f32 v25, $0.0e+00;
	v37 =	vsel vm1, v37, v45;
	v35 =	vmul.f32 v35, v40  }
0x29b: {  	v45 =	vmax.f32 v15, $0.0e+00;
	v40 =	vmul.f32 v41, v56;
	v18 =	vmul.f32 v34, v63  }
0x29c: {  	v23 =	vadd.f32 v23, v52;
	v15 =	vshra.s32 v45, $0x1;
	v50 =	vmul.f32 $5.000000000e-01, v45;
	v32, v6, _ =	vpop (xrf1)  }
0x29d: {  	v58 =	vsub.s32 $0x5F3759DF, v15;
	v40 =	vsub.f32 $1.500000000e+00, v40;
	v62, v63, _ =	vpop (xrf1);
	v18 =	vmul.f32 v18, v34  }
0x29e: {  	v59 =	vmul.f32 v58, v50;
	v57 =	vmul.f32 v35, v36;
	vm1 =	vle.f32 v62, v42  }
0x29f: {  	v40 =	vmul.f32 v41, v40;
	v15 =	vsel vm1, v62, v42;
	v18 =	vsub.f32 $1.500000000e+00, v18  }
0x2a0: {  	v16 =	vsel vm1, v63, v43;
	v62 =	vmul.f32 v57, v35;
	v63 =	vbroadcast v5, $0x4  }
0x2a1: {  	v23 =	vmax.f32 v23, $0.0e+00;
	(xrf1) =	vsort.dscd.msk.f32 $0xffff, v37, v38;
	v18 =	vmul.f32 v18, v34;
	v34 =	vmul.f32 v58, v59  }
0x2a2: {  	v55 =	vmul.f32 v40, v49;
	v61, v60, _ =	vpop (xrf1);
	v43 =	vsub.f32 $1.500000000e+00, v62;
	v26 =	vadd.f32 v26, v63  }
0x2a3: {  	v41 =	vmul.f32 $5.000000000e-01, v25;
	vm1 =	vle.f32 v61, v46;
	v53 =	vsub.f32 $1.500000000e+00, v34  }
0x2a4: {  	v54 =	vmul.f32 v43, v35;
	v35 =	vmul.f32 v55, v40;
	v26 =	vmax.f32 v26, $0.0e+00  }
0x2a5: {  	v59 =	vshra.s32 v26, $0x1;
	v37 =	vmul.f32 $5.000000000e-01, v26;
	v56 =	vmul.f32 v58, v53  }
0x2a6: {  	v18 =	vmul.f32 v18, v7;
	v7 =	vsel vm1, v61, v46;
	v57 =	vmul.f32 v54, v36  }
0x2a7: {  	v35 =	vsub.f32 $1.500000000e+00, v35;
	v36 =	vsub.s32 $0x5F3759DF, v59;
	v58 =	vmul.f32 v56, v50  }
0x2a8: {  	v63 =	vmul.f32 v36, v37;
	v51 =	vsub.f32 v18, v14;
	v18 =	vmul.f32 v57, v54  }
0x2a9: {  	v59 =	vshra.s32 v25, $0x1;
	v14 =	vsel vm1, v60, v47;
	v62 =	vmul.f32 v58, v56  }
0x2aa: {  	v35 =	vmul.f32 v35, v40;
	v53 =	vmul.f32 v36, v63;
	v47 =	vsub.f32 $1.500000000e+00, v18  }
0x2ab: {  	v61, v60, _ =	vpop (xrf1);
	v63 =	vbroadcast v5, $0x6;
	v17 =	vsel vm0, $0x7F800000, v51;
	v51 =	vsub.f32 $1.500000000e+00, v62  }
0x2ac: {  	vm1 =	vle.f32 v61, v39;
	v34 =	vmul.f32 v47, v54;
	v54 =	vmul.f32 v35, v49  }
0x2ad: {  	(xrf0) =	vmin.scan.msk.f32 $0xffff, v17;
	v17 =	vsel vm1, v61, v39;
	v39 =	vmul.f32 v51, v56;
	v56 =	vsub.f32 $1.500000000e+00, v53  }
0x2ae: {  	v40 =	vsub.s32 $0x5F3759DF, v59;
	v18 =	vsel vm1, v60, v44;
	v57 =	vmul.f32 v54, v35  }
0x2af: {  	v43, v44, _ =	vpop (xrf1);
	v61 =	vmul.f32 v40, v41;
	v24 =	vadd.f32 v24, v63;
	v36 =	vmul.f32 v36, v56  }
0x2b0: {  	vm1 =	vle.f32 v43, v32;
	v33 =	vmul.f32 v34, v33;
	v34 =	vsub.f32 $1.500000000e+00, v57  }
0x2b1: {  	v32 =	vsel vm1, v43, v32;
	v58 =	vmul.f32 v39, v50;
	v42 =	vmul.f32 v36, v37  }
0x2b2: {  	v6 =	vsel vm1, v44, v6;
	v60 =	vmul.f32 v34, v35;
	v34 =	vmul.f32 v40, v61  }
0x2b3: {  	v10 =	vsub.f32 v33, v10;
	v38 =	vmul.f32 v58, v39;
	v42 =	vmul.f32 v42, v36  }
0x2b4: {  	v24 =	vmax.f32 v24, $0.0e+00;
	v33 =	vmul.f32 v60, v48;
	v48 =	vsub.f32 $1.500000000e+00, v34  }
0x2b5: {  	v55, _, _ =	vpop (xrf0);
	v10 =	vsel vm0, $0x7F800000, v10;
	v62 =	vsub.f32 $1.500000000e+00, v38;
	v47 =	vsub.f32 $1.500000000e+00, v42  }
0x2b6: {  	v51 =	vshra.s32 v24, $0x1;
	(v2sf) =	vpush v55, $0xF;
	(xrf0) =	vmin.scan.msk.f32 $0xffff, v10;
	v10 =	vmul.f32 v40, v48  }
0x2b7: {  	v61 =	vshra.s32 v23, $0x1;
	v35 =	vmul.f32 v62, v39;
	v50 =	vmul.f32 v47, v36  }
0x2b8: {  	v9 =	vsub.f32 v33, v9;
	v53 =	vmul.f32 v10, v41;
	v36 =	vmul.f32 $5.000000000e-01, v24  }
0x2b9: {  	v49 =	vmul.f32 v35, v45;
	v35 =	vsub.s32 $0x5F3759DF, v51;
	v37 =	vmul.f32 v50, v37  }
0x2ba: {  	(v2sf) =	vpush v4, $0x0;
	v9 =	vsel vm0, $0x7F800000, v9;
	v54 =	vmul.f32 v35, v36  }
0x2bb: {  	v63 =	vsub.s32 $0x5F3759DF, v61;
	(xrf0) =	vmin.scan.msk.f32 $0xffff, v9;
	v57 =	vmul.f32 v53, v10;
	v55 =	vmul.f32 v37, v50  }
0x2bc: {  	v51 =	vbroadcast v5, $0x9;
	v8 =	vsub.f32 v49, v8;
	v58 =	vmul.f32 v35, v54  }
0x2bd: {  	v59 =	vsub.f32 $1.500000000e+00, v57;
	v49 =	vbroadcast v5, $0x8;
	v9 =	vsub.f32 $1.500000000e+00, v55  }
0x2be: {  	v56, _, _ =	vpop (xrf0);
	v8 =	vsel vm0, $0x7F800000, v8;
	v37 =	vmul.f32 $5.000000000e-01, v23;
	v60 =	vsub.f32 $1.500000000e+00, v58  }
0x2bf: {  	(v2sf) =	vpush v56, $0xF;
	(xrf0) =	vmin.scan.msk.f32 $0xffff, v8;
	v8 =	vmul.f32 v59, v10;
	v9 =	vmul.f32 v9, v50  }
0x2c0: {  	(v2sf) =	vpush v4, $0x1;
	v42 =	vmul.f32 v63, v37;
	v62 =	vmul.f32 v35, v60  }
0x2c1: {  	v31 =	vadd.f32 v31, v49;
	v40, _, _ =	vpop (xrf0);
	v45 =	vmul.f32 v8, v41;
	v9 =	vmul.f32 v9, v26  }
0x2c2: {  	(v2sf) =	vpush v40, $0xF;
	v35 =	vmul.f32 v62, v36;
	v26 =	vmul.f32 v63, v42  }
0x2c3: {  	v31 =	vmax.f32 v31, $0.0e+00;
	(v2sf) =	vpush v4, $0x2;
	v47 =	vmul.f32 v45, v8  }
0x2c4: {  	v54 =	vshra.s32 v31, $0x1;
	v48 =	vmul.f32 v35, v62;
	v26 =	vsub.f32 $1.500000000e+00, v26  }
0x2c5: {  	v33 =	vsub.s32 $0x5F3759DF, v54;
	v9 =	vsub.f32 v9, v22;
	v22 =	vsub.f32 $1.500000000e+00, v47  }
0x2c6: {  	v60 =	vbroadcast v5, $0xA;
	v46, _, _ =	vpop (xrf0);
	v34 =	vsub.f32 $1.500000000e+00, v48;
	v50 =	vmul.f32 v63, v26  }
0x2c7: {  	(v2sf) =	vpush v46, $0xF;
	v8 =	vmul.f32 v22, v8;
	v26 =	vadd.f32 v30, v51  }
0x2c8: {  	v9 =	vsel vm0, $0x7F800000, v9;
	v10 =	vmul.f32 v34, v62;
	v52 =	vmul.f32 v50, v37  }
0x2c9: {  	(xrf0) =	vmin.scan.msk.f32 $0xffff, v9;
	v34 =	vmul.f32 $5.000000000e-01, v31;
	v26 =	vmax.f32 v26, $0.0e+00;
	v8 =	vmul.f32 v8, v25  }
0x2ca: {  	(v2sf) =	vpush v4, $0x3;
	v38 =	vmul.f32 $5.000000000e-01, v26;
	v53 =	vmul.f32 v10, v36  }
0x2cb: {  	v56 =	vshra.s32 v26, $0x1;
	v22 =	vmul.f32 v52, v50;
	v55 =	vmul.f32 v33, v34  }
0x2cc: {  	v36 =	vsub.s32 $0x5F3759DF, v56;
	v8 =	vsub.f32 v8, v21;
	v52 =	vbroadcast v5, $0xB  }
0x2cd: {  	(xrf1) =	vsort.dscd.msk.f32 $0xffff, v15, v16;
	v58 =	vmul.f32 v36, v38;
	v22 =	vsub.f32 $1.500000000e+00, v22;
	v35 =	vmul.f32 v33, v55  }
0x2ce: {  	(xrf1) =	vsort.dscd.msk.f32 $0xffff, v7, v14;
	v30 =	vmul.f32 v53, v10;
	v39 =	vsel vm0, $0x7F800000, v8;
	v14 =	vadd.f32 v28, v52  }
0x2cf: {  	v57, _, _ =	vpop (xrf0);
	v9 =	vmul.f32 v22, v50;
	v61 =	vsub.f32 $1.500000000e+00, v35;
	v22 =	vadd.f32 v29, v60  }
0x2d0: {  	v62 =	vmul.f32 v36, v58;
	(v2sf) =	vpush v57, $0xF;
	v59 =	vsub.f32 $1.500000000e+00, v30  }
0x2d1: {  	v63 =	vmul.f32 v9, v37;
	v33 =	vmul.f32 v33, v61;
	v8 =	vmax.f32 v22, $0.0e+00  }
0x2d2: {  	v10 =	vmul.f32 v59, v10;
	v37 =	vsub.f32 $1.500000000e+00, v62;
	v43 =	vmul.f32 $5.000000000e-01, v8  }
0x2d3: {  	v14 =	vmax.f32 v14, $0.0e+00;
	v21 =	vmul.f32 v63, v9;
	v40 =	vmul.f32 v33, v34  }
0x2d4: {  	v42 =	vshra.s32 v8, $0x1;
	v10 =	vmul.f32 v10, v24;
	v30 =	vmul.f32 v36, v37  }
0x2d5: {  	v16 =	vsub.s32 $0x5F3759DF, v42;
	v41 =	vsub.f32 $1.500000000e+00, v21;
	v45 =	vmul.f32 v40, v33  }
0x2d6: {  	(xrf0) =	vmin.scan.msk.f32 $0xffff, v39;
	(v2sf) =	vpush v4, $0x4;
	v47 =	vmul.f32 v16, v43;
	v46 =	vmul.f32 v30, v38  }
0x2d7: {  	v63 =	vmul.f32 $5.000000000e-01, v14;
	v9 =	vmul.f32 v41, v9;
	v48 =	vsub.f32 $1.500000000e+00, v45  }
0x2d8: {  	v10 =	vsub.f32 v10, v20;
	v51 =	vmul.f32 v16, v47;
	v49 =	vmul.f32 v46, v30  }
0x2d9: {  	v62 =	vshra.s32 v14, $0x1;
	v9 =	vmul.f32 v9, v23;
	v53 =	vmul.f32 v48, v33  }
0x2da: {  	(xrf1) =	vsort.dscd.msk.f32 $0xffff, v17, v18;
	v50 =	vsel vm0, $0x7F800000, v10;
	v56 =	vsub.f32 $1.500000000e+00, v51;
	v54 =	vsub.f32 $1.500000000e+00, v49  }
0x2db: {  	(xrf0) =	vmin.scan.msk.f32 $0xffff, v50;
	v33 =	vbroadcast v5, $0xC;
	v55 =	vsub.f32 v9, v19;
	v58 =	vmul.f32 v53, v34  }
0x2dc: {  	(xrf1) =	vsort.dscd.msk.f32 $0xffff, v32, v6;
	v57, _, _ =	vpop (xrf0);
	v17 =	vmul.f32 v54, v30;
	v9 =	vmul.f32 v16, v56;
	v16 =	vsub.s32 $0x5F3759DF, v62  }
0x2dd: {  	v42 =	vbroadcast v5, $0xE;
	(v2sf) =	vpush v57, $0xF;
	v34, v22, _ =	vpop (xrf1);
	v30 =	vmul.f32 v16, v63  }
0x2de: {  	v37 =	vadd.f32 v34, v33;
	v59 =	vmul.f32 v58, v53;
	v60 =	vmul.f32 v17, v38  }
0x2df: {  	v7 =	vsel vm0, $0x7F800000, v55;
	v61 =	vmul.f32 v9, v43;
	v38 =	vbroadcast v5, $0xD  }
0x2e0: {  	v5 =	vbroadcast v5, $0xF;
	(xrf0) =	vmin.scan.msk.f32 $0xffff, v7;
	v32 =	vmul.f32 v16, v30;
	v6 =	vsub.f32 $1.500000000e+00, v59  }
0x2e1: {  	(v2sf) =	vpush v4, $0x5;
	v29, _, _ =	vpop (xrf0);
	v10 =	vmul.f32 v60, v17;
	v7 =	vmul.f32 v61, v9  }
0x2e2: {  	v15 =	vmax.f32 v37, $0.0e+00;
	(v2sf) =	vpush v29, $0xF;
	v6 =	vmul.f32 v6, v53  }
0x2e3: {  	v39 =	vshra.s32 v15, $0x1;
	v10 =	vsub.f32 $1.500000000e+00, v10;
	v7 =	vsub.f32 $1.500000000e+00, v7  }
0x2e4: {  	v40 =	vmul.f32 $5.000000000e-01, v15;
	v36 =	vsub.f32 $1.500000000e+00, v32;
	v6 =	vmul.f32 v6, v31  }
0x2e5: {  	v19, v20, _ =	vpop (xrf1);
	(v2sf) =	vpush v4, $0x6;
	v10 =	vmul.f32 v10, v17;
	v7 =	vmul.f32 v7, v9  }
0x2e6: {  	v9 =	vmul.f32 v16, v36;
	v17 =	vadd.f32 v19, v38;
	v16 =	vsub.s32 $0x5F3759DF, v39;
	v35, _, _ =	vpop (xrf0)  }
0x2e7: {  	v44 =	vmul.f32 v16, v40;
	(v2sf) =	vpush v35, $0xF;
	v10 =	vmul.f32 v10, v26  }
0x2e8: {  	v21 =	vmul.f32 v7, v43;
	v41 =	vmul.f32 v9, v63;
	v43, v26, _ =	vpop (xrf1);
	v17 =	vmax.f32 v17, $0.0e+00  }
0x2e9: {  	v45 =	vshra.s32 v17, $0x1;
	v46 =	vmul.f32 $5.000000000e-01, v17;
	v24 =	vadd.f32 v43, v42  }
0x2ea: {  	v47, v31, _ =	vpop (xrf1);
	v28 =	vmul.f32 v16, v44;
	v19 =	vmul.f32 v41, v9;
	v29 =	vsub.s32 $0x5F3759DF, v45  }
0x2eb: {  	v5 =	vadd.f32 v47, v5;
	v48 =	vmul.f32 v29, v46;
	v24 =	vmax.f32 v24, $0.0e+00  }
0x2ec: {  	v49 =	vsub.f32 $1.500000000e+00, v28;
	v50 =	vshra.s32 v24, $0x1;
	v51 =	vmul.f32 $5.000000000e-01, v24  }
0x2ed: {  	v5 =	vmax.f32 v5, $0.0e+00;
	v32 =	vmul.f32 v29, v48;
	v28 =	vsub.s32 $0x5F3759DF, v50  }
0x2ee: {  	v53 =	vshra.s32 v5, $0x1;
	v54 =	vmul.f32 $5.000000000e-01, v5;
	v52 =	vmul.f32 v28, v51  }
0x2ef: {  	v16 =	vmul.f32 v16, v49;
	v56 =	vsub.s32 $0x5F3759DF, v53;
	v55 =	vsub.f32 $1.500000000e+00, v32  }
0x2f0: {  	v19 =	vsub.f32 $1.500000000e+00, v19;
	v35 =	vmul.f32 v56, v54;
	v34 =	vmul.f32 v28, v52  }
0x2f1: {  	v6 =	vsub.f32 v6, v27;
	v57 =	vmul.f32 v16, v40;
	v25 =	vmul.f32 v29, v55  }
0x2f2: {  	v9 =	vmul.f32 v19, v9;
	v59 =	vmul.f32 v56, v35;
	v58 =	vsub.f32 $1.500000000e+00, v34  }
0x2f3: {  	(v2sf) =	vpush v4, $0x7;
	v60 =	vmul.f32 v57, v16;
	v61 =	vmul.f32 v25, v46  }
0x2f4: {  	v21 =	vmul.f32 v21, v7;
	v62 =	vsub.f32 $1.500000000e+00, v59;
	v19 =	vmul.f32 v28, v58  }
0x2f5: {  	v18 =	vmul.f32 v9, v63;
	v27 =	vsub.f32 $1.500000000e+00, v60;
	v63 =	vmul.f32 v61, v25  }
0x2f6: {  	v6 =	vsel vm0, $0x7F800000, v6;
	v28 =	vmul.f32 v56, v62;
	v37 =	vmul.f32 v19, v51  }
0x2f7: {  	v18 =	vmul.f32 v18, v9;
	v16 =	vmul.f32 v27, v16;
	v38 =	vsub.f32 $1.500000000e+00, v63  }
0x2f8: {  	v21 =	vsub.f32 $1.500000000e+00, v21;
	v32 =	vmul.f32 v28, v54;
	v39 =	vmul.f32 v37, v19  }
0x2f9: {  	v10 =	vsub.f32 v10, v13;
	v40 =	vmul.f32 v16, v40;
	v41 =	vmul.f32 v38, v25  }
0x2fa: {  	v7 =	vmul.f32 v21, v7;
	v43 =	vmul.f32 v32, v28;
	v42 =	vsub.f32 $1.500000000e+00, v39  }
0x2fb: {  	v18 =	vsub.f32 $1.500000000e+00, v18;
	v13 =	vmul.f32 v40, v16;
	v27 =	vmul.f32 v41, v46  }
0x2fc: {  	(xrf0) =	vmin.scan.msk.f32 $0xffff, v6;
	v44 =	vmul.f32 v7, v8;
	v46 =	vsub.f32 $1.500000000e+00, v43;
	v45 =	vmul.f32 v42, v19  }
0x2fd: {  	v9 =	vmul.f32 v18, v9;
	v13 =	vsub.f32 $1.500000000e+00, v13;
	v47 =	vmul.f32 v27, v41  }
0x2fe: {  	v10 =	vsel vm0, $0x7F800000, v10;
	v8 =	vmul.f32 v46, v28;
	v19 =	vmul.f32 v45, v51  }
0x2ff: {  	v6 =	vsub.f32 v44, v12;
	v9 =	vmul.f32 v9, v14;
	v48 =	vmul.f32 v13, v16  }
0x300: {  	(xrf0) =	vmin.scan.msk.f32 $0xffff, v10;
	v49 =	vsub.f32 $1.500000000e+00, v47;
	v51 =	vmul.f32 v8, v54;
	v50 =	vmul.f32 v19, v45  }
0x301: {  	v6 =	vsel vm0, $0x7F800000, v6;
	v9 =	vsub.f32 v9, v11;
	v52 =	vmul.f32 v48, v15  }
0x302: {  	v53, _, _ =	vpop (xrf0);
	v10 =	vmul.f32 v49, v41;
	v14 =	vmul.f32 v51, v8;
	v13 =	vsub.f32 $1.500000000e+00, v50  }
0x303: {  	(v2sf) =	vpush v53, $0xF;
	(xrf0) =	vmin.scan.msk.f32 $0xffff, v6;
	v54 =	vsel vm0, $0x7F800000, v9;
	v55 =	vsub.f32 v52, v22  }
0x304: {  	v10 =	vmul.f32 v10, v17;
	v56 =	vsub.f32 $1.500000000e+00, v14;
	v7 =	vmul.f32 v13, v45  }
0x305: {  	s0 =	spop (v2sf);
	(v2sf) =	vpush v4, $0x8;
	(xrf0) =	vmin.scan.msk.f32 $0xffff, v54;
	v57 =	vsel vm0, $0x7F800000, v55  }
0x306: {  	s19 =	spop (v2sf);
	v58, _, _ =	vpop (xrf0);
	v10 =	vsub.f32 v10, v20;
	v8 =	vmul.f32 v56, v8;
	v7 =	vmul.f32 v7, v24  }
0x307: {  	s20 =	spop (v2sf);
	(v2sf) =	vpush v58, $0xF;
	(xrf0) =	vmin.scan.msk.f32 $0xffff, v57  }
0x308: {  	s21 =	spop (v2sf);
	v59 =	vsel vm0, $0x7F800000, v10;
	v5 =	vmul.f32 v8, v5;
	v7 =	vsub.f32 v7, v26  }
0x309: {  	s22 =	spop (v2sf);
	(v2sf) =	vpush v4, $0x9;
	v60, _, _ =	vpop (xrf0);
	(xrf0) =	vmin.scan.msk.f32 $0xffff, v59  }
0x30a: {  	s23 =	spop (v2sf);
	(v2sf) =	vpush v60, $0xF;
	v5 =	vsub.f32 v5, v31;
	v61 =	vsel vm0, $0x7F800000, v7  }
0x30b: {  	s24 =	spop (v2sf);
	(v2sf) =	vpush v4, $0xA;
	v62, _, _ =	vpop (xrf0);
	(xrf0) =	vmin.scan.msk.f32 $0xffff, v61  }
0x30c: {  	s25 =	spop (v2sf);
	(v2sf) =	vpush v62, $0xF;
	v5 =	vsel vm0, $0x7F800000, v5  }
0x30d: {  	s26 =	spop (v2sf);
	(v2sf) =	vpush v4, $0xB;
	v63, _, _ =	vpop (xrf0);
	(xrf0) =	vmin.scan.msk.f32 $0xffff, v5  }
0x30e: {  	s28 =	spop (v2sf);
	(v2sf) =	vpush v63, $0xF  }
0x30f: {  	s29 =	spop (v2sf);
	(v2sf) =	vpush v4, $0xC;
	v5, _, _ =	vpop (xrf0)  }
0x310: {  	s30 =	spop (v2sf);
	(v2sf) =	vpush v5, $0xF  }
0x311: {  	s31 =	spop (v2sf);
	(v2sf) =	vpush v4, $0xD;
	v5, _, _ =	vpop (xrf0)  }
0x312: {  	[dreg:$0xb] =	wrdreg s0;
	s0 =	spop (v2sf);
	(v2sf) =	vpush v5, $0xF  }
0x313: {  	s1 =	spop (v2sf);
	v5, _, _ =	vpop (xrf0);
	(v2sf) =	vpush v4, $0xE  }
0x314: {  	s12 =	spop (v2sf);
	(v2sf) =	vpush v5, $0xF  }
0x315: {  	s13 =	spop (v2sf);
	(v2sf) =	vpush v4, $0xF  }
0x316: {  	s14 =	spop (v2sf)  }
0x317: {  	s15 =	spop (v2sf)  }
0x318: {  	s2 =	spop (v2sf)  }
0x319: {  	s4 =	spop (v2sf)  }
0x31a: {  	s5 =	spop (v2sf)  }
0x31b: {  	s6 =	spop (v2sf)  }
0x31c: {  	s7 =	spop (v2sf)  }
0x31d: {  	s8 =	spop (v2sf)  }
0x31e: {  	s3 =	spop (v2sf)  }
0x31f: {  	s9 =	spop (v2sf)  }
0x320: {  	s10 =	spop (v2sf)  }
0x321: {  	s16 =	spop (v2sf)  }
0x322: {  	s11 =	spop (v2sf)  }
0x323: {  	s17 =	spop (v2sf)  }
0x324: {  	s21 =	ssub.f32 s20, s21;
	s18 =	spop (v2sf)  }
0x325: {  	s17 =	ssub.f32 s17, s18  }
0x326: {  	s18 =	rddreg [dreg:$0xb]  }
0x327: {  	s18 =	ssub.f32 s18, s19  }
0x328: {  	vm1 =	vcmask $0x300;
	s23 =	ssub.f32 s22, s23;
	v4 =	vmov s17  }
0x329: {  	s20 =	ssub.f32 s24, s25;
	v4 =	vsel vm1, s18, v4  }
0x32a: {  	s22 =	ssub.f32 s29, s30;
	vm1 =	vcmask $0xB08;
	v4 =	vsel vm2, s21, v4  }
0x32b: {  	s21 =	ssub.f32 s26, s28;
	v4 =	vsel vm1, s23, v4  }
0x32c: {  	s0 =	ssub.f32 s31, s0;
	v4 =	vsel vm4, s20, v4  }
0x32d: {  	s31 =	rddreg [dreg:$0xa];
	v4 =	vsel vm5, s21, v4  }
0x32e: {  	s1 =	ssub.f32 s1, s12;
	v4 =	vsel vm6, s22, v4  }
0x32f: {  	s23 =	ssub.f32 s13, s14;
	v4 =	vsel vm7, s0, v4  }
0x330: {  	s24 =	ssub.f32 s15, s2;
	v4 =	vsel vm8, s1, v4  }
0x331: {  	s25 =	ssub.f32 s4, s5;
	v4 =	vsel vm9, s23, v4  }
0x332: {  	s26 =	ssub.f32 s6, s7;
	v4 =	vsel vm10, s24, v4  }
0x333: {  	s28 =	ssub.f32 s8, s3;
	v4 =	vsel vm11, s25, v4  }
0x334: {  	s29 =	ssub.f32 s9, s10;
	s0 =	sadd.s32 $0x1, s31;
	v4 =	vsel vm12, s26, v4  }
0x335: {  	s30 =	ssub.f32 s16, s11;
	p0 =	sne.s32 s0, $0xA;
	v4 =	vsel vm13, s28, v4  }
.Ltmp5:
0x336: {  	v4 =	vsel vm14, s29, v4;
	(pc) =	sbr.rel @p0 .LBB2_4-.Ltmp5, $3  }
0x337: {  	v4 =	vsel vm15, s30, v4  }
0x338: {  	v5 =	vmul.f32 v4, v4;
	_ =	sdelay $0x1  }
0x339: {  	v3 =	vadd.f32 v4, v3;
	v1 =	vadd.f32 v5, v1  }
0x33a: {  	_ = 	snop  }
0x33b: {  	(xrf2) =	vadd.scan.msk.f32 $0xffff, v3  }
0x33c: {  	(xrf2) =	vadd.scan.msk.f32 $0xffff, v1;
	_ =	sdelay $0x8  }
0x33d: {  	v1, _, _ =	vpop (xrf2)  }
0x33e: {  	v2, _, _ =	vpop (xrf2)  }
0x33f: {  	v2 =	vbroadcast v2, $0xF  }
0x340: {  	v1 =	vbroadcast v1, $0xF  }
0x341: {  	vm1 =	vcmask $0x3F04;
	v2 =	vnsel vm2, $0x0, v2  }
0x342: {  	s1 =	simm.s32 $0x0;
	v1 =	vsel vm1, v2, v1  }
0x343: {  	s0 =	rddreg [dreg:$0x7];
	s2 =	simm.s32 $0x2800;
	s4 =	simm.s32 $0x1;
	[tilespmem:$0x2800] =	vst v1  }
0x344: {  	[hbm4b:s0+s1] =	stream.linear.scatter [tilespmem:s2], [sflag:$0x1], $0x80, $0x38;
	[tilespmem:$0x2880] =	vst v63  }
0x345: {  	_ =	swait.ge [sflag:s4], $0x80  }
0x346: {  	s30 =	rddreg [dreg:$0x9]  }
0x347: {  	s31 =	rddreg [dreg:$0x8];
	s2 =	sadd.s32 $0x1, s30  }
0x348: {  	p0 =	sne.s32 s2, s31  }
.Ltmp6:
0x349: {  	_ = 	snop;
	(pc) =	sbr.rel @p0 .LBB2_1-.Ltmp6, $3  }
0x34a: {  	_ =	sdelay $0x1  }
0x34b: {  	[sflag:s4] =	ssyncset.done $0x0  }
0x34c: {  	[sflag:s4] =	ssyncadd.s32 $0xFFFFFF80  }
0x34d: {  	_ =	sfence.sel $0x180000  }
0x34e: {  	[bflag:$0x0] =	sbarrier.arrive $0xFFFF  }
0x34f: {  	_ =	strace $0x90000047  }
0x350: {  	s0 =	stileid.u32;
	[bflag:$0x2] =	sbarrier.arrive $0xFFFF  }
0x351: {  	p0 =	sne.s32 s0, $0x0;
	s0 =	rddreg [dreg:$0x2]  }
0x352: {  	s0 =	sadd.s32 @!p0 $0x100000, s0  }
0x353: {  	[sflag:s0] =	ssyncadd.tile.s32 @!p0 $0x1;
	_ =	shalt  }
.Lfunc_end2:
_tile_overlayer_lowered:
.L_overlay_start_2:
0x354: {  	(tag) =	ssettag $0x2  }
0x355: {  	s0 =	rddreg [dreg:$0x0];
	s2 =	stileid.u32  }
0x356: {  	s1 =	rddreg [dreg:$0x1];
	p0 =	sne.s32 s2, $0x0  }
0x357: {  	s3 =	rddreg [dreg:$0x2];
	[bflag:$0x3] =	sbarrier.arrive $0xFFFF;
	s2 =	simm.s32 @!p0 $0x1C01  }
0x358: {  	[timem:s3], [sflag:s2] =	dma.local @!p0 [hbm:s0], s1  }
0x359: {  	s0 =	simm.s32 @!p0 $0x1  }
0x35a: {  	_ =	swait.ge @!p0 [sflag:s0], s1  }
0x35b: {  	s1 =	ssub.s32 @!p0 $0x0, s1;
	[sflag:s0] =	ssyncset.done @!p0 $0x0  }
0x35c: {  	[sflag:s0] =	ssyncadd.s32 @!p0 s1  }
0x35d: {  	[bflag:$0x3] =	sbarrier.arrive $0xFFFF  }
0x35e: {  	_ =	shalt  }

</sc_bundles>
